<compile_context>
chip_gen: v7x
topology: tpu7x:2x2x1
jax: 0.10.2.dev20260603
libtpu: 0.0.44.dev20260713+nightly
codegen_flags: <defaults>
</compile_context>

<pallas_src>
import functools

import jax
import jax.numpy as jnp
from jax import lax
from jax.experimental import pallas as pl
from jax.experimental.pallas import tpu as pltpu
from jax.experimental.pallas import tpu_sc as plsc

N_ENT = 1000000
N_REL = 1000000
IN_DIM = 128
HALF = IN_DIM // 2
BATCH = 16384
MARGIN = 6.0
EPSILON = 2.0
EMB_RANGE = (MARGIN + EPSILON) / IN_DIM
PI = 3.141592653589793
PHASE_SCALE = PI / EMB_RANGE

NC = 2
NS = 16
NW = NC * NS
B_PER_W = BATCH // NW
CHUNK = 16
N_CHUNKS = B_PER_W // CHUNK

SLAB = 512
NSLAB_TOT = (N_REL + SLAB - 1) // SLAB
SLAB_PW = 62
LISTCAP = BATCH + 16


def _sc_gather(h_idx, r_idx, t_idx, ent_embed, rel_t, tail_t):
    mesh = plsc.VectorSubcoreMesh(core_axis_name="c", subcore_axis_name="s")

    @functools.partial(
        pl.kernel,
        mesh=mesh,
        compiler_params=pltpu.CompilerParams(needs_layout_passes=False),
        out_type=(
            jax.ShapeDtypeStruct((BATCH, IN_DIM), jnp.float32),
            jax.ShapeDtypeStruct((BATCH, IN_DIM), jnp.float32),
            jax.ShapeDtypeStruct((BATCH * HALF,), jnp.float32),
        ),
        scratch_types=(
            pltpu.VMEM((CHUNK,), jnp.int32),
            pltpu.VMEM((CHUNK,), jnp.int32),
            pltpu.VMEM((CHUNK, IN_DIM), jnp.float32),
            pltpu.VMEM((CHUNK, IN_DIM), jnp.float32),
            pltpu.VMEM((BATCH,), jnp.int32),
            pltpu.VMEM((LISTCAP,), jnp.int32),
            pltpu.VMEM((LISTCAP,), jnp.int32),
            pltpu.VMEM((HALF, 2 * SLAB), jnp.float32),
            pltpu.VMEM((HALF, 64), jnp.float32),
            pltpu.VMEM((8 * HALF,), jnp.float32),
            pltpu.SMEM((SLAB_PW + 8,), jnp.int32),
            pltpu.SMEM((SLAB_PW + 8,), jnp.int32),
            pltpu.SMEM((SLAB_PW + 8,), jnp.int32),
            pltpu.SemaphoreType.DMA,
            pltpu.SemaphoreType.DMA,
            pltpu.SemaphoreType.DMA,
        ),
    )
    def k(h_idx_hbm, r_idx_hbm, t_idx_hbm, ent_hbm, relt_hbm, tailt_hbm,
          head_out, tail_out, rel_out,
          hidx_v, tidx_v, head_v, tail_v,
          ridx_all, lpack, lsort, slab_v, tbuf_v, stage_v,
          cnts_s, begs_s, curs_s, sem, osem, dsem):
        wid = lax.axis_index("s") * NC + lax.axis_index("c")
        base = wid * B_PER_W

        for c in range(N_CHUNKS):
            off = base + c * CHUNK
            pltpu.sync_copy(h_idx_hbm.at[pl.ds(off, CHUNK)], hidx_v)
            pltpu.sync_copy(t_idx_hbm.at[pl.ds(off, CHUNK)], tidx_v)
            cp_h = pltpu.async_copy(ent_hbm.at[hidx_v], head_v, sem)
            cp_t = pltpu.async_copy(ent_hbm.at[tidx_v], tail_v, sem)
            cp_h.wait()
            cp_t.wait()
            pltpu.sync_copy(head_v, head_out.at[pl.ds(off, CHUNK)])
            pltpu.sync_copy(tail_v, tail_out.at[pl.ds(off, CHUNK)])

        lo = wid * (SLAB_PW * SLAB)
        hi = jnp.minimum(lo + SLAB_PW * SLAB, N_REL)
        pltpu.sync_copy(r_idx_hbm, ridx_all)
        iota = lax.iota(jnp.int32, 16)
        lane0 = iota == 0

        def compress(g, cnt):
            v = ridx_all[pl.ds(g * 16, 16)]
            lo16 = jnp.full((16,), lo, jnp.int32)
            hi16 = jnp.full((16,), hi, jnp.int32)
            m = (v >= lo16) & (v < hi16)
            cs = plsc.cumsum(m.astype(jnp.int32))
            pos = jnp.full((16,), cnt, jnp.int32) + cs - 1
            rel_off = v - lo16
            b16 = iota + jnp.full((16,), g * 16, jnp.int32)
            slab16 = rel_off >> 9
            pack = (slab16 << 23) | (b16 << 9) | (rel_off & (SLAB - 1))
            plsc.store_scatter(lpack, [pos], pack, mask=m)
            return cnt + cs[15]
        cnt = lax.fori_loop(0, BATCH // 16, compress, 0)

        def zero(i, _):
            cnts_s[i] = 0
            return 0
        lax.fori_loop(0, SLAB_PW + 1, zero, 0)

        def count(e, _):
            c = lpack[pl.ds(e, 16)][0] >> 23
            cnts_s[c] = cnts_s[c] + 1
            return 0
        lax.fori_loop(0, cnt, count, 0)

        def prefix(i, acc):
            begs_s[i] = acc
            curs_s[i] = acc
            return acc + cnts_s[i]
        total = lax.fori_loop(0, SLAB_PW + 1, prefix, 0)
        begs_s[SLAB_PW + 1] = total
        curs_s[SLAB_PW + 1] = total

        def scat(e, _):
            p = lpack[pl.ds(e, 16)][0]
            c = p >> 23
            pos = curs_s[c]
            curs_s[c] = pos + 1
            plsc.store_scatter(lsort, [jnp.full((16,), pos, jnp.int32)],
                               jnp.full((16,), p, jnp.int32), mask=lane0)
            return 0
        lax.fori_loop(0, cnt, scat, 0)

        def extract_from(buf_ref, e, t, cbase=0):
            p = lsort[pl.ds(e, 16)][0]
            b = (p >> 9) & (BATCH - 1)
            col = (p & (SLAB - 1)) + cbase
            slot = t % 8

            @pl.when(t >= 8)
            def _():
                pltpu.make_async_copy(
                    rel_out.at[pl.ds(0, HALF)],
                    stage_v.at[pl.ds(0, HALF)], osem).wait()
            col16 = jnp.full((16,), col, jnp.int32)
            for kk in range(4):
                vals = plsc.load_gather(buf_ref, [iota + kk * 16, col16])
                stage_v[pl.ds(slot * HALF + kk * 16, 16)] = vals
            pltpu.async_copy(stage_v.at[pl.ds(slot * HALF, HALF)],
                             rel_out.at[pl.ds(b * HALF, HALF)], osem)
            return t + 1

        hi_full = jnp.minimum(lo + SLAB_PW * SLAB, (NSLAB_TOT - 1) * SLAB)
        nfull = (hi_full - lo) // SLAB
        pltpu.async_copy(relt_hbm.at[:, pl.ds(lo, SLAB)],
                         slab_v.at[:, pl.ds(0, SLAB)], dsem)

        def slab_loop(ch, t):
            pltpu.make_async_copy(
                relt_hbm.at[:, pl.ds(lo, SLAB)],
                slab_v.at[:, pl.ds(0, SLAB)], dsem).wait()

            @pl.when(ch + 1 < nfull)
            def _():
                half = pl.multiple_of(((ch + 1) % 2) * SLAB, 128)
                pltpu.async_copy(
                    relt_hbm.at[:, pl.ds(lo + (ch + 1) * SLAB, SLAB)],
                    slab_v.at[:, pl.ds(half, SLAB)], dsem)
            cbase = (ch % 2) * SLAB

            def extract(e, t):
                return extract_from(slab_v, e, t, cbase)
            return lax.fori_loop(begs_s[ch], begs_s[ch + 1], extract, t)
        t_total = lax.fori_loop(0, nfull, slab_loop, 0)

        pltpu.sync_copy(tailt_hbm, tbuf_v)

        def tail_extract(e, t):
            return extract_from(tbuf_v, e, t)
        t_total = lax.fori_loop(begs_s[nfull], begs_s[nfull + 1],
                                tail_extract, t_total)

        def drain(i, _):
            pltpu.make_async_copy(
                rel_out.at[pl.ds(0, HALF)],
                stage_v.at[pl.ds(0, HALF)], osem).wait()
            return 0
        lax.fori_loop(0, jnp.minimum(t_total, 8), drain, 0)


    return k(h_idx, r_idx, t_idx, ent_embed, rel_t, tail_t)


def _tc_math_body(head_ref, tail_ref, rel_ref, out_ref):
    head = head_ref[...]
    tail = tail_ref[...]
    phase = rel_ref[...] * PHASE_SCALE
    re_r = jnp.cos(phase)
    im_r = jnp.sin(phase)
    re_h = head[:, :HALF]
    im_h = head[:, HALF:]
    re_s = re_h * re_r - im_h * im_r - tail[:, :HALF]
    im_s = re_h * im_r + im_h * re_r - tail[:, HALF:]
    s = jnp.sqrt(re_s * re_s + im_s * im_s)
    out_ref[...] = MARGIN - jnp.sum(s, axis=1, keepdims=True)


def _tc_math(head, tail, rel):
    blk = 2048
    grid = (BATCH // blk,)
    return pl.pallas_call(
        _tc_math_body,
        grid=grid,
        in_specs=[
            pl.BlockSpec((blk, IN_DIM), lambda i: (i, 0)),
            pl.BlockSpec((blk, IN_DIM), lambda i: (i, 0)),
            pl.BlockSpec((blk, HALF), lambda i: (i, 0)),
        ],
        out_specs=pl.BlockSpec((blk, 1), lambda i: (i, 0)),
        out_shape=jax.ShapeDtypeStruct((BATCH, 1), jnp.float32),
    )(head, tail, rel)


def kernel(sample, ent_embed, rel_embed):
    h_idx = sample[:, 0]
    r_idx = sample[:, 1]
    t_idx = sample[:, 2]
    rel_t = rel_embed.T
    tail_t = rel_t[:, (NSLAB_TOT - 1) * SLAB:]
    head, tail, rel = _sc_gather(h_idx, r_idx, t_idx, ent_embed, rel_t, tail_t)
    return _tc_math(head, tail, rel.reshape(BATCH, HALF))

# --- scband reference (transcript-rebuilt; emitter-appended) ---
"""Pipeline reference for scband-rot-att-layer-16630113370618 (READ-ONLY COPY).

The authoritative reference and input builder live on the scoring server;
editing this copy changes nothing except your own understanding.
"""

import jax, jax.numpy as jnp
import numpy as np

N_ENT = 1000000
N_REL = 1000000
IN_DIM = 128
BATCH = 16384
MARGIN = 6.0
EPSILON = 2.0
EMB_RANGE = (MARGIN + EPSILON) / IN_DIM
PI = 3.141592653589793

def setup_inputs(seed: int = 0) -> dict:
    key = jax.random.key(seed)
    k1, k2, k3 = jax.random.split(key, 3)
    sample = jax.random.randint(k1, (BATCH, 3), 0, N_ENT, dtype=jnp.int64) if jax.config.jax_enable_x64 else jax.random.randint(k1, (BATCH, 3), 0, N_ENT, dtype=jnp.int32)
    ent_embed = jax.random.normal(k2, (N_ENT, IN_DIM), dtype=jnp.float32)
    rel_embed = jax.random.normal(k3, (N_REL, IN_DIM // 2), dtype=jnp.float32)
    return {"sample": sample, "ent_embed": ent_embed, "rel_embed": rel_embed}

def reference(sample, ent_embed, rel_embed):
    # mode == 'single'
    head = jnp.take(ent_embed, sample[:, 0], axis=0)[:, None, :]      # [B,1,in_dim]
    relation = jnp.take(rel_embed, sample[:, 1], axis=0)[:, None, :]  # [B,1,in_dim/2]
    tail = jnp.take(ent_embed, sample[:, 2], axis=0)[:, None, :]      # [B,1,in_dim]
    re_head, im_head = jnp.split(head, 2, axis=-1)
    re_tail, im_tail = jnp.split(tail, 2, axis=-1)
    phase_relation = relation / (EMB_RANGE / PI)
    re_relation = jnp.cos(phase_relation)
    im_relation = jnp.sin(phase_relation)
    # tail-batch / single branch
    re_score = re_head * re_relation - im_head * im_relation
    im_score = re_head * im_relation + im_head * re_relation
    re_score = re_score - re_tail
    im_score = im_score - im_tail
    score = jnp.stack([re_score, im_score], axis=0)
    score = jnp.linalg.norm(score, axis=0)
    score = MARGIN - score.sum(axis=2)
    return score

if __name__ == "__main__":
    import jax
    _d = setup_inputs()
    print(jax.jit(kernel)(*tuple(_d.values())))

</pallas_src>

<mosaic_0001>
#map = affine_map<(d0, d1) -> (0)>
#map1 = affine_map<(d0, d1) -> (0, 0)>
module attributes {stable_mosaic.version = 14 : i64} {
  func.func @k(%arg0: i32, %arg1: i32, %arg2: memref<16384xi32, #tpu.memory_space<hbm>>, %arg3: memref<16384xi32, #tpu.memory_space<hbm>>, %arg4: memref<16384xi32, #tpu.memory_space<hbm>>, %arg5: memref<1000000x128xf32, #tpu.memory_space<hbm>>, %arg6: memref<64x1000000xf32, #tpu.memory_space<hbm>>, %arg7: memref<64x64xf32, #tpu.memory_space<hbm>>, %arg8: memref<16384x128xf32, #tpu.memory_space<hbm>>, %arg9: memref<16384x128xf32, #tpu.memory_space<hbm>>, %arg10: memref<1048576xf32, #tpu.memory_space<hbm>>, %arg11: memref<16xi32, #tpu.memory_space<vmem>>, %arg12: memref<16xi32, #tpu.memory_space<vmem>>, %arg13: memref<16x128xf32, #tpu.memory_space<vmem>>, %arg14: memref<16x128xf32, #tpu.memory_space<vmem>>, %arg15: memref<16384xi32, #tpu.memory_space<vmem>>, %arg16: memref<16400xi32, #tpu.memory_space<vmem>>, %arg17: memref<16400xi32, #tpu.memory_space<vmem>>, %arg18: memref<64x1024xf32, #tpu.memory_space<vmem>>, %arg19: memref<64x64xf32, #tpu.memory_space<vmem>>, %arg20: memref<512xf32, #tpu.memory_space<vmem>>, %arg21: memref<70xi32, #tpu.memory_space<smem>>, %arg22: memref<70xi32, #tpu.memory_space<smem>>, %arg23: memref<70xi32, #tpu.memory_space<smem>>, %arg24: memref<!tpu.dma_semaphore, #tpu.memory_space<semaphore_mem>>, %arg25: memref<!tpu.dma_semaphore, #tpu.memory_space<semaphore_mem>>, %arg26: memref<!tpu.dma_semaphore, #tpu.memory_space<semaphore_mem>>) attributes {dimension_semantics = [#tpu.dimension_semantics<core_parallel>, #tpu.dimension_semantics<subcore_parallel>], iteration_bounds = array<i64: 2, 16>, scalar_prefetch = 0 : i64, scratch_operands = 16 : i64, tpu.core_type = #tpu.core_type<sc_vector_subcore>, window_params = [{transform_indices = #map}, {transform_indices = #map}, {transform_indices = #map}, {transform_indices = #map1}, {transform_indices = #map1}, {transform_indices = #map1}, {transform_indices = #map1}, {transform_indices = #map1}, {transform_indices = #map}]} {
    %mul3A = arith.constant 2 : i32
    %mul3A_0 = arith.muli %arg1, %mul3A : i32
    %add3A = arith.addi %mul3A_0, %arg0 : i32
    %mul3A_1 = arith.constant 512 : i32
    %mul3A_2 = arith.muli %add3A, %mul3A_1 : i32
    %add3A_3 = arith.constant 0 : i32
    %add3A_4 = arith.addi %mul3A_2, %add3A_3 : i32
    "tpu.region"() ({
      %run_scoped3A = tpu.sem_alloc : memref<!tpu.dma_semaphore, #tpu.memory_space<semaphore_mem>>
      %dma_start3A_576 = tpu.memref_slice %arg2[%add3A_4] : memref<16384xi32, #tpu.memory_space<hbm>> -> memref<16xi32, #tpu.memory_space<hbm>>
      %dma_start3A_577 = tpu.memref_slice %arg2[%add3A_4] : memref<16384xi32, #tpu.memory_space<hbm>> -> memref<16xi32, #tpu.memory_space<hbm>>
      tpu.enqueue_dma source(%dma_start3A_577 : memref<16xi32, #tpu.memory_space<hbm>>) target(%arg11 : memref<16xi32, #tpu.memory_space<vmem>>) target_semaphore(%run_scoped3A : memref<!tpu.dma_semaphore, #tpu.memory_space<semaphore_mem>>)
      %dma_wait3A_578 = tpu.memref_slice %arg2[%add3A_4] : memref<16384xi32, #tpu.memory_space<hbm>> -> memref<16xi32, #tpu.memory_space<hbm>>
      %dma_wait3A_579 = tpu.memref_slice %arg2[%add3A_4] : memref<16384xi32, #tpu.memory_space<hbm>> -> memref<16xi32, #tpu.memory_space<hbm>>
      tpu.wait_dma2 semaphore(%run_scoped3A : memref<!tpu.dma_semaphore, #tpu.memory_space<semaphore_mem>>) src(%dma_wait3A_579 : memref<16xi32, #tpu.memory_space<hbm>>) dst(%arg11 : memref<16xi32, #tpu.memory_space<vmem>>)
      tpu.yield
    }) : () -> ()
    "tpu.region"() ({
      %run_scoped3A = tpu.sem_alloc : memref<!tpu.dma_semaphore, #tpu.memory_space<semaphore_mem>>
      %dma_start3A_576 = tpu.memref_slice %arg4[%add3A_4] : memref<16384xi32, #tpu.memory_space<hbm>> -> memref<16xi32, #tpu.memory_space<hbm>>
      %dma_start3A_577 = tpu.memref_slice %arg4[%add3A_4] : memref<16384xi32, #tpu.memory_space<hbm>> -> memref<16xi32, #tpu.memory_space<hbm>>
      tpu.enqueue_dma source(%dma_start3A_577 : memref<16xi32, #tpu.memory_space<hbm>>) target(%arg12 : memref<16xi32, #tpu.memory_space<vmem>>) target_semaphore(%run_scoped3A : memref<!tpu.dma_semaphore, #tpu.memory_space<semaphore_mem>>)
      %dma_wait3A_578 = tpu.memref_slice %arg4[%add3A_4] : memref<16384xi32, #tpu.memory_space<hbm>> -> memref<16xi32, #tpu.memory_space<hbm>>
      %dma_wait3A_579 = tpu.memref_slice %arg4[%add3A_4] : memref<16384xi32, #tpu.memory_space<hbm>> -> memref<16xi32, #tpu.memory_space<hbm>>
      tpu.wait_dma2 semaphore(%run_scoped3A : memref<!tpu.dma_semaphore, #tpu.memory_space<semaphore_mem>>) src(%dma_wait3A_579 : memref<16xi32, #tpu.memory_space<hbm>>) dst(%arg12 : memref<16xi32, #tpu.memory_space<vmem>>)
      tpu.yield
    }) : () -> ()
    %dma_start3A = arith.constant 0 : i32
    %dma_start3A_5 = arith.constant 0 : i32
    %dma_start3A_6 = tpu.memref_slice %arg5[%dma_start3A, %dma_start3A_5] : memref<1000000x128xf32, #tpu.memory_space<hbm>> -> memref<1000000x128xf32, #tpu.memory_space<hbm>>
    tpu.enqueue_indirect_dma source(%dma_start3A_6 : memref<1000000x128xf32, #tpu.memory_space<hbm>>) target(%arg13 : memref<16x128xf32, #tpu.memory_space<vmem>>) offsets(%arg11 : memref<16xi32, #tpu.memory_space<vmem>>) semaphore(%arg24 : memref<!tpu.dma_semaphore, #tpu.memory_space<semaphore_mem>>)
    %dma_start3A_7 = arith.constant 0 : i32
    %dma_start3A_8 = arith.constant 0 : i32
    %dma_start3A_9 = tpu.memref_slice %arg5[%dma_start3A_7, %dma_start3A_8] : memref<1000000x128xf32, #tpu.memory_space<hbm>> -> memref<1000000x128xf32, #tpu.memory_space<hbm>>
    tpu.enqueue_indirect_dma source(%dma_start3A_9 : memref<1000000x128xf32, #tpu.memory_space<hbm>>) target(%arg14 : memref<16x128xf32, #tpu.memory_space<vmem>>) offsets(%arg12 : memref<16xi32, #tpu.memory_space<vmem>>) semaphore(%arg24 : memref<!tpu.dma_semaphore, #tpu.memory_space<semaphore_mem>>)
    %dma_wait3A = arith.constant 0 : i32
    %dma_wait3A_10 = arith.constant 0 : i32
    %dma_wait3A_11 = tpu.memref_slice %arg5[%dma_wait3A, %dma_wait3A_10] : memref<1000000x128xf32, #tpu.memory_space<hbm>> -> memref<1000000x128xf32, #tpu.memory_space<hbm>>
    tpu.wait_indirect_dma semaphore(%arg24 : memref<!tpu.dma_semaphore, #tpu.memory_space<semaphore_mem>>) src(%dma_wait3A_11 : memref<1000000x128xf32, #tpu.memory_space<hbm>>) dst(%arg13 : memref<16x128xf32, #tpu.memory_space<vmem>>)
    %dma_wait3A_12 = arith.constant 0 : i32
    %dma_wait3A_13 = arith.constant 0 : i32
    %dma_wait3A_14 = tpu.memref_slice %arg5[%dma_wait3A_12, %dma_wait3A_13] : memref<1000000x128xf32, #tpu.memory_space<hbm>> -> memref<1000000x128xf32, #tpu.memory_space<hbm>>
    tpu.wait_indirect_dma semaphore(%arg24 : memref<!tpu.dma_semaphore, #tpu.memory_space<semaphore_mem>>) src(%dma_wait3A_14 : memref<1000000x128xf32, #tpu.memory_space<hbm>>) dst(%arg14 : memref<16x128xf32, #tpu.memory_space<vmem>>)
    "tpu.region"() ({
      %run_scoped3A = tpu.sem_alloc : memref<!tpu.dma_semaphore, #tpu.memory_space<semaphore_mem>>
      %dma_start3A_576 = arith.constant 0 : i32
      %dma_start3A_577 = tpu.memref_slice %arg8[%add3A_4, %dma_start3A_576] : memref<16384x128xf32, #tpu.memory_space<hbm>> -> memref<16x128xf32, #tpu.memory_space<hbm>>
      %dma_start3A_578 = arith.constant 0 : i32
      %dma_start3A_579 = tpu.memref_slice %arg8[%add3A_4, %dma_start3A_578] : memref<16384x128xf32, #tpu.memory_space<hbm>> -> memref<16x128xf32, #tpu.memory_space<hbm>>
      tpu.enqueue_dma source(%arg13 : memref<16x128xf32, #tpu.memory_space<vmem>>) target(%dma_start3A_579 : memref<16x128xf32, #tpu.memory_space<hbm>>) target_semaphore(%run_scoped3A : memref<!tpu.dma_semaphore, #tpu.memory_space<semaphore_mem>>)
      %dma_wait3A_580 = arith.constant 0 : i32
      %dma_wait3A_581 = tpu.memref_slice %arg8[%add3A_4, %dma_wait3A_580] : memref<16384x128xf32, #tpu.memory_space<hbm>> -> memref<16x128xf32, #tpu.memory_space<hbm>>
      %dma_wait3A_582 = arith.constant 0 : i32
      %dma_wait3A_583 = tpu.memref_slice %arg8[%add3A_4, %dma_wait3A_582] : memref<16384x128xf32, #tpu.memory_space<hbm>> -> memref<16x128xf32, #tpu.memory_space<hbm>>
      tpu.wait_dma2 semaphore(%run_scoped3A : memref<!tpu.dma_semaphore, #tpu.memory_space<semaphore_mem>>) src(%arg13 : memref<16x128xf32, #tpu.memory_space<vmem>>) dst(%dma_wait3A_583 : memref<16x128xf32, #tpu.memory_space<hbm>>)
      tpu.yield
    }) : () -> ()
    "tpu.region"() ({
      %run_scoped3A = tpu.sem_alloc : memref<!tpu.dma_semaphore, #tpu.memory_space<semaphore_mem>>
      %dma_start3A_576 = arith.constant 0 : i32
      %dma_start3A_577 = tpu.memref_slice %arg9[%add3A_4, %dma_start3A_576] : memref<16384x128xf32, #tpu.memory_space<hbm>> -> memref<16x128xf32, #tpu.memory_space<hbm>>
      %dma_start3A_578 = arith.constant 0 : i32
      %dma_start3A_579 = tpu.memref_slice %arg9[%add3A_4, %dma_start3A_578] : memref<16384x128xf32, #tpu.memory_space<hbm>> -> memref<16x128xf32, #tpu.memory_space<hbm>>
      tpu.enqueue_dma source(%arg14 : memref<16x128xf32, #tpu.memory_space<vmem>>) target(%dma_start3A_579 : memref<16x128xf32, #tpu.memory_space<hbm>>) target_semaphore(%run_scoped3A : memref<!tpu.dma_semaphore, #tpu.memory_space<semaphore_mem>>)
      %dma_wait3A_580 = arith.constant 0 : i32
      %dma_wait3A_581 = tpu.memref_slice %arg9[%add3A_4, %dma_wait3A_580] : memref<16384x128xf32, #tpu.memory_space<hbm>> -> memref<16x128xf32, #tpu.memory_space<hbm>>
      %dma_wait3A_582 = arith.constant 0 : i32
      %dma_wait3A_583 = tpu.memref_slice %arg9[%add3A_4, %dma_wait3A_582] : memref<16384x128xf32, #tpu.memory_space<hbm>> -> memref<16x128xf32, #tpu.memory_space<hbm>>
      tpu.wait_dma2 semaphore(%run_scoped3A : memref<!tpu.dma_semaphore, #tpu.memory_space<semaphore_mem>>) src(%arg14 : memref<16x128xf32, #tpu.memory_space<vmem>>) dst(%dma_wait3A_583 : memref<16x128xf32, #tpu.memory_space<hbm>>)
      tpu.yield
    }) : () -> ()
    %add3A_15 = arith.constant 16 : i32
    %add3A_16 = arith.addi %mul3A_2, %add3A_15 : i32
    "tpu.region"() ({
      %run_scoped3A = tpu.sem_alloc : memref<!tpu.dma_semaphore, #tpu.memory_space<semaphore_mem>>
      %dma_start3A_576 = tpu.memref_slice %arg2[%add3A_16] : memref<16384xi32, #tpu.memory_space<hbm>> -> memref<16xi32, #tpu.memory_space<hbm>>
      %dma_start3A_577 = tpu.memref_slice %arg2[%add3A_16] : memref<16384xi32, #tpu.memory_space<hbm>> -> memref<16xi32, #tpu.memory_space<hbm>>
      tpu.enqueue_dma source(%dma_start3A_577 : memref<16xi32, #tpu.memory_space<hbm>>) target(%arg11 : memref<16xi32, #tpu.memory_space<vmem>>) target_semaphore(%run_scoped3A : memref<!tpu.dma_semaphore, #tpu.memory_space<semaphore_mem>>)
      %dma_wait3A_578 = tpu.memref_slice %arg2[%add3A_16] : memref<16384xi32, #tpu.memory_space<hbm>> -> memref<16xi32, #tpu.memory_space<hbm>>
      %dma_wait3A_579 = tpu.memref_slice %arg2[%add3A_16] : memref<16384xi32, #tpu.memory_space<hbm>> -> memref<16xi32, #tpu.memory_space<hbm>>
      tpu.wait_dma2 semaphore(%run_scoped3A : memref<!tpu.dma_semaphore, #tpu.memory_space<semaphore_mem>>) src(%dma_wait3A_579 : memref<16xi32, #tpu.memory_space<hbm>>) dst(%arg11 : memref<16xi32, #tpu.memory_space<vmem>>)
      tpu.yield
    }) : () -> ()
    "tpu.region"() ({
      %run_scoped3A = tpu.sem_alloc : memref<!tpu.dma_semaphore, #tpu.memory_space<semaphore_mem>>
      %dma_start3A_576 = tpu.memref_slice %arg4[%add3A_16] : memref<16384xi32, #tpu.memory_space<hbm>> -> memref<16xi32, #tpu.memory_space<hbm>>
      %dma_start3A_577 = tpu.memref_slice %arg4[%add3A_16] : memref<16384xi32, #tpu.memory_space<hbm>> -> memref<16xi32, #tpu.memory_space<hbm>>
      tpu.enqueue_dma source(%dma_start3A_577 : memref<16xi32, #tpu.memory_space<hbm>>) target(%arg12 : memref<16xi32, #tpu.memory_space<vmem>>) target_semaphore(%run_scoped3A : memref<!tpu.dma_semaphore, #tpu.memory_space<semaphore_mem>>)
      %dma_wait3A_578 = tpu.memref_slice %arg4[%add3A_16] : memref<16384xi32, #tpu.memory_space<hbm>> -> memref<16xi32, #tpu.memory_space<hbm>>
      %dma_wait3A_579 = tpu.memref_slice %arg4[%add3A_16] : memref<16384xi32, #tpu.memory_space<hbm>> -> memref<16xi32, #tpu.memory_space<hbm>>
      tpu.wait_dma2 semaphore(%run_scoped3A : memref<!tpu.dma_semaphore, #tpu.memory_space<semaphore_mem>>) src(%dma_wait3A_579 : memref<16xi32, #tpu.memory_space<hbm>>) dst(%arg12 : memref<16xi32, #tpu.memory_space<vmem>>)
      tpu.yield
    }) : () -> ()
    %dma_start3A_17 = arith.constant 0 : i32
    %dma_start3A_18 = arith.constant 0 : i32
    %dma_start3A_19 = tpu.memref_slice %arg5[%dma_start3A_17, %dma_start3A_18] : memref<1000000x128xf32, #tpu.memory_space<hbm>> -> memref<1000000x128xf32, #tpu.memory_space<hbm>>
    tpu.enqueue_indirect_dma source(%dma_start3A_19 : memref<1000000x128xf32, #tpu.memory_space<hbm>>) target(%arg13 : memref<16x128xf32, #tpu.memory_space<vmem>>) offsets(%arg11 : memref<16xi32, #tpu.memory_space<vmem>>) semaphore(%arg24 : memref<!tpu.dma_semaphore, #tpu.memory_space<semaphore_mem>>)
    %dma_start3A_20 = arith.constant 0 : i32
    %dma_start3A_21 = arith.constant 0 : i32
    %dma_start3A_22 = tpu.memref_slice %arg5[%dma_start3A_20, %dma_start3A_21] : memref<1000000x128xf32, #tpu.memory_space<hbm>> -> memref<1000000x128xf32, #tpu.memory_space<hbm>>
    tpu.enqueue_indirect_dma source(%dma_start3A_22 : memref<1000000x128xf32, #tpu.memory_space<hbm>>) target(%arg14 : memref<16x128xf32, #tpu.memory_space<vmem>>) offsets(%arg12 : memref<16xi32, #tpu.memory_space<vmem>>) semaphore(%arg24 : memref<!tpu.dma_semaphore, #tpu.memory_space<semaphore_mem>>)
    %dma_wait3A_23 = arith.constant 0 : i32
    %dma_wait3A_24 = arith.constant 0 : i32
    %dma_wait3A_25 = tpu.memref_slice %arg5[%dma_wait3A_23, %dma_wait3A_24] : memref<1000000x128xf32, #tpu.memory_space<hbm>> -> memref<1000000x128xf32, #tpu.memory_space<hbm>>
    tpu.wait_indirect_dma semaphore(%arg24 : memref<!tpu.dma_semaphore, #tpu.memory_space<semaphore_mem>>) src(%dma_wait3A_25 : memref<1000000x128xf32, #tpu.memory_space<hbm>>) dst(%arg13 : memref<16x128xf32, #tpu.memory_space<vmem>>)
    %dma_wait3A_26 = arith.constant 0 : i32
    %dma_wait3A_27 = arith.constant 0 : i32
    %dma_wait3A_28 = tpu.memref_slice %arg5[%dma_wait3A_26, %dma_wait3A_27] : memref<1000000x128xf32, #tpu.memory_space<hbm>> -> memref<1000000x128xf32, #tpu.memory_space<hbm>>
    tpu.wait_indirect_dma semaphore(%arg24 : memref<!tpu.dma_semaphore, #tpu.memory_space<semaphore_mem>>) src(%dma_wait3A_28 : memref<1000000x128xf32, #tpu.memory_space<hbm>>) dst(%arg14 : memref<16x128xf32, #tpu.memory_space<vmem>>)
    "tpu.region"() ({
      %run_scoped3A = tpu.sem_alloc : memref<!tpu.dma_semaphore, #tpu.memory_space<semaphore_mem>>
      %dma_start3A_576 = arith.constant 0 : i32
      %dma_start3A_577 = tpu.memref_slice %arg8[%add3A_16, %dma_start3A_576] : memref<16384x128xf32, #tpu.memory_space<hbm>> -> memref<16x128xf32, #tpu.memory_space<hbm>>
      %dma_start3A_578 = arith.constant 0 : i32
      %dma_start3A_579 = tpu.memref_slice %arg8[%add3A_16, %dma_start3A_578] : memref<16384x128xf32, #tpu.memory_space<hbm>> -> memref<16x128xf32, #tpu.memory_space<hbm>>
      tpu.enqueue_dma source(%arg13 : memref<16x128xf32, #tpu.memory_space<vmem>>) target(%dma_start3A_579 : memref<16x128xf32, #tpu.memory_space<hbm>>) target_semaphore(%run_scoped3A : memref<!tpu.dma_semaphore, #tpu.memory_space<semaphore_mem>>)
      %dma_wait3A_580 = arith.constant 0 : i32
      %dma_wait3A_581 = tpu.memref_slice %arg8[%add3A_16, %dma_wait3A_580] : memref<16384x128xf32, #tpu.memory_space<hbm>> -> memref<16x128xf32, #tpu.memory_space<hbm>>
      %dma_wait3A_582 = arith.constant 0 : i32
      %dma_wait3A_583 = tpu.memref_slice %arg8[%add3A_16, %dma_wait3A_582] : memref<16384x128xf32, #tpu.memory_space<hbm>> -> memref<16x128xf32, #tpu.memory_space<hbm>>
      tpu.wait_dma2 semaphore(%run_scoped3A : memref<!tpu.dma_semaphore, #tpu.memory_space<semaphore_mem>>) src(%arg13 : memref<16x128xf32, #tpu.memory_space<vmem>>) dst(%dma_wait3A_583 : memref<16x128xf32, #tpu.memory_space<hbm>>)
      tpu.yield
    }) : () -> ()
    "tpu.region"() ({
      %run_scoped3A = tpu.sem_alloc : memref<!tpu.dma_semaphore, #tpu.memory_space<semaphore_mem>>
      %dma_start3A_576 = arith.constant 0 : i32
      %dma_start3A_577 = tpu.memref_slice %arg9[%add3A_16, %dma_start3A_576] : memref<16384x128xf32, #tpu.memory_space<hbm>> -> memref<16x128xf32, #tpu.memory_space<hbm>>
      %dma_start3A_578 = arith.constant 0 : i32
      %dma_start3A_579 = tpu.memref_slice %arg9[%add3A_16, %dma_start3A_578] : memref<16384x128xf32, #tpu.memory_space<hbm>> -> memref<16x128xf32, #tpu.memory_space<hbm>>
      tpu.enqueue_dma source(%arg14 : memref<16x128xf32, #tpu.memory_space<vmem>>) target(%dma_start3A_579 : memref<16x128xf32, #tpu.memory_space<hbm>>) target_semaphore(%run_scoped3A : memref<!tpu.dma_semaphore, #tpu.memory_space<semaphore_mem>>)
      %dma_wait3A_580 = arith.constant 0 : i32
      %dma_wait3A_581 = tpu.memref_slice %arg9[%add3A_16, %dma_wait3A_580] : memref<16384x128xf32, #tpu.memory_space<hbm>> -> memref<16x128xf32, #tpu.memory_space<hbm>>
      %dma_wait3A_582 = arith.constant 0 : i32
      %dma_wait3A_583 = tpu.memref_slice %arg9[%add3A_16, %dma_wait3A_582] : memref<16384x128xf32, #tpu.memory_space<hbm>> -> memref<16x128xf32, #tpu.memory_space<hbm>>
      tpu.wait_dma2 semaphore(%run_scoped3A : memref<!tpu.dma_semaphore, #tpu.memory_space<semaphore_mem>>) src(%arg14 : memref<16x128xf32, #tpu.memory_space<vmem>>) dst(%dma_wait3A_583 : memref<16x128xf32, #tpu.memory_space<hbm>>)
      tpu.yield
    }) : () -> ()
    %add3A_29 = arith.constant 32 : i32
    %add3A_30 = arith.addi %mul3A_2, %add3A_29 : i32
    "tpu.region"() ({
      %run_scoped3A = tpu.sem_alloc : memref<!tpu.dma_semaphore, #tpu.memory_space<semaphore_mem>>
      %dma_start3A_576 = tpu.memref_slice %arg2[%add3A_30] : memref<16384xi32, #tpu.memory_space<hbm>> -> memref<16xi32, #tpu.memory_space<hbm>>
      %dma_start3A_577 = tpu.memref_slice %arg2[%add3A_30] : memref<16384xi32, #tpu.memory_space<hbm>> -> memref<16xi32, #tpu.memory_space<hbm>>
      tpu.enqueue_dma source(%dma_start3A_577 : memref<16xi32, #tpu.memory_space<hbm>>) target(%arg11 : memref<16xi32, #tpu.memory_space<vmem>>) target_semaphore(%run_scoped3A : memref<!tpu.dma_semaphore, #tpu.memory_space<semaphore_mem>>)
      %dma_wait3A_578 = tpu.memref_slice %arg2[%add3A_30] : memref<16384xi32, #tpu.memory_space<hbm>> -> memref<16xi32, #tpu.memory_space<hbm>>
      %dma_wait3A_579 = tpu.memref_slice %arg2[%add3A_30] : memref<16384xi32, #tpu.memory_space<hbm>> -> memref<16xi32, #tpu.memory_space<hbm>>
      tpu.wait_dma2 semaphore(%run_scoped3A : memref<!tpu.dma_semaphore, #tpu.memory_space<semaphore_mem>>) src(%dma_wait3A_579 : memref<16xi32, #tpu.memory_space<hbm>>) dst(%arg11 : memref<16xi32, #tpu.memory_space<vmem>>)
      tpu.yield
    }) : () -> ()
    "tpu.region"() ({
      %run_scoped3A = tpu.sem_alloc : memref<!tpu.dma_semaphore, #tpu.memory_space<semaphore_mem>>
      %dma_start3A_576 = tpu.memref_slice %arg4[%add3A_30] : memref<16384xi32, #tpu.memory_space<hbm>> -> memref<16xi32, #tpu.memory_space<hbm>>
      %dma_start3A_577 = tpu.memref_slice %arg4[%add3A_30] : memref<16384xi32, #tpu.memory_space<hbm>> -> memref<16xi32, #tpu.memory_space<hbm>>
      tpu.enqueue_dma source(%dma_start3A_577 : memref<16xi32, #tpu.memory_space<hbm>>) target(%arg12 : memref<16xi32, #tpu.memory_space<vmem>>) target_semaphore(%run_scoped3A : memref<!tpu.dma_semaphore, #tpu.memory_space<semaphore_mem>>)
      %dma_wait3A_578 = tpu.memref_slice %arg4[%add3A_30] : memref<16384xi32, #tpu.memory_space<hbm>> -> memref<16xi32, #tpu.memory_space<hbm>>
      %dma_wait3A_579 = tpu.memref_slice %arg4[%add3A_30] : memref<16384xi32, #tpu.memory_space<hbm>> -> memref<16xi32, #tpu.memory_space<hbm>>
      tpu.wait_dma2 semaphore(%run_scoped3A : memref<!tpu.dma_semaphore, #tpu.memory_space<semaphore_mem>>) src(%dma_wait3A_579 : memref<16xi32, #tpu.memory_space<hbm>>) dst(%arg12 : memref<16xi32, #tpu.memory_space<vmem>>)
      tpu.yield
    }) : () -> ()
    %dma_start3A_31 = arith.constant 0 : i32
    %dma_start3A_32 = arith.constant 0 : i32
    %dma_start3A_33 = tpu.memref_slice %arg5[%dma_start3A_31, %dma_start3A_32] : memref<1000000x128xf32, #tpu.memory_space<hbm>> -> memref<1000000x128xf32, #tpu.memory_space<hbm>>
    tpu.enqueue_indirect_dma source(%dma_start3A_33 : memref<1000000x128xf32, #tpu.memory_space<hbm>>) target(%arg13 : memref<16x128xf32, #tpu.memory_space<vmem>>) offsets(%arg11 : memref<16xi32, #tpu.memory_space<vmem>>) semaphore(%arg24 : memref<!tpu.dma_semaphore, #tpu.memory_space<semaphore_mem>>)
    %dma_start3A_34 = arith.constant 0 : i32
    %dma_start3A_35 = arith.constant 0 : i32
    %dma_start3A_36 = tpu.memref_slice %arg5[%dma_start3A_34, %dma_start3A_35] : memref<1000000x128xf32, #tpu.memory_space<hbm>> -> memref<1000000x128xf32, #tpu.memory_space<hbm>>
    tpu.enqueue_indirect_dma source(%dma_start3A_36 : memref<1000000x128xf32, #tpu.memory_space<hbm>>) target(%arg14 : memref<16x128xf32, #tpu.memory_space<vmem>>) offsets(%arg12 : memref<16xi32, #tpu.memory_space<vmem>>) semaphore(%arg24 : memref<!tpu.dma_semaphore, #tpu.memory_space<semaphore_mem>>)
    %dma_wait3A_37 = arith.constant 0 : i32
    %dma_wait3A_38 = arith.constant 0 : i32
    %dma_wait3A_39 = tpu.memref_slice %arg5[%dma_wait3A_37, %dma_wait3A_38] : memref<1000000x128xf32, #tpu.memory_space<hbm>> -> memref<1000000x128xf32, #tpu.memory_space<hbm>>
    tpu.wait_indirect_dma semaphore(%arg24 : memref<!tpu.dma_semaphore, #tpu.memory_space<semaphore_mem>>) src(%dma_wait3A_39 : memref<1000000x128xf32, #tpu.memory_space<hbm>>) dst(%arg13 : memref<16x128xf32, #tpu.memory_space<vmem>>)
    %dma_wait3A_40 = arith.constant 0 : i32
    %dma_wait3A_41 = arith.constant 0 : i32
    %dma_wait3A_42 = tpu.memref_slice %arg5[%dma_wait3A_40, %dma_wait3A_41] : memref<1000000x128xf32, #tpu.memory_space<hbm>> -> memref<1000000x128xf32, #tpu.memory_space<hbm>>
    tpu.wait_indirect_dma semaphore(%arg24 : memref<!tpu.dma_semaphore, #tpu.memory_space<semaphore_mem>>) src(%dma_wait3A_42 : memref<1000000x128xf32, #tpu.memory_space<hbm>>) dst(%arg14 : memref<16x128xf32, #tpu.memory_space<vmem>>)
    "tpu.region"() ({
      %run_scoped3A = tpu.sem_alloc : memref<!tpu.dma_semaphore, #tpu.memory_space<semaphore_mem>>
      %dma_start3A_576 = arith.constant 0 : i32
      %dma_start3A_577 = tpu.memref_slice %arg8[%add3A_30, %dma_start3A_576] : memref<16384x128xf32, #tpu.memory_space<hbm>> -> memref<16x128xf32, #tpu.memory_space<hbm>>
      %dma_start3A_578 = arith.constant 0 : i32
      %dma_start3A_579 = tpu.memref_slice %arg8[%add3A_30, %dma_start3A_578] : memref<16384x128xf32, #tpu.memory_space<hbm>> -> memref<16x128xf32, #tpu.memory_space<hbm>>
      tpu.enqueue_dma source(%arg13 : memref<16x128xf32, #tpu.memory_space<vmem>>) target(%dma_start3A_579 : memref<16x128xf32, #tpu.memory_space<hbm>>) target_semaphore(%run_scoped3A : memref<!tpu.dma_semaphore, #tpu.memory_space<semaphore_mem>>)
      %dma_wait3A_580 = arith.constant 0 : i32
      %dma_wait3A_581 = tpu.memref_slice %arg8[%add3A_30, %dma_wait3A_580] : memref<16384x128xf32, #tpu.memory_space<hbm>> -> memref<16x128xf32, #tpu.memory_space<hbm>>
      %dma_wait3A_582 = arith.constant 0 : i32
      %dma_wait3A_583 = tpu.memref_slice %arg8[%add3A_30, %dma_wait3A_582] : memref<16384x128xf32, #tpu.memory_space<hbm>> -> memref<16x128xf32, #tpu.memory_space<hbm>>
      tpu.wait_dma2 semaphore(%run_scoped3A : memref<!tpu.dma_semaphore, #tpu.memory_space<semaphore_mem>>) src(%arg13 : memref<16x128xf32, #tpu.memory_space<vmem>>) dst(%dma_wait3A_583 : memref<16x128xf32, #tpu.memory_space<hbm>>)
      tpu.yield
    }) : () -> ()
    "tpu.region"() ({
      %run_scoped3A = tpu.sem_alloc : memref<!tpu.dma_semaphore, #tpu.memory_space<semaphore_mem>>
      %dma_start3A_576 = arith.constant 0 : i32
      %dma_start3A_577 = tpu.memref_slice %arg9[%add3A_30, %dma_start3A_576] : memref<16384x128xf32, #tpu.memory_space<hbm>> -> memref<16x128xf32, #tpu.memory_space<hbm>>
      %dma_start3A_578 = arith.constant 0 : i32
      %dma_start3A_579 = tpu.memref_slice %arg9[%add3A_30, %dma_start3A_578] : memref<16384x128xf32, #tpu.memory_space<hbm>> -> memref<16x128xf32, #tpu.memory_space<hbm>>
      tpu.enqueue_dma source(%arg14 : memref<16x128xf32, #tpu.memory_space<vmem>>) target(%dma_start3A_579 : memref<16x128xf32, #tpu.memory_space<hbm>>) target_semaphore(%run_scoped3A : memref<!tpu.dma_semaphore, #tpu.memory_space<semaphore_mem>>)
      %dma_wait3A_580 = arith.constant 0 : i32
      %dma_wait3A_581 = tpu.memref_slice %arg9[%add3A_30, %dma_wait3A_580] : memref<16384x128xf32, #tpu.memory_space<hbm>> -> memref<16x128xf32, #tpu.memory_space<hbm>>
      %dma_wait3A_582 = arith.constant 0 : i32
      %dma_wait3A_583 = tpu.memref_slice %arg9[%add3A_30, %dma_wait3A_582] : memref<16384x128xf32, #tpu.memory_space<hbm>> -> memref<16x128xf32, #tpu.memory_space<hbm>>
      tpu.wait_dma2 semaphore(%run_scoped3A : memref<!tpu.dma_semaphore, #tpu.memory_space<semaphore_mem>>) src(%arg14 : memref<16x128xf32, #tpu.memory_space<vmem>>) dst(%dma_wait3A_583 : memref<16x128xf32, #tpu.memory_space<hbm>>)
      tpu.yield
    }) : () -> ()
    %add3A_43 = arith.constant 48 : i32
    %add3A_44 = arith.addi %mul3A_2, %add3A_43 : i32
    "tpu.region"() ({
      %run_scoped3A = tpu.sem_alloc : memref<!tpu.dma_semaphore, #tpu.memory_space<semaphore_mem>>
      %dma_start3A_576 = tpu.memref_slice %arg2[%add3A_44] : memref<16384xi32, #tpu.memory_space<hbm>> -> memref<16xi32, #tpu.memory_space<hbm>>
      %dma_start3A_577 = tpu.memref_slice %arg2[%add3A_44] : memref<16384xi32, #tpu.memory_space<hbm>> -> memref<16xi32, #tpu.memory_space<hbm>>
      tpu.enqueue_dma source(%dma_start3A_577 : memref<16xi32, #tpu.memory_space<hbm>>) target(%arg11 : memref<16xi32, #tpu.memory_space<vmem>>) target_semaphore(%run_scoped3A : memref<!tpu.dma_semaphore, #tpu.memory_space<semaphore_mem>>)
      %dma_wait3A_578 = tpu.memref_slice %arg2[%add3A_44] : memref<16384xi32, #tpu.memory_space<hbm>> -> memref<16xi32, #tpu.memory_space<hbm>>
      %dma_wait3A_579 = tpu.memref_slice %arg2[%add3A_44] : memref<16384xi32, #tpu.memory_space<hbm>> -> memref<16xi32, #tpu.memory_space<hbm>>
      tpu.wait_dma2 semaphore(%run_scoped3A : memref<!tpu.dma_semaphore, #tpu.memory_space<semaphore_mem>>) src(%dma_wait3A_579 : memref<16xi32, #tpu.memory_space<hbm>>) dst(%arg11 : memref<16xi32, #tpu.memory_space<vmem>>)
      tpu.yield
    }) : () -> ()
    "tpu.region"() ({
      %run_scoped3A = tpu.sem_alloc : memref<!tpu.dma_semaphore, #tpu.memory_space<semaphore_mem>>
      %dma_start3A_576 = tpu.memref_slice %arg4[%add3A_44] : memref<16384xi32, #tpu.memory_space<hbm>> -> memref<16xi32, #tpu.memory_space<hbm>>
      %dma_start3A_577 = tpu.memref_slice %arg4[%add3A_44] : memref<16384xi32, #tpu.memory_space<hbm>> -> memref<16xi32, #tpu.memory_space<hbm>>
      tpu.enqueue_dma source(%dma_start3A_577 : memref<16xi32, #tpu.memory_space<hbm>>) target(%arg12 : memref<16xi32, #tpu.memory_space<vmem>>) target_semaphore(%run_scoped3A : memref<!tpu.dma_semaphore, #tpu.memory_space<semaphore_mem>>)
      %dma_wait3A_578 = tpu.memref_slice %arg4[%add3A_44] : memref<16384xi32, #tpu.memory_space<hbm>> -> memref<16xi32, #tpu.memory_space<hbm>>
      %dma_wait3A_579 = tpu.memref_slice %arg4[%add3A_44] : memref<16384xi32, #tpu.memory_space<hbm>> -> memref<16xi32, #tpu.memory_space<hbm>>
      tpu.wait_dma2 semaphore(%run_scoped3A : memref<!tpu.dma_semaphore, #tpu.memory_space<semaphore_mem>>) src(%dma_wait3A_579 : memref<16xi32, #tpu.memory_space<hbm>>) dst(%arg12 : memref<16xi32, #tpu.memory_space<vmem>>)
      tpu.yield
    }) : () -> ()
    %dma_start3A_45 = arith.constant 0 : i32
    %dma_start3A_46 = arith.constant 0 : i32
    %dma_start3A_47 = tpu.memref_slice %arg5[%dma_start3A_45, %dma_start3A_46] : memref<1000000x128xf32, #tpu.memory_space<hbm>> -> memref<1000000x128xf32, #tpu.memory_space<hbm>>
    tpu.enqueue_indirect_dma source(%dma_start3A_47 : memref<1000000x128xf32, #tpu.memory_space<hbm>>) target(%arg13 : memref<16x128xf32, #tpu.memory_space<vmem>>) offsets(%arg11 : memref<16xi32, #tpu.memory_space<vmem>>) semaphore(%arg24 : memref<!tpu.dma_semaphore, #tpu.memory_space<semaphore_mem>>)
    %dma_start3A_48 = arith.constant 0 : i32
    %dma_start3A_49 = arith.constant 0 : i32
    %dma_start3A_50 = tpu.memref_slice %arg5[%dma_start3A_48, %dma_start3A_49] : memref<1000000x128xf32, #tpu.memory_space<hbm>> -> memref<1000000x128xf32, #tpu.memory_space<hbm>>
    tpu.enqueue_indirect_dma source(%dma_start3A_50 : memref<1000000x128xf32, #tpu.memory_space<hbm>>) target(%arg14 : memref<16x128xf32, #tpu.memory_space<vmem>>) offsets(%arg12 : memref<16xi32, #tpu.memory_space<vmem>>) semaphore(%arg24 : memref<!tpu.dma_semaphore, #tpu.memory_space<semaphore_mem>>)
    %dma_wait3A_51 = arith.constant 0 : i32
    %dma_wait3A_52 = arith.constant 0 : i32
    %dma_wait3A_53 = tpu.memref_slice %arg5[%dma_wait3A_51, %dma_wait3A_52] : memref<1000000x128xf32, #tpu.memory_space<hbm>> -> memref<1000000x128xf32, #tpu.memory_space<hbm>>
    tpu.wait_indirect_dma semaphore(%arg24 : memref<!tpu.dma_semaphore, #tpu.memory_space<semaphore_mem>>) src(%dma_wait3A_53 : memref<1000000x128xf32, #tpu.memory_space<hbm>>) dst(%arg13 : memref<16x128xf32, #tpu.memory_space<vmem>>)
    %dma_wait3A_54 = arith.constant 0 : i32
    %dma_wait3A_55 = arith.constant 0 : i32
    %dma_wait3A_56 = tpu.memref_slice %arg5[%dma_wait3A_54, %dma_wait3A_55] : memref<1000000x128xf32, #tpu.memory_space<hbm>> -> memref<1000000x128xf32, #tpu.memory_space<hbm>>
    tpu.wait_indirect_dma semaphore(%arg24 : memref<!tpu.dma_semaphore, #tpu.memory_space<semaphore_mem>>) src(%dma_wait3A_56 : memref<1000000x128xf32, #tpu.memory_space<hbm>>) dst(%arg14 : memref<16x128xf32, #tpu.memory_space<vmem>>)
    "tpu.region"() ({
      %run_scoped3A = tpu.sem_alloc : memref<!tpu.dma_semaphore, #tpu.memory_space<semaphore_mem>>
      %dma_start3A_576 = arith.constant 0 : i32
      %dma_start3A_577 = tpu.memref_slice %arg8[%add3A_44, %dma_start3A_576] : memref<16384x128xf32, #tpu.memory_space<hbm>> -> memref<16x128xf32, #tpu.memory_space<hbm>>
      %dma_start3A_578 = arith.constant 0 : i32
      %dma_start3A_579 = tpu.memref_slice %arg8[%add3A_44, %dma_start3A_578] : memref<16384x128xf32, #tpu.memory_space<hbm>> -> memref<16x128xf32, #tpu.memory_space<hbm>>
      tpu.enqueue_dma source(%arg13 : memref<16x128xf32, #tpu.memory_space<vmem>>) target(%dma_start3A_579 : memref<16x128xf32, #tpu.memory_space<hbm>>) target_semaphore(%run_scoped3A : memref<!tpu.dma_semaphore, #tpu.memory_space<semaphore_mem>>)
      %dma_wait3A_580 = arith.constant 0 : i32
      %dma_wait3A_581 = tpu.memref_slice %arg8[%add3A_44, %dma_wait3A_580] : memref<16384x128xf32, #tpu.memory_space<hbm>> -> memref<16x128xf32, #tpu.memory_space<hbm>>
      %dma_wait3A_582 = arith.constant 0 : i32
      %dma_wait3A_583 = tpu.memref_slice %arg8[%add3A_44, %dma_wait3A_582] : memref<16384x128xf32, #tpu.memory_space<hbm>> -> memref<16x128xf32, #tpu.memory_space<hbm>>
      tpu.wait_dma2 semaphore(%run_scoped3A : memref<!tpu.dma_semaphore, #tpu.memory_space<semaphore_mem>>) src(%arg13 : memref<16x128xf32, #tpu.memory_space<vmem>>) dst(%dma_wait3A_583 : memref<16x128xf32, #tpu.memory_space<hbm>>)
      tpu.yield
    }) : () -> ()
    "tpu.region"() ({
      %run_scoped3A = tpu.sem_alloc : memref<!tpu.dma_semaphore, #tpu.memory_space<semaphore_mem>>
      %dma_start3A_576 = arith.constant 0 : i32
      %dma_start3A_577 = tpu.memref_slice %arg9[%add3A_44, %dma_start3A_576] : memref<16384x128xf32, #tpu.memory_space<hbm>> -> memref<16x128xf32, #tpu.memory_space<hbm>>
      %dma_start3A_578 = arith.constant 0 : i32
      %dma_start3A_579 = tpu.memref_slice %arg9[%add3A_44, %dma_start3A_578] : memref<16384x128xf32, #tpu.memory_space<hbm>> -> memref<16x128xf32, #tpu.memory_space<hbm>>
      tpu.enqueue_dma source(%arg14 : memref<16x128xf32, #tpu.memory_space<vmem>>) target(%dma_start3A_579 : memref<16x128xf32, #tpu.memory_space<hbm>>) target_semaphore(%run_scoped3A : memref<!tpu.dma_semaphore, #tpu.memory_space<semaphore_mem>>)
      %dma_wait3A_580 = arith.constant 0 : i32
      %dma_wait3A_581 = tpu.memref_slice %arg9[%add3A_44, %dma_wait3A_580] : memref<16384x128xf32, #tpu.memory_space<hbm>> -> memref<16x128xf32, #tpu.memory_space<hbm>>
      %dma_wait3A_582 = arith.constant 0 : i32
      %dma_wait3A_583 = tpu.memref_slice %arg9[%add3A_44, %dma_wait3A_582] : memref<16384x128xf32, #tpu.memory_space<hbm>> -> memref<16x128xf32, #tpu.memory_space<hbm>>
      tpu.wait_dma2 semaphore(%run_scoped3A : memref<!tpu.dma_semaphore, #tpu.memory_space<semaphore_mem>>) src(%arg14 : memref<16x128xf32, #tpu.memory_space<vmem>>) dst(%dma_wait3A_583 : memref<16x128xf32, #tpu.memory_space<hbm>>)
      tpu.yield
    }) : () -> ()
    %add3A_57 = arith.constant 64 : i32
    %add3A_58 = arith.addi %mul3A_2, %add3A_57 : i32
    "tpu.region"() ({
      %run_scoped3A = tpu.sem_alloc : memref<!tpu.dma_semaphore, #tpu.memory_space<semaphore_mem>>
      %dma_start3A_576 = tpu.memref_slice %arg2[%add3A_58] : memref<16384xi32, #tpu.memory_space<hbm>> -> memref<16xi32, #tpu.memory_space<hbm>>
      %dma_start3A_577 = tpu.memref_slice %arg2[%add3A_58] : memref<16384xi32, #tpu.memory_space<hbm>> -> memref<16xi32, #tpu.memory_space<hbm>>
      tpu.enqueue_dma source(%dma_start3A_577 : memref<16xi32, #tpu.memory_space<hbm>>) target(%arg11 : memref<16xi32, #tpu.memory_space<vmem>>) target_semaphore(%run_scoped3A : memref<!tpu.dma_semaphore, #tpu.memory_space<semaphore_mem>>)
      %dma_wait3A_578 = tpu.memref_slice %arg2[%add3A_58] : memref<16384xi32, #tpu.memory_space<hbm>> -> memref<16xi32, #tpu.memory_space<hbm>>
      %dma_wait3A_579 = tpu.memref_slice %arg2[%add3A_58] : memref<16384xi32, #tpu.memory_space<hbm>> -> memref<16xi32, #tpu.memory_space<hbm>>
      tpu.wait_dma2 semaphore(%run_scoped3A : memref<!tpu.dma_semaphore, #tpu.memory_space<semaphore_mem>>) src(%dma_wait3A_579 : memref<16xi32, #tpu.memory_space<hbm>>) dst(%arg11 : memref<16xi32, #tpu.memory_space<vmem>>)
      tpu.yield
    }) : () -> ()
    "tpu.region"() ({
      %run_scoped3A = tpu.sem_alloc : memref<!tpu.dma_semaphore, #tpu.memory_space<semaphore_mem>>
      %dma_start3A_576 = tpu.memref_slice %arg4[%add3A_58] : memref<16384xi32, #tpu.memory_space<hbm>> -> memref<16xi32, #tpu.memory_space<hbm>>
      %dma_start3A_577 = tpu.memref_slice %arg4[%add3A_58] : memref<16384xi32, #tpu.memory_space<hbm>> -> memref<16xi32, #tpu.memory_space<hbm>>
      tpu.enqueue_dma source(%dma_start3A_577 : memref<16xi32, #tpu.memory_space<hbm>>) target(%arg12 : memref<16xi32, #tpu.memory_space<vmem>>) target_semaphore(%run_scoped3A : memref<!tpu.dma_semaphore, #tpu.memory_space<semaphore_mem>>)
      %dma_wait3A_578 = tpu.memref_slice %arg4[%add3A_58] : memref<16384xi32, #tpu.memory_space<hbm>> -> memref<16xi32, #tpu.memory_space<hbm>>
      %dma_wait3A_579 = tpu.memref_slice %arg4[%add3A_58] : memref<16384xi32, #tpu.memory_space<hbm>> -> memref<16xi32, #tpu.memory_space<hbm>>
      tpu.wait_dma2 semaphore(%run_scoped3A : memref<!tpu.dma_semaphore, #tpu.memory_space<semaphore_mem>>) src(%dma_wait3A_579 : memref<16xi32, #tpu.memory_space<hbm>>) dst(%arg12 : memref<16xi32, #tpu.memory_space<vmem>>)
      tpu.yield
    }) : () -> ()
    %dma_start3A_59 = arith.constant 0 : i32
    %dma_start3A_60 = arith.constant 0 : i32
    %dma_start3A_61 = tpu.memref_slice %arg5[%dma_start3A_59, %dma_start3A_60] : memref<1000000x128xf32, #tpu.memory_space<hbm>> -> memref<1000000x128xf32, #tpu.memory_space<hbm>>
    tpu.enqueue_indirect_dma source(%dma_start3A_61 : memref<1000000x128xf32, #tpu.memory_space<hbm>>) target(%arg13 : memref<16x128xf32, #tpu.memory_space<vmem>>) offsets(%arg11 : memref<16xi32, #tpu.memory_space<vmem>>) semaphore(%arg24 : memref<!tpu.dma_semaphore, #tpu.memory_space<semaphore_mem>>)
    %dma_start3A_62 = arith.constant 0 : i32
    %dma_start3A_63 = arith.constant 0 : i32
    %dma_start3A_64 = tpu.memref_slice %arg5[%dma_start3A_62, %dma_start3A_63] : memref<1000000x128xf32, #tpu.memory_space<hbm>> -> memref<1000000x128xf32, #tpu.memory_space<hbm>>
    tpu.enqueue_indirect_dma source(%dma_start3A_64 : memref<1000000x128xf32, #tpu.memory_space<hbm>>) target(%arg14 : memref<16x128xf32, #tpu.memory_space<vmem>>) offsets(%arg12 : memref<16xi32, #tpu.memory_space<vmem>>) semaphore(%arg24 : memref<!tpu.dma_semaphore, #tpu.memory_space<semaphore_mem>>)
    %dma_wait3A_65 = arith.constant 0 : i32
    %dma_wait3A_66 = arith.constant 0 : i32
    %dma_wait3A_67 = tpu.memref_slice %arg5[%dma_wait3A_65, %dma_wait3A_66] : memref<1000000x128xf32, #tpu.memory_space<hbm>> -> memref<1000000x128xf32, #tpu.memory_space<hbm>>
    tpu.wait_indirect_dma semaphore(%arg24 : memref<!tpu.dma_semaphore, #tpu.memory_space<semaphore_mem>>) src(%dma_wait3A_67 : memref<1000000x128xf32, #tpu.memory_space<hbm>>) dst(%arg13 : memref<16x128xf32, #tpu.memory_space<vmem>>)
    %dma_wait3A_68 = arith.constant 0 : i32
    %dma_wait3A_69 = arith.constant 0 : i32
    %dma_wait3A_70 = tpu.memref_slice %arg5[%dma_wait3A_68, %dma_wait3A_69] : memref<1000000x128xf32, #tpu.memory_space<hbm>> -> memref<1000000x128xf32, #tpu.memory_space<hbm>>
    tpu.wait_indirect_dma semaphore(%arg24 : memref<!tpu.dma_semaphore, #tpu.memory_space<semaphore_mem>>) src(%dma_wait3A_70 : memref<1000000x128xf32, #tpu.memory_space<hbm>>) dst(%arg14 : memref<16x128xf32, #tpu.memory_space<vmem>>)
    "tpu.region"() ({
      %run_scoped3A = tpu.sem_alloc : memref<!tpu.dma_semaphore, #tpu.memory_space<semaphore_mem>>
      %dma_start3A_576 = arith.constant 0 : i32
      %dma_start3A_577 = tpu.memref_slice %arg8[%add3A_58, %dma_start3A_576] : memref<16384x128xf32, #tpu.memory_space<hbm>> -> memref<16x128xf32, #tpu.memory_space<hbm>>
      %dma_start3A_578 = arith.constant 0 : i32
      %dma_start3A_579 = tpu.memref_slice %arg8[%add3A_58, %dma_start3A_578] : memref<16384x128xf32, #tpu.memory_space<hbm>> -> memref<16x128xf32, #tpu.memory_space<hbm>>
      tpu.enqueue_dma source(%arg13 : memref<16x128xf32, #tpu.memory_space<vmem>>) target(%dma_start3A_579 : memref<16x128xf32, #tpu.memory_space<hbm>>) target_semaphore(%run_scoped3A : memref<!tpu.dma_semaphore, #tpu.memory_space<semaphore_mem>>)
      %dma_wait3A_580 = arith.constant 0 : i32
      %dma_wait3A_581 = tpu.memref_slice %arg8[%add3A_58, %dma_wait3A_580] : memref<16384x128xf32, #tpu.memory_space<hbm>> -> memref<16x128xf32, #tpu.memory_space<hbm>>
      %dma_wait3A_582 = arith.constant 0 : i32
      %dma_wait3A_583 = tpu.memref_slice %arg8[%add3A_58, %dma_wait3A_582] : memref<16384x128xf32, #tpu.memory_space<hbm>> -> memref<16x128xf32, #tpu.memory_space<hbm>>
      tpu.wait_dma2 semaphore(%run_scoped3A : memref<!tpu.dma_semaphore, #tpu.memory_space<semaphore_mem>>) src(%arg13 : memref<16x128xf32, #tpu.memory_space<vmem>>) dst(%dma_wait3A_583 : memref<16x128xf32, #tpu.memory_space<hbm>>)
      tpu.yield
    }) : () -> ()
    "tpu.region"() ({
      %run_scoped3A = tpu.sem_alloc : memref<!tpu.dma_semaphore, #tpu.memory_space<semaphore_mem>>
      %dma_start3A_576 = arith.constant 0 : i32
      %dma_start3A_577 = tpu.memref_slice %arg9[%add3A_58, %dma_start3A_576] : memref<16384x128xf32, #tpu.memory_space<hbm>> -> memref<16x128xf32, #tpu.memory_space<hbm>>
      %dma_start3A_578 = arith.constant 0 : i32
      %dma_start3A_579 = tpu.memref_slice %arg9[%add3A_58, %dma_start3A_578] : memref<16384x128xf32, #tpu.memory_space<hbm>> -> memref<16x128xf32, #tpu.memory_space<hbm>>
      tpu.enqueue_dma source(%arg14 : memref<16x128xf32, #tpu.memory_space<vmem>>) target(%dma_start3A_579 : memref<16x128xf32, #tpu.memory_space<hbm>>) target_semaphore(%run_scoped3A : memref<!tpu.dma_semaphore, #tpu.memory_space<semaphore_mem>>)
      %dma_wait3A_580 = arith.constant 0 : i32
      %dma_wait3A_581 = tpu.memref_slice %arg9[%add3A_58, %dma_wait3A_580] : memref<16384x128xf32, #tpu.memory_space<hbm>> -> memref<16x128xf32, #tpu.memory_space<hbm>>
      %dma_wait3A_582 = arith.constant 0 : i32
      %dma_wait3A_583 = tpu.memref_slice %arg9[%add3A_58, %dma_wait3A_582] : memref<16384x128xf32, #tpu.memory_space<hbm>> -> memref<16x128xf32, #tpu.memory_space<hbm>>
      tpu.wait_dma2 semaphore(%run_scoped3A : memref<!tpu.dma_semaphore, #tpu.memory_space<semaphore_mem>>) src(%arg14 : memref<16x128xf32, #tpu.memory_space<vmem>>) dst(%dma_wait3A_583 : memref<16x128xf32, #tpu.memory_space<hbm>>)
      tpu.yield
    }) : () -> ()
    %add3A_71 = arith.constant 80 : i32
    %add3A_72 = arith.addi %mul3A_2, %add3A_71 : i32
    "tpu.region"() ({
      %run_scoped3A = tpu.sem_alloc : memref<!tpu.dma_semaphore, #tpu.memory_space<semaphore_mem>>
      %dma_start3A_576 = tpu.memref_slice %arg2[%add3A_72] : memref<16384xi32, #tpu.memory_space<hbm>> -> memref<16xi32, #tpu.memory_space<hbm>>
      %dma_start3A_577 = tpu.memref_slice %arg2[%add3A_72] : memref<16384xi32, #tpu.memory_space<hbm>> -> memref<16xi32, #tpu.memory_space<hbm>>
      tpu.enqueue_dma source(%dma_start3A_577 : memref<16xi32, #tpu.memory_space<hbm>>) target(%arg11 : memref<16xi32, #tpu.memory_space<vmem>>) target_semaphore(%run_scoped3A : memref<!tpu.dma_semaphore, #tpu.memory_space<semaphore_mem>>)
      %dma_wait3A_578 = tpu.memref_slice %arg2[%add3A_72] : memref<16384xi32, #tpu.memory_space<hbm>> -> memref<16xi32, #tpu.memory_space<hbm>>
      %dma_wait3A_579 = tpu.memref_slice %arg2[%add3A_72] : memref<16384xi32, #tpu.memory_space<hbm>> -> memref<16xi32, #tpu.memory_space<hbm>>
      tpu.wait_dma2 semaphore(%run_scoped3A : memref<!tpu.dma_semaphore, #tpu.memory_space<semaphore_mem>>) src(%dma_wait3A_579 : memref<16xi32, #tpu.memory_space<hbm>>) dst(%arg11 : memref<16xi32, #tpu.memory_space<vmem>>)
      tpu.yield
    }) : () -> ()
    "tpu.region"() ({
      %run_scoped3A = tpu.sem_alloc : memref<!tpu.dma_semaphore, #tpu.memory_space<semaphore_mem>>
      %dma_start3A_576 = tpu.memref_slice %arg4[%add3A_72] : memref<16384xi32, #tpu.memory_space<hbm>> -> memref<16xi32, #tpu.memory_space<hbm>>
      %dma_start3A_577 = tpu.memref_slice %arg4[%add3A_72] : memref<16384xi32, #tpu.memory_space<hbm>> -> memref<16xi32, #tpu.memory_space<hbm>>
      tpu.enqueue_dma source(%dma_start3A_577 : memref<16xi32, #tpu.memory_space<hbm>>) target(%arg12 : memref<16xi32, #tpu.memory_space<vmem>>) target_semaphore(%run_scoped3A : memref<!tpu.dma_semaphore, #tpu.memory_space<semaphore_mem>>)
      %dma_wait3A_578 = tpu.memref_slice %arg4[%add3A_72] : memref<16384xi32, #tpu.memory_space<hbm>> -> memref<16xi32, #tpu.memory_space<hbm>>
      %dma_wait3A_579 = tpu.memref_slice %arg4[%add3A_72] : memref<16384xi32, #tpu.memory_space<hbm>> -> memref<16xi32, #tpu.memory_space<hbm>>
      tpu.wait_dma2 semaphore(%run_scoped3A : memref<!tpu.dma_semaphore, #tpu.memory_space<semaphore_mem>>) src(%dma_wait3A_579 : memref<16xi32, #tpu.memory_space<hbm>>) dst(%arg12 : memref<16xi32, #tpu.memory_space<vmem>>)
      tpu.yield
    }) : () -> ()
    %dma_start3A_73 = arith.constant 0 : i32
    %dma_start3A_74 = arith.constant 0 : i32
    %dma_start3A_75 = tpu.memref_slice %arg5[%dma_start3A_73, %dma_start3A_74] : memref<1000000x128xf32, #tpu.memory_space<hbm>> -> memref<1000000x128xf32, #tpu.memory_space<hbm>>
    tpu.enqueue_indirect_dma source(%dma_start3A_75 : memref<1000000x128xf32, #tpu.memory_space<hbm>>) target(%arg13 : memref<16x128xf32, #tpu.memory_space<vmem>>) offsets(%arg11 : memref<16xi32, #tpu.memory_space<vmem>>) semaphore(%arg24 : memref<!tpu.dma_semaphore, #tpu.memory_space<semaphore_mem>>)
    %dma_start3A_76 = arith.constant 0 : i32
    %dma_start3A_77 = arith.constant 0 : i32
    %dma_start3A_78 = tpu.memref_slice %arg5[%dma_start3A_76, %dma_start3A_77] : memref<1000000x128xf32, #tpu.memory_space<hbm>> -> memref<1000000x128xf32, #tpu.memory_space<hbm>>
    tpu.enqueue_indirect_dma source(%dma_start3A_78 : memref<1000000x128xf32, #tpu.memory_space<hbm>>) target(%arg14 : memref<16x128xf32, #tpu.memory_space<vmem>>) offsets(%arg12 : memref<16xi32, #tpu.memory_space<vmem>>) semaphore(%arg24 : memref<!tpu.dma_semaphore, #tpu.memory_space<semaphore_mem>>)
    %dma_wait3A_79 = arith.constant 0 : i32
    %dma_wait3A_80 = arith.constant 0 : i32
    %dma_wait3A_81 = tpu.memref_slice %arg5[%dma_wait3A_79, %dma_wait3A_80] : memref<1000000x128xf32, #tpu.memory_space<hbm>> -> memref<1000000x128xf32, #tpu.memory_space<hbm>>
    tpu.wait_indirect_dma semaphore(%arg24 : memref<!tpu.dma_semaphore, #tpu.memory_space<semaphore_mem>>) src(%dma_wait3A_81 : memref<1000000x128xf32, #tpu.memory_space<hbm>>) dst(%arg13 : memref<16x128xf32, #tpu.memory_space<vmem>>)
    %dma_wait3A_82 = arith.constant 0 : i32
    %dma_wait3A_83 = arith.constant 0 : i32
    %dma_wait3A_84 = tpu.memref_slice %arg5[%dma_wait3A_82, %dma_wait3A_83] : memref<1000000x128xf32, #tpu.memory_space<hbm>> -> memref<1000000x128xf32, #tpu.memory_space<hbm>>
    tpu.wait_indirect_dma semaphore(%arg24 : memref<!tpu.dma_semaphore, #tpu.memory_space<semaphore_mem>>) src(%dma_wait3A_84 : memref<1000000x128xf32, #tpu.memory_space<hbm>>) dst(%arg14 : memref<16x128xf32, #tpu.memory_space<vmem>>)
    "tpu.region"() ({
      %run_scoped3A = tpu.sem_alloc : memref<!tpu.dma_semaphore, #tpu.memory_space<semaphore_mem>>
      %dma_start3A_576 = arith.constant 0 : i32
      %dma_start3A_577 = tpu.memref_slice %arg8[%add3A_72, %dma_start3A_576] : memref<16384x128xf32, #tpu.memory_space<hbm>> -> memref<16x128xf32, #tpu.memory_space<hbm>>
      %dma_start3A_578 = arith.constant 0 : i32
      %dma_start3A_579 = tpu.memref_slice %arg8[%add3A_72, %dma_start3A_578] : memref<16384x128xf32, #tpu.memory_space<hbm>> -> memref<16x128xf32, #tpu.memory_space<hbm>>
      tpu.enqueue_dma source(%arg13 : memref<16x128xf32, #tpu.memory_space<vmem>>) target(%dma_start3A_579 : memref<16x128xf32, #tpu.memory_space<hbm>>) target_semaphore(%run_scoped3A : memref<!tpu.dma_semaphore, #tpu.memory_space<semaphore_mem>>)
      %dma_wait3A_580 = arith.constant 0 : i32
      %dma_wait3A_581 = tpu.memref_slice %arg8[%add3A_72, %dma_wait3A_580] : memref<16384x128xf32, #tpu.memory_space<hbm>> -> memref<16x128xf32, #tpu.memory_space<hbm>>
      %dma_wait3A_582 = arith.constant 0 : i32
      %dma_wait3A_583 = tpu.memref_slice %arg8[%add3A_72, %dma_wait3A_582] : memref<16384x128xf32, #tpu.memory_space<hbm>> -> memref<16x128xf32, #tpu.memory_space<hbm>>
      tpu.wait_dma2 semaphore(%run_scoped3A : memref<!tpu.dma_semaphore, #tpu.memory_space<semaphore_mem>>) src(%arg13 : memref<16x128xf32, #tpu.memory_space<vmem>>) dst(%dma_wait3A_583 : memref<16x128xf32, #tpu.memory_space<hbm>>)
      tpu.yield
    }) : () -> ()
    "tpu.region"() ({
      %run_scoped3A = tpu.sem_alloc : memref<!tpu.dma_semaphore, #tpu.memory_space<semaphore_mem>>
      %dma_start3A_576 = arith.constant 0 : i32
      %dma_start3A_577 = tpu.memref_slice %arg9[%add3A_72, %dma_start3A_576] : memref<16384x128xf32, #tpu.memory_space<hbm>> -> memref<16x128xf32, #tpu.memory_space<hbm>>
      %dma_start3A_578 = arith.constant 0 : i32
      %dma_start3A_579 = tpu.memref_slice %arg9[%add3A_72, %dma_start3A_578] : memref<16384x128xf32, #tpu.memory_space<hbm>> -> memref<16x128xf32, #tpu.memory_space<hbm>>
      tpu.enqueue_dma source(%arg14 : memref<16x128xf32, #tpu.memory_space<vmem>>) target(%dma_start3A_579 : memref<16x128xf32, #tpu.memory_space<hbm>>) target_semaphore(%run_scoped3A : memref<!tpu.dma_semaphore, #tpu.memory_space<semaphore_mem>>)
      %dma_wait3A_580 = arith.constant 0 : i32
      %dma_wait3A_581 = tpu.memref_slice %arg9[%add3A_72, %dma_wait3A_580] : memref<16384x128xf32, #tpu.memory_space<hbm>> -> memref<16x128xf32, #tpu.memory_space<hbm>>
      %dma_wait3A_582 = arith.constant 0 : i32
      %dma_wait3A_583 = tpu.memref_slice %arg9[%add3A_72, %dma_wait3A_582] : memref<16384x128xf32, #tpu.memory_space<hbm>> -> memref<16x128xf32, #tpu.memory_space<hbm>>
      tpu.wait_dma2 semaphore(%run_scoped3A : memref<!tpu.dma_semaphore, #tpu.memory_space<semaphore_mem>>) src(%arg14 : memref<16x128xf32, #tpu.memory_space<vmem>>) dst(%dma_wait3A_583 : memref<16x128xf32, #tpu.memory_space<hbm>>)
      tpu.yield
    }) : () -> ()
    %add3A_85 = arith.constant 96 : i32
    %add3A_86 = arith.addi %mul3A_2, %add3A_85 : i32
    "tpu.region"() ({
      %run_scoped3A = tpu.sem_alloc : memref<!tpu.dma_semaphore, #tpu.memory_space<semaphore_mem>>
      %dma_start3A_576 = tpu.memref_slice %arg2[%add3A_86] : memref<16384xi32, #tpu.memory_space<hbm>> -> memref<16xi32, #tpu.memory_space<hbm>>
      %dma_start3A_577 = tpu.memref_slice %arg2[%add3A_86] : memref<16384xi32, #tpu.memory_space<hbm>> -> memref<16xi32, #tpu.memory_space<hbm>>
      tpu.enqueue_dma source(%dma_start3A_577 : memref<16xi32, #tpu.memory_space<hbm>>) target(%arg11 : memref<16xi32, #tpu.memory_space<vmem>>) target_semaphore(%run_scoped3A : memref<!tpu.dma_semaphore, #tpu.memory_space<semaphore_mem>>)
      %dma_wait3A_578 = tpu.memref_slice %arg2[%add3A_86] : memref<16384xi32, #tpu.memory_space<hbm>> -> memref<16xi32, #tpu.memory_space<hbm>>
      %dma_wait3A_579 = tpu.memref_slice %arg2[%add3A_86] : memref<16384xi32, #tpu.memory_space<hbm>> -> memref<16xi32, #tpu.memory_space<hbm>>
      tpu.wait_dma2 semaphore(%run_scoped3A : memref<!tpu.dma_semaphore, #tpu.memory_space<semaphore_mem>>) src(%dma_wait3A_579 : memref<16xi32, #tpu.memory_space<hbm>>) dst(%arg11 : memref<16xi32, #tpu.memory_space<vmem>>)
      tpu.yield
    }) : () -> ()
    "tpu.region"() ({
      %run_scoped3A = tpu.sem_alloc : memref<!tpu.dma_semaphore, #tpu.memory_space<semaphore_mem>>
      %dma_start3A_576 = tpu.memref_slice %arg4[%add3A_86] : memref<16384xi32, #tpu.memory_space<hbm>> -> memref<16xi32, #tpu.memory_space<hbm>>
      %dma_start3A_577 = tpu.memref_slice %arg4[%add3A_86] : memref<16384xi32, #tpu.memory_space<hbm>> -> memref<16xi32, #tpu.memory_space<hbm>>
      tpu.enqueue_dma source(%dma_start3A_577 : memref<16xi32, #tpu.memory_space<hbm>>) target(%arg12 : memref<16xi32, #tpu.memory_space<vmem>>) target_semaphore(%run_scoped3A : memref<!tpu.dma_semaphore, #tpu.memory_space<semaphore_mem>>)
      %dma_wait3A_578 = tpu.memref_slice %arg4[%add3A_86] : memref<16384xi32, #tpu.memory_space<hbm>> -> memref<16xi32, #tpu.memory_space<hbm>>
      %dma_wait3A_579 = tpu.memref_slice %arg4[%add3A_86] : memref<16384xi32, #tpu.memory_space<hbm>> -> memref<16xi32, #tpu.memory_space<hbm>>
      tpu.wait_dma2 semaphore(%run_scoped3A : memref<!tpu.dma_semaphore, #tpu.memory_space<semaphore_mem>>) src(%dma_wait3A_579 : memref<16xi32, #tpu.memory_space<hbm>>) dst(%arg12 : memref<16xi32, #tpu.memory_space<vmem>>)
      tpu.yield
    }) : () -> ()
    %dma_start3A_87 = arith.constant 0 : i32
    %dma_start3A_88 = arith.constant 0 : i32
    %dma_start3A_89 = tpu.memref_slice %arg5[%dma_start3A_87, %dma_start3A_88] : memref<1000000x128xf32, #tpu.memory_space<hbm>> -> memref<1000000x128xf32, #tpu.memory_space<hbm>>
    tpu.enqueue_indirect_dma source(%dma_start3A_89 : memref<1000000x128xf32, #tpu.memory_space<hbm>>) target(%arg13 : memref<16x128xf32, #tpu.memory_space<vmem>>) offsets(%arg11 : memref<16xi32, #tpu.memory_space<vmem>>) semaphore(%arg24 : memref<!tpu.dma_semaphore, #tpu.memory_space<semaphore_mem>>)
    %dma_start3A_90 = arith.constant 0 : i32
    %dma_start3A_91 = arith.constant 0 : i32
    %dma_start3A_92 = tpu.memref_slice %arg5[%dma_start3A_90, %dma_start3A_91] : memref<1000000x128xf32, #tpu.memory_space<hbm>> -> memref<1000000x128xf32, #tpu.memory_space<hbm>>
    tpu.enqueue_indirect_dma source(%dma_start3A_92 : memref<1000000x128xf32, #tpu.memory_space<hbm>>) target(%arg14 : memref<16x128xf32, #tpu.memory_space<vmem>>) offsets(%arg12 : memref<16xi32, #tpu.memory_space<vmem>>) semaphore(%arg24 : memref<!tpu.dma_semaphore, #tpu.memory_space<semaphore_mem>>)
    %dma_wait3A_93 = arith.constant 0 : i32
    %dma_wait3A_94 = arith.constant 0 : i32
    %dma_wait3A_95 = tpu.memref_slice %arg5[%dma_wait3A_93, %dma_wait3A_94] : memref<1000000x128xf32, #tpu.memory_space<hbm>> -> memref<1000000x128xf32, #tpu.memory_space<hbm>>
    tpu.wait_indirect_dma semaphore(%arg24 : memref<!tpu.dma_semaphore, #tpu.memory_space<semaphore_mem>>) src(%dma_wait3A_95 : memref<1000000x128xf32, #tpu.memory_space<hbm>>) dst(%arg13 : memref<16x128xf32, #tpu.memory_space<vmem>>)
    %dma_wait3A_96 = arith.constant 0 : i32
    %dma_wait3A_97 = arith.constant 0 : i32
    %dma_wait3A_98 = tpu.memref_slice %arg5[%dma_wait3A_96, %dma_wait3A_97] : memref<1000000x128xf32, #tpu.memory_space<hbm>> -> memref<1000000x128xf32, #tpu.memory_space<hbm>>
    tpu.wait_indirect_dma semaphore(%arg24 : memref<!tpu.dma_semaphore, #tpu.memory_space<semaphore_mem>>) src(%dma_wait3A_98 : memref<1000000x128xf32, #tpu.memory_space<hbm>>) dst(%arg14 : memref<16x128xf32, #tpu.memory_space<vmem>>)
    "tpu.region"() ({
      %run_scoped3A = tpu.sem_alloc : memref<!tpu.dma_semaphore, #tpu.memory_space<semaphore_mem>>
      %dma_start3A_576 = arith.constant 0 : i32
      %dma_start3A_577 = tpu.memref_slice %arg8[%add3A_86, %dma_start3A_576] : memref<16384x128xf32, #tpu.memory_space<hbm>> -> memref<16x128xf32, #tpu.memory_space<hbm>>
      %dma_start3A_578 = arith.constant 0 : i32
      %dma_start3A_579 = tpu.memref_slice %arg8[%add3A_86, %dma_start3A_578] : memref<16384x128xf32, #tpu.memory_space<hbm>> -> memref<16x128xf32, #tpu.memory_space<hbm>>
      tpu.enqueue_dma source(%arg13 : memref<16x128xf32, #tpu.memory_space<vmem>>) target(%dma_start3A_579 : memref<16x128xf32, #tpu.memory_space<hbm>>) target_semaphore(%run_scoped3A : memref<!tpu.dma_semaphore, #tpu.memory_space<semaphore_mem>>)
      %dma_wait3A_580 = arith.constant 0 : i32
      %dma_wait3A_581 = tpu.memref_slice %arg8[%add3A_86, %dma_wait3A_580] : memref<16384x128xf32, #tpu.memory_space<hbm>> -> memref<16x128xf32, #tpu.memory_space<hbm>>
      %dma_wait3A_582 = arith.constant 0 : i32
      %dma_wait3A_583 = tpu.memref_slice %arg8[%add3A_86, %dma_wait3A_582] : memref<16384x128xf32, #tpu.memory_space<hbm>> -> memref<16x128xf32, #tpu.memory_space<hbm>>
      tpu.wait_dma2 semaphore(%run_scoped3A : memref<!tpu.dma_semaphore, #tpu.memory_space<semaphore_mem>>) src(%arg13 : memref<16x128xf32, #tpu.memory_space<vmem>>) dst(%dma_wait3A_583 : memref<16x128xf32, #tpu.memory_space<hbm>>)
      tpu.yield
    }) : () -> ()
    "tpu.region"() ({
      %run_scoped3A = tpu.sem_alloc : memref<!tpu.dma_semaphore, #tpu.memory_space<semaphore_mem>>
      %dma_start3A_576 = arith.constant 0 : i32
      %dma_start3A_577 = tpu.memref_slice %arg9[%add3A_86, %dma_start3A_576] : memref<16384x128xf32, #tpu.memory_space<hbm>> -> memref<16x128xf32, #tpu.memory_space<hbm>>
      %dma_start3A_578 = arith.constant 0 : i32
      %dma_start3A_579 = tpu.memref_slice %arg9[%add3A_86, %dma_start3A_578] : memref<16384x128xf32, #tpu.memory_space<hbm>> -> memref<16x128xf32, #tpu.memory_space<hbm>>
      tpu.enqueue_dma source(%arg14 : memref<16x128xf32, #tpu.memory_space<vmem>>) target(%dma_start3A_579 : memref<16x128xf32, #tpu.memory_space<hbm>>) target_semaphore(%run_scoped3A : memref<!tpu.dma_semaphore, #tpu.memory_space<semaphore_mem>>)
      %dma_wait3A_580 = arith.constant 0 : i32
      %dma_wait3A_581 = tpu.memref_slice %arg9[%add3A_86, %dma_wait3A_580] : memref<16384x128xf32, #tpu.memory_space<hbm>> -> memref<16x128xf32, #tpu.memory_space<hbm>>
      %dma_wait3A_582 = arith.constant 0 : i32
      %dma_wait3A_583 = tpu.memref_slice %arg9[%add3A_86, %dma_wait3A_582] : memref<16384x128xf32, #tpu.memory_space<hbm>> -> memref<16x128xf32, #tpu.memory_space<hbm>>
      tpu.wait_dma2 semaphore(%run_scoped3A : memref<!tpu.dma_semaphore, #tpu.memory_space<semaphore_mem>>) src(%arg14 : memref<16x128xf32, #tpu.memory_space<vmem>>) dst(%dma_wait3A_583 : memref<16x128xf32, #tpu.memory_space<hbm>>)
      tpu.yield
    }) : () -> ()
    %add3A_99 = arith.constant 112 : i32
    %add3A_100 = arith.addi %mul3A_2, %add3A_99 : i32
    "tpu.region"() ({
      %run_scoped3A = tpu.sem_alloc : memref<!tpu.dma_semaphore, #tpu.memory_space<semaphore_mem>>
      %dma_start3A_576 = tpu.memref_slice %arg2[%add3A_100] : memref<16384xi32, #tpu.memory_space<hbm>> -> memref<16xi32, #tpu.memory_space<hbm>>
      %dma_start3A_577 = tpu.memref_slice %arg2[%add3A_100] : memref<16384xi32, #tpu.memory_space<hbm>> -> memref<16xi32, #tpu.memory_space<hbm>>
      tpu.enqueue_dma source(%dma_start3A_577 : memref<16xi32, #tpu.memory_space<hbm>>) target(%arg11 : memref<16xi32, #tpu.memory_space<vmem>>) target_semaphore(%run_scoped3A : memref<!tpu.dma_semaphore, #tpu.memory_space<semaphore_mem>>)
      %dma_wait3A_578 = tpu.memref_slice %arg2[%add3A_100] : memref<16384xi32, #tpu.memory_space<hbm>> -> memref<16xi32, #tpu.memory_space<hbm>>
      %dma_wait3A_579 = tpu.memref_slice %arg2[%add3A_100] : memref<16384xi32, #tpu.memory_space<hbm>> -> memref<16xi32, #tpu.memory_space<hbm>>
      tpu.wait_dma2 semaphore(%run_scoped3A : memref<!tpu.dma_semaphore, #tpu.memory_space<semaphore_mem>>) src(%dma_wait3A_579 : memref<16xi32, #tpu.memory_space<hbm>>) dst(%arg11 : memref<16xi32, #tpu.memory_space<vmem>>)
      tpu.yield
    }) : () -> ()
    "tpu.region"() ({
      %run_scoped3A = tpu.sem_alloc : memref<!tpu.dma_semaphore, #tpu.memory_space<semaphore_mem>>
      %dma_start3A_576 = tpu.memref_slice %arg4[%add3A_100] : memref<16384xi32, #tpu.memory_space<hbm>> -> memref<16xi32, #tpu.memory_space<hbm>>
      %dma_start3A_577 = tpu.memref_slice %arg4[%add3A_100] : memref<16384xi32, #tpu.memory_space<hbm>> -> memref<16xi32, #tpu.memory_space<hbm>>
      tpu.enqueue_dma source(%dma_start3A_577 : memref<16xi32, #tpu.memory_space<hbm>>) target(%arg12 : memref<16xi32, #tpu.memory_space<vmem>>) target_semaphore(%run_scoped3A : memref<!tpu.dma_semaphore, #tpu.memory_space<semaphore_mem>>)
      %dma_wait3A_578 = tpu.memref_slice %arg4[%add3A_100] : memref<16384xi32, #tpu.memory_space<hbm>> -> memref<16xi32, #tpu.memory_space<hbm>>
      %dma_wait3A_579 = tpu.memref_slice %arg4[%add3A_100] : memref<16384xi32, #tpu.memory_space<hbm>> -> memref<16xi32, #tpu.memory_space<hbm>>
      tpu.wait_dma2 semaphore(%run_scoped3A : memref<!tpu.dma_semaphore, #tpu.memory_space<semaphore_mem>>) src(%dma_wait3A_579 : memref<16xi32, #tpu.memory_space<hbm>>) dst(%arg12 : memref<16xi32, #tpu.memory_space<vmem>>)
      tpu.yield
    }) : () -> ()
    %dma_start3A_101 = arith.constant 0 : i32
    %dma_start3A_102 = arith.constant 0 : i32
    %dma_start3A_103 = tpu.memref_slice %arg5[%dma_start3A_101, %dma_start3A_102] : memref<1000000x128xf32, #tpu.memory_space<hbm>> -> memref<1000000x128xf32, #tpu.memory_space<hbm>>
    tpu.enqueue_indirect_dma source(%dma_start3A_103 : memref<1000000x128xf32, #tpu.memory_space<hbm>>) target(%arg13 : memref<16x128xf32, #tpu.memory_space<vmem>>) offsets(%arg11 : memref<16xi32, #tpu.memory_space<vmem>>) semaphore(%arg24 : memref<!tpu.dma_semaphore, #tpu.memory_space<semaphore_mem>>)
    %dma_start3A_104 = arith.constant 0 : i32
    %dma_start3A_105 = arith.constant 0 : i32
    %dma_start3A_106 = tpu.memref_slice %arg5[%dma_start3A_104, %dma_start3A_105] : memref<1000000x128xf32, #tpu.memory_space<hbm>> -> memref<1000000x128xf32, #tpu.memory_space<hbm>>
    tpu.enqueue_indirect_dma source(%dma_start3A_106 : memref<1000000x128xf32, #tpu.memory_space<hbm>>) target(%arg14 : memref<16x128xf32, #tpu.memory_space<vmem>>) offsets(%arg12 : memref<16xi32, #tpu.memory_space<vmem>>) semaphore(%arg24 : memref<!tpu.dma_semaphore, #tpu.memory_space<semaphore_mem>>)
    %dma_wait3A_107 = arith.constant 0 : i32
    %dma_wait3A_108 = arith.constant 0 : i32
    %dma_wait3A_109 = tpu.memref_slice %arg5[%dma_wait3A_107, %dma_wait3A_108] : memref<1000000x128xf32, #tpu.memory_space<hbm>> -> memref<1000000x128xf32, #tpu.memory_space<hbm>>
    tpu.wait_indirect_dma semaphore(%arg24 : memref<!tpu.dma_semaphore, #tpu.memory_space<semaphore_mem>>) src(%dma_wait3A_109 : memref<1000000x128xf32, #tpu.memory_space<hbm>>) dst(%arg13 : memref<16x128xf32, #tpu.memory_space<vmem>>)
    %dma_wait3A_110 = arith.constant 0 : i32
    %dma_wait3A_111 = arith.constant 0 : i32
    %dma_wait3A_112 = tpu.memref_slice %arg5[%dma_wait3A_110, %dma_wait3A_111] : memref<1000000x128xf32, #tpu.memory_space<hbm>> -> memref<1000000x128xf32, #tpu.memory_space<hbm>>
    tpu.wait_indirect_dma semaphore(%arg24 : memref<!tpu.dma_semaphore, #tpu.memory_space<semaphore_mem>>) src(%dma_wait3A_112 : memref<1000000x128xf32, #tpu.memory_space<hbm>>) dst(%arg14 : memref<16x128xf32, #tpu.memory_space<vmem>>)
    "tpu.region"() ({
      %run_scoped3A = tpu.sem_alloc : memref<!tpu.dma_semaphore, #tpu.memory_space<semaphore_mem>>
      %dma_start3A_576 = arith.constant 0 : i32
      %dma_start3A_577 = tpu.memref_slice %arg8[%add3A_100, %dma_start3A_576] : memref<16384x128xf32, #tpu.memory_space<hbm>> -> memref<16x128xf32, #tpu.memory_space<hbm>>
      %dma_start3A_578 = arith.constant 0 : i32
      %dma_start3A_579 = tpu.memref_slice %arg8[%add3A_100, %dma_start3A_578] : memref<16384x128xf32, #tpu.memory_space<hbm>> -> memref<16x128xf32, #tpu.memory_space<hbm>>
      tpu.enqueue_dma source(%arg13 : memref<16x128xf32, #tpu.memory_space<vmem>>) target(%dma_start3A_579 : memref<16x128xf32, #tpu.memory_space<hbm>>) target_semaphore(%run_scoped3A : memref<!tpu.dma_semaphore, #tpu.memory_space<semaphore_mem>>)
      %dma_wait3A_580 = arith.constant 0 : i32
      %dma_wait3A_581 = tpu.memref_slice %arg8[%add3A_100, %dma_wait3A_580] : memref<16384x128xf32, #tpu.memory_space<hbm>> -> memref<16x128xf32, #tpu.memory_space<hbm>>
      %dma_wait3A_582 = arith.constant 0 : i32
      %dma_wait3A_583 = tpu.memref_slice %arg8[%add3A_100, %dma_wait3A_582] : memref<16384x128xf32, #tpu.memory_space<hbm>> -> memref<16x128xf32, #tpu.memory_space<hbm>>
      tpu.wait_dma2 semaphore(%run_scoped3A : memref<!tpu.dma_semaphore, #tpu.memory_space<semaphore_mem>>) src(%arg13 : memref<16x128xf32, #tpu.memory_space<vmem>>) dst(%dma_wait3A_583 : memref<16x128xf32, #tpu.memory_space<hbm>>)
      tpu.yield
    }) : () -> ()
    "tpu.region"() ({
      %run_scoped3A = tpu.sem_alloc : memref<!tpu.dma_semaphore, #tpu.memory_space<semaphore_mem>>
      %dma_start3A_576 = arith.constant 0 : i32
      %dma_start3A_577 = tpu.memref_slice %arg9[%add3A_100, %dma_start3A_576] : memref<16384x128xf32, #tpu.memory_space<hbm>> -> memref<16x128xf32, #tpu.memory_space<hbm>>
      %dma_start3A_578 = arith.constant 0 : i32
      %dma_start3A_579 = tpu.memref_slice %arg9[%add3A_100, %dma_start3A_578] : memref<16384x128xf32, #tpu.memory_space<hbm>> -> memref<16x128xf32, #tpu.memory_space<hbm>>
      tpu.enqueue_dma source(%arg14 : memref<16x128xf32, #tpu.memory_space<vmem>>) target(%dma_start3A_579 : memref<16x128xf32, #tpu.memory_space<hbm>>) target_semaphore(%run_scoped3A : memref<!tpu.dma_semaphore, #tpu.memory_space<semaphore_mem>>)
      %dma_wait3A_580 = arith.constant 0 : i32
      %dma_wait3A_581 = tpu.memref_slice %arg9[%add3A_100, %dma_wait3A_580] : memref<16384x128xf32, #tpu.memory_space<hbm>> -> memref<16x128xf32, #tpu.memory_space<hbm>>
      %dma_wait3A_582 = arith.constant 0 : i32
      %dma_wait3A_583 = tpu.memref_slice %arg9[%add3A_100, %dma_wait3A_582] : memref<16384x128xf32, #tpu.memory_space<hbm>> -> memref<16x128xf32, #tpu.memory_space<hbm>>
      tpu.wait_dma2 semaphore(%run_scoped3A : memref<!tpu.dma_semaphore, #tpu.memory_space<semaphore_mem>>) src(%arg14 : memref<16x128xf32, #tpu.memory_space<vmem>>) dst(%dma_wait3A_583 : memref<16x128xf32, #tpu.memory_space<hbm>>)
      tpu.yield
    }) : () -> ()
    %add3A_113 = arith.constant 128 : i32
    %add3A_114 = arith.addi %mul3A_2, %add3A_113 : i32
    "tpu.region"() ({
      %run_scoped3A = tpu.sem_alloc : memref<!tpu.dma_semaphore, #tpu.memory_space<semaphore_mem>>
      %dma_start3A_576 = tpu.memref_slice %arg2[%add3A_114] : memref<16384xi32, #tpu.memory_space<hbm>> -> memref<16xi32, #tpu.memory_space<hbm>>
      %dma_start3A_577 = tpu.memref_slice %arg2[%add3A_114] : memref<16384xi32, #tpu.memory_space<hbm>> -> memref<16xi32, #tpu.memory_space<hbm>>
      tpu.enqueue_dma source(%dma_start3A_577 : memref<16xi32, #tpu.memory_space<hbm>>) target(%arg11 : memref<16xi32, #tpu.memory_space<vmem>>) target_semaphore(%run_scoped3A : memref<!tpu.dma_semaphore, #tpu.memory_space<semaphore_mem>>)
      %dma_wait3A_578 = tpu.memref_slice %arg2[%add3A_114] : memref<16384xi32, #tpu.memory_space<hbm>> -> memref<16xi32, #tpu.memory_space<hbm>>
      %dma_wait3A_579 = tpu.memref_slice %arg2[%add3A_114] : memref<16384xi32, #tpu.memory_space<hbm>> -> memref<16xi32, #tpu.memory_space<hbm>>
      tpu.wait_dma2 semaphore(%run_scoped3A : memref<!tpu.dma_semaphore, #tpu.memory_space<semaphore_mem>>) src(%dma_wait3A_579 : memref<16xi32, #tpu.memory_space<hbm>>) dst(%arg11 : memref<16xi32, #tpu.memory_space<vmem>>)
      tpu.yield
    }) : () -> ()
    "tpu.region"() ({
      %run_scoped3A = tpu.sem_alloc : memref<!tpu.dma_semaphore, #tpu.memory_space<semaphore_mem>>
      %dma_start3A_576 = tpu.memref_slice %arg4[%add3A_114] : memref<16384xi32, #tpu.memory_space<hbm>> -> memref<16xi32, #tpu.memory_space<hbm>>
      %dma_start3A_577 = tpu.memref_slice %arg4[%add3A_114] : memref<16384xi32, #tpu.memory_space<hbm>> -> memref<16xi32, #tpu.memory_space<hbm>>
      tpu.enqueue_dma source(%dma_start3A_577 : memref<16xi32, #tpu.memory_space<hbm>>) target(%arg12 : memref<16xi32, #tpu.memory_space<vmem>>) target_semaphore(%run_scoped3A : memref<!tpu.dma_semaphore, #tpu.memory_space<semaphore_mem>>)
      %dma_wait3A_578 = tpu.memref_slice %arg4[%add3A_114] : memref<16384xi32, #tpu.memory_space<hbm>> -> memref<16xi32, #tpu.memory_space<hbm>>
      %dma_wait3A_579 = tpu.memref_slice %arg4[%add3A_114] : memref<16384xi32, #tpu.memory_space<hbm>> -> memref<16xi32, #tpu.memory_space<hbm>>
      tpu.wait_dma2 semaphore(%run_scoped3A : memref<!tpu.dma_semaphore, #tpu.memory_space<semaphore_mem>>) src(%dma_wait3A_579 : memref<16xi32, #tpu.memory_space<hbm>>) dst(%arg12 : memref<16xi32, #tpu.memory_space<vmem>>)
      tpu.yield
    }) : () -> ()
    %dma_start3A_115 = arith.constant 0 : i32
    %dma_start3A_116 = arith.constant 0 : i32
    %dma_start3A_117 = tpu.memref_slice %arg5[%dma_start3A_115, %dma_start3A_116] : memref<1000000x128xf32, #tpu.memory_space<hbm>> -> memref<1000000x128xf32, #tpu.memory_space<hbm>>
    tpu.enqueue_indirect_dma source(%dma_start3A_117 : memref<1000000x128xf32, #tpu.memory_space<hbm>>) target(%arg13 : memref<16x128xf32, #tpu.memory_space<vmem>>) offsets(%arg11 : memref<16xi32, #tpu.memory_space<vmem>>) semaphore(%arg24 : memref<!tpu.dma_semaphore, #tpu.memory_space<semaphore_mem>>)
    %dma_start3A_118 = arith.constant 0 : i32
    %dma_start3A_119 = arith.constant 0 : i32
    %dma_start3A_120 = tpu.memref_slice %arg5[%dma_start3A_118, %dma_start3A_119] : memref<1000000x128xf32, #tpu.memory_space<hbm>> -> memref<1000000x128xf32, #tpu.memory_space<hbm>>
    tpu.enqueue_indirect_dma source(%dma_start3A_120 : memref<1000000x128xf32, #tpu.memory_space<hbm>>) target(%arg14 : memref<16x128xf32, #tpu.memory_space<vmem>>) offsets(%arg12 : memref<16xi32, #tpu.memory_space<vmem>>) semaphore(%arg24 : memref<!tpu.dma_semaphore, #tpu.memory_space<semaphore_mem>>)
    %dma_wait3A_121 = arith.constant 0 : i32
    %dma_wait3A_122 = arith.constant 0 : i32
    %dma_wait3A_123 = tpu.memref_slice %arg5[%dma_wait3A_121, %dma_wait3A_122] : memref<1000000x128xf32, #tpu.memory_space<hbm>> -> memref<1000000x128xf32, #tpu.memory_space<hbm>>
    tpu.wait_indirect_dma semaphore(%arg24 : memref<!tpu.dma_semaphore, #tpu.memory_space<semaphore_mem>>) src(%dma_wait3A_123 : memref<1000000x128xf32, #tpu.memory_space<hbm>>) dst(%arg13 : memref<16x128xf32, #tpu.memory_space<vmem>>)
    %dma_wait3A_124 = arith.constant 0 : i32
    %dma_wait3A_125 = arith.constant 0 : i32
    %dma_wait3A_126 = tpu.memref_slice %arg5[%dma_wait3A_124, %dma_wait3A_125] : memref<1000000x128xf32, #tpu.memory_space<hbm>> -> memref<1000000x128xf32, #tpu.memory_space<hbm>>
    tpu.wait_indirect_dma semaphore(%arg24 : memref<!tpu.dma_semaphore, #tpu.memory_space<semaphore_mem>>) src(%dma_wait3A_126 : memref<1000000x128xf32, #tpu.memory_space<hbm>>) dst(%arg14 : memref<16x128xf32, #tpu.memory_space<vmem>>)
    "tpu.region"() ({
      %run_scoped3A = tpu.sem_alloc : memref<!tpu.dma_semaphore, #tpu.memory_space<semaphore_mem>>
      %dma_start3A_576 = arith.constant 0 : i32
      %dma_start3A_577 = tpu.memref_slice %arg8[%add3A_114, %dma_start3A_576] : memref<16384x128xf32, #tpu.memory_space<hbm>> -> memref<16x128xf32, #tpu.memory_space<hbm>>
      %dma_start3A_578 = arith.constant 0 : i32
      %dma_start3A_579 = tpu.memref_slice %arg8[%add3A_114, %dma_start3A_578] : memref<16384x128xf32, #tpu.memory_space<hbm>> -> memref<16x128xf32, #tpu.memory_space<hbm>>
      tpu.enqueue_dma source(%arg13 : memref<16x128xf32, #tpu.memory_space<vmem>>) target(%dma_start3A_579 : memref<16x128xf32, #tpu.memory_space<hbm>>) target_semaphore(%run_scoped3A : memref<!tpu.dma_semaphore, #tpu.memory_space<semaphore_mem>>)
      %dma_wait3A_580 = arith.constant 0 : i32
      %dma_wait3A_581 = tpu.memref_slice %arg8[%add3A_114, %dma_wait3A_580] : memref<16384x128xf32, #tpu.memory_space<hbm>> -> memref<16x128xf32, #tpu.memory_space<hbm>>
      %dma_wait3A_582 = arith.constant 0 : i32
      %dma_wait3A_583 = tpu.memref_slice %arg8[%add3A_114, %dma_wait3A_582] : memref<16384x128xf32, #tpu.memory_space<hbm>> -> memref<16x128xf32, #tpu.memory_space<hbm>>
      tpu.wait_dma2 semaphore(%run_scoped3A : memref<!tpu.dma_semaphore, #tpu.memory_space<semaphore_mem>>) src(%arg13 : memref<16x128xf32, #tpu.memory_space<vmem>>) dst(%dma_wait3A_583 : memref<16x128xf32, #tpu.memory_space<hbm>>)
      tpu.yield
    }) : () -> ()
    "tpu.region"() ({
      %run_scoped3A = tpu.sem_alloc : memref<!tpu.dma_semaphore, #tpu.memory_space<semaphore_mem>>
      %dma_start3A_576 = arith.constant 0 : i32
      %dma_start3A_577 = tpu.memref_slice %arg9[%add3A_114, %dma_start3A_576] : memref<16384x128xf32, #tpu.memory_space<hbm>> -> memref<16x128xf32, #tpu.memory_space<hbm>>
      %dma_start3A_578 = arith.constant 0 : i32
      %dma_start3A_579 = tpu.memref_slice %arg9[%add3A_114, %dma_start3A_578] : memref<16384x128xf32, #tpu.memory_space<hbm>> -> memref<16x128xf32, #tpu.memory_space<hbm>>
      tpu.enqueue_dma source(%arg14 : memref<16x128xf32, #tpu.memory_space<vmem>>) target(%dma_start3A_579 : memref<16x128xf32, #tpu.memory_space<hbm>>) target_semaphore(%run_scoped3A : memref<!tpu.dma_semaphore, #tpu.memory_space<semaphore_mem>>)
      %dma_wait3A_580 = arith.constant 0 : i32
      %dma_wait3A_581 = tpu.memref_slice %arg9[%add3A_114, %dma_wait3A_580] : memref<16384x128xf32, #tpu.memory_space<hbm>> -> memref<16x128xf32, #tpu.memory_space<hbm>>
      %dma_wait3A_582 = arith.constant 0 : i32
      %dma_wait3A_583 = tpu.memref_slice %arg9[%add3A_114, %dma_wait3A_582] : memref<16384x128xf32, #tpu.memory_space<hbm>> -> memref<16x128xf32, #tpu.memory_space<hbm>>
      tpu.wait_dma2 semaphore(%run_scoped3A : memref<!tpu.dma_semaphore, #tpu.memory_space<semaphore_mem>>) src(%arg14 : memref<16x128xf32, #tpu.memory_space<vmem>>) dst(%dma_wait3A_583 : memref<16x128xf32, #tpu.memory_space<hbm>>)
      tpu.yield
    }) : () -> ()
    %add3A_127 = arith.constant 144 : i32
    %add3A_128 = arith.addi %mul3A_2, %add3A_127 : i32
    "tpu.region"() ({
      %run_scoped3A = tpu.sem_alloc : memref<!tpu.dma_semaphore, #tpu.memory_space<semaphore_mem>>
      %dma_start3A_576 = tpu.memref_slice %arg2[%add3A_128] : memref<16384xi32, #tpu.memory_space<hbm>> -> memref<16xi32, #tpu.memory_space<hbm>>
      %dma_start3A_577 = tpu.memref_slice %arg2[%add3A_128] : memref<16384xi32, #tpu.memory_space<hbm>> -> memref<16xi32, #tpu.memory_space<hbm>>
      tpu.enqueue_dma source(%dma_start3A_577 : memref<16xi32, #tpu.memory_space<hbm>>) target(%arg11 : memref<16xi32, #tpu.memory_space<vmem>>) target_semaphore(%run_scoped3A : memref<!tpu.dma_semaphore, #tpu.memory_space<semaphore_mem>>)
      %dma_wait3A_578 = tpu.memref_slice %arg2[%add3A_128] : memref<16384xi32, #tpu.memory_space<hbm>> -> memref<16xi32, #tpu.memory_space<hbm>>
      %dma_wait3A_579 = tpu.memref_slice %arg2[%add3A_128] : memref<16384xi32, #tpu.memory_space<hbm>> -> memref<16xi32, #tpu.memory_space<hbm>>
      tpu.wait_dma2 semaphore(%run_scoped3A : memref<!tpu.dma_semaphore, #tpu.memory_space<semaphore_mem>>) src(%dma_wait3A_579 : memref<16xi32, #tpu.memory_space<hbm>>) dst(%arg11 : memref<16xi32, #tpu.memory_space<vmem>>)
      tpu.yield
    }) : () -> ()
    "tpu.region"() ({
      %run_scoped3A = tpu.sem_alloc : memref<!tpu.dma_semaphore, #tpu.memory_space<semaphore_mem>>
      %dma_start3A_576 = tpu.memref_slice %arg4[%add3A_128] : memref<16384xi32, #tpu.memory_space<hbm>> -> memref<16xi32, #tpu.memory_space<hbm>>
      %dma_start3A_577 = tpu.memref_slice %arg4[%add3A_128] : memref<16384xi32, #tpu.memory_space<hbm>> -> memref<16xi32, #tpu.memory_space<hbm>>
      tpu.enqueue_dma source(%dma_start3A_577 : memref<16xi32, #tpu.memory_space<hbm>>) target(%arg12 : memref<16xi32, #tpu.memory_space<vmem>>) target_semaphore(%run_scoped3A : memref<!tpu.dma_semaphore, #tpu.memory_space<semaphore_mem>>)
      %dma_wait3A_578 = tpu.memref_slice %arg4[%add3A_128] : memref<16384xi32, #tpu.memory_space<hbm>> -> memref<16xi32, #tpu.memory_space<hbm>>
      %dma_wait3A_579 = tpu.memref_slice %arg4[%add3A_128] : memref<16384xi32, #tpu.memory_space<hbm>> -> memref<16xi32, #tpu.memory_space<hbm>>
      tpu.wait_dma2 semaphore(%run_scoped3A : memref<!tpu.dma_semaphore, #tpu.memory_space<semaphore_mem>>) src(%dma_wait3A_579 : memref<16xi32, #tpu.memory_space<hbm>>) dst(%arg12 : memref<16xi32, #tpu.memory_space<vmem>>)
      tpu.yield
    }) : () -> ()
    %dma_start3A_129 = arith.constant 0 : i32
    %dma_start3A_130 = arith.constant 0 : i32
    %dma_start3A_131 = tpu.memref_slice %arg5[%dma_start3A_129, %dma_start3A_130] : memref<1000000x128xf32, #tpu.memory_space<hbm>> -> memref<1000000x128xf32, #tpu.memory_space<hbm>>
    tpu.enqueue_indirect_dma source(%dma_start3A_131 : memref<1000000x128xf32, #tpu.memory_space<hbm>>) target(%arg13 : memref<16x128xf32, #tpu.memory_space<vmem>>) offsets(%arg11 : memref<16xi32, #tpu.memory_space<vmem>>) semaphore(%arg24 : memref<!tpu.dma_semaphore, #tpu.memory_space<semaphore_mem>>)
    %dma_start3A_132 = arith.constant 0 : i32
    %dma_start3A_133 = arith.constant 0 : i32
    %dma_start3A_134 = tpu.memref_slice %arg5[%dma_start3A_132, %dma_start3A_133] : memref<1000000x128xf32, #tpu.memory_space<hbm>> -> memref<1000000x128xf32, #tpu.memory_space<hbm>>
    tpu.enqueue_indirect_dma source(%dma_start3A_134 : memref<1000000x128xf32, #tpu.memory_space<hbm>>) target(%arg14 : memref<16x128xf32, #tpu.memory_space<vmem>>) offsets(%arg12 : memref<16xi32, #tpu.memory_space<vmem>>) semaphore(%arg24 : memref<!tpu.dma_semaphore, #tpu.memory_space<semaphore_mem>>)
    %dma_wait3A_135 = arith.constant 0 : i32
    %dma_wait3A_136 = arith.constant 0 : i32
    %dma_wait3A_137 = tpu.memref_slice %arg5[%dma_wait3A_135, %dma_wait3A_136] : memref<1000000x128xf32, #tpu.memory_space<hbm>> -> memref<1000000x128xf32, #tpu.memory_space<hbm>>
    tpu.wait_indirect_dma semaphore(%arg24 : memref<!tpu.dma_semaphore, #tpu.memory_space<semaphore_mem>>) src(%dma_wait3A_137 : memref<1000000x128xf32, #tpu.memory_space<hbm>>) dst(%arg13 : memref<16x128xf32, #tpu.memory_space<vmem>>)
    %dma_wait3A_138 = arith.constant 0 : i32
    %dma_wait3A_139 = arith.constant 0 : i32
    %dma_wait3A_140 = tpu.memref_slice %arg5[%dma_wait3A_138, %dma_wait3A_139] : memref<1000000x128xf32, #tpu.memory_space<hbm>> -> memref<1000000x128xf32, #tpu.memory_space<hbm>>
    tpu.wait_indirect_dma semaphore(%arg24 : memref<!tpu.dma_semaphore, #tpu.memory_space<semaphore_mem>>) src(%dma_wait3A_140 : memref<1000000x128xf32, #tpu.memory_space<hbm>>) dst(%arg14 : memref<16x128xf32, #tpu.memory_space<vmem>>)
    "tpu.region"() ({
      %run_scoped3A = tpu.sem_alloc : memref<!tpu.dma_semaphore, #tpu.memory_space<semaphore_mem>>
      %dma_start3A_576 = arith.constant 0 : i32
      %dma_start3A_577 = tpu.memref_slice %arg8[%add3A_128, %dma_start3A_576] : memref<16384x128xf32, #tpu.memory_space<hbm>> -> memref<16x128xf32, #tpu.memory_space<hbm>>
      %dma_start3A_578 = arith.constant 0 : i32
      %dma_start3A_579 = tpu.memref_slice %arg8[%add3A_128, %dma_start3A_578] : memref<16384x128xf32, #tpu.memory_space<hbm>> -> memref<16x128xf32, #tpu.memory_space<hbm>>
      tpu.enqueue_dma source(%arg13 : memref<16x128xf32, #tpu.memory_space<vmem>>) target(%dma_start3A_579 : memref<16x128xf32, #tpu.memory_space<hbm>>) target_semaphore(%run_scoped3A : memref<!tpu.dma_semaphore, #tpu.memory_space<semaphore_mem>>)
      %dma_wait3A_580 = arith.constant 0 : i32
      %dma_wait3A_581 = tpu.memref_slice %arg8[%add3A_128, %dma_wait3A_580] : memref<16384x128xf32, #tpu.memory_space<hbm>> -> memref<16x128xf32, #tpu.memory_space<hbm>>
      %dma_wait3A_582 = arith.constant 0 : i32
      %dma_wait3A_583 = tpu.memref_slice %arg8[%add3A_128, %dma_wait3A_582] : memref<16384x128xf32, #tpu.memory_space<hbm>> -> memref<16x128xf32, #tpu.memory_space<hbm>>
      tpu.wait_dma2 semaphore(%run_scoped3A : memref<!tpu.dma_semaphore, #tpu.memory_space<semaphore_mem>>) src(%arg13 : memref<16x128xf32, #tpu.memory_space<vmem>>) dst(%dma_wait3A_583 : memref<16x128xf32, #tpu.memory_space<hbm>>)
      tpu.yield
    }) : () -> ()
    "tpu.region"() ({
      %run_scoped3A = tpu.sem_alloc : memref<!tpu.dma_semaphore, #tpu.memory_space<semaphore_mem>>
      %dma_start3A_576 = arith.constant 0 : i32
      %dma_start3A_577 = tpu.memref_slice %arg9[%add3A_128, %dma_start3A_576] : memref<16384x128xf32, #tpu.memory_space<hbm>> -> memref<16x128xf32, #tpu.memory_space<hbm>>
      %dma_start3A_578 = arith.constant 0 : i32
      %dma_start3A_579 = tpu.memref_slice %arg9[%add3A_128, %dma_start3A_578] : memref<16384x128xf32, #tpu.memory_space<hbm>> -> memref<16x128xf32, #tpu.memory_space<hbm>>
      tpu.enqueue_dma source(%arg14 : memref<16x128xf32, #tpu.memory_space<vmem>>) target(%dma_start3A_579 : memref<16x128xf32, #tpu.memory_space<hbm>>) target_semaphore(%run_scoped3A : memref<!tpu.dma_semaphore, #tpu.memory_space<semaphore_mem>>)
      %dma_wait3A_580 = arith.constant 0 : i32
      %dma_wait3A_581 = tpu.memref_slice %arg9[%add3A_128, %dma_wait3A_580] : memref<16384x128xf32, #tpu.memory_space<hbm>> -> memref<16x128xf32, #tpu.memory_space<hbm>>
      %dma_wait3A_582 = arith.constant 0 : i32
      %dma_wait3A_583 = tpu.memref_slice %arg9[%add3A_128, %dma_wait3A_582] : memref<16384x128xf32, #tpu.memory_space<hbm>> -> memref<16x128xf32, #tpu.memory_space<hbm>>
      tpu.wait_dma2 semaphore(%run_scoped3A : memref<!tpu.dma_semaphore, #tpu.memory_space<semaphore_mem>>) src(%arg14 : memref<16x128xf32, #tpu.memory_space<vmem>>) dst(%dma_wait3A_583 : memref<16x128xf32, #tpu.memory_space<hbm>>)
      tpu.yield
    }) : () -> ()
    %add3A_141 = arith.constant 160 : i32
    %add3A_142 = arith.addi %mul3A_2, %add3A_141 : i32
    "tpu.region"() ({
      %run_scoped3A = tpu.sem_alloc : memref<!tpu.dma_semaphore, #tpu.memory_space<semaphore_mem>>
      %dma_start3A_576 = tpu.memref_slice %arg2[%add3A_142] : memref<16384xi32, #tpu.memory_space<hbm>> -> memref<16xi32, #tpu.memory_space<hbm>>
      %dma_start3A_577 = tpu.memref_slice %arg2[%add3A_142] : memref<16384xi32, #tpu.memory_space<hbm>> -> memref<16xi32, #tpu.memory_space<hbm>>
      tpu.enqueue_dma source(%dma_start3A_577 : memref<16xi32, #tpu.memory_space<hbm>>) target(%arg11 : memref<16xi32, #tpu.memory_space<vmem>>) target_semaphore(%run_scoped3A : memref<!tpu.dma_semaphore, #tpu.memory_space<semaphore_mem>>)
      %dma_wait3A_578 = tpu.memref_slice %arg2[%add3A_142] : memref<16384xi32, #tpu.memory_space<hbm>> -> memref<16xi32, #tpu.memory_space<hbm>>
      %dma_wait3A_579 = tpu.memref_slice %arg2[%add3A_142] : memref<16384xi32, #tpu.memory_space<hbm>> -> memref<16xi32, #tpu.memory_space<hbm>>
      tpu.wait_dma2 semaphore(%run_scoped3A : memref<!tpu.dma_semaphore, #tpu.memory_space<semaphore_mem>>) src(%dma_wait3A_579 : memref<16xi32, #tpu.memory_space<hbm>>) dst(%arg11 : memref<16xi32, #tpu.memory_space<vmem>>)
      tpu.yield
    }) : () -> ()
    "tpu.region"() ({
      %run_scoped3A = tpu.sem_alloc : memref<!tpu.dma_semaphore, #tpu.memory_space<semaphore_mem>>
      %dma_start3A_576 = tpu.memref_slice %arg4[%add3A_142] : memref<16384xi32, #tpu.memory_space<hbm>> -> memref<16xi32, #tpu.memory_space<hbm>>
      %dma_start3A_577 = tpu.memref_slice %arg4[%add3A_142] : memref<16384xi32, #tpu.memory_space<hbm>> -> memref<16xi32, #tpu.memory_space<hbm>>
      tpu.enqueue_dma source(%dma_start3A_577 : memref<16xi32, #tpu.memory_space<hbm>>) target(%arg12 : memref<16xi32, #tpu.memory_space<vmem>>) target_semaphore(%run_scoped3A : memref<!tpu.dma_semaphore, #tpu.memory_space<semaphore_mem>>)
      %dma_wait3A_578 = tpu.memref_slice %arg4[%add3A_142] : memref<16384xi32, #tpu.memory_space<hbm>> -> memref<16xi32, #tpu.memory_space<hbm>>
      %dma_wait3A_579 = tpu.memref_slice %arg4[%add3A_142] : memref<16384xi32, #tpu.memory_space<hbm>> -> memref<16xi32, #tpu.memory_space<hbm>>
      tpu.wait_dma2 semaphore(%run_scoped3A : memref<!tpu.dma_semaphore, #tpu.memory_space<semaphore_mem>>) src(%dma_wait3A_579 : memref<16xi32, #tpu.memory_space<hbm>>) dst(%arg12 : memref<16xi32, #tpu.memory_space<vmem>>)
      tpu.yield
    }) : () -> ()
    %dma_start3A_143 = arith.constant 0 : i32
    %dma_start3A_144 = arith.constant 0 : i32
    %dma_start3A_145 = tpu.memref_slice %arg5[%dma_start3A_143, %dma_start3A_144] : memref<1000000x128xf32, #tpu.memory_space<hbm>> -> memref<1000000x128xf32, #tpu.memory_space<hbm>>
    tpu.enqueue_indirect_dma source(%dma_start3A_145 : memref<1000000x128xf32, #tpu.memory_space<hbm>>) target(%arg13 : memref<16x128xf32, #tpu.memory_space<vmem>>) offsets(%arg11 : memref<16xi32, #tpu.memory_space<vmem>>) semaphore(%arg24 : memref<!tpu.dma_semaphore, #tpu.memory_space<semaphore_mem>>)
    %dma_start3A_146 = arith.constant 0 : i32
    %dma_start3A_147 = arith.constant 0 : i32
    %dma_start3A_148 = tpu.memref_slice %arg5[%dma_start3A_146, %dma_start3A_147] : memref<1000000x128xf32, #tpu.memory_space<hbm>> -> memref<1000000x128xf32, #tpu.memory_space<hbm>>
    tpu.enqueue_indirect_dma source(%dma_start3A_148 : memref<1000000x128xf32, #tpu.memory_space<hbm>>) target(%arg14 : memref<16x128xf32, #tpu.memory_space<vmem>>) offsets(%arg12 : memref<16xi32, #tpu.memory_space<vmem>>) semaphore(%arg24 : memref<!tpu.dma_semaphore, #tpu.memory_space<semaphore_mem>>)
    %dma_wait3A_149 = arith.constant 0 : i32
    %dma_wait3A_150 = arith.constant 0 : i32
    %dma_wait3A_151 = tpu.memref_slice %arg5[%dma_wait3A_149, %dma_wait3A_150] : memref<1000000x128xf32, #tpu.memory_space<hbm>> -> memref<1000000x128xf32, #tpu.memory_space<hbm>>
    tpu.wait_indirect_dma semaphore(%arg24 : memref<!tpu.dma_semaphore, #tpu.memory_space<semaphore_mem>>) src(%dma_wait3A_151 : memref<1000000x128xf32, #tpu.memory_space<hbm>>) dst(%arg13 : memref<16x128xf32, #tpu.memory_space<vmem>>)
    %dma_wait3A_152 = arith.constant 0 : i32
    %dma_wait3A_153 = arith.constant 0 : i32
    %dma_wait3A_154 = tpu.memref_slice %arg5[%dma_wait3A_152, %dma_wait3A_153] : memref<1000000x128xf32, #tpu.memory_space<hbm>> -> memref<1000000x128xf32, #tpu.memory_space<hbm>>
    tpu.wait_indirect_dma semaphore(%arg24 : memref<!tpu.dma_semaphore, #tpu.memory_space<semaphore_mem>>) src(%dma_wait3A_154 : memref<1000000x128xf32, #tpu.memory_space<hbm>>) dst(%arg14 : memref<16x128xf32, #tpu.memory_space<vmem>>)
    "tpu.region"() ({
      %run_scoped3A = tpu.sem_alloc : memref<!tpu.dma_semaphore, #tpu.memory_space<semaphore_mem>>
      %dma_start3A_576 = arith.constant 0 : i32
      %dma_start3A_577 = tpu.memref_slice %arg8[%add3A_142, %dma_start3A_576] : memref<16384x128xf32, #tpu.memory_space<hbm>> -> memref<16x128xf32, #tpu.memory_space<hbm>>
      %dma_start3A_578 = arith.constant 0 : i32
      %dma_start3A_579 = tpu.memref_slice %arg8[%add3A_142, %dma_start3A_578] : memref<16384x128xf32, #tpu.memory_space<hbm>> -> memref<16x128xf32, #tpu.memory_space<hbm>>
      tpu.enqueue_dma source(%arg13 : memref<16x128xf32, #tpu.memory_space<vmem>>) target(%dma_start3A_579 : memref<16x128xf32, #tpu.memory_space<hbm>>) target_semaphore(%run_scoped3A : memref<!tpu.dma_semaphore, #tpu.memory_space<semaphore_mem>>)
      %dma_wait3A_580 = arith.constant 0 : i32
      %dma_wait3A_581 = tpu.memref_slice %arg8[%add3A_142, %dma_wait3A_580] : memref<16384x128xf32, #tpu.memory_space<hbm>> -> memref<16x128xf32, #tpu.memory_space<hbm>>
      %dma_wait3A_582 = arith.constant 0 : i32
      %dma_wait3A_583 = tpu.memref_slice %arg8[%add3A_142, %dma_wait3A_582] : memref<16384x128xf32, #tpu.memory_space<hbm>> -> memref<16x128xf32, #tpu.memory_space<hbm>>
      tpu.wait_dma2 semaphore(%run_scoped3A : memref<!tpu.dma_semaphore, #tpu.memory_space<semaphore_mem>>) src(%arg13 : memref<16x128xf32, #tpu.memory_space<vmem>>) dst(%dma_wait3A_583 : memref<16x128xf32, #tpu.memory_space<hbm>>)
      tpu.yield
    }) : () -> ()
    "tpu.region"() ({
      %run_scoped3A = tpu.sem_alloc : memref<!tpu.dma_semaphore, #tpu.memory_space<semaphore_mem>>
      %dma_start3A_576 = arith.constant 0 : i32
      %dma_start3A_577 = tpu.memref_slice %arg9[%add3A_142, %dma_start3A_576] : memref<16384x128xf32, #tpu.memory_space<hbm>> -> memref<16x128xf32, #tpu.memory_space<hbm>>
      %dma_start3A_578 = arith.constant 0 : i32
      %dma_start3A_579 = tpu.memref_slice %arg9[%add3A_142, %dma_start3A_578] : memref<16384x128xf32, #tpu.memory_space<hbm>> -> memref<16x128xf32, #tpu.memory_space<hbm>>
      tpu.enqueue_dma source(%arg14 : memref<16x128xf32, #tpu.memory_space<vmem>>) target(%dma_start3A_579 : memref<16x128xf32, #tpu.memory_space<hbm>>) target_semaphore(%run_scoped3A : memref<!tpu.dma_semaphore, #tpu.memory_space<semaphore_mem>>)
      %dma_wait3A_580 = arith.constant 0 : i32
      %dma_wait3A_581 = tpu.memref_slice %arg9[%add3A_142, %dma_wait3A_580] : memref<16384x128xf32, #tpu.memory_space<hbm>> -> memref<16x128xf32, #tpu.memory_space<hbm>>
      %dma_wait3A_582 = arith.constant 0 : i32
      %dma_wait3A_583 = tpu.memref_slice %arg9[%add3A_142, %dma_wait3A_582] : memref<16384x128xf32, #tpu.memory_space<hbm>> -> memref<16x128xf32, #tpu.memory_space<hbm>>
      tpu.wait_dma2 semaphore(%run_scoped3A : memref<!tpu.dma_semaphore, #tpu.memory_space<semaphore_mem>>) src(%arg14 : memref<16x128xf32, #tpu.memory_space<vmem>>) dst(%dma_wait3A_583 : memref<16x128xf32, #tpu.memory_space<hbm>>)
      tpu.yield
    }) : () -> ()
    %add3A_155 = arith.constant 176 : i32
    %add3A_156 = arith.addi %mul3A_2, %add3A_155 : i32
    "tpu.region"() ({
      %run_scoped3A = tpu.sem_alloc : memref<!tpu.dma_semaphore, #tpu.memory_space<semaphore_mem>>
      %dma_start3A_576 = tpu.memref_slice %arg2[%add3A_156] : memref<16384xi32, #tpu.memory_space<hbm>> -> memref<16xi32, #tpu.memory_space<hbm>>
      %dma_start3A_577 = tpu.memref_slice %arg2[%add3A_156] : memref<16384xi32, #tpu.memory_space<hbm>> -> memref<16xi32, #tpu.memory_space<hbm>>
      tpu.enqueue_dma source(%dma_start3A_577 : memref<16xi32, #tpu.memory_space<hbm>>) target(%arg11 : memref<16xi32, #tpu.memory_space<vmem>>) target_semaphore(%run_scoped3A : memref<!tpu.dma_semaphore, #tpu.memory_space<semaphore_mem>>)
      %dma_wait3A_578 = tpu.memref_slice %arg2[%add3A_156] : memref<16384xi32, #tpu.memory_space<hbm>> -> memref<16xi32, #tpu.memory_space<hbm>>
      %dma_wait3A_579 = tpu.memref_slice %arg2[%add3A_156] : memref<16384xi32, #tpu.memory_space<hbm>> -> memref<16xi32, #tpu.memory_space<hbm>>
      tpu.wait_dma2 semaphore(%run_scoped3A : memref<!tpu.dma_semaphore, #tpu.memory_space<semaphore_mem>>) src(%dma_wait3A_579 : memref<16xi32, #tpu.memory_space<hbm>>) dst(%arg11 : memref<16xi32, #tpu.memory_space<vmem>>)
      tpu.yield
    }) : () -> ()
    "tpu.region"() ({
      %run_scoped3A = tpu.sem_alloc : memref<!tpu.dma_semaphore, #tpu.memory_space<semaphore_mem>>
      %dma_start3A_576 = tpu.memref_slice %arg4[%add3A_156] : memref<16384xi32, #tpu.memory_space<hbm>> -> memref<16xi32, #tpu.memory_space<hbm>>
      %dma_start3A_577 = tpu.memref_slice %arg4[%add3A_156] : memref<16384xi32, #tpu.memory_space<hbm>> -> memref<16xi32, #tpu.memory_space<hbm>>
      tpu.enqueue_dma source(%dma_start3A_577 : memref<16xi32, #tpu.memory_space<hbm>>) target(%arg12 : memref<16xi32, #tpu.memory_space<vmem>>) target_semaphore(%run_scoped3A : memref<!tpu.dma_semaphore, #tpu.memory_space<semaphore_mem>>)
      %dma_wait3A_578 = tpu.memref_slice %arg4[%add3A_156] : memref<16384xi32, #tpu.memory_space<hbm>> -> memref<16xi32, #tpu.memory_space<hbm>>
      %dma_wait3A_579 = tpu.memref_slice %arg4[%add3A_156] : memref<16384xi32, #tpu.memory_space<hbm>> -> memref<16xi32, #tpu.memory_space<hbm>>
      tpu.wait_dma2 semaphore(%run_scoped3A : memref<!tpu.dma_semaphore, #tpu.memory_space<semaphore_mem>>) src(%dma_wait3A_579 : memref<16xi32, #tpu.memory_space<hbm>>) dst(%arg12 : memref<16xi32, #tpu.memory_space<vmem>>)
      tpu.yield
    }) : () -> ()
    %dma_start3A_157 = arith.constant 0 : i32
    %dma_start3A_158 = arith.constant 0 : i32
    %dma_start3A_159 = tpu.memref_slice %arg5[%dma_start3A_157, %dma_start3A_158] : memref<1000000x128xf32, #tpu.memory_space<hbm>> -> memref<1000000x128xf32, #tpu.memory_space<hbm>>
    tpu.enqueue_indirect_dma source(%dma_start3A_159 : memref<1000000x128xf32, #tpu.memory_space<hbm>>) target(%arg13 : memref<16x128xf32, #tpu.memory_space<vmem>>) offsets(%arg11 : memref<16xi32, #tpu.memory_space<vmem>>) semaphore(%arg24 : memref<!tpu.dma_semaphore, #tpu.memory_space<semaphore_mem>>)
    %dma_start3A_160 = arith.constant 0 : i32
    %dma_start3A_161 = arith.constant 0 : i32
    %dma_start3A_162 = tpu.memref_slice %arg5[%dma_start3A_160, %dma_start3A_161] : memref<1000000x128xf32, #tpu.memory_space<hbm>> -> memref<1000000x128xf32, #tpu.memory_space<hbm>>
    tpu.enqueue_indirect_dma source(%dma_start3A_162 : memref<1000000x128xf32, #tpu.memory_space<hbm>>) target(%arg14 : memref<16x128xf32, #tpu.memory_space<vmem>>) offsets(%arg12 : memref<16xi32, #tpu.memory_space<vmem>>) semaphore(%arg24 : memref<!tpu.dma_semaphore, #tpu.memory_space<semaphore_mem>>)
    %dma_wait3A_163 = arith.constant 0 : i32
    %dma_wait3A_164 = arith.constant 0 : i32
    %dma_wait3A_165 = tpu.memref_slice %arg5[%dma_wait3A_163, %dma_wait3A_164] : memref<1000000x128xf32, #tpu.memory_space<hbm>> -> memref<1000000x128xf32, #tpu.memory_space<hbm>>
    tpu.wait_indirect_dma semaphore(%arg24 : memref<!tpu.dma_semaphore, #tpu.memory_space<semaphore_mem>>) src(%dma_wait3A_165 : memref<1000000x128xf32, #tpu.memory_space<hbm>>) dst(%arg13 : memref<16x128xf32, #tpu.memory_space<vmem>>)
    %dma_wait3A_166 = arith.constant 0 : i32
    %dma_wait3A_167 = arith.constant 0 : i32
    %dma_wait3A_168 = tpu.memref_slice %arg5[%dma_wait3A_166, %dma_wait3A_167] : memref<1000000x128xf32, #tpu.memory_space<hbm>> -> memref<1000000x128xf32, #tpu.memory_space<hbm>>
    tpu.wait_indirect_dma semaphore(%arg24 : memref<!tpu.dma_semaphore, #tpu.memory_space<semaphore_mem>>) src(%dma_wait3A_168 : memref<1000000x128xf32, #tpu.memory_space<hbm>>) dst(%arg14 : memref<16x128xf32, #tpu.memory_space<vmem>>)
    "tpu.region"() ({
      %run_scoped3A = tpu.sem_alloc : memref<!tpu.dma_semaphore, #tpu.memory_space<semaphore_mem>>
      %dma_start3A_576 = arith.constant 0 : i32
      %dma_start3A_577 = tpu.memref_slice %arg8[%add3A_156, %dma_start3A_576] : memref<16384x128xf32, #tpu.memory_space<hbm>> -> memref<16x128xf32, #tpu.memory_space<hbm>>
      %dma_start3A_578 = arith.constant 0 : i32
      %dma_start3A_579 = tpu.memref_slice %arg8[%add3A_156, %dma_start3A_578] : memref<16384x128xf32, #tpu.memory_space<hbm>> -> memref<16x128xf32, #tpu.memory_space<hbm>>
      tpu.enqueue_dma source(%arg13 : memref<16x128xf32, #tpu.memory_space<vmem>>) target(%dma_start3A_579 : memref<16x128xf32, #tpu.memory_space<hbm>>) target_semaphore(%run_scoped3A : memref<!tpu.dma_semaphore, #tpu.memory_space<semaphore_mem>>)
      %dma_wait3A_580 = arith.constant 0 : i32
      %dma_wait3A_581 = tpu.memref_slice %arg8[%add3A_156, %dma_wait3A_580] : memref<16384x128xf32, #tpu.memory_space<hbm>> -> memref<16x128xf32, #tpu.memory_space<hbm>>
      %dma_wait3A_582 = arith.constant 0 : i32
      %dma_wait3A_583 = tpu.memref_slice %arg8[%add3A_156, %dma_wait3A_582] : memref<16384x128xf32, #tpu.memory_space<hbm>> -> memref<16x128xf32, #tpu.memory_space<hbm>>
      tpu.wait_dma2 semaphore(%run_scoped3A : memref<!tpu.dma_semaphore, #tpu.memory_space<semaphore_mem>>) src(%arg13 : memref<16x128xf32, #tpu.memory_space<vmem>>) dst(%dma_wait3A_583 : memref<16x128xf32, #tpu.memory_space<hbm>>)
      tpu.yield
    }) : () -> ()
    "tpu.region"() ({
      %run_scoped3A = tpu.sem_alloc : memref<!tpu.dma_semaphore, #tpu.memory_space<semaphore_mem>>
      %dma_start3A_576 = arith.constant 0 : i32
      %dma_start3A_577 = tpu.memref_slice %arg9[%add3A_156, %dma_start3A_576] : memref<16384x128xf32, #tpu.memory_space<hbm>> -> memref<16x128xf32, #tpu.memory_space<hbm>>
      %dma_start3A_578 = arith.constant 0 : i32
      %dma_start3A_579 = tpu.memref_slice %arg9[%add3A_156, %dma_start3A_578] : memref<16384x128xf32, #tpu.memory_space<hbm>> -> memref<16x128xf32, #tpu.memory_space<hbm>>
      tpu.enqueue_dma source(%arg14 : memref<16x128xf32, #tpu.memory_space<vmem>>) target(%dma_start3A_579 : memref<16x128xf32, #tpu.memory_space<hbm>>) target_semaphore(%run_scoped3A : memref<!tpu.dma_semaphore, #tpu.memory_space<semaphore_mem>>)
      %dma_wait3A_580 = arith.constant 0 : i32
      %dma_wait3A_581 = tpu.memref_slice %arg9[%add3A_156, %dma_wait3A_580] : memref<16384x128xf32, #tpu.memory_space<hbm>> -> memref<16x128xf32, #tpu.memory_space<hbm>>
      %dma_wait3A_582 = arith.constant 0 : i32
      %dma_wait3A_583 = tpu.memref_slice %arg9[%add3A_156, %dma_wait3A_582] : memref<16384x128xf32, #tpu.memory_space<hbm>> -> memref<16x128xf32, #tpu.memory_space<hbm>>
      tpu.wait_dma2 semaphore(%run_scoped3A : memref<!tpu.dma_semaphore, #tpu.memory_space<semaphore_mem>>) src(%arg14 : memref<16x128xf32, #tpu.memory_space<vmem>>) dst(%dma_wait3A_583 : memref<16x128xf32, #tpu.memory_space<hbm>>)
      tpu.yield
    }) : () -> ()
    %add3A_169 = arith.constant 192 : i32
    %add3A_170 = arith.addi %mul3A_2, %add3A_169 : i32
    "tpu.region"() ({
      %run_scoped3A = tpu.sem_alloc : memref<!tpu.dma_semaphore, #tpu.memory_space<semaphore_mem>>
      %dma_start3A_576 = tpu.memref_slice %arg2[%add3A_170] : memref<16384xi32, #tpu.memory_space<hbm>> -> memref<16xi32, #tpu.memory_space<hbm>>
      %dma_start3A_577 = tpu.memref_slice %arg2[%add3A_170] : memref<16384xi32, #tpu.memory_space<hbm>> -> memref<16xi32, #tpu.memory_space<hbm>>
      tpu.enqueue_dma source(%dma_start3A_577 : memref<16xi32, #tpu.memory_space<hbm>>) target(%arg11 : memref<16xi32, #tpu.memory_space<vmem>>) target_semaphore(%run_scoped3A : memref<!tpu.dma_semaphore, #tpu.memory_space<semaphore_mem>>)
      %dma_wait3A_578 = tpu.memref_slice %arg2[%add3A_170] : memref<16384xi32, #tpu.memory_space<hbm>> -> memref<16xi32, #tpu.memory_space<hbm>>
      %dma_wait3A_579 = tpu.memref_slice %arg2[%add3A_170] : memref<16384xi32, #tpu.memory_space<hbm>> -> memref<16xi32, #tpu.memory_space<hbm>>
      tpu.wait_dma2 semaphore(%run_scoped3A : memref<!tpu.dma_semaphore, #tpu.memory_space<semaphore_mem>>) src(%dma_wait3A_579 : memref<16xi32, #tpu.memory_space<hbm>>) dst(%arg11 : memref<16xi32, #tpu.memory_space<vmem>>)
      tpu.yield
    }) : () -> ()
    "tpu.region"() ({
      %run_scoped3A = tpu.sem_alloc : memref<!tpu.dma_semaphore, #tpu.memory_space<semaphore_mem>>
      %dma_start3A_576 = tpu.memref_slice %arg4[%add3A_170] : memref<16384xi32, #tpu.memory_space<hbm>> -> memref<16xi32, #tpu.memory_space<hbm>>
      %dma_start3A_577 = tpu.memref_slice %arg4[%add3A_170] : memref<16384xi32, #tpu.memory_space<hbm>> -> memref<16xi32, #tpu.memory_space<hbm>>
      tpu.enqueue_dma source(%dma_start3A_577 : memref<16xi32, #tpu.memory_space<hbm>>) target(%arg12 : memref<16xi32, #tpu.memory_space<vmem>>) target_semaphore(%run_scoped3A : memref<!tpu.dma_semaphore, #tpu.memory_space<semaphore_mem>>)
      %dma_wait3A_578 = tpu.memref_slice %arg4[%add3A_170] : memref<16384xi32, #tpu.memory_space<hbm>> -> memref<16xi32, #tpu.memory_space<hbm>>
      %dma_wait3A_579 = tpu.memref_slice %arg4[%add3A_170] : memref<16384xi32, #tpu.memory_space<hbm>> -> memref<16xi32, #tpu.memory_space<hbm>>
      tpu.wait_dma2 semaphore(%run_scoped3A : memref<!tpu.dma_semaphore, #tpu.memory_space<semaphore_mem>>) src(%dma_wait3A_579 : memref<16xi32, #tpu.memory_space<hbm>>) dst(%arg12 : memref<16xi32, #tpu.memory_space<vmem>>)
      tpu.yield
    }) : () -> ()
    %dma_start3A_171 = arith.constant 0 : i32
    %dma_start3A_172 = arith.constant 0 : i32
    %dma_start3A_173 = tpu.memref_slice %arg5[%dma_start3A_171, %dma_start3A_172] : memref<1000000x128xf32, #tpu.memory_space<hbm>> -> memref<1000000x128xf32, #tpu.memory_space<hbm>>
    tpu.enqueue_indirect_dma source(%dma_start3A_173 : memref<1000000x128xf32, #tpu.memory_space<hbm>>) target(%arg13 : memref<16x128xf32, #tpu.memory_space<vmem>>) offsets(%arg11 : memref<16xi32, #tpu.memory_space<vmem>>) semaphore(%arg24 : memref<!tpu.dma_semaphore, #tpu.memory_space<semaphore_mem>>)
    %dma_start3A_174 = arith.constant 0 : i32
    %dma_start3A_175 = arith.constant 0 : i32
    %dma_start3A_176 = tpu.memref_slice %arg5[%dma_start3A_174, %dma_start3A_175] : memref<1000000x128xf32, #tpu.memory_space<hbm>> -> memref<1000000x128xf32, #tpu.memory_space<hbm>>
    tpu.enqueue_indirect_dma source(%dma_start3A_176 : memref<1000000x128xf32, #tpu.memory_space<hbm>>) target(%arg14 : memref<16x128xf32, #tpu.memory_space<vmem>>) offsets(%arg12 : memref<16xi32, #tpu.memory_space<vmem>>) semaphore(%arg24 : memref<!tpu.dma_semaphore, #tpu.memory_space<semaphore_mem>>)
    %dma_wait3A_177 = arith.constant 0 : i32
    %dma_wait3A_178 = arith.constant 0 : i32
    %dma_wait3A_179 = tpu.memref_slice %arg5[%dma_wait3A_177, %dma_wait3A_178] : memref<1000000x128xf32, #tpu.memory_space<hbm>> -> memref<1000000x128xf32, #tpu.memory_space<hbm>>
    tpu.wait_indirect_dma semaphore(%arg24 : memref<!tpu.dma_semaphore, #tpu.memory_space<semaphore_mem>>) src(%dma_wait3A_179 : memref<1000000x128xf32, #tpu.memory_space<hbm>>) dst(%arg13 : memref<16x128xf32, #tpu.memory_space<vmem>>)
    %dma_wait3A_180 = arith.constant 0 : i32
    %dma_wait3A_181 = arith.constant 0 : i32
    %dma_wait3A_182 = tpu.memref_slice %arg5[%dma_wait3A_180, %dma_wait3A_181] : memref<1000000x128xf32, #tpu.memory_space<hbm>> -> memref<1000000x128xf32, #tpu.memory_space<hbm>>
    tpu.wait_indirect_dma semaphore(%arg24 : memref<!tpu.dma_semaphore, #tpu.memory_space<semaphore_mem>>) src(%dma_wait3A_182 : memref<1000000x128xf32, #tpu.memory_space<hbm>>) dst(%arg14 : memref<16x128xf32, #tpu.memory_space<vmem>>)
    "tpu.region"() ({
      %run_scoped3A = tpu.sem_alloc : memref<!tpu.dma_semaphore, #tpu.memory_space<semaphore_mem>>
      %dma_start3A_576 = arith.constant 0 : i32
      %dma_start3A_577 = tpu.memref_slice %arg8[%add3A_170, %dma_start3A_576] : memref<16384x128xf32, #tpu.memory_space<hbm>> -> memref<16x128xf32, #tpu.memory_space<hbm>>
      %dma_start3A_578 = arith.constant 0 : i32
      %dma_start3A_579 = tpu.memref_slice %arg8[%add3A_170, %dma_start3A_578] : memref<16384x128xf32, #tpu.memory_space<hbm>> -> memref<16x128xf32, #tpu.memory_space<hbm>>
      tpu.enqueue_dma source(%arg13 : memref<16x128xf32, #tpu.memory_space<vmem>>) target(%dma_start3A_579 : memref<16x128xf32, #tpu.memory_space<hbm>>) target_semaphore(%run_scoped3A : memref<!tpu.dma_semaphore, #tpu.memory_space<semaphore_mem>>)
      %dma_wait3A_580 = arith.constant 0 : i32
      %dma_wait3A_581 = tpu.memref_slice %arg8[%add3A_170, %dma_wait3A_580] : memref<16384x128xf32, #tpu.memory_space<hbm>> -> memref<16x128xf32, #tpu.memory_space<hbm>>
      %dma_wait3A_582 = arith.constant 0 : i32
      %dma_wait3A_583 = tpu.memref_slice %arg8[%add3A_170, %dma_wait3A_582] : memref<16384x128xf32, #tpu.memory_space<hbm>> -> memref<16x128xf32, #tpu.memory_space<hbm>>
      tpu.wait_dma2 semaphore(%run_scoped3A : memref<!tpu.dma_semaphore, #tpu.memory_space<semaphore_mem>>) src(%arg13 : memref<16x128xf32, #tpu.memory_space<vmem>>) dst(%dma_wait3A_583 : memref<16x128xf32, #tpu.memory_space<hbm>>)
      tpu.yield
    }) : () -> ()
    "tpu.region"() ({
      %run_scoped3A = tpu.sem_alloc : memref<!tpu.dma_semaphore, #tpu.memory_space<semaphore_mem>>
      %dma_start3A_576 = arith.constant 0 : i32
      %dma_start3A_577 = tpu.memref_slice %arg9[%add3A_170, %dma_start3A_576] : memref<16384x128xf32, #tpu.memory_space<hbm>> -> memref<16x128xf32, #tpu.memory_space<hbm>>
      %dma_start3A_578 = arith.constant 0 : i32
      %dma_start3A_579 = tpu.memref_slice %arg9[%add3A_170, %dma_start3A_578] : memref<16384x128xf32, #tpu.memory_space<hbm>> -> memref<16x128xf32, #tpu.memory_space<hbm>>
      tpu.enqueue_dma source(%arg14 : memref<16x128xf32, #tpu.memory_space<vmem>>) target(%dma_start3A_579 : memref<16x128xf32, #tpu.memory_space<hbm>>) target_semaphore(%run_scoped3A : memref<!tpu.dma_semaphore, #tpu.memory_space<semaphore_mem>>)
      %dma_wait3A_580 = arith.constant 0 : i32
      %dma_wait3A_581 = tpu.memref_slice %arg9[%add3A_170, %dma_wait3A_580] : memref<16384x128xf32, #tpu.memory_space<hbm>> -> memref<16x128xf32, #tpu.memory_space<hbm>>
      %dma_wait3A_582 = arith.constant 0 : i32
      %dma_wait3A_583 = tpu.memref_slice %arg9[%add3A_170, %dma_wait3A_582] : memref<16384x128xf32, #tpu.memory_space<hbm>> -> memref<16x128xf32, #tpu.memory_space<hbm>>
      tpu.wait_dma2 semaphore(%run_scoped3A : memref<!tpu.dma_semaphore, #tpu.memory_space<semaphore_mem>>) src(%arg14 : memref<16x128xf32, #tpu.memory_space<vmem>>) dst(%dma_wait3A_583 : memref<16x128xf32, #tpu.memory_space<hbm>>)
      tpu.yield
    }) : () -> ()
    %add3A_183 = arith.constant 208 : i32
    %add3A_184 = arith.addi %mul3A_2, %add3A_183 : i32
    "tpu.region"() ({
      %run_scoped3A = tpu.sem_alloc : memref<!tpu.dma_semaphore, #tpu.memory_space<semaphore_mem>>
      %dma_start3A_576 = tpu.memref_slice %arg2[%add3A_184] : memref<16384xi32, #tpu.memory_space<hbm>> -> memref<16xi32, #tpu.memory_space<hbm>>
      %dma_start3A_577 = tpu.memref_slice %arg2[%add3A_184] : memref<16384xi32, #tpu.memory_space<hbm>> -> memref<16xi32, #tpu.memory_space<hbm>>
      tpu.enqueue_dma source(%dma_start3A_577 : memref<16xi32, #tpu.memory_space<hbm>>) target(%arg11 : memref<16xi32, #tpu.memory_space<vmem>>) target_semaphore(%run_scoped3A : memref<!tpu.dma_semaphore, #tpu.memory_space<semaphore_mem>>)
      %dma_wait3A_578 = tpu.memref_slice %arg2[%add3A_184] : memref<16384xi32, #tpu.memory_space<hbm>> -> memref<16xi32, #tpu.memory_space<hbm>>
      %dma_wait3A_579 = tpu.memref_slice %arg2[%add3A_184] : memref<16384xi32, #tpu.memory_space<hbm>> -> memref<16xi32, #tpu.memory_space<hbm>>
      tpu.wait_dma2 semaphore(%run_scoped3A : memref<!tpu.dma_semaphore, #tpu.memory_space<semaphore_mem>>) src(%dma_wait3A_579 : memref<16xi32, #tpu.memory_space<hbm>>) dst(%arg11 : memref<16xi32, #tpu.memory_space<vmem>>)
      tpu.yield
    }) : () -> ()
    "tpu.region"() ({
      %run_scoped3A = tpu.sem_alloc : memref<!tpu.dma_semaphore, #tpu.memory_space<semaphore_mem>>
      %dma_start3A_576 = tpu.memref_slice %arg4[%add3A_184] : memref<16384xi32, #tpu.memory_space<hbm>> -> memref<16xi32, #tpu.memory_space<hbm>>
      %dma_start3A_577 = tpu.memref_slice %arg4[%add3A_184] : memref<16384xi32, #tpu.memory_space<hbm>> -> memref<16xi32, #tpu.memory_space<hbm>>
      tpu.enqueue_dma source(%dma_start3A_577 : memref<16xi32, #tpu.memory_space<hbm>>) target(%arg12 : memref<16xi32, #tpu.memory_space<vmem>>) target_semaphore(%run_scoped3A : memref<!tpu.dma_semaphore, #tpu.memory_space<semaphore_mem>>)
      %dma_wait3A_578 = tpu.memref_slice %arg4[%add3A_184] : memref<16384xi32, #tpu.memory_space<hbm>> -> memref<16xi32, #tpu.memory_space<hbm>>
      %dma_wait3A_579 = tpu.memref_slice %arg4[%add3A_184] : memref<16384xi32, #tpu.memory_space<hbm>> -> memref<16xi32, #tpu.memory_space<hbm>>
      tpu.wait_dma2 semaphore(%run_scoped3A : memref<!tpu.dma_semaphore, #tpu.memory_space<semaphore_mem>>) src(%dma_wait3A_579 : memref<16xi32, #tpu.memory_space<hbm>>) dst(%arg12 : memref<16xi32, #tpu.memory_space<vmem>>)
      tpu.yield
    }) : () -> ()
    %dma_start3A_185 = arith.constant 0 : i32
    %dma_start3A_186 = arith.constant 0 : i32
    %dma_start3A_187 = tpu.memref_slice %arg5[%dma_start3A_185, %dma_start3A_186] : memref<1000000x128xf32, #tpu.memory_space<hbm>> -> memref<1000000x128xf32, #tpu.memory_space<hbm>>
    tpu.enqueue_indirect_dma source(%dma_start3A_187 : memref<1000000x128xf32, #tpu.memory_space<hbm>>) target(%arg13 : memref<16x128xf32, #tpu.memory_space<vmem>>) offsets(%arg11 : memref<16xi32, #tpu.memory_space<vmem>>) semaphore(%arg24 : memref<!tpu.dma_semaphore, #tpu.memory_space<semaphore_mem>>)
    %dma_start3A_188 = arith.constant 0 : i32
    %dma_start3A_189 = arith.constant 0 : i32
    %dma_start3A_190 = tpu.memref_slice %arg5[%dma_start3A_188, %dma_start3A_189] : memref<1000000x128xf32, #tpu.memory_space<hbm>> -> memref<1000000x128xf32, #tpu.memory_space<hbm>>
    tpu.enqueue_indirect_dma source(%dma_start3A_190 : memref<1000000x128xf32, #tpu.memory_space<hbm>>) target(%arg14 : memref<16x128xf32, #tpu.memory_space<vmem>>) offsets(%arg12 : memref<16xi32, #tpu.memory_space<vmem>>) semaphore(%arg24 : memref<!tpu.dma_semaphore, #tpu.memory_space<semaphore_mem>>)
    %dma_wait3A_191 = arith.constant 0 : i32
    %dma_wait3A_192 = arith.constant 0 : i32
    %dma_wait3A_193 = tpu.memref_slice %arg5[%dma_wait3A_191, %dma_wait3A_192] : memref<1000000x128xf32, #tpu.memory_space<hbm>> -> memref<1000000x128xf32, #tpu.memory_space<hbm>>
    tpu.wait_indirect_dma semaphore(%arg24 : memref<!tpu.dma_semaphore, #tpu.memory_space<semaphore_mem>>) src(%dma_wait3A_193 : memref<1000000x128xf32, #tpu.memory_space<hbm>>) dst(%arg13 : memref<16x128xf32, #tpu.memory_space<vmem>>)
    %dma_wait3A_194 = arith.constant 0 : i32
    %dma_wait3A_195 = arith.constant 0 : i32
    %dma_wait3A_196 = tpu.memref_slice %arg5[%dma_wait3A_194, %dma_wait3A_195] : memref<1000000x128xf32, #tpu.memory_space<hbm>> -> memref<1000000x128xf32, #tpu.memory_space<hbm>>
    tpu.wait_indirect_dma semaphore(%arg24 : memref<!tpu.dma_semaphore, #tpu.memory_space<semaphore_mem>>) src(%dma_wait3A_196 : memref<1000000x128xf32, #tpu.memory_space<hbm>>) dst(%arg14 : memref<16x128xf32, #tpu.memory_space<vmem>>)
    "tpu.region"() ({
      %run_scoped3A = tpu.sem_alloc : memref<!tpu.dma_semaphore, #tpu.memory_space<semaphore_mem>>
      %dma_start3A_576 = arith.constant 0 : i32
      %dma_start3A_577 = tpu.memref_slice %arg8[%add3A_184, %dma_start3A_576] : memref<16384x128xf32, #tpu.memory_space<hbm>> -> memref<16x128xf32, #tpu.memory_space<hbm>>
      %dma_start3A_578 = arith.constant 0 : i32
      %dma_start3A_579 = tpu.memref_slice %arg8[%add3A_184, %dma_start3A_578] : memref<16384x128xf32, #tpu.memory_space<hbm>> -> memref<16x128xf32, #tpu.memory_space<hbm>>
      tpu.enqueue_dma source(%arg13 : memref<16x128xf32, #tpu.memory_space<vmem>>) target(%dma_start3A_579 : memref<16x128xf32, #tpu.memory_space<hbm>>) target_semaphore(%run_scoped3A : memref<!tpu.dma_semaphore, #tpu.memory_space<semaphore_mem>>)
      %dma_wait3A_580 = arith.constant 0 : i32
      %dma_wait3A_581 = tpu.memref_slice %arg8[%add3A_184, %dma_wait3A_580] : memref<16384x128xf32, #tpu.memory_space<hbm>> -> memref<16x128xf32, #tpu.memory_space<hbm>>
      %dma_wait3A_582 = arith.constant 0 : i32
      %dma_wait3A_583 = tpu.memref_slice %arg8[%add3A_184, %dma_wait3A_582] : memref<16384x128xf32, #tpu.memory_space<hbm>> -> memref<16x128xf32, #tpu.memory_space<hbm>>
      tpu.wait_dma2 semaphore(%run_scoped3A : memref<!tpu.dma_semaphore, #tpu.memory_space<semaphore_mem>>) src(%arg13 : memref<16x128xf32, #tpu.memory_space<vmem>>) dst(%dma_wait3A_583 : memref<16x128xf32, #tpu.memory_space<hbm>>)
      tpu.yield
    }) : () -> ()
    "tpu.region"() ({
      %run_scoped3A = tpu.sem_alloc : memref<!tpu.dma_semaphore, #tpu.memory_space<semaphore_mem>>
      %dma_start3A_576 = arith.constant 0 : i32
      %dma_start3A_577 = tpu.memref_slice %arg9[%add3A_184, %dma_start3A_576] : memref<16384x128xf32, #tpu.memory_space<hbm>> -> memref<16x128xf32, #tpu.memory_space<hbm>>
      %dma_start3A_578 = arith.constant 0 : i32
      %dma_start3A_579 = tpu.memref_slice %arg9[%add3A_184, %dma_start3A_578] : memref<16384x128xf32, #tpu.memory_space<hbm>> -> memref<16x128xf32, #tpu.memory_space<hbm>>
      tpu.enqueue_dma source(%arg14 : memref<16x128xf32, #tpu.memory_space<vmem>>) target(%dma_start3A_579 : memref<16x128xf32, #tpu.memory_space<hbm>>) target_semaphore(%run_scoped3A : memref<!tpu.dma_semaphore, #tpu.memory_space<semaphore_mem>>)
      %dma_wait3A_580 = arith.constant 0 : i32
      %dma_wait3A_581 = tpu.memref_slice %arg9[%add3A_184, %dma_wait3A_580] : memref<16384x128xf32, #tpu.memory_space<hbm>> -> memref<16x128xf32, #tpu.memory_space<hbm>>
      %dma_wait3A_582 = arith.constant 0 : i32
      %dma_wait3A_583 = tpu.memref_slice %arg9[%add3A_184, %dma_wait3A_582] : memref<16384x128xf32, #tpu.memory_space<hbm>> -> memref<16x128xf32, #tpu.memory_space<hbm>>
      tpu.wait_dma2 semaphore(%run_scoped3A : memref<!tpu.dma_semaphore, #tpu.memory_space<semaphore_mem>>) src(%arg14 : memref<16x128xf32, #tpu.memory_space<vmem>>) dst(%dma_wait3A_583 : memref<16x128xf32, #tpu.memory_space<hbm>>)
      tpu.yield
    }) : () -> ()
    %add3A_197 = arith.constant 224 : i32
    %add3A_198 = arith.addi %mul3A_2, %add3A_197 : i32
    "tpu.region"() ({
      %run_scoped3A = tpu.sem_alloc : memref<!tpu.dma_semaphore, #tpu.memory_space<semaphore_mem>>
      %dma_start3A_576 = tpu.memref_slice %arg2[%add3A_198] : memref<16384xi32, #tpu.memory_space<hbm>> -> memref<16xi32, #tpu.memory_space<hbm>>
      %dma_start3A_577 = tpu.memref_slice %arg2[%add3A_198] : memref<16384xi32, #tpu.memory_space<hbm>> -> memref<16xi32, #tpu.memory_space<hbm>>
      tpu.enqueue_dma source(%dma_start3A_577 : memref<16xi32, #tpu.memory_space<hbm>>) target(%arg11 : memref<16xi32, #tpu.memory_space<vmem>>) target_semaphore(%run_scoped3A : memref<!tpu.dma_semaphore, #tpu.memory_space<semaphore_mem>>)
      %dma_wait3A_578 = tpu.memref_slice %arg2[%add3A_198] : memref<16384xi32, #tpu.memory_space<hbm>> -> memref<16xi32, #tpu.memory_space<hbm>>
      %dma_wait3A_579 = tpu.memref_slice %arg2[%add3A_198] : memref<16384xi32, #tpu.memory_space<hbm>> -> memref<16xi32, #tpu.memory_space<hbm>>
      tpu.wait_dma2 semaphore(%run_scoped3A : memref<!tpu.dma_semaphore, #tpu.memory_space<semaphore_mem>>) src(%dma_wait3A_579 : memref<16xi32, #tpu.memory_space<hbm>>) dst(%arg11 : memref<16xi32, #tpu.memory_space<vmem>>)
      tpu.yield
    }) : () -> ()
    "tpu.region"() ({
      %run_scoped3A = tpu.sem_alloc : memref<!tpu.dma_semaphore, #tpu.memory_space<semaphore_mem>>
      %dma_start3A_576 = tpu.memref_slice %arg4[%add3A_198] : memref<16384xi32, #tpu.memory_space<hbm>> -> memref<16xi32, #tpu.memory_space<hbm>>
      %dma_start3A_577 = tpu.memref_slice %arg4[%add3A_198] : memref<16384xi32, #tpu.memory_space<hbm>> -> memref<16xi32, #tpu.memory_space<hbm>>
      tpu.enqueue_dma source(%dma_start3A_577 : memref<16xi32, #tpu.memory_space<hbm>>) target(%arg12 : memref<16xi32, #tpu.memory_space<vmem>>) target_semaphore(%run_scoped3A : memref<!tpu.dma_semaphore, #tpu.memory_space<semaphore_mem>>)
      %dma_wait3A_578 = tpu.memref_slice %arg4[%add3A_198] : memref<16384xi32, #tpu.memory_space<hbm>> -> memref<16xi32, #tpu.memory_space<hbm>>
      %dma_wait3A_579 = tpu.memref_slice %arg4[%add3A_198] : memref<16384xi32, #tpu.memory_space<hbm>> -> memref<16xi32, #tpu.memory_space<hbm>>
      tpu.wait_dma2 semaphore(%run_scoped3A : memref<!tpu.dma_semaphore, #tpu.memory_space<semaphore_mem>>) src(%dma_wait3A_579 : memref<16xi32, #tpu.memory_space<hbm>>) dst(%arg12 : memref<16xi32, #tpu.memory_space<vmem>>)
      tpu.yield
    }) : () -> ()
    %dma_start3A_199 = arith.constant 0 : i32
    %dma_start3A_200 = arith.constant 0 : i32
    %dma_start3A_201 = tpu.memref_slice %arg5[%dma_start3A_199, %dma_start3A_200] : memref<1000000x128xf32, #tpu.memory_space<hbm>> -> memref<1000000x128xf32, #tpu.memory_space<hbm>>
    tpu.enqueue_indirect_dma source(%dma_start3A_201 : memref<1000000x128xf32, #tpu.memory_space<hbm>>) target(%arg13 : memref<16x128xf32, #tpu.memory_space<vmem>>) offsets(%arg11 : memref<16xi32, #tpu.memory_space<vmem>>) semaphore(%arg24 : memref<!tpu.dma_semaphore, #tpu.memory_space<semaphore_mem>>)
    %dma_start3A_202 = arith.constant 0 : i32
    %dma_start3A_203 = arith.constant 0 : i32
    %dma_start3A_204 = tpu.memref_slice %arg5[%dma_start3A_202, %dma_start3A_203] : memref<1000000x128xf32, #tpu.memory_space<hbm>> -> memref<1000000x128xf32, #tpu.memory_space<hbm>>
    tpu.enqueue_indirect_dma source(%dma_start3A_204 : memref<1000000x128xf32, #tpu.memory_space<hbm>>) target(%arg14 : memref<16x128xf32, #tpu.memory_space<vmem>>) offsets(%arg12 : memref<16xi32, #tpu.memory_space<vmem>>) semaphore(%arg24 : memref<!tpu.dma_semaphore, #tpu.memory_space<semaphore_mem>>)
    %dma_wait3A_205 = arith.constant 0 : i32
    %dma_wait3A_206 = arith.constant 0 : i32
    %dma_wait3A_207 = tpu.memref_slice %arg5[%dma_wait3A_205, %dma_wait3A_206] : memref<1000000x128xf32, #tpu.memory_space<hbm>> -> memref<1000000x128xf32, #tpu.memory_space<hbm>>
    tpu.wait_indirect_dma semaphore(%arg24 : memref<!tpu.dma_semaphore, #tpu.memory_space<semaphore_mem>>) src(%dma_wait3A_207 : memref<1000000x128xf32, #tpu.memory_space<hbm>>) dst(%arg13 : memref<16x128xf32, #tpu.memory_space<vmem>>)
    %dma_wait3A_208 = arith.constant 0 : i32
    %dma_wait3A_209 = arith.constant 0 : i32
    %dma_wait3A_210 = tpu.memref_slice %arg5[%dma_wait3A_208, %dma_wait3A_209] : memref<1000000x128xf32, #tpu.memory_space<hbm>> -> memref<1000000x128xf32, #tpu.memory_space<hbm>>
    tpu.wait_indirect_dma semaphore(%arg24 : memref<!tpu.dma_semaphore, #tpu.memory_space<semaphore_mem>>) src(%dma_wait3A_210 : memref<1000000x128xf32, #tpu.memory_space<hbm>>) dst(%arg14 : memref<16x128xf32, #tpu.memory_space<vmem>>)
    "tpu.region"() ({
      %run_scoped3A = tpu.sem_alloc : memref<!tpu.dma_semaphore, #tpu.memory_space<semaphore_mem>>
      %dma_start3A_576 = arith.constant 0 : i32
      %dma_start3A_577 = tpu.memref_slice %arg8[%add3A_198, %dma_start3A_576] : memref<16384x128xf32, #tpu.memory_space<hbm>> -> memref<16x128xf32, #tpu.memory_space<hbm>>
      %dma_start3A_578 = arith.constant 0 : i32
      %dma_start3A_579 = tpu.memref_slice %arg8[%add3A_198, %dma_start3A_578] : memref<16384x128xf32, #tpu.memory_space<hbm>> -> memref<16x128xf32, #tpu.memory_space<hbm>>
      tpu.enqueue_dma source(%arg13 : memref<16x128xf32, #tpu.memory_space<vmem>>) target(%dma_start3A_579 : memref<16x128xf32, #tpu.memory_space<hbm>>) target_semaphore(%run_scoped3A : memref<!tpu.dma_semaphore, #tpu.memory_space<semaphore_mem>>)
      %dma_wait3A_580 = arith.constant 0 : i32
      %dma_wait3A_581 = tpu.memref_slice %arg8[%add3A_198, %dma_wait3A_580] : memref<16384x128xf32, #tpu.memory_space<hbm>> -> memref<16x128xf32, #tpu.memory_space<hbm>>
      %dma_wait3A_582 = arith.constant 0 : i32
      %dma_wait3A_583 = tpu.memref_slice %arg8[%add3A_198, %dma_wait3A_582] : memref<16384x128xf32, #tpu.memory_space<hbm>> -> memref<16x128xf32, #tpu.memory_space<hbm>>
      tpu.wait_dma2 semaphore(%run_scoped3A : memref<!tpu.dma_semaphore, #tpu.memory_space<semaphore_mem>>) src(%arg13 : memref<16x128xf32, #tpu.memory_space<vmem>>) dst(%dma_wait3A_583 : memref<16x128xf32, #tpu.memory_space<hbm>>)
      tpu.yield
    }) : () -> ()
    "tpu.region"() ({
      %run_scoped3A = tpu.sem_alloc : memref<!tpu.dma_semaphore, #tpu.memory_space<semaphore_mem>>
      %dma_start3A_576 = arith.constant 0 : i32
      %dma_start3A_577 = tpu.memref_slice %arg9[%add3A_198, %dma_start3A_576] : memref<16384x128xf32, #tpu.memory_space<hbm>> -> memref<16x128xf32, #tpu.memory_space<hbm>>
      %dma_start3A_578 = arith.constant 0 : i32
      %dma_start3A_579 = tpu.memref_slice %arg9[%add3A_198, %dma_start3A_578] : memref<16384x128xf32, #tpu.memory_space<hbm>> -> memref<16x128xf32, #tpu.memory_space<hbm>>
      tpu.enqueue_dma source(%arg14 : memref<16x128xf32, #tpu.memory_space<vmem>>) target(%dma_start3A_579 : memref<16x128xf32, #tpu.memory_space<hbm>>) target_semaphore(%run_scoped3A : memref<!tpu.dma_semaphore, #tpu.memory_space<semaphore_mem>>)
      %dma_wait3A_580 = arith.constant 0 : i32
      %dma_wait3A_581 = tpu.memref_slice %arg9[%add3A_198, %dma_wait3A_580] : memref<16384x128xf32, #tpu.memory_space<hbm>> -> memref<16x128xf32, #tpu.memory_space<hbm>>
      %dma_wait3A_582 = arith.constant 0 : i32
      %dma_wait3A_583 = tpu.memref_slice %arg9[%add3A_198, %dma_wait3A_582] : memref<16384x128xf32, #tpu.memory_space<hbm>> -> memref<16x128xf32, #tpu.memory_space<hbm>>
      tpu.wait_dma2 semaphore(%run_scoped3A : memref<!tpu.dma_semaphore, #tpu.memory_space<semaphore_mem>>) src(%arg14 : memref<16x128xf32, #tpu.memory_space<vmem>>) dst(%dma_wait3A_583 : memref<16x128xf32, #tpu.memory_space<hbm>>)
      tpu.yield
    }) : () -> ()
    %add3A_211 = arith.constant 240 : i32
    %add3A_212 = arith.addi %mul3A_2, %add3A_211 : i32
    "tpu.region"() ({
      %run_scoped3A = tpu.sem_alloc : memref<!tpu.dma_semaphore, #tpu.memory_space<semaphore_mem>>
      %dma_start3A_576 = tpu.memref_slice %arg2[%add3A_212] : memref<16384xi32, #tpu.memory_space<hbm>> -> memref<16xi32, #tpu.memory_space<hbm>>
      %dma_start3A_577 = tpu.memref_slice %arg2[%add3A_212] : memref<16384xi32, #tpu.memory_space<hbm>> -> memref<16xi32, #tpu.memory_space<hbm>>
      tpu.enqueue_dma source(%dma_start3A_577 : memref<16xi32, #tpu.memory_space<hbm>>) target(%arg11 : memref<16xi32, #tpu.memory_space<vmem>>) target_semaphore(%run_scoped3A : memref<!tpu.dma_semaphore, #tpu.memory_space<semaphore_mem>>)
      %dma_wait3A_578 = tpu.memref_slice %arg2[%add3A_212] : memref<16384xi32, #tpu.memory_space<hbm>> -> memref<16xi32, #tpu.memory_space<hbm>>
      %dma_wait3A_579 = tpu.memref_slice %arg2[%add3A_212] : memref<16384xi32, #tpu.memory_space<hbm>> -> memref<16xi32, #tpu.memory_space<hbm>>
      tpu.wait_dma2 semaphore(%run_scoped3A : memref<!tpu.dma_semaphore, #tpu.memory_space<semaphore_mem>>) src(%dma_wait3A_579 : memref<16xi32, #tpu.memory_space<hbm>>) dst(%arg11 : memref<16xi32, #tpu.memory_space<vmem>>)
      tpu.yield
    }) : () -> ()
    "tpu.region"() ({
      %run_scoped3A = tpu.sem_alloc : memref<!tpu.dma_semaphore, #tpu.memory_space<semaphore_mem>>
      %dma_start3A_576 = tpu.memref_slice %arg4[%add3A_212] : memref<16384xi32, #tpu.memory_space<hbm>> -> memref<16xi32, #tpu.memory_space<hbm>>
      %dma_start3A_577 = tpu.memref_slice %arg4[%add3A_212] : memref<16384xi32, #tpu.memory_space<hbm>> -> memref<16xi32, #tpu.memory_space<hbm>>
      tpu.enqueue_dma source(%dma_start3A_577 : memref<16xi32, #tpu.memory_space<hbm>>) target(%arg12 : memref<16xi32, #tpu.memory_space<vmem>>) target_semaphore(%run_scoped3A : memref<!tpu.dma_semaphore, #tpu.memory_space<semaphore_mem>>)
      %dma_wait3A_578 = tpu.memref_slice %arg4[%add3A_212] : memref<16384xi32, #tpu.memory_space<hbm>> -> memref<16xi32, #tpu.memory_space<hbm>>
      %dma_wait3A_579 = tpu.memref_slice %arg4[%add3A_212] : memref<16384xi32, #tpu.memory_space<hbm>> -> memref<16xi32, #tpu.memory_space<hbm>>
      tpu.wait_dma2 semaphore(%run_scoped3A : memref<!tpu.dma_semaphore, #tpu.memory_space<semaphore_mem>>) src(%dma_wait3A_579 : memref<16xi32, #tpu.memory_space<hbm>>) dst(%arg12 : memref<16xi32, #tpu.memory_space<vmem>>)
      tpu.yield
    }) : () -> ()
    %dma_start3A_213 = arith.constant 0 : i32
    %dma_start3A_214 = arith.constant 0 : i32
    %dma_start3A_215 = tpu.memref_slice %arg5[%dma_start3A_213, %dma_start3A_214] : memref<1000000x128xf32, #tpu.memory_space<hbm>> -> memref<1000000x128xf32, #tpu.memory_space<hbm>>
    tpu.enqueue_indirect_dma source(%dma_start3A_215 : memref<1000000x128xf32, #tpu.memory_space<hbm>>) target(%arg13 : memref<16x128xf32, #tpu.memory_space<vmem>>) offsets(%arg11 : memref<16xi32, #tpu.memory_space<vmem>>) semaphore(%arg24 : memref<!tpu.dma_semaphore, #tpu.memory_space<semaphore_mem>>)
    %dma_start3A_216 = arith.constant 0 : i32
    %dma_start3A_217 = arith.constant 0 : i32
    %dma_start3A_218 = tpu.memref_slice %arg5[%dma_start3A_216, %dma_start3A_217] : memref<1000000x128xf32, #tpu.memory_space<hbm>> -> memref<1000000x128xf32, #tpu.memory_space<hbm>>
    tpu.enqueue_indirect_dma source(%dma_start3A_218 : memref<1000000x128xf32, #tpu.memory_space<hbm>>) target(%arg14 : memref<16x128xf32, #tpu.memory_space<vmem>>) offsets(%arg12 : memref<16xi32, #tpu.memory_space<vmem>>) semaphore(%arg24 : memref<!tpu.dma_semaphore, #tpu.memory_space<semaphore_mem>>)
    %dma_wait3A_219 = arith.constant 0 : i32
    %dma_wait3A_220 = arith.constant 0 : i32
    %dma_wait3A_221 = tpu.memref_slice %arg5[%dma_wait3A_219, %dma_wait3A_220] : memref<1000000x128xf32, #tpu.memory_space<hbm>> -> memref<1000000x128xf32, #tpu.memory_space<hbm>>
    tpu.wait_indirect_dma semaphore(%arg24 : memref<!tpu.dma_semaphore, #tpu.memory_space<semaphore_mem>>) src(%dma_wait3A_221 : memref<1000000x128xf32, #tpu.memory_space<hbm>>) dst(%arg13 : memref<16x128xf32, #tpu.memory_space<vmem>>)
    %dma_wait3A_222 = arith.constant 0 : i32
    %dma_wait3A_223 = arith.constant 0 : i32
    %dma_wait3A_224 = tpu.memref_slice %arg5[%dma_wait3A_222, %dma_wait3A_223] : memref<1000000x128xf32, #tpu.memory_space<hbm>> -> memref<1000000x128xf32, #tpu.memory_space<hbm>>
    tpu.wait_indirect_dma semaphore(%arg24 : memref<!tpu.dma_semaphore, #tpu.memory_space<semaphore_mem>>) src(%dma_wait3A_224 : memref<1000000x128xf32, #tpu.memory_space<hbm>>) dst(%arg14 : memref<16x128xf32, #tpu.memory_space<vmem>>)
    "tpu.region"() ({
      %run_scoped3A = tpu.sem_alloc : memref<!tpu.dma_semaphore, #tpu.memory_space<semaphore_mem>>
      %dma_start3A_576 = arith.constant 0 : i32
      %dma_start3A_577 = tpu.memref_slice %arg8[%add3A_212, %dma_start3A_576] : memref<16384x128xf32, #tpu.memory_space<hbm>> -> memref<16x128xf32, #tpu.memory_space<hbm>>
      %dma_start3A_578 = arith.constant 0 : i32
      %dma_start3A_579 = tpu.memref_slice %arg8[%add3A_212, %dma_start3A_578] : memref<16384x128xf32, #tpu.memory_space<hbm>> -> memref<16x128xf32, #tpu.memory_space<hbm>>
      tpu.enqueue_dma source(%arg13 : memref<16x128xf32, #tpu.memory_space<vmem>>) target(%dma_start3A_579 : memref<16x128xf32, #tpu.memory_space<hbm>>) target_semaphore(%run_scoped3A : memref<!tpu.dma_semaphore, #tpu.memory_space<semaphore_mem>>)
      %dma_wait3A_580 = arith.constant 0 : i32
      %dma_wait3A_581 = tpu.memref_slice %arg8[%add3A_212, %dma_wait3A_580] : memref<16384x128xf32, #tpu.memory_space<hbm>> -> memref<16x128xf32, #tpu.memory_space<hbm>>
      %dma_wait3A_582 = arith.constant 0 : i32
      %dma_wait3A_583 = tpu.memref_slice %arg8[%add3A_212, %dma_wait3A_582] : memref<16384x128xf32, #tpu.memory_space<hbm>> -> memref<16x128xf32, #tpu.memory_space<hbm>>
      tpu.wait_dma2 semaphore(%run_scoped3A : memref<!tpu.dma_semaphore, #tpu.memory_space<semaphore_mem>>) src(%arg13 : memref<16x128xf32, #tpu.memory_space<vmem>>) dst(%dma_wait3A_583 : memref<16x128xf32, #tpu.memory_space<hbm>>)
      tpu.yield
    }) : () -> ()
    "tpu.region"() ({
      %run_scoped3A = tpu.sem_alloc : memref<!tpu.dma_semaphore, #tpu.memory_space<semaphore_mem>>
      %dma_start3A_576 = arith.constant 0 : i32
      %dma_start3A_577 = tpu.memref_slice %arg9[%add3A_212, %dma_start3A_576] : memref<16384x128xf32, #tpu.memory_space<hbm>> -> memref<16x128xf32, #tpu.memory_space<hbm>>
      %dma_start3A_578 = arith.constant 0 : i32
      %dma_start3A_579 = tpu.memref_slice %arg9[%add3A_212, %dma_start3A_578] : memref<16384x128xf32, #tpu.memory_space<hbm>> -> memref<16x128xf32, #tpu.memory_space<hbm>>
      tpu.enqueue_dma source(%arg14 : memref<16x128xf32, #tpu.memory_space<vmem>>) target(%dma_start3A_579 : memref<16x128xf32, #tpu.memory_space<hbm>>) target_semaphore(%run_scoped3A : memref<!tpu.dma_semaphore, #tpu.memory_space<semaphore_mem>>)
      %dma_wait3A_580 = arith.constant 0 : i32
      %dma_wait3A_581 = tpu.memref_slice %arg9[%add3A_212, %dma_wait3A_580] : memref<16384x128xf32, #tpu.memory_space<hbm>> -> memref<16x128xf32, #tpu.memory_space<hbm>>
      %dma_wait3A_582 = arith.constant 0 : i32
      %dma_wait3A_583 = tpu.memref_slice %arg9[%add3A_212, %dma_wait3A_582] : memref<16384x128xf32, #tpu.memory_space<hbm>> -> memref<16x128xf32, #tpu.memory_space<hbm>>
      tpu.wait_dma2 semaphore(%run_scoped3A : memref<!tpu.dma_semaphore, #tpu.memory_space<semaphore_mem>>) src(%arg14 : memref<16x128xf32, #tpu.memory_space<vmem>>) dst(%dma_wait3A_583 : memref<16x128xf32, #tpu.memory_space<hbm>>)
      tpu.yield
    }) : () -> ()
    %add3A_225 = arith.constant 256 : i32
    %add3A_226 = arith.addi %mul3A_2, %add3A_225 : i32
    "tpu.region"() ({
      %run_scoped3A = tpu.sem_alloc : memref<!tpu.dma_semaphore, #tpu.memory_space<semaphore_mem>>
      %dma_start3A_576 = tpu.memref_slice %arg2[%add3A_226] : memref<16384xi32, #tpu.memory_space<hbm>> -> memref<16xi32, #tpu.memory_space<hbm>>
      %dma_start3A_577 = tpu.memref_slice %arg2[%add3A_226] : memref<16384xi32, #tpu.memory_space<hbm>> -> memref<16xi32, #tpu.memory_space<hbm>>
      tpu.enqueue_dma source(%dma_start3A_577 : memref<16xi32, #tpu.memory_space<hbm>>) target(%arg11 : memref<16xi32, #tpu.memory_space<vmem>>) target_semaphore(%run_scoped3A : memref<!tpu.dma_semaphore, #tpu.memory_space<semaphore_mem>>)
      %dma_wait3A_578 = tpu.memref_slice %arg2[%add3A_226] : memref<16384xi32, #tpu.memory_space<hbm>> -> memref<16xi32, #tpu.memory_space<hbm>>
      %dma_wait3A_579 = tpu.memref_slice %arg2[%add3A_226] : memref<16384xi32, #tpu.memory_space<hbm>> -> memref<16xi32, #tpu.memory_space<hbm>>
      tpu.wait_dma2 semaphore(%run_scoped3A : memref<!tpu.dma_semaphore, #tpu.memory_space<semaphore_mem>>) src(%dma_wait3A_579 : memref<16xi32, #tpu.memory_space<hbm>>) dst(%arg11 : memref<16xi32, #tpu.memory_space<vmem>>)
      tpu.yield
    }) : () -> ()
    "tpu.region"() ({
      %run_scoped3A = tpu.sem_alloc : memref<!tpu.dma_semaphore, #tpu.memory_space<semaphore_mem>>
      %dma_start3A_576 = tpu.memref_slice %arg4[%add3A_226] : memref<16384xi32, #tpu.memory_space<hbm>> -> memref<16xi32, #tpu.memory_space<hbm>>
      %dma_start3A_577 = tpu.memref_slice %arg4[%add3A_226] : memref<16384xi32, #tpu.memory_space<hbm>> -> memref<16xi32, #tpu.memory_space<hbm>>
      tpu.enqueue_dma source(%dma_start3A_577 : memref<16xi32, #tpu.memory_space<hbm>>) target(%arg12 : memref<16xi32, #tpu.memory_space<vmem>>) target_semaphore(%run_scoped3A : memref<!tpu.dma_semaphore, #tpu.memory_space<semaphore_mem>>)
      %dma_wait3A_578 = tpu.memref_slice %arg4[%add3A_226] : memref<16384xi32, #tpu.memory_space<hbm>> -> memref<16xi32, #tpu.memory_space<hbm>>
      %dma_wait3A_579 = tpu.memref_slice %arg4[%add3A_226] : memref<16384xi32, #tpu.memory_space<hbm>> -> memref<16xi32, #tpu.memory_space<hbm>>
      tpu.wait_dma2 semaphore(%run_scoped3A : memref<!tpu.dma_semaphore, #tpu.memory_space<semaphore_mem>>) src(%dma_wait3A_579 : memref<16xi32, #tpu.memory_space<hbm>>) dst(%arg12 : memref<16xi32, #tpu.memory_space<vmem>>)
      tpu.yield
    }) : () -> ()
    %dma_start3A_227 = arith.constant 0 : i32
    %dma_start3A_228 = arith.constant 0 : i32
    %dma_start3A_229 = tpu.memref_slice %arg5[%dma_start3A_227, %dma_start3A_228] : memref<1000000x128xf32, #tpu.memory_space<hbm>> -> memref<1000000x128xf32, #tpu.memory_space<hbm>>
    tpu.enqueue_indirect_dma source(%dma_start3A_229 : memref<1000000x128xf32, #tpu.memory_space<hbm>>) target(%arg13 : memref<16x128xf32, #tpu.memory_space<vmem>>) offsets(%arg11 : memref<16xi32, #tpu.memory_space<vmem>>) semaphore(%arg24 : memref<!tpu.dma_semaphore, #tpu.memory_space<semaphore_mem>>)
    %dma_start3A_230 = arith.constant 0 : i32
    %dma_start3A_231 = arith.constant 0 : i32
    %dma_start3A_232 = tpu.memref_slice %arg5[%dma_start3A_230, %dma_start3A_231] : memref<1000000x128xf32, #tpu.memory_space<hbm>> -> memref<1000000x128xf32, #tpu.memory_space<hbm>>
    tpu.enqueue_indirect_dma source(%dma_start3A_232 : memref<1000000x128xf32, #tpu.memory_space<hbm>>) target(%arg14 : memref<16x128xf32, #tpu.memory_space<vmem>>) offsets(%arg12 : memref<16xi32, #tpu.memory_space<vmem>>) semaphore(%arg24 : memref<!tpu.dma_semaphore, #tpu.memory_space<semaphore_mem>>)
    %dma_wait3A_233 = arith.constant 0 : i32
    %dma_wait3A_234 = arith.constant 0 : i32
    %dma_wait3A_235 = tpu.memref_slice %arg5[%dma_wait3A_233, %dma_wait3A_234] : memref<1000000x128xf32, #tpu.memory_space<hbm>> -> memref<1000000x128xf32, #tpu.memory_space<hbm>>
    tpu.wait_indirect_dma semaphore(%arg24 : memref<!tpu.dma_semaphore, #tpu.memory_space<semaphore_mem>>) src(%dma_wait3A_235 : memref<1000000x128xf32, #tpu.memory_space<hbm>>) dst(%arg13 : memref<16x128xf32, #tpu.memory_space<vmem>>)
    %dma_wait3A_236 = arith.constant 0 : i32
    %dma_wait3A_237 = arith.constant 0 : i32
    %dma_wait3A_238 = tpu.memref_slice %arg5[%dma_wait3A_236, %dma_wait3A_237] : memref<1000000x128xf32, #tpu.memory_space<hbm>> -> memref<1000000x128xf32, #tpu.memory_space<hbm>>
    tpu.wait_indirect_dma semaphore(%arg24 : memref<!tpu.dma_semaphore, #tpu.memory_space<semaphore_mem>>) src(%dma_wait3A_238 : memref<1000000x128xf32, #tpu.memory_space<hbm>>) dst(%arg14 : memref<16x128xf32, #tpu.memory_space<vmem>>)
    "tpu.region"() ({
      %run_scoped3A = tpu.sem_alloc : memref<!tpu.dma_semaphore, #tpu.memory_space<semaphore_mem>>
      %dma_start3A_576 = arith.constant 0 : i32
      %dma_start3A_577 = tpu.memref_slice %arg8[%add3A_226, %dma_start3A_576] : memref<16384x128xf32, #tpu.memory_space<hbm>> -> memref<16x128xf32, #tpu.memory_space<hbm>>
      %dma_start3A_578 = arith.constant 0 : i32
      %dma_start3A_579 = tpu.memref_slice %arg8[%add3A_226, %dma_start3A_578] : memref<16384x128xf32, #tpu.memory_space<hbm>> -> memref<16x128xf32, #tpu.memory_space<hbm>>
      tpu.enqueue_dma source(%arg13 : memref<16x128xf32, #tpu.memory_space<vmem>>) target(%dma_start3A_579 : memref<16x128xf32, #tpu.memory_space<hbm>>) target_semaphore(%run_scoped3A : memref<!tpu.dma_semaphore, #tpu.memory_space<semaphore_mem>>)
      %dma_wait3A_580 = arith.constant 0 : i32
      %dma_wait3A_581 = tpu.memref_slice %arg8[%add3A_226, %dma_wait3A_580] : memref<16384x128xf32, #tpu.memory_space<hbm>> -> memref<16x128xf32, #tpu.memory_space<hbm>>
      %dma_wait3A_582 = arith.constant 0 : i32
      %dma_wait3A_583 = tpu.memref_slice %arg8[%add3A_226, %dma_wait3A_582] : memref<16384x128xf32, #tpu.memory_space<hbm>> -> memref<16x128xf32, #tpu.memory_space<hbm>>
      tpu.wait_dma2 semaphore(%run_scoped3A : memref<!tpu.dma_semaphore, #tpu.memory_space<semaphore_mem>>) src(%arg13 : memref<16x128xf32, #tpu.memory_space<vmem>>) dst(%dma_wait3A_583 : memref<16x128xf32, #tpu.memory_space<hbm>>)
      tpu.yield
    }) : () -> ()
    "tpu.region"() ({
      %run_scoped3A = tpu.sem_alloc : memref<!tpu.dma_semaphore, #tpu.memory_space<semaphore_mem>>
      %dma_start3A_576 = arith.constant 0 : i32
      %dma_start3A_577 = tpu.memref_slice %arg9[%add3A_226, %dma_start3A_576] : memref<16384x128xf32, #tpu.memory_space<hbm>> -> memref<16x128xf32, #tpu.memory_space<hbm>>
      %dma_start3A_578 = arith.constant 0 : i32
      %dma_start3A_579 = tpu.memref_slice %arg9[%add3A_226, %dma_start3A_578] : memref<16384x128xf32, #tpu.memory_space<hbm>> -> memref<16x128xf32, #tpu.memory_space<hbm>>
      tpu.enqueue_dma source(%arg14 : memref<16x128xf32, #tpu.memory_space<vmem>>) target(%dma_start3A_579 : memref<16x128xf32, #tpu.memory_space<hbm>>) target_semaphore(%run_scoped3A : memref<!tpu.dma_semaphore, #tpu.memory_space<semaphore_mem>>)
      %dma_wait3A_580 = arith.constant 0 : i32
      %dma_wait3A_581 = tpu.memref_slice %arg9[%add3A_226, %dma_wait3A_580] : memref<16384x128xf32, #tpu.memory_space<hbm>> -> memref<16x128xf32, #tpu.memory_space<hbm>>
      %dma_wait3A_582 = arith.constant 0 : i32
      %dma_wait3A_583 = tpu.memref_slice %arg9[%add3A_226, %dma_wait3A_582] : memref<16384x128xf32, #tpu.memory_space<hbm>> -> memref<16x128xf32, #tpu.memory_space<hbm>>
      tpu.wait_dma2 semaphore(%run_scoped3A : memref<!tpu.dma_semaphore, #tpu.memory_space<semaphore_mem>>) src(%arg14 : memref<16x128xf32, #tpu.memory_space<vmem>>) dst(%dma_wait3A_583 : memref<16x128xf32, #tpu.memory_space<hbm>>)
      tpu.yield
    }) : () -> ()
    %add3A_239 = arith.constant 272 : i32
    %add3A_240 = arith.addi %mul3A_2, %add3A_239 : i32
    "tpu.region"() ({
      %run_scoped3A = tpu.sem_alloc : memref<!tpu.dma_semaphore, #tpu.memory_space<semaphore_mem>>
      %dma_start3A_576 = tpu.memref_slice %arg2[%add3A_240] : memref<16384xi32, #tpu.memory_space<hbm>> -> memref<16xi32, #tpu.memory_space<hbm>>
      %dma_start3A_577 = tpu.memref_slice %arg2[%add3A_240] : memref<16384xi32, #tpu.memory_space<hbm>> -> memref<16xi32, #tpu.memory_space<hbm>>
      tpu.enqueue_dma source(%dma_start3A_577 : memref<16xi32, #tpu.memory_space<hbm>>) target(%arg11 : memref<16xi32, #tpu.memory_space<vmem>>) target_semaphore(%run_scoped3A : memref<!tpu.dma_semaphore, #tpu.memory_space<semaphore_mem>>)
      %dma_wait3A_578 = tpu.memref_slice %arg2[%add3A_240] : memref<16384xi32, #tpu.memory_space<hbm>> -> memref<16xi32, #tpu.memory_space<hbm>>
      %dma_wait3A_579 = tpu.memref_slice %arg2[%add3A_240] : memref<16384xi32, #tpu.memory_space<hbm>> -> memref<16xi32, #tpu.memory_space<hbm>>
      tpu.wait_dma2 semaphore(%run_scoped3A : memref<!tpu.dma_semaphore, #tpu.memory_space<semaphore_mem>>) src(%dma_wait3A_579 : memref<16xi32, #tpu.memory_space<hbm>>) dst(%arg11 : memref<16xi32, #tpu.memory_space<vmem>>)
      tpu.yield
    }) : () -> ()
    "tpu.region"() ({
      %run_scoped3A = tpu.sem_alloc : memref<!tpu.dma_semaphore, #tpu.memory_space<semaphore_mem>>
      %dma_start3A_576 = tpu.memref_slice %arg4[%add3A_240] : memref<16384xi32, #tpu.memory_space<hbm>> -> memref<16xi32, #tpu.memory_space<hbm>>
      %dma_start3A_577 = tpu.memref_slice %arg4[%add3A_240] : memref<16384xi32, #tpu.memory_space<hbm>> -> memref<16xi32, #tpu.memory_space<hbm>>
      tpu.enqueue_dma source(%dma_start3A_577 : memref<16xi32, #tpu.memory_space<hbm>>) target(%arg12 : memref<16xi32, #tpu.memory_space<vmem>>) target_semaphore(%run_scoped3A : memref<!tpu.dma_semaphore, #tpu.memory_space<semaphore_mem>>)
      %dma_wait3A_578 = tpu.memref_slice %arg4[%add3A_240] : memref<16384xi32, #tpu.memory_space<hbm>> -> memref<16xi32, #tpu.memory_space<hbm>>
      %dma_wait3A_579 = tpu.memref_slice %arg4[%add3A_240] : memref<16384xi32, #tpu.memory_space<hbm>> -> memref<16xi32, #tpu.memory_space<hbm>>
      tpu.wait_dma2 semaphore(%run_scoped3A : memref<!tpu.dma_semaphore, #tpu.memory_space<semaphore_mem>>) src(%dma_wait3A_579 : memref<16xi32, #tpu.memory_space<hbm>>) dst(%arg12 : memref<16xi32, #tpu.memory_space<vmem>>)
      tpu.yield
    }) : () -> ()
    %dma_start3A_241 = arith.constant 0 : i32
    %dma_start3A_242 = arith.constant 0 : i32
    %dma_start3A_243 = tpu.memref_slice %arg5[%dma_start3A_241, %dma_start3A_242] : memref<1000000x128xf32, #tpu.memory_space<hbm>> -> memref<1000000x128xf32, #tpu.memory_space<hbm>>
    tpu.enqueue_indirect_dma source(%dma_start3A_243 : memref<1000000x128xf32, #tpu.memory_space<hbm>>) target(%arg13 : memref<16x128xf32, #tpu.memory_space<vmem>>) offsets(%arg11 : memref<16xi32, #tpu.memory_space<vmem>>) semaphore(%arg24 : memref<!tpu.dma_semaphore, #tpu.memory_space<semaphore_mem>>)
    %dma_start3A_244 = arith.constant 0 : i32
    %dma_start3A_245 = arith.constant 0 : i32
    %dma_start3A_246 = tpu.memref_slice %arg5[%dma_start3A_244, %dma_start3A_245] : memref<1000000x128xf32, #tpu.memory_space<hbm>> -> memref<1000000x128xf32, #tpu.memory_space<hbm>>
    tpu.enqueue_indirect_dma source(%dma_start3A_246 : memref<1000000x128xf32, #tpu.memory_space<hbm>>) target(%arg14 : memref<16x128xf32, #tpu.memory_space<vmem>>) offsets(%arg12 : memref<16xi32, #tpu.memory_space<vmem>>) semaphore(%arg24 : memref<!tpu.dma_semaphore, #tpu.memory_space<semaphore_mem>>)
    %dma_wait3A_247 = arith.constant 0 : i32
    %dma_wait3A_248 = arith.constant 0 : i32
    %dma_wait3A_249 = tpu.memref_slice %arg5[%dma_wait3A_247, %dma_wait3A_248] : memref<1000000x128xf32, #tpu.memory_space<hbm>> -> memref<1000000x128xf32, #tpu.memory_space<hbm>>
    tpu.wait_indirect_dma semaphore(%arg24 : memref<!tpu.dma_semaphore, #tpu.memory_space<semaphore_mem>>) src(%dma_wait3A_249 : memref<1000000x128xf32, #tpu.memory_space<hbm>>) dst(%arg13 : memref<16x128xf32, #tpu.memory_space<vmem>>)
    %dma_wait3A_250 = arith.constant 0 : i32
    %dma_wait3A_251 = arith.constant 0 : i32
    %dma_wait3A_252 = tpu.memref_slice %arg5[%dma_wait3A_250, %dma_wait3A_251] : memref<1000000x128xf32, #tpu.memory_space<hbm>> -> memref<1000000x128xf32, #tpu.memory_space<hbm>>
    tpu.wait_indirect_dma semaphore(%arg24 : memref<!tpu.dma_semaphore, #tpu.memory_space<semaphore_mem>>) src(%dma_wait3A_252 : memref<1000000x128xf32, #tpu.memory_space<hbm>>) dst(%arg14 : memref<16x128xf32, #tpu.memory_space<vmem>>)
    "tpu.region"() ({
      %run_scoped3A = tpu.sem_alloc : memref<!tpu.dma_semaphore, #tpu.memory_space<semaphore_mem>>
      %dma_start3A_576 = arith.constant 0 : i32
      %dma_start3A_577 = tpu.memref_slice %arg8[%add3A_240, %dma_start3A_576] : memref<16384x128xf32, #tpu.memory_space<hbm>> -> memref<16x128xf32, #tpu.memory_space<hbm>>
      %dma_start3A_578 = arith.constant 0 : i32
      %dma_start3A_579 = tpu.memref_slice %arg8[%add3A_240, %dma_start3A_578] : memref<16384x128xf32, #tpu.memory_space<hbm>> -> memref<16x128xf32, #tpu.memory_space<hbm>>
      tpu.enqueue_dma source(%arg13 : memref<16x128xf32, #tpu.memory_space<vmem>>) target(%dma_start3A_579 : memref<16x128xf32, #tpu.memory_space<hbm>>) target_semaphore(%run_scoped3A : memref<!tpu.dma_semaphore, #tpu.memory_space<semaphore_mem>>)
      %dma_wait3A_580 = arith.constant 0 : i32
      %dma_wait3A_581 = tpu.memref_slice %arg8[%add3A_240, %dma_wait3A_580] : memref<16384x128xf32, #tpu.memory_space<hbm>> -> memref<16x128xf32, #tpu.memory_space<hbm>>
      %dma_wait3A_582 = arith.constant 0 : i32
      %dma_wait3A_583 = tpu.memref_slice %arg8[%add3A_240, %dma_wait3A_582] : memref<16384x128xf32, #tpu.memory_space<hbm>> -> memref<16x128xf32, #tpu.memory_space<hbm>>
      tpu.wait_dma2 semaphore(%run_scoped3A : memref<!tpu.dma_semaphore, #tpu.memory_space<semaphore_mem>>) src(%arg13 : memref<16x128xf32, #tpu.memory_space<vmem>>) dst(%dma_wait3A_583 : memref<16x128xf32, #tpu.memory_space<hbm>>)
      tpu.yield
    }) : () -> ()
    "tpu.region"() ({
      %run_scoped3A = tpu.sem_alloc : memref<!tpu.dma_semaphore, #tpu.memory_space<semaphore_mem>>
      %dma_start3A_576 = arith.constant 0 : i32
      %dma_start3A_577 = tpu.memref_slice %arg9[%add3A_240, %dma_start3A_576] : memref<16384x128xf32, #tpu.memory_space<hbm>> -> memref<16x128xf32, #tpu.memory_space<hbm>>
      %dma_start3A_578 = arith.constant 0 : i32
      %dma_start3A_579 = tpu.memref_slice %arg9[%add3A_240, %dma_start3A_578] : memref<16384x128xf32, #tpu.memory_space<hbm>> -> memref<16x128xf32, #tpu.memory_space<hbm>>
      tpu.enqueue_dma source(%arg14 : memref<16x128xf32, #tpu.memory_space<vmem>>) target(%dma_start3A_579 : memref<16x128xf32, #tpu.memory_space<hbm>>) target_semaphore(%run_scoped3A : memref<!tpu.dma_semaphore, #tpu.memory_space<semaphore_mem>>)
      %dma_wait3A_580 = arith.constant 0 : i32
      %dma_wait3A_581 = tpu.memref_slice %arg9[%add3A_240, %dma_wait3A_580] : memref<16384x128xf32, #tpu.memory_space<hbm>> -> memref<16x128xf32, #tpu.memory_space<hbm>>
      %dma_wait3A_582 = arith.constant 0 : i32
      %dma_wait3A_583 = tpu.memref_slice %arg9[%add3A_240, %dma_wait3A_582] : memref<16384x128xf32, #tpu.memory_space<hbm>> -> memref<16x128xf32, #tpu.memory_space<hbm>>
      tpu.wait_dma2 semaphore(%run_scoped3A : memref<!tpu.dma_semaphore, #tpu.memory_space<semaphore_mem>>) src(%arg14 : memref<16x128xf32, #tpu.memory_space<vmem>>) dst(%dma_wait3A_583 : memref<16x128xf32, #tpu.memory_space<hbm>>)
      tpu.yield
    }) : () -> ()
    %add3A_253 = arith.constant 288 : i32
    %add3A_254 = arith.addi %mul3A_2, %add3A_253 : i32
    "tpu.region"() ({
      %run_scoped3A = tpu.sem_alloc : memref<!tpu.dma_semaphore, #tpu.memory_space<semaphore_mem>>
      %dma_start3A_576 = tpu.memref_slice %arg2[%add3A_254] : memref<16384xi32, #tpu.memory_space<hbm>> -> memref<16xi32, #tpu.memory_space<hbm>>
      %dma_start3A_577 = tpu.memref_slice %arg2[%add3A_254] : memref<16384xi32, #tpu.memory_space<hbm>> -> memref<16xi32, #tpu.memory_space<hbm>>
      tpu.enqueue_dma source(%dma_start3A_577 : memref<16xi32, #tpu.memory_space<hbm>>) target(%arg11 : memref<16xi32, #tpu.memory_space<vmem>>) target_semaphore(%run_scoped3A : memref<!tpu.dma_semaphore, #tpu.memory_space<semaphore_mem>>)
      %dma_wait3A_578 = tpu.memref_slice %arg2[%add3A_254] : memref<16384xi32, #tpu.memory_space<hbm>> -> memref<16xi32, #tpu.memory_space<hbm>>
      %dma_wait3A_579 = tpu.memref_slice %arg2[%add3A_254] : memref<16384xi32, #tpu.memory_space<hbm>> -> memref<16xi32, #tpu.memory_space<hbm>>
      tpu.wait_dma2 semaphore(%run_scoped3A : memref<!tpu.dma_semaphore, #tpu.memory_space<semaphore_mem>>) src(%dma_wait3A_579 : memref<16xi32, #tpu.memory_space<hbm>>) dst(%arg11 : memref<16xi32, #tpu.memory_space<vmem>>)
      tpu.yield
    }) : () -> ()
    "tpu.region"() ({
      %run_scoped3A = tpu.sem_alloc : memref<!tpu.dma_semaphore, #tpu.memory_space<semaphore_mem>>
      %dma_start3A_576 = tpu.memref_slice %arg4[%add3A_254] : memref<16384xi32, #tpu.memory_space<hbm>> -> memref<16xi32, #tpu.memory_space<hbm>>
      %dma_start3A_577 = tpu.memref_slice %arg4[%add3A_254] : memref<16384xi32, #tpu.memory_space<hbm>> -> memref<16xi32, #tpu.memory_space<hbm>>
      tpu.enqueue_dma source(%dma_start3A_577 : memref<16xi32, #tpu.memory_space<hbm>>) target(%arg12 : memref<16xi32, #tpu.memory_space<vmem>>) target_semaphore(%run_scoped3A : memref<!tpu.dma_semaphore, #tpu.memory_space<semaphore_mem>>)
      %dma_wait3A_578 = tpu.memref_slice %arg4[%add3A_254] : memref<16384xi32, #tpu.memory_space<hbm>> -> memref<16xi32, #tpu.memory_space<hbm>>
      %dma_wait3A_579 = tpu.memref_slice %arg4[%add3A_254] : memref<16384xi32, #tpu.memory_space<hbm>> -> memref<16xi32, #tpu.memory_space<hbm>>
      tpu.wait_dma2 semaphore(%run_scoped3A : memref<!tpu.dma_semaphore, #tpu.memory_space<semaphore_mem>>) src(%dma_wait3A_579 : memref<16xi32, #tpu.memory_space<hbm>>) dst(%arg12 : memref<16xi32, #tpu.memory_space<vmem>>)
      tpu.yield
    }) : () -> ()
    %dma_start3A_255 = arith.constant 0 : i32
    %dma_start3A_256 = arith.constant 0 : i32
    %dma_start3A_257 = tpu.memref_slice %arg5[%dma_start3A_255, %dma_start3A_256] : memref<1000000x128xf32, #tpu.memory_space<hbm>> -> memref<1000000x128xf32, #tpu.memory_space<hbm>>
    tpu.enqueue_indirect_dma source(%dma_start3A_257 : memref<1000000x128xf32, #tpu.memory_space<hbm>>) target(%arg13 : memref<16x128xf32, #tpu.memory_space<vmem>>) offsets(%arg11 : memref<16xi32, #tpu.memory_space<vmem>>) semaphore(%arg24 : memref<!tpu.dma_semaphore, #tpu.memory_space<semaphore_mem>>)
    %dma_start3A_258 = arith.constant 0 : i32
    %dma_start3A_259 = arith.constant 0 : i32
    %dma_start3A_260 = tpu.memref_slice %arg5[%dma_start3A_258, %dma_start3A_259] : memref<1000000x128xf32, #tpu.memory_space<hbm>> -> memref<1000000x128xf32, #tpu.memory_space<hbm>>
    tpu.enqueue_indirect_dma source(%dma_start3A_260 : memref<1000000x128xf32, #tpu.memory_space<hbm>>) target(%arg14 : memref<16x128xf32, #tpu.memory_space<vmem>>) offsets(%arg12 : memref<16xi32, #tpu.memory_space<vmem>>) semaphore(%arg24 : memref<!tpu.dma_semaphore, #tpu.memory_space<semaphore_mem>>)
    %dma_wait3A_261 = arith.constant 0 : i32
    %dma_wait3A_262 = arith.constant 0 : i32
    %dma_wait3A_263 = tpu.memref_slice %arg5[%dma_wait3A_261, %dma_wait3A_262] : memref<1000000x128xf32, #tpu.memory_space<hbm>> -> memref<1000000x128xf32, #tpu.memory_space<hbm>>
    tpu.wait_indirect_dma semaphore(%arg24 : memref<!tpu.dma_semaphore, #tpu.memory_space<semaphore_mem>>) src(%dma_wait3A_263 : memref<1000000x128xf32, #tpu.memory_space<hbm>>) dst(%arg13 : memref<16x128xf32, #tpu.memory_space<vmem>>)
    %dma_wait3A_264 = arith.constant 0 : i32
    %dma_wait3A_265 = arith.constant 0 : i32
    %dma_wait3A_266 = tpu.memref_slice %arg5[%dma_wait3A_264, %dma_wait3A_265] : memref<1000000x128xf32, #tpu.memory_space<hbm>> -> memref<1000000x128xf32, #tpu.memory_space<hbm>>
    tpu.wait_indirect_dma semaphore(%arg24 : memref<!tpu.dma_semaphore, #tpu.memory_space<semaphore_mem>>) src(%dma_wait3A_266 : memref<1000000x128xf32, #tpu.memory_space<hbm>>) dst(%arg14 : memref<16x128xf32, #tpu.memory_space<vmem>>)
    "tpu.region"() ({
      %run_scoped3A = tpu.sem_alloc : memref<!tpu.dma_semaphore, #tpu.memory_space<semaphore_mem>>
      %dma_start3A_576 = arith.constant 0 : i32
      %dma_start3A_577 = tpu.memref_slice %arg8[%add3A_254, %dma_start3A_576] : memref<16384x128xf32, #tpu.memory_space<hbm>> -> memref<16x128xf32, #tpu.memory_space<hbm>>
      %dma_start3A_578 = arith.constant 0 : i32
      %dma_start3A_579 = tpu.memref_slice %arg8[%add3A_254, %dma_start3A_578] : memref<16384x128xf32, #tpu.memory_space<hbm>> -> memref<16x128xf32, #tpu.memory_space<hbm>>
      tpu.enqueue_dma source(%arg13 : memref<16x128xf32, #tpu.memory_space<vmem>>) target(%dma_start3A_579 : memref<16x128xf32, #tpu.memory_space<hbm>>) target_semaphore(%run_scoped3A : memref<!tpu.dma_semaphore, #tpu.memory_space<semaphore_mem>>)
      %dma_wait3A_580 = arith.constant 0 : i32
      %dma_wait3A_581 = tpu.memref_slice %arg8[%add3A_254, %dma_wait3A_580] : memref<16384x128xf32, #tpu.memory_space<hbm>> -> memref<16x128xf32, #tpu.memory_space<hbm>>
      %dma_wait3A_582 = arith.constant 0 : i32
      %dma_wait3A_583 = tpu.memref_slice %arg8[%add3A_254, %dma_wait3A_582] : memref<16384x128xf32, #tpu.memory_space<hbm>> -> memref<16x128xf32, #tpu.memory_space<hbm>>
      tpu.wait_dma2 semaphore(%run_scoped3A : memref<!tpu.dma_semaphore, #tpu.memory_space<semaphore_mem>>) src(%arg13 : memref<16x128xf32, #tpu.memory_space<vmem>>) dst(%dma_wait3A_583 : memref<16x128xf32, #tpu.memory_space<hbm>>)
      tpu.yield
    }) : () -> ()
    "tpu.region"() ({
      %run_scoped3A = tpu.sem_alloc : memref<!tpu.dma_semaphore, #tpu.memory_space<semaphore_mem>>
      %dma_start3A_576 = arith.constant 0 : i32
      %dma_start3A_577 = tpu.memref_slice %arg9[%add3A_254, %dma_start3A_576] : memref<16384x128xf32, #tpu.memory_space<hbm>> -> memref<16x128xf32, #tpu.memory_space<hbm>>
      %dma_start3A_578 = arith.constant 0 : i32
      %dma_start3A_579 = tpu.memref_slice %arg9[%add3A_254, %dma_start3A_578] : memref<16384x128xf32, #tpu.memory_space<hbm>> -> memref<16x128xf32, #tpu.memory_space<hbm>>
      tpu.enqueue_dma source(%arg14 : memref<16x128xf32, #tpu.memory_space<vmem>>) target(%dma_start3A_579 : memref<16x128xf32, #tpu.memory_space<hbm>>) target_semaphore(%run_scoped3A : memref<!tpu.dma_semaphore, #tpu.memory_space<semaphore_mem>>)
      %dma_wait3A_580 = arith.constant 0 : i32
      %dma_wait3A_581 = tpu.memref_slice %arg9[%add3A_254, %dma_wait3A_580] : memref<16384x128xf32, #tpu.memory_space<hbm>> -> memref<16x128xf32, #tpu.memory_space<hbm>>
      %dma_wait3A_582 = arith.constant 0 : i32
      %dma_wait3A_583 = tpu.memref_slice %arg9[%add3A_254, %dma_wait3A_582] : memref<16384x128xf32, #tpu.memory_space<hbm>> -> memref<16x128xf32, #tpu.memory_space<hbm>>
      tpu.wait_dma2 semaphore(%run_scoped3A : memref<!tpu.dma_semaphore, #tpu.memory_space<semaphore_mem>>) src(%arg14 : memref<16x128xf32, #tpu.memory_space<vmem>>) dst(%dma_wait3A_583 : memref<16x128xf32, #tpu.memory_space<hbm>>)
      tpu.yield
    }) : () -> ()
    %add3A_267 = arith.constant 304 : i32
    %add3A_268 = arith.addi %mul3A_2, %add3A_267 : i32
    "tpu.region"() ({
      %run_scoped3A = tpu.sem_alloc : memref<!tpu.dma_semaphore, #tpu.memory_space<semaphore_mem>>
      %dma_start3A_576 = tpu.memref_slice %arg2[%add3A_268] : memref<16384xi32, #tpu.memory_space<hbm>> -> memref<16xi32, #tpu.memory_space<hbm>>
      %dma_start3A_577 = tpu.memref_slice %arg2[%add3A_268] : memref<16384xi32, #tpu.memory_space<hbm>> -> memref<16xi32, #tpu.memory_space<hbm>>
      tpu.enqueue_dma source(%dma_start3A_577 : memref<16xi32, #tpu.memory_space<hbm>>) target(%arg11 : memref<16xi32, #tpu.memory_space<vmem>>) target_semaphore(%run_scoped3A : memref<!tpu.dma_semaphore, #tpu.memory_space<semaphore_mem>>)
      %dma_wait3A_578 = tpu.memref_slice %arg2[%add3A_268] : memref<16384xi32, #tpu.memory_space<hbm>> -> memref<16xi32, #tpu.memory_space<hbm>>
      %dma_wait3A_579 = tpu.memref_slice %arg2[%add3A_268] : memref<16384xi32, #tpu.memory_space<hbm>> -> memref<16xi32, #tpu.memory_space<hbm>>
      tpu.wait_dma2 semaphore(%run_scoped3A : memref<!tpu.dma_semaphore, #tpu.memory_space<semaphore_mem>>) src(%dma_wait3A_579 : memref<16xi32, #tpu.memory_space<hbm>>) dst(%arg11 : memref<16xi32, #tpu.memory_space<vmem>>)
      tpu.yield
    }) : () -> ()
    "tpu.region"() ({
      %run_scoped3A = tpu.sem_alloc : memref<!tpu.dma_semaphore, #tpu.memory_space<semaphore_mem>>
      %dma_start3A_576 = tpu.memref_slice %arg4[%add3A_268] : memref<16384xi32, #tpu.memory_space<hbm>> -> memref<16xi32, #tpu.memory_space<hbm>>
      %dma_start3A_577 = tpu.memref_slice %arg4[%add3A_268] : memref<16384xi32, #tpu.memory_space<hbm>> -> memref<16xi32, #tpu.memory_space<hbm>>
      tpu.enqueue_dma source(%dma_start3A_577 : memref<16xi32, #tpu.memory_space<hbm>>) target(%arg12 : memref<16xi32, #tpu.memory_space<vmem>>) target_semaphore(%run_scoped3A : memref<!tpu.dma_semaphore, #tpu.memory_space<semaphore_mem>>)
      %dma_wait3A_578 = tpu.memref_slice %arg4[%add3A_268] : memref<16384xi32, #tpu.memory_space<hbm>> -> memref<16xi32, #tpu.memory_space<hbm>>
      %dma_wait3A_579 = tpu.memref_slice %arg4[%add3A_268] : memref<16384xi32, #tpu.memory_space<hbm>> -> memref<16xi32, #tpu.memory_space<hbm>>
      tpu.wait_dma2 semaphore(%run_scoped3A : memref<!tpu.dma_semaphore, #tpu.memory_space<semaphore_mem>>) src(%dma_wait3A_579 : memref<16xi32, #tpu.memory_space<hbm>>) dst(%arg12 : memref<16xi32, #tpu.memory_space<vmem>>)
      tpu.yield
    }) : () -> ()
    %dma_start3A_269 = arith.constant 0 : i32
    %dma_start3A_270 = arith.constant 0 : i32
    %dma_start3A_271 = tpu.memref_slice %arg5[%dma_start3A_269, %dma_start3A_270] : memref<1000000x128xf32, #tpu.memory_space<hbm>> -> memref<1000000x128xf32, #tpu.memory_space<hbm>>
    tpu.enqueue_indirect_dma source(%dma_start3A_271 : memref<1000000x128xf32, #tpu.memory_space<hbm>>) target(%arg13 : memref<16x128xf32, #tpu.memory_space<vmem>>) offsets(%arg11 : memref<16xi32, #tpu.memory_space<vmem>>) semaphore(%arg24 : memref<!tpu.dma_semaphore, #tpu.memory_space<semaphore_mem>>)
    %dma_start3A_272 = arith.constant 0 : i32
    %dma_start3A_273 = arith.constant 0 : i32
    %dma_start3A_274 = tpu.memref_slice %arg5[%dma_start3A_272, %dma_start3A_273] : memref<1000000x128xf32, #tpu.memory_space<hbm>> -> memref<1000000x128xf32, #tpu.memory_space<hbm>>
    tpu.enqueue_indirect_dma source(%dma_start3A_274 : memref<1000000x128xf32, #tpu.memory_space<hbm>>) target(%arg14 : memref<16x128xf32, #tpu.memory_space<vmem>>) offsets(%arg12 : memref<16xi32, #tpu.memory_space<vmem>>) semaphore(%arg24 : memref<!tpu.dma_semaphore, #tpu.memory_space<semaphore_mem>>)
    %dma_wait3A_275 = arith.constant 0 : i32
    %dma_wait3A_276 = arith.constant 0 : i32
    %dma_wait3A_277 = tpu.memref_slice %arg5[%dma_wait3A_275, %dma_wait3A_276] : memref<1000000x128xf32, #tpu.memory_space<hbm>> -> memref<1000000x128xf32, #tpu.memory_space<hbm>>
    tpu.wait_indirect_dma semaphore(%arg24 : memref<!tpu.dma_semaphore, #tpu.memory_space<semaphore_mem>>) src(%dma_wait3A_277 : memref<1000000x128xf32, #tpu.memory_space<hbm>>) dst(%arg13 : memref<16x128xf32, #tpu.memory_space<vmem>>)
    %dma_wait3A_278 = arith.constant 0 : i32
    %dma_wait3A_279 = arith.constant 0 : i32
    %dma_wait3A_280 = tpu.memref_slice %arg5[%dma_wait3A_278, %dma_wait3A_279] : memref<1000000x128xf32, #tpu.memory_space<hbm>> -> memref<1000000x128xf32, #tpu.memory_space<hbm>>
    tpu.wait_indirect_dma semaphore(%arg24 : memref<!tpu.dma_semaphore, #tpu.memory_space<semaphore_mem>>) src(%dma_wait3A_280 : memref<1000000x128xf32, #tpu.memory_space<hbm>>) dst(%arg14 : memref<16x128xf32, #tpu.memory_space<vmem>>)
    "tpu.region"() ({
      %run_scoped3A = tpu.sem_alloc : memref<!tpu.dma_semaphore, #tpu.memory_space<semaphore_mem>>
      %dma_start3A_576 = arith.constant 0 : i32
      %dma_start3A_577 = tpu.memref_slice %arg8[%add3A_268, %dma_start3A_576] : memref<16384x128xf32, #tpu.memory_space<hbm>> -> memref<16x128xf32, #tpu.memory_space<hbm>>
      %dma_start3A_578 = arith.constant 0 : i32
      %dma_start3A_579 = tpu.memref_slice %arg8[%add3A_268, %dma_start3A_578] : memref<16384x128xf32, #tpu.memory_space<hbm>> -> memref<16x128xf32, #tpu.memory_space<hbm>>
      tpu.enqueue_dma source(%arg13 : memref<16x128xf32, #tpu.memory_space<vmem>>) target(%dma_start3A_579 : memref<16x128xf32, #tpu.memory_space<hbm>>) target_semaphore(%run_scoped3A : memref<!tpu.dma_semaphore, #tpu.memory_space<semaphore_mem>>)
      %dma_wait3A_580 = arith.constant 0 : i32
      %dma_wait3A_581 = tpu.memref_slice %arg8[%add3A_268, %dma_wait3A_580] : memref<16384x128xf32, #tpu.memory_space<hbm>> -> memref<16x128xf32, #tpu.memory_space<hbm>>
      %dma_wait3A_582 = arith.constant 0 : i32
      %dma_wait3A_583 = tpu.memref_slice %arg8[%add3A_268, %dma_wait3A_582] : memref<16384x128xf32, #tpu.memory_space<hbm>> -> memref<16x128xf32, #tpu.memory_space<hbm>>
      tpu.wait_dma2 semaphore(%run_scoped3A : memref<!tpu.dma_semaphore, #tpu.memory_space<semaphore_mem>>) src(%arg13 : memref<16x128xf32, #tpu.memory_space<vmem>>) dst(%dma_wait3A_583 : memref<16x128xf32, #tpu.memory_space<hbm>>)
      tpu.yield
    }) : () -> ()
    "tpu.region"() ({
      %run_scoped3A = tpu.sem_alloc : memref<!tpu.dma_semaphore, #tpu.memory_space<semaphore_mem>>
      %dma_start3A_576 = arith.constant 0 : i32
      %dma_start3A_577 = tpu.memref_slice %arg9[%add3A_268, %dma_start3A_576] : memref<16384x128xf32, #tpu.memory_space<hbm>> -> memref<16x128xf32, #tpu.memory_space<hbm>>
      %dma_start3A_578 = arith.constant 0 : i32
      %dma_start3A_579 = tpu.memref_slice %arg9[%add3A_268, %dma_start3A_578] : memref<16384x128xf32, #tpu.memory_space<hbm>> -> memref<16x128xf32, #tpu.memory_space<hbm>>
      tpu.enqueue_dma source(%arg14 : memref<16x128xf32, #tpu.memory_space<vmem>>) target(%dma_start3A_579 : memref<16x128xf32, #tpu.memory_space<hbm>>) target_semaphore(%run_scoped3A : memref<!tpu.dma_semaphore, #tpu.memory_space<semaphore_mem>>)
      %dma_wait3A_580 = arith.constant 0 : i32
      %dma_wait3A_581 = tpu.memref_slice %arg9[%add3A_268, %dma_wait3A_580] : memref<16384x128xf32, #tpu.memory_space<hbm>> -> memref<16x128xf32, #tpu.memory_space<hbm>>
      %dma_wait3A_582 = arith.constant 0 : i32
      %dma_wait3A_583 = tpu.memref_slice %arg9[%add3A_268, %dma_wait3A_582] : memref<16384x128xf32, #tpu.memory_space<hbm>> -> memref<16x128xf32, #tpu.memory_space<hbm>>
      tpu.wait_dma2 semaphore(%run_scoped3A : memref<!tpu.dma_semaphore, #tpu.memory_space<semaphore_mem>>) src(%arg14 : memref<16x128xf32, #tpu.memory_space<vmem>>) dst(%dma_wait3A_583 : memref<16x128xf32, #tpu.memory_space<hbm>>)
      tpu.yield
    }) : () -> ()
    %add3A_281 = arith.constant 320 : i32
    %add3A_282 = arith.addi %mul3A_2, %add3A_281 : i32
    "tpu.region"() ({
      %run_scoped3A = tpu.sem_alloc : memref<!tpu.dma_semaphore, #tpu.memory_space<semaphore_mem>>
      %dma_start3A_576 = tpu.memref_slice %arg2[%add3A_282] : memref<16384xi32, #tpu.memory_space<hbm>> -> memref<16xi32, #tpu.memory_space<hbm>>
      %dma_start3A_577 = tpu.memref_slice %arg2[%add3A_282] : memref<16384xi32, #tpu.memory_space<hbm>> -> memref<16xi32, #tpu.memory_space<hbm>>
      tpu.enqueue_dma source(%dma_start3A_577 : memref<16xi32, #tpu.memory_space<hbm>>) target(%arg11 : memref<16xi32, #tpu.memory_space<vmem>>) target_semaphore(%run_scoped3A : memref<!tpu.dma_semaphore, #tpu.memory_space<semaphore_mem>>)
      %dma_wait3A_578 = tpu.memref_slice %arg2[%add3A_282] : memref<16384xi32, #tpu.memory_space<hbm>> -> memref<16xi32, #tpu.memory_space<hbm>>
      %dma_wait3A_579 = tpu.memref_slice %arg2[%add3A_282] : memref<16384xi32, #tpu.memory_space<hbm>> -> memref<16xi32, #tpu.memory_space<hbm>>
      tpu.wait_dma2 semaphore(%run_scoped3A : memref<!tpu.dma_semaphore, #tpu.memory_space<semaphore_mem>>) src(%dma_wait3A_579 : memref<16xi32, #tpu.memory_space<hbm>>) dst(%arg11 : memref<16xi32, #tpu.memory_space<vmem>>)
      tpu.yield
    }) : () -> ()
    "tpu.region"() ({
      %run_scoped3A = tpu.sem_alloc : memref<!tpu.dma_semaphore, #tpu.memory_space<semaphore_mem>>
      %dma_start3A_576 = tpu.memref_slice %arg4[%add3A_282] : memref<16384xi32, #tpu.memory_space<hbm>> -> memref<16xi32, #tpu.memory_space<hbm>>
      %dma_start3A_577 = tpu.memref_slice %arg4[%add3A_282] : memref<16384xi32, #tpu.memory_space<hbm>> -> memref<16xi32, #tpu.memory_space<hbm>>
      tpu.enqueue_dma source(%dma_start3A_577 : memref<16xi32, #tpu.memory_space<hbm>>) target(%arg12 : memref<16xi32, #tpu.memory_space<vmem>>) target_semaphore(%run_scoped3A : memref<!tpu.dma_semaphore, #tpu.memory_space<semaphore_mem>>)
      %dma_wait3A_578 = tpu.memref_slice %arg4[%add3A_282] : memref<16384xi32, #tpu.memory_space<hbm>> -> memref<16xi32, #tpu.memory_space<hbm>>
      %dma_wait3A_579 = tpu.memref_slice %arg4[%add3A_282] : memref<16384xi32, #tpu.memory_space<hbm>> -> memref<16xi32, #tpu.memory_space<hbm>>
      tpu.wait_dma2 semaphore(%run_scoped3A : memref<!tpu.dma_semaphore, #tpu.memory_space<semaphore_mem>>) src(%dma_wait3A_579 : memref<16xi32, #tpu.memory_space<hbm>>) dst(%arg12 : memref<16xi32, #tpu.memory_space<vmem>>)
      tpu.yield
    }) : () -> ()
    %dma_start3A_283 = arith.constant 0 : i32
    %dma_start3A_284 = arith.constant 0 : i32
    %dma_start3A_285 = tpu.memref_slice %arg5[%dma_start3A_283, %dma_start3A_284] : memref<1000000x128xf32, #tpu.memory_space<hbm>> -> memref<1000000x128xf32, #tpu.memory_space<hbm>>
    tpu.enqueue_indirect_dma source(%dma_start3A_285 : memref<1000000x128xf32, #tpu.memory_space<hbm>>) target(%arg13 : memref<16x128xf32, #tpu.memory_space<vmem>>) offsets(%arg11 : memref<16xi32, #tpu.memory_space<vmem>>) semaphore(%arg24 : memref<!tpu.dma_semaphore, #tpu.memory_space<semaphore_mem>>)
    %dma_start3A_286 = arith.constant 0 : i32
    %dma_start3A_287 = arith.constant 0 : i32
    %dma_start3A_288 = tpu.memref_slice %arg5[%dma_start3A_286, %dma_start3A_287] : memref<1000000x128xf32, #tpu.memory_space<hbm>> -> memref<1000000x128xf32, #tpu.memory_space<hbm>>
    tpu.enqueue_indirect_dma source(%dma_start3A_288 : memref<1000000x128xf32, #tpu.memory_space<hbm>>) target(%arg14 : memref<16x128xf32, #tpu.memory_space<vmem>>) offsets(%arg12 : memref<16xi32, #tpu.memory_space<vmem>>) semaphore(%arg24 : memref<!tpu.dma_semaphore, #tpu.memory_space<semaphore_mem>>)
    %dma_wait3A_289 = arith.constant 0 : i32
    %dma_wait3A_290 = arith.constant 0 : i32
    %dma_wait3A_291 = tpu.memref_slice %arg5[%dma_wait3A_289, %dma_wait3A_290] : memref<1000000x128xf32, #tpu.memory_space<hbm>> -> memref<1000000x128xf32, #tpu.memory_space<hbm>>
    tpu.wait_indirect_dma semaphore(%arg24 : memref<!tpu.dma_semaphore, #tpu.memory_space<semaphore_mem>>) src(%dma_wait3A_291 : memref<1000000x128xf32, #tpu.memory_space<hbm>>) dst(%arg13 : memref<16x128xf32, #tpu.memory_space<vmem>>)
    %dma_wait3A_292 = arith.constant 0 : i32
    %dma_wait3A_293 = arith.constant 0 : i32
    %dma_wait3A_294 = tpu.memref_slice %arg5[%dma_wait3A_292, %dma_wait3A_293] : memref<1000000x128xf32, #tpu.memory_space<hbm>> -> memref<1000000x128xf32, #tpu.memory_space<hbm>>
    tpu.wait_indirect_dma semaphore(%arg24 : memref<!tpu.dma_semaphore, #tpu.memory_space<semaphore_mem>>) src(%dma_wait3A_294 : memref<1000000x128xf32, #tpu.memory_space<hbm>>) dst(%arg14 : memref<16x128xf32, #tpu.memory_space<vmem>>)
    "tpu.region"() ({
      %run_scoped3A = tpu.sem_alloc : memref<!tpu.dma_semaphore, #tpu.memory_space<semaphore_mem>>
      %dma_start3A_576 = arith.constant 0 : i32
      %dma_start3A_577 = tpu.memref_slice %arg8[%add3A_282, %dma_start3A_576] : memref<16384x128xf32, #tpu.memory_space<hbm>> -> memref<16x128xf32, #tpu.memory_space<hbm>>
      %dma_start3A_578 = arith.constant 0 : i32
      %dma_start3A_579 = tpu.memref_slice %arg8[%add3A_282, %dma_start3A_578] : memref<16384x128xf32, #tpu.memory_space<hbm>> -> memref<16x128xf32, #tpu.memory_space<hbm>>
      tpu.enqueue_dma source(%arg13 : memref<16x128xf32, #tpu.memory_space<vmem>>) target(%dma_start3A_579 : memref<16x128xf32, #tpu.memory_space<hbm>>) target_semaphore(%run_scoped3A : memref<!tpu.dma_semaphore, #tpu.memory_space<semaphore_mem>>)
      %dma_wait3A_580 = arith.constant 0 : i32
      %dma_wait3A_581 = tpu.memref_slice %arg8[%add3A_282, %dma_wait3A_580] : memref<16384x128xf32, #tpu.memory_space<hbm>> -> memref<16x128xf32, #tpu.memory_space<hbm>>
      %dma_wait3A_582 = arith.constant 0 : i32
      %dma_wait3A_583 = tpu.memref_slice %arg8[%add3A_282, %dma_wait3A_582] : memref<16384x128xf32, #tpu.memory_space<hbm>> -> memref<16x128xf32, #tpu.memory_space<hbm>>
      tpu.wait_dma2 semaphore(%run_scoped3A : memref<!tpu.dma_semaphore, #tpu.memory_space<semaphore_mem>>) src(%arg13 : memref<16x128xf32, #tpu.memory_space<vmem>>) dst(%dma_wait3A_583 : memref<16x128xf32, #tpu.memory_space<hbm>>)
      tpu.yield
    }) : () -> ()
    "tpu.region"() ({
      %run_scoped3A = tpu.sem_alloc : memref<!tpu.dma_semaphore, #tpu.memory_space<semaphore_mem>>
      %dma_start3A_576 = arith.constant 0 : i32
      %dma_start3A_577 = tpu.memref_slice %arg9[%add3A_282, %dma_start3A_576] : memref<16384x128xf32, #tpu.memory_space<hbm>> -> memref<16x128xf32, #tpu.memory_space<hbm>>
      %dma_start3A_578 = arith.constant 0 : i32
      %dma_start3A_579 = tpu.memref_slice %arg9[%add3A_282, %dma_start3A_578] : memref<16384x128xf32, #tpu.memory_space<hbm>> -> memref<16x128xf32, #tpu.memory_space<hbm>>
      tpu.enqueue_dma source(%arg14 : memref<16x128xf32, #tpu.memory_space<vmem>>) target(%dma_start3A_579 : memref<16x128xf32, #tpu.memory_space<hbm>>) target_semaphore(%run_scoped3A : memref<!tpu.dma_semaphore, #tpu.memory_space<semaphore_mem>>)
      %dma_wait3A_580 = arith.constant 0 : i32
      %dma_wait3A_581 = tpu.memref_slice %arg9[%add3A_282, %dma_wait3A_580] : memref<16384x128xf32, #tpu.memory_space<hbm>> -> memref<16x128xf32, #tpu.memory_space<hbm>>
      %dma_wait3A_582 = arith.constant 0 : i32
      %dma_wait3A_583 = tpu.memref_slice %arg9[%add3A_282, %dma_wait3A_582] : memref<16384x128xf32, #tpu.memory_space<hbm>> -> memref<16x128xf32, #tpu.memory_space<hbm>>
      tpu.wait_dma2 semaphore(%run_scoped3A : memref<!tpu.dma_semaphore, #tpu.memory_space<semaphore_mem>>) src(%arg14 : memref<16x128xf32, #tpu.memory_space<vmem>>) dst(%dma_wait3A_583 : memref<16x128xf32, #tpu.memory_space<hbm>>)
      tpu.yield
    }) : () -> ()
    %add3A_295 = arith.constant 336 : i32
    %add3A_296 = arith.addi %mul3A_2, %add3A_295 : i32
    "tpu.region"() ({
      %run_scoped3A = tpu.sem_alloc : memref<!tpu.dma_semaphore, #tpu.memory_space<semaphore_mem>>
      %dma_start3A_576 = tpu.memref_slice %arg2[%add3A_296] : memref<16384xi32, #tpu.memory_space<hbm>> -> memref<16xi32, #tpu.memory_space<hbm>>
      %dma_start3A_577 = tpu.memref_slice %arg2[%add3A_296] : memref<16384xi32, #tpu.memory_space<hbm>> -> memref<16xi32, #tpu.memory_space<hbm>>
      tpu.enqueue_dma source(%dma_start3A_577 : memref<16xi32, #tpu.memory_space<hbm>>) target(%arg11 : memref<16xi32, #tpu.memory_space<vmem>>) target_semaphore(%run_scoped3A : memref<!tpu.dma_semaphore, #tpu.memory_space<semaphore_mem>>)
      %dma_wait3A_578 = tpu.memref_slice %arg2[%add3A_296] : memref<16384xi32, #tpu.memory_space<hbm>> -> memref<16xi32, #tpu.memory_space<hbm>>
      %dma_wait3A_579 = tpu.memref_slice %arg2[%add3A_296] : memref<16384xi32, #tpu.memory_space<hbm>> -> memref<16xi32, #tpu.memory_space<hbm>>
      tpu.wait_dma2 semaphore(%run_scoped3A : memref<!tpu.dma_semaphore, #tpu.memory_space<semaphore_mem>>) src(%dma_wait3A_579 : memref<16xi32, #tpu.memory_space<hbm>>) dst(%arg11 : memref<16xi32, #tpu.memory_space<vmem>>)
      tpu.yield
    }) : () -> ()
    "tpu.region"() ({
      %run_scoped3A = tpu.sem_alloc : memref<!tpu.dma_semaphore, #tpu.memory_space<semaphore_mem>>
      %dma_start3A_576 = tpu.memref_slice %arg4[%add3A_296] : memref<16384xi32, #tpu.memory_space<hbm>> -> memref<16xi32, #tpu.memory_space<hbm>>
      %dma_start3A_577 = tpu.memref_slice %arg4[%add3A_296] : memref<16384xi32, #tpu.memory_space<hbm>> -> memref<16xi32, #tpu.memory_space<hbm>>
      tpu.enqueue_dma source(%dma_start3A_577 : memref<16xi32, #tpu.memory_space<hbm>>) target(%arg12 : memref<16xi32, #tpu.memory_space<vmem>>) target_semaphore(%run_scoped3A : memref<!tpu.dma_semaphore, #tpu.memory_space<semaphore_mem>>)
      %dma_wait3A_578 = tpu.memref_slice %arg4[%add3A_296] : memref<16384xi32, #tpu.memory_space<hbm>> -> memref<16xi32, #tpu.memory_space<hbm>>
      %dma_wait3A_579 = tpu.memref_slice %arg4[%add3A_296] : memref<16384xi32, #tpu.memory_space<hbm>> -> memref<16xi32, #tpu.memory_space<hbm>>
      tpu.wait_dma2 semaphore(%run_scoped3A : memref<!tpu.dma_semaphore, #tpu.memory_space<semaphore_mem>>) src(%dma_wait3A_579 : memref<16xi32, #tpu.memory_space<hbm>>) dst(%arg12 : memref<16xi32, #tpu.memory_space<vmem>>)
      tpu.yield
    }) : () -> ()
    %dma_start3A_297 = arith.constant 0 : i32
    %dma_start3A_298 = arith.constant 0 : i32
    %dma_start3A_299 = tpu.memref_slice %arg5[%dma_start3A_297, %dma_start3A_298] : memref<1000000x128xf32, #tpu.memory_space<hbm>> -> memref<1000000x128xf32, #tpu.memory_space<hbm>>
    tpu.enqueue_indirect_dma source(%dma_start3A_299 : memref<1000000x128xf32, #tpu.memory_space<hbm>>) target(%arg13 : memref<16x128xf32, #tpu.memory_space<vmem>>) offsets(%arg11 : memref<16xi32, #tpu.memory_space<vmem>>) semaphore(%arg24 : memref<!tpu.dma_semaphore, #tpu.memory_space<semaphore_mem>>)
    %dma_start3A_300 = arith.constant 0 : i32
    %dma_start3A_301 = arith.constant 0 : i32
    %dma_start3A_302 = tpu.memref_slice %arg5[%dma_start3A_300, %dma_start3A_301] : memref<1000000x128xf32, #tpu.memory_space<hbm>> -> memref<1000000x128xf32, #tpu.memory_space<hbm>>
    tpu.enqueue_indirect_dma source(%dma_start3A_302 : memref<1000000x128xf32, #tpu.memory_space<hbm>>) target(%arg14 : memref<16x128xf32, #tpu.memory_space<vmem>>) offsets(%arg12 : memref<16xi32, #tpu.memory_space<vmem>>) semaphore(%arg24 : memref<!tpu.dma_semaphore, #tpu.memory_space<semaphore_mem>>)
    %dma_wait3A_303 = arith.constant 0 : i32
    %dma_wait3A_304 = arith.constant 0 : i32
    %dma_wait3A_305 = tpu.memref_slice %arg5[%dma_wait3A_303, %dma_wait3A_304] : memref<1000000x128xf32, #tpu.memory_space<hbm>> -> memref<1000000x128xf32, #tpu.memory_space<hbm>>
    tpu.wait_indirect_dma semaphore(%arg24 : memref<!tpu.dma_semaphore, #tpu.memory_space<semaphore_mem>>) src(%dma_wait3A_305 : memref<1000000x128xf32, #tpu.memory_space<hbm>>) dst(%arg13 : memref<16x128xf32, #tpu.memory_space<vmem>>)
    %dma_wait3A_306 = arith.constant 0 : i32
    %dma_wait3A_307 = arith.constant 0 : i32
    %dma_wait3A_308 = tpu.memref_slice %arg5[%dma_wait3A_306, %dma_wait3A_307] : memref<1000000x128xf32, #tpu.memory_space<hbm>> -> memref<1000000x128xf32, #tpu.memory_space<hbm>>
    tpu.wait_indirect_dma semaphore(%arg24 : memref<!tpu.dma_semaphore, #tpu.memory_space<semaphore_mem>>) src(%dma_wait3A_308 : memref<1000000x128xf32, #tpu.memory_space<hbm>>) dst(%arg14 : memref<16x128xf32, #tpu.memory_space<vmem>>)
    "tpu.region"() ({
      %run_scoped3A = tpu.sem_alloc : memref<!tpu.dma_semaphore, #tpu.memory_space<semaphore_mem>>
      %dma_start3A_576 = arith.constant 0 : i32
      %dma_start3A_577 = tpu.memref_slice %arg8[%add3A_296, %dma_start3A_576] : memref<16384x128xf32, #tpu.memory_space<hbm>> -> memref<16x128xf32, #tpu.memory_space<hbm>>
      %dma_start3A_578 = arith.constant 0 : i32
      %dma_start3A_579 = tpu.memref_slice %arg8[%add3A_296, %dma_start3A_578] : memref<16384x128xf32, #tpu.memory_space<hbm>> -> memref<16x128xf32, #tpu.memory_space<hbm>>
      tpu.enqueue_dma source(%arg13 : memref<16x128xf32, #tpu.memory_space<vmem>>) target(%dma_start3A_579 : memref<16x128xf32, #tpu.memory_space<hbm>>) target_semaphore(%run_scoped3A : memref<!tpu.dma_semaphore, #tpu.memory_space<semaphore_mem>>)
      %dma_wait3A_580 = arith.constant 0 : i32
      %dma_wait3A_581 = tpu.memref_slice %arg8[%add3A_296, %dma_wait3A_580] : memref<16384x128xf32, #tpu.memory_space<hbm>> -> memref<16x128xf32, #tpu.memory_space<hbm>>
      %dma_wait3A_582 = arith.constant 0 : i32
      %dma_wait3A_583 = tpu.memref_slice %arg8[%add3A_296, %dma_wait3A_582] : memref<16384x128xf32, #tpu.memory_space<hbm>> -> memref<16x128xf32, #tpu.memory_space<hbm>>
      tpu.wait_dma2 semaphore(%run_scoped3A : memref<!tpu.dma_semaphore, #tpu.memory_space<semaphore_mem>>) src(%arg13 : memref<16x128xf32, #tpu.memory_space<vmem>>) dst(%dma_wait3A_583 : memref<16x128xf32, #tpu.memory_space<hbm>>)
      tpu.yield
    }) : () -> ()
    "tpu.region"() ({
      %run_scoped3A = tpu.sem_alloc : memref<!tpu.dma_semaphore, #tpu.memory_space<semaphore_mem>>
      %dma_start3A_576 = arith.constant 0 : i32
      %dma_start3A_577 = tpu.memref_slice %arg9[%add3A_296, %dma_start3A_576] : memref<16384x128xf32, #tpu.memory_space<hbm>> -> memref<16x128xf32, #tpu.memory_space<hbm>>
      %dma_start3A_578 = arith.constant 0 : i32
      %dma_start3A_579 = tpu.memref_slice %arg9[%add3A_296, %dma_start3A_578] : memref<16384x128xf32, #tpu.memory_space<hbm>> -> memref<16x128xf32, #tpu.memory_space<hbm>>
      tpu.enqueue_dma source(%arg14 : memref<16x128xf32, #tpu.memory_space<vmem>>) target(%dma_start3A_579 : memref<16x128xf32, #tpu.memory_space<hbm>>) target_semaphore(%run_scoped3A : memref<!tpu.dma_semaphore, #tpu.memory_space<semaphore_mem>>)
      %dma_wait3A_580 = arith.constant 0 : i32
      %dma_wait3A_581 = tpu.memref_slice %arg9[%add3A_296, %dma_wait3A_580] : memref<16384x128xf32, #tpu.memory_space<hbm>> -> memref<16x128xf32, #tpu.memory_space<hbm>>
      %dma_wait3A_582 = arith.constant 0 : i32
      %dma_wait3A_583 = tpu.memref_slice %arg9[%add3A_296, %dma_wait3A_582] : memref<16384x128xf32, #tpu.memory_space<hbm>> -> memref<16x128xf32, #tpu.memory_space<hbm>>
      tpu.wait_dma2 semaphore(%run_scoped3A : memref<!tpu.dma_semaphore, #tpu.memory_space<semaphore_mem>>) src(%arg14 : memref<16x128xf32, #tpu.memory_space<vmem>>) dst(%dma_wait3A_583 : memref<16x128xf32, #tpu.memory_space<hbm>>)
      tpu.yield
    }) : () -> ()
    %add3A_309 = arith.constant 352 : i32
    %add3A_310 = arith.addi %mul3A_2, %add3A_309 : i32
    "tpu.region"() ({
      %run_scoped3A = tpu.sem_alloc : memref<!tpu.dma_semaphore, #tpu.memory_space<semaphore_mem>>
      %dma_start3A_576 = tpu.memref_slice %arg2[%add3A_310] : memref<16384xi32, #tpu.memory_space<hbm>> -> memref<16xi32, #tpu.memory_space<hbm>>
      %dma_start3A_577 = tpu.memref_slice %arg2[%add3A_310] : memref<16384xi32, #tpu.memory_space<hbm>> -> memref<16xi32, #tpu.memory_space<hbm>>
      tpu.enqueue_dma source(%dma_start3A_577 : memref<16xi32, #tpu.memory_space<hbm>>) target(%arg11 : memref<16xi32, #tpu.memory_space<vmem>>) target_semaphore(%run_scoped3A : memref<!tpu.dma_semaphore, #tpu.memory_space<semaphore_mem>>)
      %dma_wait3A_578 = tpu.memref_slice %arg2[%add3A_310] : memref<16384xi32, #tpu.memory_space<hbm>> -> memref<16xi32, #tpu.memory_space<hbm>>
      %dma_wait3A_579 = tpu.memref_slice %arg2[%add3A_310] : memref<16384xi32, #tpu.memory_space<hbm>> -> memref<16xi32, #tpu.memory_space<hbm>>
      tpu.wait_dma2 semaphore(%run_scoped3A : memref<!tpu.dma_semaphore, #tpu.memory_space<semaphore_mem>>) src(%dma_wait3A_579 : memref<16xi32, #tpu.memory_space<hbm>>) dst(%arg11 : memref<16xi32, #tpu.memory_space<vmem>>)
      tpu.yield
    }) : () -> ()
    "tpu.region"() ({
      %run_scoped3A = tpu.sem_alloc : memref<!tpu.dma_semaphore, #tpu.memory_space<semaphore_mem>>
      %dma_start3A_576 = tpu.memref_slice %arg4[%add3A_310] : memref<16384xi32, #tpu.memory_space<hbm>> -> memref<16xi32, #tpu.memory_space<hbm>>
      %dma_start3A_577 = tpu.memref_slice %arg4[%add3A_310] : memref<16384xi32, #tpu.memory_space<hbm>> -> memref<16xi32, #tpu.memory_space<hbm>>
      tpu.enqueue_dma source(%dma_start3A_577 : memref<16xi32, #tpu.memory_space<hbm>>) target(%arg12 : memref<16xi32, #tpu.memory_space<vmem>>) target_semaphore(%run_scoped3A : memref<!tpu.dma_semaphore, #tpu.memory_space<semaphore_mem>>)
      %dma_wait3A_578 = tpu.memref_slice %arg4[%add3A_310] : memref<16384xi32, #tpu.memory_space<hbm>> -> memref<16xi32, #tpu.memory_space<hbm>>
      %dma_wait3A_579 = tpu.memref_slice %arg4[%add3A_310] : memref<16384xi32, #tpu.memory_space<hbm>> -> memref<16xi32, #tpu.memory_space<hbm>>
      tpu.wait_dma2 semaphore(%run_scoped3A : memref<!tpu.dma_semaphore, #tpu.memory_space<semaphore_mem>>) src(%dma_wait3A_579 : memref<16xi32, #tpu.memory_space<hbm>>) dst(%arg12 : memref<16xi32, #tpu.memory_space<vmem>>)
      tpu.yield
    }) : () -> ()
    %dma_start3A_311 = arith.constant 0 : i32
    %dma_start3A_312 = arith.constant 0 : i32
    %dma_start3A_313 = tpu.memref_slice %arg5[%dma_start3A_311, %dma_start3A_312] : memref<1000000x128xf32, #tpu.memory_space<hbm>> -> memref<1000000x128xf32, #tpu.memory_space<hbm>>
    tpu.enqueue_indirect_dma source(%dma_start3A_313 : memref<1000000x128xf32, #tpu.memory_space<hbm>>) target(%arg13 : memref<16x128xf32, #tpu.memory_space<vmem>>) offsets(%arg11 : memref<16xi32, #tpu.memory_space<vmem>>) semaphore(%arg24 : memref<!tpu.dma_semaphore, #tpu.memory_space<semaphore_mem>>)
    %dma_start3A_314 = arith.constant 0 : i32
    %dma_start3A_315 = arith.constant 0 : i32
    %dma_start3A_316 = tpu.memref_slice %arg5[%dma_start3A_314, %dma_start3A_315] : memref<1000000x128xf32, #tpu.memory_space<hbm>> -> memref<1000000x128xf32, #tpu.memory_space<hbm>>
    tpu.enqueue_indirect_dma source(%dma_start3A_316 : memref<1000000x128xf32, #tpu.memory_space<hbm>>) target(%arg14 : memref<16x128xf32, #tpu.memory_space<vmem>>) offsets(%arg12 : memref<16xi32, #tpu.memory_space<vmem>>) semaphore(%arg24 : memref<!tpu.dma_semaphore, #tpu.memory_space<semaphore_mem>>)
    %dma_wait3A_317 = arith.constant 0 : i32
    %dma_wait3A_318 = arith.constant 0 : i32
    %dma_wait3A_319 = tpu.memref_slice %arg5[%dma_wait3A_317, %dma_wait3A_318] : memref<1000000x128xf32, #tpu.memory_space<hbm>> -> memref<1000000x128xf32, #tpu.memory_space<hbm>>
    tpu.wait_indirect_dma semaphore(%arg24 : memref<!tpu.dma_semaphore, #tpu.memory_space<semaphore_mem>>) src(%dma_wait3A_319 : memref<1000000x128xf32, #tpu.memory_space<hbm>>) dst(%arg13 : memref<16x128xf32, #tpu.memory_space<vmem>>)
    %dma_wait3A_320 = arith.constant 0 : i32
    %dma_wait3A_321 = arith.constant 0 : i32
    %dma_wait3A_322 = tpu.memref_slice %arg5[%dma_wait3A_320, %dma_wait3A_321] : memref<1000000x128xf32, #tpu.memory_space<hbm>> -> memref<1000000x128xf32, #tpu.memory_space<hbm>>
    tpu.wait_indirect_dma semaphore(%arg24 : memref<!tpu.dma_semaphore, #tpu.memory_space<semaphore_mem>>) src(%dma_wait3A_322 : memref<1000000x128xf32, #tpu.memory_space<hbm>>) dst(%arg14 : memref<16x128xf32, #tpu.memory_space<vmem>>)
    "tpu.region"() ({
      %run_scoped3A = tpu.sem_alloc : memref<!tpu.dma_semaphore, #tpu.memory_space<semaphore_mem>>
      %dma_start3A_576 = arith.constant 0 : i32
      %dma_start3A_577 = tpu.memref_slice %arg8[%add3A_310, %dma_start3A_576] : memref<16384x128xf32, #tpu.memory_space<hbm>> -> memref<16x128xf32, #tpu.memory_space<hbm>>
      %dma_start3A_578 = arith.constant 0 : i32
      %dma_start3A_579 = tpu.memref_slice %arg8[%add3A_310, %dma_start3A_578] : memref<16384x128xf32, #tpu.memory_space<hbm>> -> memref<16x128xf32, #tpu.memory_space<hbm>>
      tpu.enqueue_dma source(%arg13 : memref<16x128xf32, #tpu.memory_space<vmem>>) target(%dma_start3A_579 : memref<16x128xf32, #tpu.memory_space<hbm>>) target_semaphore(%run_scoped3A : memref<!tpu.dma_semaphore, #tpu.memory_space<semaphore_mem>>)
      %dma_wait3A_580 = arith.constant 0 : i32
      %dma_wait3A_581 = tpu.memref_slice %arg8[%add3A_310, %dma_wait3A_580] : memref<16384x128xf32, #tpu.memory_space<hbm>> -> memref<16x128xf32, #tpu.memory_space<hbm>>
      %dma_wait3A_582 = arith.constant 0 : i32
      %dma_wait3A_583 = tpu.memref_slice %arg8[%add3A_310, %dma_wait3A_582] : memref<16384x128xf32, #tpu.memory_space<hbm>> -> memref<16x128xf32, #tpu.memory_space<hbm>>
      tpu.wait_dma2 semaphore(%run_scoped3A : memref<!tpu.dma_semaphore, #tpu.memory_space<semaphore_mem>>) src(%arg13 : memref<16x128xf32, #tpu.memory_space<vmem>>) dst(%dma_wait3A_583 : memref<16x128xf32, #tpu.memory_space<hbm>>)
      tpu.yield
    }) : () -> ()
    "tpu.region"() ({
      %run_scoped3A = tpu.sem_alloc : memref<!tpu.dma_semaphore, #tpu.memory_space<semaphore_mem>>
      %dma_start3A_576 = arith.constant 0 : i32
      %dma_start3A_577 = tpu.memref_slice %arg9[%add3A_310, %dma_start3A_576] : memref<16384x128xf32, #tpu.memory_space<hbm>> -> memref<16x128xf32, #tpu.memory_space<hbm>>
      %dma_start3A_578 = arith.constant 0 : i32
      %dma_start3A_579 = tpu.memref_slice %arg9[%add3A_310, %dma_start3A_578] : memref<16384x128xf32, #tpu.memory_space<hbm>> -> memref<16x128xf32, #tpu.memory_space<hbm>>
      tpu.enqueue_dma source(%arg14 : memref<16x128xf32, #tpu.memory_space<vmem>>) target(%dma_start3A_579 : memref<16x128xf32, #tpu.memory_space<hbm>>) target_semaphore(%run_scoped3A : memref<!tpu.dma_semaphore, #tpu.memory_space<semaphore_mem>>)
      %dma_wait3A_580 = arith.constant 0 : i32
      %dma_wait3A_581 = tpu.memref_slice %arg9[%add3A_310, %dma_wait3A_580] : memref<16384x128xf32, #tpu.memory_space<hbm>> -> memref<16x128xf32, #tpu.memory_space<hbm>>
      %dma_wait3A_582 = arith.constant 0 : i32
      %dma_wait3A_583 = tpu.memref_slice %arg9[%add3A_310, %dma_wait3A_582] : memref<16384x128xf32, #tpu.memory_space<hbm>> -> memref<16x128xf32, #tpu.memory_space<hbm>>
      tpu.wait_dma2 semaphore(%run_scoped3A : memref<!tpu.dma_semaphore, #tpu.memory_space<semaphore_mem>>) src(%arg14 : memref<16x128xf32, #tpu.memory_space<vmem>>) dst(%dma_wait3A_583 : memref<16x128xf32, #tpu.memory_space<hbm>>)
      tpu.yield
    }) : () -> ()
    %add3A_323 = arith.constant 368 : i32
    %add3A_324 = arith.addi %mul3A_2, %add3A_323 : i32
    "tpu.region"() ({
      %run_scoped3A = tpu.sem_alloc : memref<!tpu.dma_semaphore, #tpu.memory_space<semaphore_mem>>
      %dma_start3A_576 = tpu.memref_slice %arg2[%add3A_324] : memref<16384xi32, #tpu.memory_space<hbm>> -> memref<16xi32, #tpu.memory_space<hbm>>
      %dma_start3A_577 = tpu.memref_slice %arg2[%add3A_324] : memref<16384xi32, #tpu.memory_space<hbm>> -> memref<16xi32, #tpu.memory_space<hbm>>
      tpu.enqueue_dma source(%dma_start3A_577 : memref<16xi32, #tpu.memory_space<hbm>>) target(%arg11 : memref<16xi32, #tpu.memory_space<vmem>>) target_semaphore(%run_scoped3A : memref<!tpu.dma_semaphore, #tpu.memory_space<semaphore_mem>>)
      %dma_wait3A_578 = tpu.memref_slice %arg2[%add3A_324] : memref<16384xi32, #tpu.memory_space<hbm>> -> memref<16xi32, #tpu.memory_space<hbm>>
      %dma_wait3A_579 = tpu.memref_slice %arg2[%add3A_324] : memref<16384xi32, #tpu.memory_space<hbm>> -> memref<16xi32, #tpu.memory_space<hbm>>
      tpu.wait_dma2 semaphore(%run_scoped3A : memref<!tpu.dma_semaphore, #tpu.memory_space<semaphore_mem>>) src(%dma_wait3A_579 : memref<16xi32, #tpu.memory_space<hbm>>) dst(%arg11 : memref<16xi32, #tpu.memory_space<vmem>>)
      tpu.yield
    }) : () -> ()
    "tpu.region"() ({
      %run_scoped3A = tpu.sem_alloc : memref<!tpu.dma_semaphore, #tpu.memory_space<semaphore_mem>>
      %dma_start3A_576 = tpu.memref_slice %arg4[%add3A_324] : memref<16384xi32, #tpu.memory_space<hbm>> -> memref<16xi32, #tpu.memory_space<hbm>>
      %dma_start3A_577 = tpu.memref_slice %arg4[%add3A_324] : memref<16384xi32, #tpu.memory_space<hbm>> -> memref<16xi32, #tpu.memory_space<hbm>>
      tpu.enqueue_dma source(%dma_start3A_577 : memref<16xi32, #tpu.memory_space<hbm>>) target(%arg12 : memref<16xi32, #tpu.memory_space<vmem>>) target_semaphore(%run_scoped3A : memref<!tpu.dma_semaphore, #tpu.memory_space<semaphore_mem>>)
      %dma_wait3A_578 = tpu.memref_slice %arg4[%add3A_324] : memref<16384xi32, #tpu.memory_space<hbm>> -> memref<16xi32, #tpu.memory_space<hbm>>
      %dma_wait3A_579 = tpu.memref_slice %arg4[%add3A_324] : memref<16384xi32, #tpu.memory_space<hbm>> -> memref<16xi32, #tpu.memory_space<hbm>>
      tpu.wait_dma2 semaphore(%run_scoped3A : memref<!tpu.dma_semaphore, #tpu.memory_space<semaphore_mem>>) src(%dma_wait3A_579 : memref<16xi32, #tpu.memory_space<hbm>>) dst(%arg12 : memref<16xi32, #tpu.memory_space<vmem>>)
      tpu.yield
    }) : () -> ()
    %dma_start3A_325 = arith.constant 0 : i32
    %dma_start3A_326 = arith.constant 0 : i32
    %dma_start3A_327 = tpu.memref_slice %arg5[%dma_start3A_325, %dma_start3A_326] : memref<1000000x128xf32, #tpu.memory_space<hbm>> -> memref<1000000x128xf32, #tpu.memory_space<hbm>>
    tpu.enqueue_indirect_dma source(%dma_start3A_327 : memref<1000000x128xf32, #tpu.memory_space<hbm>>) target(%arg13 : memref<16x128xf32, #tpu.memory_space<vmem>>) offsets(%arg11 : memref<16xi32, #tpu.memory_space<vmem>>) semaphore(%arg24 : memref<!tpu.dma_semaphore, #tpu.memory_space<semaphore_mem>>)
    %dma_start3A_328 = arith.constant 0 : i32
    %dma_start3A_329 = arith.constant 0 : i32
    %dma_start3A_330 = tpu.memref_slice %arg5[%dma_start3A_328, %dma_start3A_329] : memref<1000000x128xf32, #tpu.memory_space<hbm>> -> memref<1000000x128xf32, #tpu.memory_space<hbm>>
    tpu.enqueue_indirect_dma source(%dma_start3A_330 : memref<1000000x128xf32, #tpu.memory_space<hbm>>) target(%arg14 : memref<16x128xf32, #tpu.memory_space<vmem>>) offsets(%arg12 : memref<16xi32, #tpu.memory_space<vmem>>) semaphore(%arg24 : memref<!tpu.dma_semaphore, #tpu.memory_space<semaphore_mem>>)
    %dma_wait3A_331 = arith.constant 0 : i32
    %dma_wait3A_332 = arith.constant 0 : i32
    %dma_wait3A_333 = tpu.memref_slice %arg5[%dma_wait3A_331, %dma_wait3A_332] : memref<1000000x128xf32, #tpu.memory_space<hbm>> -> memref<1000000x128xf32, #tpu.memory_space<hbm>>
    tpu.wait_indirect_dma semaphore(%arg24 : memref<!tpu.dma_semaphore, #tpu.memory_space<semaphore_mem>>) src(%dma_wait3A_333 : memref<1000000x128xf32, #tpu.memory_space<hbm>>) dst(%arg13 : memref<16x128xf32, #tpu.memory_space<vmem>>)
    %dma_wait3A_334 = arith.constant 0 : i32
    %dma_wait3A_335 = arith.constant 0 : i32
    %dma_wait3A_336 = tpu.memref_slice %arg5[%dma_wait3A_334, %dma_wait3A_335] : memref<1000000x128xf32, #tpu.memory_space<hbm>> -> memref<1000000x128xf32, #tpu.memory_space<hbm>>
    tpu.wait_indirect_dma semaphore(%arg24 : memref<!tpu.dma_semaphore, #tpu.memory_space<semaphore_mem>>) src(%dma_wait3A_336 : memref<1000000x128xf32, #tpu.memory_space<hbm>>) dst(%arg14 : memref<16x128xf32, #tpu.memory_space<vmem>>)
    "tpu.region"() ({
      %run_scoped3A = tpu.sem_alloc : memref<!tpu.dma_semaphore, #tpu.memory_space<semaphore_mem>>
      %dma_start3A_576 = arith.constant 0 : i32
      %dma_start3A_577 = tpu.memref_slice %arg8[%add3A_324, %dma_start3A_576] : memref<16384x128xf32, #tpu.memory_space<hbm>> -> memref<16x128xf32, #tpu.memory_space<hbm>>
      %dma_start3A_578 = arith.constant 0 : i32
      %dma_start3A_579 = tpu.memref_slice %arg8[%add3A_324, %dma_start3A_578] : memref<16384x128xf32, #tpu.memory_space<hbm>> -> memref<16x128xf32, #tpu.memory_space<hbm>>
      tpu.enqueue_dma source(%arg13 : memref<16x128xf32, #tpu.memory_space<vmem>>) target(%dma_start3A_579 : memref<16x128xf32, #tpu.memory_space<hbm>>) target_semaphore(%run_scoped3A : memref<!tpu.dma_semaphore, #tpu.memory_space<semaphore_mem>>)
      %dma_wait3A_580 = arith.constant 0 : i32
      %dma_wait3A_581 = tpu.memref_slice %arg8[%add3A_324, %dma_wait3A_580] : memref<16384x128xf32, #tpu.memory_space<hbm>> -> memref<16x128xf32, #tpu.memory_space<hbm>>
      %dma_wait3A_582 = arith.constant 0 : i32
      %dma_wait3A_583 = tpu.memref_slice %arg8[%add3A_324, %dma_wait3A_582] : memref<16384x128xf32, #tpu.memory_space<hbm>> -> memref<16x128xf32, #tpu.memory_space<hbm>>
      tpu.wait_dma2 semaphore(%run_scoped3A : memref<!tpu.dma_semaphore, #tpu.memory_space<semaphore_mem>>) src(%arg13 : memref<16x128xf32, #tpu.memory_space<vmem>>) dst(%dma_wait3A_583 : memref<16x128xf32, #tpu.memory_space<hbm>>)
      tpu.yield
    }) : () -> ()
    "tpu.region"() ({
      %run_scoped3A = tpu.sem_alloc : memref<!tpu.dma_semaphore, #tpu.memory_space<semaphore_mem>>
      %dma_start3A_576 = arith.constant 0 : i32
      %dma_start3A_577 = tpu.memref_slice %arg9[%add3A_324, %dma_start3A_576] : memref<16384x128xf32, #tpu.memory_space<hbm>> -> memref<16x128xf32, #tpu.memory_space<hbm>>
      %dma_start3A_578 = arith.constant 0 : i32
      %dma_start3A_579 = tpu.memref_slice %arg9[%add3A_324, %dma_start3A_578] : memref<16384x128xf32, #tpu.memory_space<hbm>> -> memref<16x128xf32, #tpu.memory_space<hbm>>
      tpu.enqueue_dma source(%arg14 : memref<16x128xf32, #tpu.memory_space<vmem>>) target(%dma_start3A_579 : memref<16x128xf32, #tpu.memory_space<hbm>>) target_semaphore(%run_scoped3A : memref<!tpu.dma_semaphore, #tpu.memory_space<semaphore_mem>>)
      %dma_wait3A_580 = arith.constant 0 : i32
      %dma_wait3A_581 = tpu.memref_slice %arg9[%add3A_324, %dma_wait3A_580] : memref<16384x128xf32, #tpu.memory_space<hbm>> -> memref<16x128xf32, #tpu.memory_space<hbm>>
      %dma_wait3A_582 = arith.constant 0 : i32
      %dma_wait3A_583 = tpu.memref_slice %arg9[%add3A_324, %dma_wait3A_582] : memref<16384x128xf32, #tpu.memory_space<hbm>> -> memref<16x128xf32, #tpu.memory_space<hbm>>
      tpu.wait_dma2 semaphore(%run_scoped3A : memref<!tpu.dma_semaphore, #tpu.memory_space<semaphore_mem>>) src(%arg14 : memref<16x128xf32, #tpu.memory_space<vmem>>) dst(%dma_wait3A_583 : memref<16x128xf32, #tpu.memory_space<hbm>>)
      tpu.yield
    }) : () -> ()
    %add3A_337 = arith.constant 384 : i32
    %add3A_338 = arith.addi %mul3A_2, %add3A_337 : i32
    "tpu.region"() ({
      %run_scoped3A = tpu.sem_alloc : memref<!tpu.dma_semaphore, #tpu.memory_space<semaphore_mem>>
      %dma_start3A_576 = tpu.memref_slice %arg2[%add3A_338] : memref<16384xi32, #tpu.memory_space<hbm>> -> memref<16xi32, #tpu.memory_space<hbm>>
      %dma_start3A_577 = tpu.memref_slice %arg2[%add3A_338] : memref<16384xi32, #tpu.memory_space<hbm>> -> memref<16xi32, #tpu.memory_space<hbm>>
      tpu.enqueue_dma source(%dma_start3A_577 : memref<16xi32, #tpu.memory_space<hbm>>) target(%arg11 : memref<16xi32, #tpu.memory_space<vmem>>) target_semaphore(%run_scoped3A : memref<!tpu.dma_semaphore, #tpu.memory_space<semaphore_mem>>)
      %dma_wait3A_578 = tpu.memref_slice %arg2[%add3A_338] : memref<16384xi32, #tpu.memory_space<hbm>> -> memref<16xi32, #tpu.memory_space<hbm>>
      %dma_wait3A_579 = tpu.memref_slice %arg2[%add3A_338] : memref<16384xi32, #tpu.memory_space<hbm>> -> memref<16xi32, #tpu.memory_space<hbm>>
      tpu.wait_dma2 semaphore(%run_scoped3A : memref<!tpu.dma_semaphore, #tpu.memory_space<semaphore_mem>>) src(%dma_wait3A_579 : memref<16xi32, #tpu.memory_space<hbm>>) dst(%arg11 : memref<16xi32, #tpu.memory_space<vmem>>)
      tpu.yield
    }) : () -> ()
    "tpu.region"() ({
      %run_scoped3A = tpu.sem_alloc : memref<!tpu.dma_semaphore, #tpu.memory_space<semaphore_mem>>
      %dma_start3A_576 = tpu.memref_slice %arg4[%add3A_338] : memref<16384xi32, #tpu.memory_space<hbm>> -> memref<16xi32, #tpu.memory_space<hbm>>
      %dma_start3A_577 = tpu.memref_slice %arg4[%add3A_338] : memref<16384xi32, #tpu.memory_space<hbm>> -> memref<16xi32, #tpu.memory_space<hbm>>
      tpu.enqueue_dma source(%dma_start3A_577 : memref<16xi32, #tpu.memory_space<hbm>>) target(%arg12 : memref<16xi32, #tpu.memory_space<vmem>>) target_semaphore(%run_scoped3A : memref<!tpu.dma_semaphore, #tpu.memory_space<semaphore_mem>>)
      %dma_wait3A_578 = tpu.memref_slice %arg4[%add3A_338] : memref<16384xi32, #tpu.memory_space<hbm>> -> memref<16xi32, #tpu.memory_space<hbm>>
      %dma_wait3A_579 = tpu.memref_slice %arg4[%add3A_338] : memref<16384xi32, #tpu.memory_space<hbm>> -> memref<16xi32, #tpu.memory_space<hbm>>
      tpu.wait_dma2 semaphore(%run_scoped3A : memref<!tpu.dma_semaphore, #tpu.memory_space<semaphore_mem>>) src(%dma_wait3A_579 : memref<16xi32, #tpu.memory_space<hbm>>) dst(%arg12 : memref<16xi32, #tpu.memory_space<vmem>>)
      tpu.yield
    }) : () -> ()
    %dma_start3A_339 = arith.constant 0 : i32
    %dma_start3A_340 = arith.constant 0 : i32
    %dma_start3A_341 = tpu.memref_slice %arg5[%dma_start3A_339, %dma_start3A_340] : memref<1000000x128xf32, #tpu.memory_space<hbm>> -> memref<1000000x128xf32, #tpu.memory_space<hbm>>
    tpu.enqueue_indirect_dma source(%dma_start3A_341 : memref<1000000x128xf32, #tpu.memory_space<hbm>>) target(%arg13 : memref<16x128xf32, #tpu.memory_space<vmem>>) offsets(%arg11 : memref<16xi32, #tpu.memory_space<vmem>>) semaphore(%arg24 : memref<!tpu.dma_semaphore, #tpu.memory_space<semaphore_mem>>)
    %dma_start3A_342 = arith.constant 0 : i32
    %dma_start3A_343 = arith.constant 0 : i32
    %dma_start3A_344 = tpu.memref_slice %arg5[%dma_start3A_342, %dma_start3A_343] : memref<1000000x128xf32, #tpu.memory_space<hbm>> -> memref<1000000x128xf32, #tpu.memory_space<hbm>>
    tpu.enqueue_indirect_dma source(%dma_start3A_344 : memref<1000000x128xf32, #tpu.memory_space<hbm>>) target(%arg14 : memref<16x128xf32, #tpu.memory_space<vmem>>) offsets(%arg12 : memref<16xi32, #tpu.memory_space<vmem>>) semaphore(%arg24 : memref<!tpu.dma_semaphore, #tpu.memory_space<semaphore_mem>>)
    %dma_wait3A_345 = arith.constant 0 : i32
    %dma_wait3A_346 = arith.constant 0 : i32
    %dma_wait3A_347 = tpu.memref_slice %arg5[%dma_wait3A_345, %dma_wait3A_346] : memref<1000000x128xf32, #tpu.memory_space<hbm>> -> memref<1000000x128xf32, #tpu.memory_space<hbm>>
    tpu.wait_indirect_dma semaphore(%arg24 : memref<!tpu.dma_semaphore, #tpu.memory_space<semaphore_mem>>) src(%dma_wait3A_347 : memref<1000000x128xf32, #tpu.memory_space<hbm>>) dst(%arg13 : memref<16x128xf32, #tpu.memory_space<vmem>>)
    %dma_wait3A_348 = arith.constant 0 : i32
    %dma_wait3A_349 = arith.constant 0 : i32
    %dma_wait3A_350 = tpu.memref_slice %arg5[%dma_wait3A_348, %dma_wait3A_349] : memref<1000000x128xf32, #tpu.memory_space<hbm>> -> memref<1000000x128xf32, #tpu.memory_space<hbm>>
    tpu.wait_indirect_dma semaphore(%arg24 : memref<!tpu.dma_semaphore, #tpu.memory_space<semaphore_mem>>) src(%dma_wait3A_350 : memref<1000000x128xf32, #tpu.memory_space<hbm>>) dst(%arg14 : memref<16x128xf32, #tpu.memory_space<vmem>>)
    "tpu.region"() ({
      %run_scoped3A = tpu.sem_alloc : memref<!tpu.dma_semaphore, #tpu.memory_space<semaphore_mem>>
      %dma_start3A_576 = arith.constant 0 : i32
      %dma_start3A_577 = tpu.memref_slice %arg8[%add3A_338, %dma_start3A_576] : memref<16384x128xf32, #tpu.memory_space<hbm>> -> memref<16x128xf32, #tpu.memory_space<hbm>>
      %dma_start3A_578 = arith.constant 0 : i32
      %dma_start3A_579 = tpu.memref_slice %arg8[%add3A_338, %dma_start3A_578] : memref<16384x128xf32, #tpu.memory_space<hbm>> -> memref<16x128xf32, #tpu.memory_space<hbm>>
      tpu.enqueue_dma source(%arg13 : memref<16x128xf32, #tpu.memory_space<vmem>>) target(%dma_start3A_579 : memref<16x128xf32, #tpu.memory_space<hbm>>) target_semaphore(%run_scoped3A : memref<!tpu.dma_semaphore, #tpu.memory_space<semaphore_mem>>)
      %dma_wait3A_580 = arith.constant 0 : i32
      %dma_wait3A_581 = tpu.memref_slice %arg8[%add3A_338, %dma_wait3A_580] : memref<16384x128xf32, #tpu.memory_space<hbm>> -> memref<16x128xf32, #tpu.memory_space<hbm>>
      %dma_wait3A_582 = arith.constant 0 : i32
      %dma_wait3A_583 = tpu.memref_slice %arg8[%add3A_338, %dma_wait3A_582] : memref<16384x128xf32, #tpu.memory_space<hbm>> -> memref<16x128xf32, #tpu.memory_space<hbm>>
      tpu.wait_dma2 semaphore(%run_scoped3A : memref<!tpu.dma_semaphore, #tpu.memory_space<semaphore_mem>>) src(%arg13 : memref<16x128xf32, #tpu.memory_space<vmem>>) dst(%dma_wait3A_583 : memref<16x128xf32, #tpu.memory_space<hbm>>)
      tpu.yield
    }) : () -> ()
    "tpu.region"() ({
      %run_scoped3A = tpu.sem_alloc : memref<!tpu.dma_semaphore, #tpu.memory_space<semaphore_mem>>
      %dma_start3A_576 = arith.constant 0 : i32
      %dma_start3A_577 = tpu.memref_slice %arg9[%add3A_338, %dma_start3A_576] : memref<16384x128xf32, #tpu.memory_space<hbm>> -> memref<16x128xf32, #tpu.memory_space<hbm>>
      %dma_start3A_578 = arith.constant 0 : i32
      %dma_start3A_579 = tpu.memref_slice %arg9[%add3A_338, %dma_start3A_578] : memref<16384x128xf32, #tpu.memory_space<hbm>> -> memref<16x128xf32, #tpu.memory_space<hbm>>
      tpu.enqueue_dma source(%arg14 : memref<16x128xf32, #tpu.memory_space<vmem>>) target(%dma_start3A_579 : memref<16x128xf32, #tpu.memory_space<hbm>>) target_semaphore(%run_scoped3A : memref<!tpu.dma_semaphore, #tpu.memory_space<semaphore_mem>>)
      %dma_wait3A_580 = arith.constant 0 : i32
      %dma_wait3A_581 = tpu.memref_slice %arg9[%add3A_338, %dma_wait3A_580] : memref<16384x128xf32, #tpu.memory_space<hbm>> -> memref<16x128xf32, #tpu.memory_space<hbm>>
      %dma_wait3A_582 = arith.constant 0 : i32
      %dma_wait3A_583 = tpu.memref_slice %arg9[%add3A_338, %dma_wait3A_582] : memref<16384x128xf32, #tpu.memory_space<hbm>> -> memref<16x128xf32, #tpu.memory_space<hbm>>
      tpu.wait_dma2 semaphore(%run_scoped3A : memref<!tpu.dma_semaphore, #tpu.memory_space<semaphore_mem>>) src(%arg14 : memref<16x128xf32, #tpu.memory_space<vmem>>) dst(%dma_wait3A_583 : memref<16x128xf32, #tpu.memory_space<hbm>>)
      tpu.yield
    }) : () -> ()
    %add3A_351 = arith.constant 400 : i32
    %add3A_352 = arith.addi %mul3A_2, %add3A_351 : i32
    "tpu.region"() ({
      %run_scoped3A = tpu.sem_alloc : memref<!tpu.dma_semaphore, #tpu.memory_space<semaphore_mem>>
      %dma_start3A_576 = tpu.memref_slice %arg2[%add3A_352] : memref<16384xi32, #tpu.memory_space<hbm>> -> memref<16xi32, #tpu.memory_space<hbm>>
      %dma_start3A_577 = tpu.memref_slice %arg2[%add3A_352] : memref<16384xi32, #tpu.memory_space<hbm>> -> memref<16xi32, #tpu.memory_space<hbm>>
      tpu.enqueue_dma source(%dma_start3A_577 : memref<16xi32, #tpu.memory_space<hbm>>) target(%arg11 : memref<16xi32, #tpu.memory_space<vmem>>) target_semaphore(%run_scoped3A : memref<!tpu.dma_semaphore, #tpu.memory_space<semaphore_mem>>)
      %dma_wait3A_578 = tpu.memref_slice %arg2[%add3A_352] : memref<16384xi32, #tpu.memory_space<hbm>> -> memref<16xi32, #tpu.memory_space<hbm>>
      %dma_wait3A_579 = tpu.memref_slice %arg2[%add3A_352] : memref<16384xi32, #tpu.memory_space<hbm>> -> memref<16xi32, #tpu.memory_space<hbm>>
      tpu.wait_dma2 semaphore(%run_scoped3A : memref<!tpu.dma_semaphore, #tpu.memory_space<semaphore_mem>>) src(%dma_wait3A_579 : memref<16xi32, #tpu.memory_space<hbm>>) dst(%arg11 : memref<16xi32, #tpu.memory_space<vmem>>)
      tpu.yield
    }) : () -> ()
    "tpu.region"() ({
      %run_scoped3A = tpu.sem_alloc : memref<!tpu.dma_semaphore, #tpu.memory_space<semaphore_mem>>
      %dma_start3A_576 = tpu.memref_slice %arg4[%add3A_352] : memref<16384xi32, #tpu.memory_space<hbm>> -> memref<16xi32, #tpu.memory_space<hbm>>
      %dma_start3A_577 = tpu.memref_slice %arg4[%add3A_352] : memref<16384xi32, #tpu.memory_space<hbm>> -> memref<16xi32, #tpu.memory_space<hbm>>
      tpu.enqueue_dma source(%dma_start3A_577 : memref<16xi32, #tpu.memory_space<hbm>>) target(%arg12 : memref<16xi32, #tpu.memory_space<vmem>>) target_semaphore(%run_scoped3A : memref<!tpu.dma_semaphore, #tpu.memory_space<semaphore_mem>>)
      %dma_wait3A_578 = tpu.memref_slice %arg4[%add3A_352] : memref<16384xi32, #tpu.memory_space<hbm>> -> memref<16xi32, #tpu.memory_space<hbm>>
      %dma_wait3A_579 = tpu.memref_slice %arg4[%add3A_352] : memref<16384xi32, #tpu.memory_space<hbm>> -> memref<16xi32, #tpu.memory_space<hbm>>
      tpu.wait_dma2 semaphore(%run_scoped3A : memref<!tpu.dma_semaphore, #tpu.memory_space<semaphore_mem>>) src(%dma_wait3A_579 : memref<16xi32, #tpu.memory_space<hbm>>) dst(%arg12 : memref<16xi32, #tpu.memory_space<vmem>>)
      tpu.yield
    }) : () -> ()
    %dma_start3A_353 = arith.constant 0 : i32
    %dma_start3A_354 = arith.constant 0 : i32
    %dma_start3A_355 = tpu.memref_slice %arg5[%dma_start3A_353, %dma_start3A_354] : memref<1000000x128xf32, #tpu.memory_space<hbm>> -> memref<1000000x128xf32, #tpu.memory_space<hbm>>
    tpu.enqueue_indirect_dma source(%dma_start3A_355 : memref<1000000x128xf32, #tpu.memory_space<hbm>>) target(%arg13 : memref<16x128xf32, #tpu.memory_space<vmem>>) offsets(%arg11 : memref<16xi32, #tpu.memory_space<vmem>>) semaphore(%arg24 : memref<!tpu.dma_semaphore, #tpu.memory_space<semaphore_mem>>)
    %dma_start3A_356 = arith.constant 0 : i32
    %dma_start3A_357 = arith.constant 0 : i32
    %dma_start3A_358 = tpu.memref_slice %arg5[%dma_start3A_356, %dma_start3A_357] : memref<1000000x128xf32, #tpu.memory_space<hbm>> -> memref<1000000x128xf32, #tpu.memory_space<hbm>>
    tpu.enqueue_indirect_dma source(%dma_start3A_358 : memref<1000000x128xf32, #tpu.memory_space<hbm>>) target(%arg14 : memref<16x128xf32, #tpu.memory_space<vmem>>) offsets(%arg12 : memref<16xi32, #tpu.memory_space<vmem>>) semaphore(%arg24 : memref<!tpu.dma_semaphore, #tpu.memory_space<semaphore_mem>>)
    %dma_wait3A_359 = arith.constant 0 : i32
    %dma_wait3A_360 = arith.constant 0 : i32
    %dma_wait3A_361 = tpu.memref_slice %arg5[%dma_wait3A_359, %dma_wait3A_360] : memref<1000000x128xf32, #tpu.memory_space<hbm>> -> memref<1000000x128xf32, #tpu.memory_space<hbm>>
    tpu.wait_indirect_dma semaphore(%arg24 : memref<!tpu.dma_semaphore, #tpu.memory_space<semaphore_mem>>) src(%dma_wait3A_361 : memref<1000000x128xf32, #tpu.memory_space<hbm>>) dst(%arg13 : memref<16x128xf32, #tpu.memory_space<vmem>>)
    %dma_wait3A_362 = arith.constant 0 : i32
    %dma_wait3A_363 = arith.constant 0 : i32
    %dma_wait3A_364 = tpu.memref_slice %arg5[%dma_wait3A_362, %dma_wait3A_363] : memref<1000000x128xf32, #tpu.memory_space<hbm>> -> memref<1000000x128xf32, #tpu.memory_space<hbm>>
    tpu.wait_indirect_dma semaphore(%arg24 : memref<!tpu.dma_semaphore, #tpu.memory_space<semaphore_mem>>) src(%dma_wait3A_364 : memref<1000000x128xf32, #tpu.memory_space<hbm>>) dst(%arg14 : memref<16x128xf32, #tpu.memory_space<vmem>>)
    "tpu.region"() ({
      %run_scoped3A = tpu.sem_alloc : memref<!tpu.dma_semaphore, #tpu.memory_space<semaphore_mem>>
      %dma_start3A_576 = arith.constant 0 : i32
      %dma_start3A_577 = tpu.memref_slice %arg8[%add3A_352, %dma_start3A_576] : memref<16384x128xf32, #tpu.memory_space<hbm>> -> memref<16x128xf32, #tpu.memory_space<hbm>>
      %dma_start3A_578 = arith.constant 0 : i32
      %dma_start3A_579 = tpu.memref_slice %arg8[%add3A_352, %dma_start3A_578] : memref<16384x128xf32, #tpu.memory_space<hbm>> -> memref<16x128xf32, #tpu.memory_space<hbm>>
      tpu.enqueue_dma source(%arg13 : memref<16x128xf32, #tpu.memory_space<vmem>>) target(%dma_start3A_579 : memref<16x128xf32, #tpu.memory_space<hbm>>) target_semaphore(%run_scoped3A : memref<!tpu.dma_semaphore, #tpu.memory_space<semaphore_mem>>)
      %dma_wait3A_580 = arith.constant 0 : i32
      %dma_wait3A_581 = tpu.memref_slice %arg8[%add3A_352, %dma_wait3A_580] : memref<16384x128xf32, #tpu.memory_space<hbm>> -> memref<16x128xf32, #tpu.memory_space<hbm>>
      %dma_wait3A_582 = arith.constant 0 : i32
      %dma_wait3A_583 = tpu.memref_slice %arg8[%add3A_352, %dma_wait3A_582] : memref<16384x128xf32, #tpu.memory_space<hbm>> -> memref<16x128xf32, #tpu.memory_space<hbm>>
      tpu.wait_dma2 semaphore(%run_scoped3A : memref<!tpu.dma_semaphore, #tpu.memory_space<semaphore_mem>>) src(%arg13 : memref<16x128xf32, #tpu.memory_space<vmem>>) dst(%dma_wait3A_583 : memref<16x128xf32, #tpu.memory_space<hbm>>)
      tpu.yield
    }) : () -> ()
    "tpu.region"() ({
      %run_scoped3A = tpu.sem_alloc : memref<!tpu.dma_semaphore, #tpu.memory_space<semaphore_mem>>
      %dma_start3A_576 = arith.constant 0 : i32
      %dma_start3A_577 = tpu.memref_slice %arg9[%add3A_352, %dma_start3A_576] : memref<16384x128xf32, #tpu.memory_space<hbm>> -> memref<16x128xf32, #tpu.memory_space<hbm>>
      %dma_start3A_578 = arith.constant 0 : i32
      %dma_start3A_579 = tpu.memref_slice %arg9[%add3A_352, %dma_start3A_578] : memref<16384x128xf32, #tpu.memory_space<hbm>> -> memref<16x128xf32, #tpu.memory_space<hbm>>
      tpu.enqueue_dma source(%arg14 : memref<16x128xf32, #tpu.memory_space<vmem>>) target(%dma_start3A_579 : memref<16x128xf32, #tpu.memory_space<hbm>>) target_semaphore(%run_scoped3A : memref<!tpu.dma_semaphore, #tpu.memory_space<semaphore_mem>>)
      %dma_wait3A_580 = arith.constant 0 : i32
      %dma_wait3A_581 = tpu.memref_slice %arg9[%add3A_352, %dma_wait3A_580] : memref<16384x128xf32, #tpu.memory_space<hbm>> -> memref<16x128xf32, #tpu.memory_space<hbm>>
      %dma_wait3A_582 = arith.constant 0 : i32
      %dma_wait3A_583 = tpu.memref_slice %arg9[%add3A_352, %dma_wait3A_582] : memref<16384x128xf32, #tpu.memory_space<hbm>> -> memref<16x128xf32, #tpu.memory_space<hbm>>
      tpu.wait_dma2 semaphore(%run_scoped3A : memref<!tpu.dma_semaphore, #tpu.memory_space<semaphore_mem>>) src(%arg14 : memref<16x128xf32, #tpu.memory_space<vmem>>) dst(%dma_wait3A_583 : memref<16x128xf32, #tpu.memory_space<hbm>>)
      tpu.yield
    }) : () -> ()
    %add3A_365 = arith.constant 416 : i32
    %add3A_366 = arith.addi %mul3A_2, %add3A_365 : i32
    "tpu.region"() ({
      %run_scoped3A = tpu.sem_alloc : memref<!tpu.dma_semaphore, #tpu.memory_space<semaphore_mem>>
      %dma_start3A_576 = tpu.memref_slice %arg2[%add3A_366] : memref<16384xi32, #tpu.memory_space<hbm>> -> memref<16xi32, #tpu.memory_space<hbm>>
      %dma_start3A_577 = tpu.memref_slice %arg2[%add3A_366] : memref<16384xi32, #tpu.memory_space<hbm>> -> memref<16xi32, #tpu.memory_space<hbm>>
      tpu.enqueue_dma source(%dma_start3A_577 : memref<16xi32, #tpu.memory_space<hbm>>) target(%arg11 : memref<16xi32, #tpu.memory_space<vmem>>) target_semaphore(%run_scoped3A : memref<!tpu.dma_semaphore, #tpu.memory_space<semaphore_mem>>)
      %dma_wait3A_578 = tpu.memref_slice %arg2[%add3A_366] : memref<16384xi32, #tpu.memory_space<hbm>> -> memref<16xi32, #tpu.memory_space<hbm>>
      %dma_wait3A_579 = tpu.memref_slice %arg2[%add3A_366] : memref<16384xi32, #tpu.memory_space<hbm>> -> memref<16xi32, #tpu.memory_space<hbm>>
      tpu.wait_dma2 semaphore(%run_scoped3A : memref<!tpu.dma_semaphore, #tpu.memory_space<semaphore_mem>>) src(%dma_wait3A_579 : memref<16xi32, #tpu.memory_space<hbm>>) dst(%arg11 : memref<16xi32, #tpu.memory_space<vmem>>)
      tpu.yield
    }) : () -> ()
    "tpu.region"() ({
      %run_scoped3A = tpu.sem_alloc : memref<!tpu.dma_semaphore, #tpu.memory_space<semaphore_mem>>
      %dma_start3A_576 = tpu.memref_slice %arg4[%add3A_366] : memref<16384xi32, #tpu.memory_space<hbm>> -> memref<16xi32, #tpu.memory_space<hbm>>
      %dma_start3A_577 = tpu.memref_slice %arg4[%add3A_366] : memref<16384xi32, #tpu.memory_space<hbm>> -> memref<16xi32, #tpu.memory_space<hbm>>
      tpu.enqueue_dma source(%dma_start3A_577 : memref<16xi32, #tpu.memory_space<hbm>>) target(%arg12 : memref<16xi32, #tpu.memory_space<vmem>>) target_semaphore(%run_scoped3A : memref<!tpu.dma_semaphore, #tpu.memory_space<semaphore_mem>>)
      %dma_wait3A_578 = tpu.memref_slice %arg4[%add3A_366] : memref<16384xi32, #tpu.memory_space<hbm>> -> memref<16xi32, #tpu.memory_space<hbm>>
      %dma_wait3A_579 = tpu.memref_slice %arg4[%add3A_366] : memref<16384xi32, #tpu.memory_space<hbm>> -> memref<16xi32, #tpu.memory_space<hbm>>
      tpu.wait_dma2 semaphore(%run_scoped3A : memref<!tpu.dma_semaphore, #tpu.memory_space<semaphore_mem>>) src(%dma_wait3A_579 : memref<16xi32, #tpu.memory_space<hbm>>) dst(%arg12 : memref<16xi32, #tpu.memory_space<vmem>>)
      tpu.yield
    }) : () -> ()
    %dma_start3A_367 = arith.constant 0 : i32
    %dma_start3A_368 = arith.constant 0 : i32
    %dma_start3A_369 = tpu.memref_slice %arg5[%dma_start3A_367, %dma_start3A_368] : memref<1000000x128xf32, #tpu.memory_space<hbm>> -> memref<1000000x128xf32, #tpu.memory_space<hbm>>
    tpu.enqueue_indirect_dma source(%dma_start3A_369 : memref<1000000x128xf32, #tpu.memory_space<hbm>>) target(%arg13 : memref<16x128xf32, #tpu.memory_space<vmem>>) offsets(%arg11 : memref<16xi32, #tpu.memory_space<vmem>>) semaphore(%arg24 : memref<!tpu.dma_semaphore, #tpu.memory_space<semaphore_mem>>)
    %dma_start3A_370 = arith.constant 0 : i32
    %dma_start3A_371 = arith.constant 0 : i32
    %dma_start3A_372 = tpu.memref_slice %arg5[%dma_start3A_370, %dma_start3A_371] : memref<1000000x128xf32, #tpu.memory_space<hbm>> -> memref<1000000x128xf32, #tpu.memory_space<hbm>>
    tpu.enqueue_indirect_dma source(%dma_start3A_372 : memref<1000000x128xf32, #tpu.memory_space<hbm>>) target(%arg14 : memref<16x128xf32, #tpu.memory_space<vmem>>) offsets(%arg12 : memref<16xi32, #tpu.memory_space<vmem>>) semaphore(%arg24 : memref<!tpu.dma_semaphore, #tpu.memory_space<semaphore_mem>>)
    %dma_wait3A_373 = arith.constant 0 : i32
    %dma_wait3A_374 = arith.constant 0 : i32
    %dma_wait3A_375 = tpu.memref_slice %arg5[%dma_wait3A_373, %dma_wait3A_374] : memref<1000000x128xf32, #tpu.memory_space<hbm>> -> memref<1000000x128xf32, #tpu.memory_space<hbm>>
    tpu.wait_indirect_dma semaphore(%arg24 : memref<!tpu.dma_semaphore, #tpu.memory_space<semaphore_mem>>) src(%dma_wait3A_375 : memref<1000000x128xf32, #tpu.memory_space<hbm>>) dst(%arg13 : memref<16x128xf32, #tpu.memory_space<vmem>>)
    %dma_wait3A_376 = arith.constant 0 : i32
    %dma_wait3A_377 = arith.constant 0 : i32
    %dma_wait3A_378 = tpu.memref_slice %arg5[%dma_wait3A_376, %dma_wait3A_377] : memref<1000000x128xf32, #tpu.memory_space<hbm>> -> memref<1000000x128xf32, #tpu.memory_space<hbm>>
    tpu.wait_indirect_dma semaphore(%arg24 : memref<!tpu.dma_semaphore, #tpu.memory_space<semaphore_mem>>) src(%dma_wait3A_378 : memref<1000000x128xf32, #tpu.memory_space<hbm>>) dst(%arg14 : memref<16x128xf32, #tpu.memory_space<vmem>>)
    "tpu.region"() ({
      %run_scoped3A = tpu.sem_alloc : memref<!tpu.dma_semaphore, #tpu.memory_space<semaphore_mem>>
      %dma_start3A_576 = arith.constant 0 : i32
      %dma_start3A_577 = tpu.memref_slice %arg8[%add3A_366, %dma_start3A_576] : memref<16384x128xf32, #tpu.memory_space<hbm>> -> memref<16x128xf32, #tpu.memory_space<hbm>>
      %dma_start3A_578 = arith.constant 0 : i32
      %dma_start3A_579 = tpu.memref_slice %arg8[%add3A_366, %dma_start3A_578] : memref<16384x128xf32, #tpu.memory_space<hbm>> -> memref<16x128xf32, #tpu.memory_space<hbm>>
      tpu.enqueue_dma source(%arg13 : memref<16x128xf32, #tpu.memory_space<vmem>>) target(%dma_start3A_579 : memref<16x128xf32, #tpu.memory_space<hbm>>) target_semaphore(%run_scoped3A : memref<!tpu.dma_semaphore, #tpu.memory_space<semaphore_mem>>)
      %dma_wait3A_580 = arith.constant 0 : i32
      %dma_wait3A_581 = tpu.memref_slice %arg8[%add3A_366, %dma_wait3A_580] : memref<16384x128xf32, #tpu.memory_space<hbm>> -> memref<16x128xf32, #tpu.memory_space<hbm>>
      %dma_wait3A_582 = arith.constant 0 : i32
      %dma_wait3A_583 = tpu.memref_slice %arg8[%add3A_366, %dma_wait3A_582] : memref<16384x128xf32, #tpu.memory_space<hbm>> -> memref<16x128xf32, #tpu.memory_space<hbm>>
      tpu.wait_dma2 semaphore(%run_scoped3A : memref<!tpu.dma_semaphore, #tpu.memory_space<semaphore_mem>>) src(%arg13 : memref<16x128xf32, #tpu.memory_space<vmem>>) dst(%dma_wait3A_583 : memref<16x128xf32, #tpu.memory_space<hbm>>)
      tpu.yield
    }) : () -> ()
    "tpu.region"() ({
      %run_scoped3A = tpu.sem_alloc : memref<!tpu.dma_semaphore, #tpu.memory_space<semaphore_mem>>
      %dma_start3A_576 = arith.constant 0 : i32
      %dma_start3A_577 = tpu.memref_slice %arg9[%add3A_366, %dma_start3A_576] : memref<16384x128xf32, #tpu.memory_space<hbm>> -> memref<16x128xf32, #tpu.memory_space<hbm>>
      %dma_start3A_578 = arith.constant 0 : i32
      %dma_start3A_579 = tpu.memref_slice %arg9[%add3A_366, %dma_start3A_578] : memref<16384x128xf32, #tpu.memory_space<hbm>> -> memref<16x128xf32, #tpu.memory_space<hbm>>
      tpu.enqueue_dma source(%arg14 : memref<16x128xf32, #tpu.memory_space<vmem>>) target(%dma_start3A_579 : memref<16x128xf32, #tpu.memory_space<hbm>>) target_semaphore(%run_scoped3A : memref<!tpu.dma_semaphore, #tpu.memory_space<semaphore_mem>>)
      %dma_wait3A_580 = arith.constant 0 : i32
      %dma_wait3A_581 = tpu.memref_slice %arg9[%add3A_366, %dma_wait3A_580] : memref<16384x128xf32, #tpu.memory_space<hbm>> -> memref<16x128xf32, #tpu.memory_space<hbm>>
      %dma_wait3A_582 = arith.constant 0 : i32
      %dma_wait3A_583 = tpu.memref_slice %arg9[%add3A_366, %dma_wait3A_582] : memref<16384x128xf32, #tpu.memory_space<hbm>> -> memref<16x128xf32, #tpu.memory_space<hbm>>
      tpu.wait_dma2 semaphore(%run_scoped3A : memref<!tpu.dma_semaphore, #tpu.memory_space<semaphore_mem>>) src(%arg14 : memref<16x128xf32, #tpu.memory_space<vmem>>) dst(%dma_wait3A_583 : memref<16x128xf32, #tpu.memory_space<hbm>>)
      tpu.yield
    }) : () -> ()
    %add3A_379 = arith.constant 432 : i32
    %add3A_380 = arith.addi %mul3A_2, %add3A_379 : i32
    "tpu.region"() ({
      %run_scoped3A = tpu.sem_alloc : memref<!tpu.dma_semaphore, #tpu.memory_space<semaphore_mem>>
      %dma_start3A_576 = tpu.memref_slice %arg2[%add3A_380] : memref<16384xi32, #tpu.memory_space<hbm>> -> memref<16xi32, #tpu.memory_space<hbm>>
      %dma_start3A_577 = tpu.memref_slice %arg2[%add3A_380] : memref<16384xi32, #tpu.memory_space<hbm>> -> memref<16xi32, #tpu.memory_space<hbm>>
      tpu.enqueue_dma source(%dma_start3A_577 : memref<16xi32, #tpu.memory_space<hbm>>) target(%arg11 : memref<16xi32, #tpu.memory_space<vmem>>) target_semaphore(%run_scoped3A : memref<!tpu.dma_semaphore, #tpu.memory_space<semaphore_mem>>)
      %dma_wait3A_578 = tpu.memref_slice %arg2[%add3A_380] : memref<16384xi32, #tpu.memory_space<hbm>> -> memref<16xi32, #tpu.memory_space<hbm>>
      %dma_wait3A_579 = tpu.memref_slice %arg2[%add3A_380] : memref<16384xi32, #tpu.memory_space<hbm>> -> memref<16xi32, #tpu.memory_space<hbm>>
      tpu.wait_dma2 semaphore(%run_scoped3A : memref<!tpu.dma_semaphore, #tpu.memory_space<semaphore_mem>>) src(%dma_wait3A_579 : memref<16xi32, #tpu.memory_space<hbm>>) dst(%arg11 : memref<16xi32, #tpu.memory_space<vmem>>)
      tpu.yield
    }) : () -> ()
    "tpu.region"() ({
      %run_scoped3A = tpu.sem_alloc : memref<!tpu.dma_semaphore, #tpu.memory_space<semaphore_mem>>
      %dma_start3A_576 = tpu.memref_slice %arg4[%add3A_380] : memref<16384xi32, #tpu.memory_space<hbm>> -> memref<16xi32, #tpu.memory_space<hbm>>
      %dma_start3A_577 = tpu.memref_slice %arg4[%add3A_380] : memref<16384xi32, #tpu.memory_space<hbm>> -> memref<16xi32, #tpu.memory_space<hbm>>
      tpu.enqueue_dma source(%dma_start3A_577 : memref<16xi32, #tpu.memory_space<hbm>>) target(%arg12 : memref<16xi32, #tpu.memory_space<vmem>>) target_semaphore(%run_scoped3A : memref<!tpu.dma_semaphore, #tpu.memory_space<semaphore_mem>>)
      %dma_wait3A_578 = tpu.memref_slice %arg4[%add3A_380] : memref<16384xi32, #tpu.memory_space<hbm>> -> memref<16xi32, #tpu.memory_space<hbm>>
      %dma_wait3A_579 = tpu.memref_slice %arg4[%add3A_380] : memref<16384xi32, #tpu.memory_space<hbm>> -> memref<16xi32, #tpu.memory_space<hbm>>
      tpu.wait_dma2 semaphore(%run_scoped3A : memref<!tpu.dma_semaphore, #tpu.memory_space<semaphore_mem>>) src(%dma_wait3A_579 : memref<16xi32, #tpu.memory_space<hbm>>) dst(%arg12 : memref<16xi32, #tpu.memory_space<vmem>>)
      tpu.yield
    }) : () -> ()
    %dma_start3A_381 = arith.constant 0 : i32
    %dma_start3A_382 = arith.constant 0 : i32
    %dma_start3A_383 = tpu.memref_slice %arg5[%dma_start3A_381, %dma_start3A_382] : memref<1000000x128xf32, #tpu.memory_space<hbm>> -> memref<1000000x128xf32, #tpu.memory_space<hbm>>
    tpu.enqueue_indirect_dma source(%dma_start3A_383 : memref<1000000x128xf32, #tpu.memory_space<hbm>>) target(%arg13 : memref<16x128xf32, #tpu.memory_space<vmem>>) offsets(%arg11 : memref<16xi32, #tpu.memory_space<vmem>>) semaphore(%arg24 : memref<!tpu.dma_semaphore, #tpu.memory_space<semaphore_mem>>)
    %dma_start3A_384 = arith.constant 0 : i32
    %dma_start3A_385 = arith.constant 0 : i32
    %dma_start3A_386 = tpu.memref_slice %arg5[%dma_start3A_384, %dma_start3A_385] : memref<1000000x128xf32, #tpu.memory_space<hbm>> -> memref<1000000x128xf32, #tpu.memory_space<hbm>>
    tpu.enqueue_indirect_dma source(%dma_start3A_386 : memref<1000000x128xf32, #tpu.memory_space<hbm>>) target(%arg14 : memref<16x128xf32, #tpu.memory_space<vmem>>) offsets(%arg12 : memref<16xi32, #tpu.memory_space<vmem>>) semaphore(%arg24 : memref<!tpu.dma_semaphore, #tpu.memory_space<semaphore_mem>>)
    %dma_wait3A_387 = arith.constant 0 : i32
    %dma_wait3A_388 = arith.constant 0 : i32
    %dma_wait3A_389 = tpu.memref_slice %arg5[%dma_wait3A_387, %dma_wait3A_388] : memref<1000000x128xf32, #tpu.memory_space<hbm>> -> memref<1000000x128xf32, #tpu.memory_space<hbm>>
    tpu.wait_indirect_dma semaphore(%arg24 : memref<!tpu.dma_semaphore, #tpu.memory_space<semaphore_mem>>) src(%dma_wait3A_389 : memref<1000000x128xf32, #tpu.memory_space<hbm>>) dst(%arg13 : memref<16x128xf32, #tpu.memory_space<vmem>>)
    %dma_wait3A_390 = arith.constant 0 : i32
    %dma_wait3A_391 = arith.constant 0 : i32
    %dma_wait3A_392 = tpu.memref_slice %arg5[%dma_wait3A_390, %dma_wait3A_391] : memref<1000000x128xf32, #tpu.memory_space<hbm>> -> memref<1000000x128xf32, #tpu.memory_space<hbm>>
    tpu.wait_indirect_dma semaphore(%arg24 : memref<!tpu.dma_semaphore, #tpu.memory_space<semaphore_mem>>) src(%dma_wait3A_392 : memref<1000000x128xf32, #tpu.memory_space<hbm>>) dst(%arg14 : memref<16x128xf32, #tpu.memory_space<vmem>>)
    "tpu.region"() ({
      %run_scoped3A = tpu.sem_alloc : memref<!tpu.dma_semaphore, #tpu.memory_space<semaphore_mem>>
      %dma_start3A_576 = arith.constant 0 : i32
      %dma_start3A_577 = tpu.memref_slice %arg8[%add3A_380, %dma_start3A_576] : memref<16384x128xf32, #tpu.memory_space<hbm>> -> memref<16x128xf32, #tpu.memory_space<hbm>>
      %dma_start3A_578 = arith.constant 0 : i32
      %dma_start3A_579 = tpu.memref_slice %arg8[%add3A_380, %dma_start3A_578] : memref<16384x128xf32, #tpu.memory_space<hbm>> -> memref<16x128xf32, #tpu.memory_space<hbm>>
      tpu.enqueue_dma source(%arg13 : memref<16x128xf32, #tpu.memory_space<vmem>>) target(%dma_start3A_579 : memref<16x128xf32, #tpu.memory_space<hbm>>) target_semaphore(%run_scoped3A : memref<!tpu.dma_semaphore, #tpu.memory_space<semaphore_mem>>)
      %dma_wait3A_580 = arith.constant 0 : i32
      %dma_wait3A_581 = tpu.memref_slice %arg8[%add3A_380, %dma_wait3A_580] : memref<16384x128xf32, #tpu.memory_space<hbm>> -> memref<16x128xf32, #tpu.memory_space<hbm>>
      %dma_wait3A_582 = arith.constant 0 : i32
      %dma_wait3A_583 = tpu.memref_slice %arg8[%add3A_380, %dma_wait3A_582] : memref<16384x128xf32, #tpu.memory_space<hbm>> -> memref<16x128xf32, #tpu.memory_space<hbm>>
      tpu.wait_dma2 semaphore(%run_scoped3A : memref<!tpu.dma_semaphore, #tpu.memory_space<semaphore_mem>>) src(%arg13 : memref<16x128xf32, #tpu.memory_space<vmem>>) dst(%dma_wait3A_583 : memref<16x128xf32, #tpu.memory_space<hbm>>)
      tpu.yield
    }) : () -> ()
    "tpu.region"() ({
      %run_scoped3A = tpu.sem_alloc : memref<!tpu.dma_semaphore, #tpu.memory_space<semaphore_mem>>
      %dma_start3A_576 = arith.constant 0 : i32
      %dma_start3A_577 = tpu.memref_slice %arg9[%add3A_380, %dma_start3A_576] : memref<16384x128xf32, #tpu.memory_space<hbm>> -> memref<16x128xf32, #tpu.memory_space<hbm>>
      %dma_start3A_578 = arith.constant 0 : i32
      %dma_start3A_579 = tpu.memref_slice %arg9[%add3A_380, %dma_start3A_578] : memref<16384x128xf32, #tpu.memory_space<hbm>> -> memref<16x128xf32, #tpu.memory_space<hbm>>
      tpu.enqueue_dma source(%arg14 : memref<16x128xf32, #tpu.memory_space<vmem>>) target(%dma_start3A_579 : memref<16x128xf32, #tpu.memory_space<hbm>>) target_semaphore(%run_scoped3A : memref<!tpu.dma_semaphore, #tpu.memory_space<semaphore_mem>>)
      %dma_wait3A_580 = arith.constant 0 : i32
      %dma_wait3A_581 = tpu.memref_slice %arg9[%add3A_380, %dma_wait3A_580] : memref<16384x128xf32, #tpu.memory_space<hbm>> -> memref<16x128xf32, #tpu.memory_space<hbm>>
      %dma_wait3A_582 = arith.constant 0 : i32
      %dma_wait3A_583 = tpu.memref_slice %arg9[%add3A_380, %dma_wait3A_582] : memref<16384x128xf32, #tpu.memory_space<hbm>> -> memref<16x128xf32, #tpu.memory_space<hbm>>
      tpu.wait_dma2 semaphore(%run_scoped3A : memref<!tpu.dma_semaphore, #tpu.memory_space<semaphore_mem>>) src(%arg14 : memref<16x128xf32, #tpu.memory_space<vmem>>) dst(%dma_wait3A_583 : memref<16x128xf32, #tpu.memory_space<hbm>>)
      tpu.yield
    }) : () -> ()
    %add3A_393 = arith.constant 448 : i32
    %add3A_394 = arith.addi %mul3A_2, %add3A_393 : i32
    "tpu.region"() ({
      %run_scoped3A = tpu.sem_alloc : memref<!tpu.dma_semaphore, #tpu.memory_space<semaphore_mem>>
      %dma_start3A_576 = tpu.memref_slice %arg2[%add3A_394] : memref<16384xi32, #tpu.memory_space<hbm>> -> memref<16xi32, #tpu.memory_space<hbm>>
      %dma_start3A_577 = tpu.memref_slice %arg2[%add3A_394] : memref<16384xi32, #tpu.memory_space<hbm>> -> memref<16xi32, #tpu.memory_space<hbm>>
      tpu.enqueue_dma source(%dma_start3A_577 : memref<16xi32, #tpu.memory_space<hbm>>) target(%arg11 : memref<16xi32, #tpu.memory_space<vmem>>) target_semaphore(%run_scoped3A : memref<!tpu.dma_semaphore, #tpu.memory_space<semaphore_mem>>)
      %dma_wait3A_578 = tpu.memref_slice %arg2[%add3A_394] : memref<16384xi32, #tpu.memory_space<hbm>> -> memref<16xi32, #tpu.memory_space<hbm>>
      %dma_wait3A_579 = tpu.memref_slice %arg2[%add3A_394] : memref<16384xi32, #tpu.memory_space<hbm>> -> memref<16xi32, #tpu.memory_space<hbm>>
      tpu.wait_dma2 semaphore(%run_scoped3A : memref<!tpu.dma_semaphore, #tpu.memory_space<semaphore_mem>>) src(%dma_wait3A_579 : memref<16xi32, #tpu.memory_space<hbm>>) dst(%arg11 : memref<16xi32, #tpu.memory_space<vmem>>)
      tpu.yield
    }) : () -> ()
    "tpu.region"() ({
      %run_scoped3A = tpu.sem_alloc : memref<!tpu.dma_semaphore, #tpu.memory_space<semaphore_mem>>
      %dma_start3A_576 = tpu.memref_slice %arg4[%add3A_394] : memref<16384xi32, #tpu.memory_space<hbm>> -> memref<16xi32, #tpu.memory_space<hbm>>
      %dma_start3A_577 = tpu.memref_slice %arg4[%add3A_394] : memref<16384xi32, #tpu.memory_space<hbm>> -> memref<16xi32, #tpu.memory_space<hbm>>
      tpu.enqueue_dma source(%dma_start3A_577 : memref<16xi32, #tpu.memory_space<hbm>>) target(%arg12 : memref<16xi32, #tpu.memory_space<vmem>>) target_semaphore(%run_scoped3A : memref<!tpu.dma_semaphore, #tpu.memory_space<semaphore_mem>>)
      %dma_wait3A_578 = tpu.memref_slice %arg4[%add3A_394] : memref<16384xi32, #tpu.memory_space<hbm>> -> memref<16xi32, #tpu.memory_space<hbm>>
      %dma_wait3A_579 = tpu.memref_slice %arg4[%add3A_394] : memref<16384xi32, #tpu.memory_space<hbm>> -> memref<16xi32, #tpu.memory_space<hbm>>
      tpu.wait_dma2 semaphore(%run_scoped3A : memref<!tpu.dma_semaphore, #tpu.memory_space<semaphore_mem>>) src(%dma_wait3A_579 : memref<16xi32, #tpu.memory_space<hbm>>) dst(%arg12 : memref<16xi32, #tpu.memory_space<vmem>>)
      tpu.yield
    }) : () -> ()
    %dma_start3A_395 = arith.constant 0 : i32
    %dma_start3A_396 = arith.constant 0 : i32
    %dma_start3A_397 = tpu.memref_slice %arg5[%dma_start3A_395, %dma_start3A_396] : memref<1000000x128xf32, #tpu.memory_space<hbm>> -> memref<1000000x128xf32, #tpu.memory_space<hbm>>
    tpu.enqueue_indirect_dma source(%dma_start3A_397 : memref<1000000x128xf32, #tpu.memory_space<hbm>>) target(%arg13 : memref<16x128xf32, #tpu.memory_space<vmem>>) offsets(%arg11 : memref<16xi32, #tpu.memory_space<vmem>>) semaphore(%arg24 : memref<!tpu.dma_semaphore, #tpu.memory_space<semaphore_mem>>)
    %dma_start3A_398 = arith.constant 0 : i32
    %dma_start3A_399 = arith.constant 0 : i32
    %dma_start3A_400 = tpu.memref_slice %arg5[%dma_start3A_398, %dma_start3A_399] : memref<1000000x128xf32, #tpu.memory_space<hbm>> -> memref<1000000x128xf32, #tpu.memory_space<hbm>>
    tpu.enqueue_indirect_dma source(%dma_start3A_400 : memref<1000000x128xf32, #tpu.memory_space<hbm>>) target(%arg14 : memref<16x128xf32, #tpu.memory_space<vmem>>) offsets(%arg12 : memref<16xi32, #tpu.memory_space<vmem>>) semaphore(%arg24 : memref<!tpu.dma_semaphore, #tpu.memory_space<semaphore_mem>>)
    %dma_wait3A_401 = arith.constant 0 : i32
    %dma_wait3A_402 = arith.constant 0 : i32
    %dma_wait3A_403 = tpu.memref_slice %arg5[%dma_wait3A_401, %dma_wait3A_402] : memref<1000000x128xf32, #tpu.memory_space<hbm>> -> memref<1000000x128xf32, #tpu.memory_space<hbm>>
    tpu.wait_indirect_dma semaphore(%arg24 : memref<!tpu.dma_semaphore, #tpu.memory_space<semaphore_mem>>) src(%dma_wait3A_403 : memref<1000000x128xf32, #tpu.memory_space<hbm>>) dst(%arg13 : memref<16x128xf32, #tpu.memory_space<vmem>>)
    %dma_wait3A_404 = arith.constant 0 : i32
    %dma_wait3A_405 = arith.constant 0 : i32
    %dma_wait3A_406 = tpu.memref_slice %arg5[%dma_wait3A_404, %dma_wait3A_405] : memref<1000000x128xf32, #tpu.memory_space<hbm>> -> memref<1000000x128xf32, #tpu.memory_space<hbm>>
    tpu.wait_indirect_dma semaphore(%arg24 : memref<!tpu.dma_semaphore, #tpu.memory_space<semaphore_mem>>) src(%dma_wait3A_406 : memref<1000000x128xf32, #tpu.memory_space<hbm>>) dst(%arg14 : memref<16x128xf32, #tpu.memory_space<vmem>>)
    "tpu.region"() ({
      %run_scoped3A = tpu.sem_alloc : memref<!tpu.dma_semaphore, #tpu.memory_space<semaphore_mem>>
      %dma_start3A_576 = arith.constant 0 : i32
      %dma_start3A_577 = tpu.memref_slice %arg8[%add3A_394, %dma_start3A_576] : memref<16384x128xf32, #tpu.memory_space<hbm>> -> memref<16x128xf32, #tpu.memory_space<hbm>>
      %dma_start3A_578 = arith.constant 0 : i32
      %dma_start3A_579 = tpu.memref_slice %arg8[%add3A_394, %dma_start3A_578] : memref<16384x128xf32, #tpu.memory_space<hbm>> -> memref<16x128xf32, #tpu.memory_space<hbm>>
      tpu.enqueue_dma source(%arg13 : memref<16x128xf32, #tpu.memory_space<vmem>>) target(%dma_start3A_579 : memref<16x128xf32, #tpu.memory_space<hbm>>) target_semaphore(%run_scoped3A : memref<!tpu.dma_semaphore, #tpu.memory_space<semaphore_mem>>)
      %dma_wait3A_580 = arith.constant 0 : i32
      %dma_wait3A_581 = tpu.memref_slice %arg8[%add3A_394, %dma_wait3A_580] : memref<16384x128xf32, #tpu.memory_space<hbm>> -> memref<16x128xf32, #tpu.memory_space<hbm>>
      %dma_wait3A_582 = arith.constant 0 : i32
      %dma_wait3A_583 = tpu.memref_slice %arg8[%add3A_394, %dma_wait3A_582] : memref<16384x128xf32, #tpu.memory_space<hbm>> -> memref<16x128xf32, #tpu.memory_space<hbm>>
      tpu.wait_dma2 semaphore(%run_scoped3A : memref<!tpu.dma_semaphore, #tpu.memory_space<semaphore_mem>>) src(%arg13 : memref<16x128xf32, #tpu.memory_space<vmem>>) dst(%dma_wait3A_583 : memref<16x128xf32, #tpu.memory_space<hbm>>)
      tpu.yield
    }) : () -> ()
    "tpu.region"() ({
      %run_scoped3A = tpu.sem_alloc : memref<!tpu.dma_semaphore, #tpu.memory_space<semaphore_mem>>
      %dma_start3A_576 = arith.constant 0 : i32
      %dma_start3A_577 = tpu.memref_slice %arg9[%add3A_394, %dma_start3A_576] : memref<16384x128xf32, #tpu.memory_space<hbm>> -> memref<16x128xf32, #tpu.memory_space<hbm>>
      %dma_start3A_578 = arith.constant 0 : i32
      %dma_start3A_579 = tpu.memref_slice %arg9[%add3A_394, %dma_start3A_578] : memref<16384x128xf32, #tpu.memory_space<hbm>> -> memref<16x128xf32, #tpu.memory_space<hbm>>
      tpu.enqueue_dma source(%arg14 : memref<16x128xf32, #tpu.memory_space<vmem>>) target(%dma_start3A_579 : memref<16x128xf32, #tpu.memory_space<hbm>>) target_semaphore(%run_scoped3A : memref<!tpu.dma_semaphore, #tpu.memory_space<semaphore_mem>>)
      %dma_wait3A_580 = arith.constant 0 : i32
      %dma_wait3A_581 = tpu.memref_slice %arg9[%add3A_394, %dma_wait3A_580] : memref<16384x128xf32, #tpu.memory_space<hbm>> -> memref<16x128xf32, #tpu.memory_space<hbm>>
      %dma_wait3A_582 = arith.constant 0 : i32
      %dma_wait3A_583 = tpu.memref_slice %arg9[%add3A_394, %dma_wait3A_582] : memref<16384x128xf32, #tpu.memory_space<hbm>> -> memref<16x128xf32, #tpu.memory_space<hbm>>
      tpu.wait_dma2 semaphore(%run_scoped3A : memref<!tpu.dma_semaphore, #tpu.memory_space<semaphore_mem>>) src(%arg14 : memref<16x128xf32, #tpu.memory_space<vmem>>) dst(%dma_wait3A_583 : memref<16x128xf32, #tpu.memory_space<hbm>>)
      tpu.yield
    }) : () -> ()
    %add3A_407 = arith.constant 464 : i32
    %add3A_408 = arith.addi %mul3A_2, %add3A_407 : i32
    "tpu.region"() ({
      %run_scoped3A = tpu.sem_alloc : memref<!tpu.dma_semaphore, #tpu.memory_space<semaphore_mem>>
      %dma_start3A_576 = tpu.memref_slice %arg2[%add3A_408] : memref<16384xi32, #tpu.memory_space<hbm>> -> memref<16xi32, #tpu.memory_space<hbm>>
      %dma_start3A_577 = tpu.memref_slice %arg2[%add3A_408] : memref<16384xi32, #tpu.memory_space<hbm>> -> memref<16xi32, #tpu.memory_space<hbm>>
      tpu.enqueue_dma source(%dma_start3A_577 : memref<16xi32, #tpu.memory_space<hbm>>) target(%arg11 : memref<16xi32, #tpu.memory_space<vmem>>) target_semaphore(%run_scoped3A : memref<!tpu.dma_semaphore, #tpu.memory_space<semaphore_mem>>)
      %dma_wait3A_578 = tpu.memref_slice %arg2[%add3A_408] : memref<16384xi32, #tpu.memory_space<hbm>> -> memref<16xi32, #tpu.memory_space<hbm>>
      %dma_wait3A_579 = tpu.memref_slice %arg2[%add3A_408] : memref<16384xi32, #tpu.memory_space<hbm>> -> memref<16xi32, #tpu.memory_space<hbm>>
      tpu.wait_dma2 semaphore(%run_scoped3A : memref<!tpu.dma_semaphore, #tpu.memory_space<semaphore_mem>>) src(%dma_wait3A_579 : memref<16xi32, #tpu.memory_space<hbm>>) dst(%arg11 : memref<16xi32, #tpu.memory_space<vmem>>)
      tpu.yield
    }) : () -> ()
    "tpu.region"() ({
      %run_scoped3A = tpu.sem_alloc : memref<!tpu.dma_semaphore, #tpu.memory_space<semaphore_mem>>
      %dma_start3A_576 = tpu.memref_slice %arg4[%add3A_408] : memref<16384xi32, #tpu.memory_space<hbm>> -> memref<16xi32, #tpu.memory_space<hbm>>
      %dma_start3A_577 = tpu.memref_slice %arg4[%add3A_408] : memref<16384xi32, #tpu.memory_space<hbm>> -> memref<16xi32, #tpu.memory_space<hbm>>
      tpu.enqueue_dma source(%dma_start3A_577 : memref<16xi32, #tpu.memory_space<hbm>>) target(%arg12 : memref<16xi32, #tpu.memory_space<vmem>>) target_semaphore(%run_scoped3A : memref<!tpu.dma_semaphore, #tpu.memory_space<semaphore_mem>>)
      %dma_wait3A_578 = tpu.memref_slice %arg4[%add3A_408] : memref<16384xi32, #tpu.memory_space<hbm>> -> memref<16xi32, #tpu.memory_space<hbm>>
      %dma_wait3A_579 = tpu.memref_slice %arg4[%add3A_408] : memref<16384xi32, #tpu.memory_space<hbm>> -> memref<16xi32, #tpu.memory_space<hbm>>
      tpu.wait_dma2 semaphore(%run_scoped3A : memref<!tpu.dma_semaphore, #tpu.memory_space<semaphore_mem>>) src(%dma_wait3A_579 : memref<16xi32, #tpu.memory_space<hbm>>) dst(%arg12 : memref<16xi32, #tpu.memory_space<vmem>>)
      tpu.yield
    }) : () -> ()
    %dma_start3A_409 = arith.constant 0 : i32
    %dma_start3A_410 = arith.constant 0 : i32
    %dma_start3A_411 = tpu.memref_slice %arg5[%dma_start3A_409, %dma_start3A_410] : memref<1000000x128xf32, #tpu.memory_space<hbm>> -> memref<1000000x128xf32, #tpu.memory_space<hbm>>
    tpu.enqueue_indirect_dma source(%dma_start3A_411 : memref<1000000x128xf32, #tpu.memory_space<hbm>>) target(%arg13 : memref<16x128xf32, #tpu.memory_space<vmem>>) offsets(%arg11 : memref<16xi32, #tpu.memory_space<vmem>>) semaphore(%arg24 : memref<!tpu.dma_semaphore, #tpu.memory_space<semaphore_mem>>)
    %dma_start3A_412 = arith.constant 0 : i32
    %dma_start3A_413 = arith.constant 0 : i32
    %dma_start3A_414 = tpu.memref_slice %arg5[%dma_start3A_412, %dma_start3A_413] : memref<1000000x128xf32, #tpu.memory_space<hbm>> -> memref<1000000x128xf32, #tpu.memory_space<hbm>>
    tpu.enqueue_indirect_dma source(%dma_start3A_414 : memref<1000000x128xf32, #tpu.memory_space<hbm>>) target(%arg14 : memref<16x128xf32, #tpu.memory_space<vmem>>) offsets(%arg12 : memref<16xi32, #tpu.memory_space<vmem>>) semaphore(%arg24 : memref<!tpu.dma_semaphore, #tpu.memory_space<semaphore_mem>>)
    %dma_wait3A_415 = arith.constant 0 : i32
    %dma_wait3A_416 = arith.constant 0 : i32
    %dma_wait3A_417 = tpu.memref_slice %arg5[%dma_wait3A_415, %dma_wait3A_416] : memref<1000000x128xf32, #tpu.memory_space<hbm>> -> memref<1000000x128xf32, #tpu.memory_space<hbm>>
    tpu.wait_indirect_dma semaphore(%arg24 : memref<!tpu.dma_semaphore, #tpu.memory_space<semaphore_mem>>) src(%dma_wait3A_417 : memref<1000000x128xf32, #tpu.memory_space<hbm>>) dst(%arg13 : memref<16x128xf32, #tpu.memory_space<vmem>>)
    %dma_wait3A_418 = arith.constant 0 : i32
    %dma_wait3A_419 = arith.constant 0 : i32
    %dma_wait3A_420 = tpu.memref_slice %arg5[%dma_wait3A_418, %dma_wait3A_419] : memref<1000000x128xf32, #tpu.memory_space<hbm>> -> memref<1000000x128xf32, #tpu.memory_space<hbm>>
    tpu.wait_indirect_dma semaphore(%arg24 : memref<!tpu.dma_semaphore, #tpu.memory_space<semaphore_mem>>) src(%dma_wait3A_420 : memref<1000000x128xf32, #tpu.memory_space<hbm>>) dst(%arg14 : memref<16x128xf32, #tpu.memory_space<vmem>>)
    "tpu.region"() ({
      %run_scoped3A = tpu.sem_alloc : memref<!tpu.dma_semaphore, #tpu.memory_space<semaphore_mem>>
      %dma_start3A_576 = arith.constant 0 : i32
      %dma_start3A_577 = tpu.memref_slice %arg8[%add3A_408, %dma_start3A_576] : memref<16384x128xf32, #tpu.memory_space<hbm>> -> memref<16x128xf32, #tpu.memory_space<hbm>>
      %dma_start3A_578 = arith.constant 0 : i32
      %dma_start3A_579 = tpu.memref_slice %arg8[%add3A_408, %dma_start3A_578] : memref<16384x128xf32, #tpu.memory_space<hbm>> -> memref<16x128xf32, #tpu.memory_space<hbm>>
      tpu.enqueue_dma source(%arg13 : memref<16x128xf32, #tpu.memory_space<vmem>>) target(%dma_start3A_579 : memref<16x128xf32, #tpu.memory_space<hbm>>) target_semaphore(%run_scoped3A : memref<!tpu.dma_semaphore, #tpu.memory_space<semaphore_mem>>)
      %dma_wait3A_580 = arith.constant 0 : i32
      %dma_wait3A_581 = tpu.memref_slice %arg8[%add3A_408, %dma_wait3A_580] : memref<16384x128xf32, #tpu.memory_space<hbm>> -> memref<16x128xf32, #tpu.memory_space<hbm>>
      %dma_wait3A_582 = arith.constant 0 : i32
      %dma_wait3A_583 = tpu.memref_slice %arg8[%add3A_408, %dma_wait3A_582] : memref<16384x128xf32, #tpu.memory_space<hbm>> -> memref<16x128xf32, #tpu.memory_space<hbm>>
      tpu.wait_dma2 semaphore(%run_scoped3A : memref<!tpu.dma_semaphore, #tpu.memory_space<semaphore_mem>>) src(%arg13 : memref<16x128xf32, #tpu.memory_space<vmem>>) dst(%dma_wait3A_583 : memref<16x128xf32, #tpu.memory_space<hbm>>)
      tpu.yield
    }) : () -> ()
    "tpu.region"() ({
      %run_scoped3A = tpu.sem_alloc : memref<!tpu.dma_semaphore, #tpu.memory_space<semaphore_mem>>
      %dma_start3A_576 = arith.constant 0 : i32
      %dma_start3A_577 = tpu.memref_slice %arg9[%add3A_408, %dma_start3A_576] : memref<16384x128xf32, #tpu.memory_space<hbm>> -> memref<16x128xf32, #tpu.memory_space<hbm>>
      %dma_start3A_578 = arith.constant 0 : i32
      %dma_start3A_579 = tpu.memref_slice %arg9[%add3A_408, %dma_start3A_578] : memref<16384x128xf32, #tpu.memory_space<hbm>> -> memref<16x128xf32, #tpu.memory_space<hbm>>
      tpu.enqueue_dma source(%arg14 : memref<16x128xf32, #tpu.memory_space<vmem>>) target(%dma_start3A_579 : memref<16x128xf32, #tpu.memory_space<hbm>>) target_semaphore(%run_scoped3A : memref<!tpu.dma_semaphore, #tpu.memory_space<semaphore_mem>>)
      %dma_wait3A_580 = arith.constant 0 : i32
      %dma_wait3A_581 = tpu.memref_slice %arg9[%add3A_408, %dma_wait3A_580] : memref<16384x128xf32, #tpu.memory_space<hbm>> -> memref<16x128xf32, #tpu.memory_space<hbm>>
      %dma_wait3A_582 = arith.constant 0 : i32
      %dma_wait3A_583 = tpu.memref_slice %arg9[%add3A_408, %dma_wait3A_582] : memref<16384x128xf32, #tpu.memory_space<hbm>> -> memref<16x128xf32, #tpu.memory_space<hbm>>
      tpu.wait_dma2 semaphore(%run_scoped3A : memref<!tpu.dma_semaphore, #tpu.memory_space<semaphore_mem>>) src(%arg14 : memref<16x128xf32, #tpu.memory_space<vmem>>) dst(%dma_wait3A_583 : memref<16x128xf32, #tpu.memory_space<hbm>>)
      tpu.yield
    }) : () -> ()
    %add3A_421 = arith.constant 480 : i32
    %add3A_422 = arith.addi %mul3A_2, %add3A_421 : i32
    "tpu.region"() ({
      %run_scoped3A = tpu.sem_alloc : memref<!tpu.dma_semaphore, #tpu.memory_space<semaphore_mem>>
      %dma_start3A_576 = tpu.memref_slice %arg2[%add3A_422] : memref<16384xi32, #tpu.memory_space<hbm>> -> memref<16xi32, #tpu.memory_space<hbm>>
      %dma_start3A_577 = tpu.memref_slice %arg2[%add3A_422] : memref<16384xi32, #tpu.memory_space<hbm>> -> memref<16xi32, #tpu.memory_space<hbm>>
      tpu.enqueue_dma source(%dma_start3A_577 : memref<16xi32, #tpu.memory_space<hbm>>) target(%arg11 : memref<16xi32, #tpu.memory_space<vmem>>) target_semaphore(%run_scoped3A : memref<!tpu.dma_semaphore, #tpu.memory_space<semaphore_mem>>)
      %dma_wait3A_578 = tpu.memref_slice %arg2[%add3A_422] : memref<16384xi32, #tpu.memory_space<hbm>> -> memref<16xi32, #tpu.memory_space<hbm>>
      %dma_wait3A_579 = tpu.memref_slice %arg2[%add3A_422] : memref<16384xi32, #tpu.memory_space<hbm>> -> memref<16xi32, #tpu.memory_space<hbm>>
      tpu.wait_dma2 semaphore(%run_scoped3A : memref<!tpu.dma_semaphore, #tpu.memory_space<semaphore_mem>>) src(%dma_wait3A_579 : memref<16xi32, #tpu.memory_space<hbm>>) dst(%arg11 : memref<16xi32, #tpu.memory_space<vmem>>)
      tpu.yield
    }) : () -> ()
    "tpu.region"() ({
      %run_scoped3A = tpu.sem_alloc : memref<!tpu.dma_semaphore, #tpu.memory_space<semaphore_mem>>
      %dma_start3A_576 = tpu.memref_slice %arg4[%add3A_422] : memref<16384xi32, #tpu.memory_space<hbm>> -> memref<16xi32, #tpu.memory_space<hbm>>
      %dma_start3A_577 = tpu.memref_slice %arg4[%add3A_422] : memref<16384xi32, #tpu.memory_space<hbm>> -> memref<16xi32, #tpu.memory_space<hbm>>
      tpu.enqueue_dma source(%dma_start3A_577 : memref<16xi32, #tpu.memory_space<hbm>>) target(%arg12 : memref<16xi32, #tpu.memory_space<vmem>>) target_semaphore(%run_scoped3A : memref<!tpu.dma_semaphore, #tpu.memory_space<semaphore_mem>>)
      %dma_wait3A_578 = tpu.memref_slice %arg4[%add3A_422] : memref<16384xi32, #tpu.memory_space<hbm>> -> memref<16xi32, #tpu.memory_space<hbm>>
      %dma_wait3A_579 = tpu.memref_slice %arg4[%add3A_422] : memref<16384xi32, #tpu.memory_space<hbm>> -> memref<16xi32, #tpu.memory_space<hbm>>
      tpu.wait_dma2 semaphore(%run_scoped3A : memref<!tpu.dma_semaphore, #tpu.memory_space<semaphore_mem>>) src(%dma_wait3A_579 : memref<16xi32, #tpu.memory_space<hbm>>) dst(%arg12 : memref<16xi32, #tpu.memory_space<vmem>>)
      tpu.yield
    }) : () -> ()
    %dma_start3A_423 = arith.constant 0 : i32
    %dma_start3A_424 = arith.constant 0 : i32
    %dma_start3A_425 = tpu.memref_slice %arg5[%dma_start3A_423, %dma_start3A_424] : memref<1000000x128xf32, #tpu.memory_space<hbm>> -> memref<1000000x128xf32, #tpu.memory_space<hbm>>
    tpu.enqueue_indirect_dma source(%dma_start3A_425 : memref<1000000x128xf32, #tpu.memory_space<hbm>>) target(%arg13 : memref<16x128xf32, #tpu.memory_space<vmem>>) offsets(%arg11 : memref<16xi32, #tpu.memory_space<vmem>>) semaphore(%arg24 : memref<!tpu.dma_semaphore, #tpu.memory_space<semaphore_mem>>)
    %dma_start3A_426 = arith.constant 0 : i32
    %dma_start3A_427 = arith.constant 0 : i32
    %dma_start3A_428 = tpu.memref_slice %arg5[%dma_start3A_426, %dma_start3A_427] : memref<1000000x128xf32, #tpu.memory_space<hbm>> -> memref<1000000x128xf32, #tpu.memory_space<hbm>>
    tpu.enqueue_indirect_dma source(%dma_start3A_428 : memref<1000000x128xf32, #tpu.memory_space<hbm>>) target(%arg14 : memref<16x128xf32, #tpu.memory_space<vmem>>) offsets(%arg12 : memref<16xi32, #tpu.memory_space<vmem>>) semaphore(%arg24 : memref<!tpu.dma_semaphore, #tpu.memory_space<semaphore_mem>>)
    %dma_wait3A_429 = arith.constant 0 : i32
    %dma_wait3A_430 = arith.constant 0 : i32
    %dma_wait3A_431 = tpu.memref_slice %arg5[%dma_wait3A_429, %dma_wait3A_430] : memref<1000000x128xf32, #tpu.memory_space<hbm>> -> memref<1000000x128xf32, #tpu.memory_space<hbm>>
    tpu.wait_indirect_dma semaphore(%arg24 : memref<!tpu.dma_semaphore, #tpu.memory_space<semaphore_mem>>) src(%dma_wait3A_431 : memref<1000000x128xf32, #tpu.memory_space<hbm>>) dst(%arg13 : memref<16x128xf32, #tpu.memory_space<vmem>>)
    %dma_wait3A_432 = arith.constant 0 : i32
    %dma_wait3A_433 = arith.constant 0 : i32
    %dma_wait3A_434 = tpu.memref_slice %arg5[%dma_wait3A_432, %dma_wait3A_433] : memref<1000000x128xf32, #tpu.memory_space<hbm>> -> memref<1000000x128xf32, #tpu.memory_space<hbm>>
    tpu.wait_indirect_dma semaphore(%arg24 : memref<!tpu.dma_semaphore, #tpu.memory_space<semaphore_mem>>) src(%dma_wait3A_434 : memref<1000000x128xf32, #tpu.memory_space<hbm>>) dst(%arg14 : memref<16x128xf32, #tpu.memory_space<vmem>>)
    "tpu.region"() ({
      %run_scoped3A = tpu.sem_alloc : memref<!tpu.dma_semaphore, #tpu.memory_space<semaphore_mem>>
      %dma_start3A_576 = arith.constant 0 : i32
      %dma_start3A_577 = tpu.memref_slice %arg8[%add3A_422, %dma_start3A_576] : memref<16384x128xf32, #tpu.memory_space<hbm>> -> memref<16x128xf32, #tpu.memory_space<hbm>>
      %dma_start3A_578 = arith.constant 0 : i32
      %dma_start3A_579 = tpu.memref_slice %arg8[%add3A_422, %dma_start3A_578] : memref<16384x128xf32, #tpu.memory_space<hbm>> -> memref<16x128xf32, #tpu.memory_space<hbm>>
      tpu.enqueue_dma source(%arg13 : memref<16x128xf32, #tpu.memory_space<vmem>>) target(%dma_start3A_579 : memref<16x128xf32, #tpu.memory_space<hbm>>) target_semaphore(%run_scoped3A : memref<!tpu.dma_semaphore, #tpu.memory_space<semaphore_mem>>)
      %dma_wait3A_580 = arith.constant 0 : i32
      %dma_wait3A_581 = tpu.memref_slice %arg8[%add3A_422, %dma_wait3A_580] : memref<16384x128xf32, #tpu.memory_space<hbm>> -> memref<16x128xf32, #tpu.memory_space<hbm>>
      %dma_wait3A_582 = arith.constant 0 : i32
      %dma_wait3A_583 = tpu.memref_slice %arg8[%add3A_422, %dma_wait3A_582] : memref<16384x128xf32, #tpu.memory_space<hbm>> -> memref<16x128xf32, #tpu.memory_space<hbm>>
      tpu.wait_dma2 semaphore(%run_scoped3A : memref<!tpu.dma_semaphore, #tpu.memory_space<semaphore_mem>>) src(%arg13 : memref<16x128xf32, #tpu.memory_space<vmem>>) dst(%dma_wait3A_583 : memref<16x128xf32, #tpu.memory_space<hbm>>)
      tpu.yield
    }) : () -> ()
    "tpu.region"() ({
      %run_scoped3A = tpu.sem_alloc : memref<!tpu.dma_semaphore, #tpu.memory_space<semaphore_mem>>
      %dma_start3A_576 = arith.constant 0 : i32
      %dma_start3A_577 = tpu.memref_slice %arg9[%add3A_422, %dma_start3A_576] : memref<16384x128xf32, #tpu.memory_space<hbm>> -> memref<16x128xf32, #tpu.memory_space<hbm>>
      %dma_start3A_578 = arith.constant 0 : i32
      %dma_start3A_579 = tpu.memref_slice %arg9[%add3A_422, %dma_start3A_578] : memref<16384x128xf32, #tpu.memory_space<hbm>> -> memref<16x128xf32, #tpu.memory_space<hbm>>
      tpu.enqueue_dma source(%arg14 : memref<16x128xf32, #tpu.memory_space<vmem>>) target(%dma_start3A_579 : memref<16x128xf32, #tpu.memory_space<hbm>>) target_semaphore(%run_scoped3A : memref<!tpu.dma_semaphore, #tpu.memory_space<semaphore_mem>>)
      %dma_wait3A_580 = arith.constant 0 : i32
      %dma_wait3A_581 = tpu.memref_slice %arg9[%add3A_422, %dma_wait3A_580] : memref<16384x128xf32, #tpu.memory_space<hbm>> -> memref<16x128xf32, #tpu.memory_space<hbm>>
      %dma_wait3A_582 = arith.constant 0 : i32
      %dma_wait3A_583 = tpu.memref_slice %arg9[%add3A_422, %dma_wait3A_582] : memref<16384x128xf32, #tpu.memory_space<hbm>> -> memref<16x128xf32, #tpu.memory_space<hbm>>
      tpu.wait_dma2 semaphore(%run_scoped3A : memref<!tpu.dma_semaphore, #tpu.memory_space<semaphore_mem>>) src(%arg14 : memref<16x128xf32, #tpu.memory_space<vmem>>) dst(%dma_wait3A_583 : memref<16x128xf32, #tpu.memory_space<hbm>>)
      tpu.yield
    }) : () -> ()
    %add3A_435 = arith.constant 496 : i32
    %add3A_436 = arith.addi %mul3A_2, %add3A_435 : i32
    "tpu.region"() ({
      %run_scoped3A = tpu.sem_alloc : memref<!tpu.dma_semaphore, #tpu.memory_space<semaphore_mem>>
      %dma_start3A_576 = tpu.memref_slice %arg2[%add3A_436] : memref<16384xi32, #tpu.memory_space<hbm>> -> memref<16xi32, #tpu.memory_space<hbm>>
      %dma_start3A_577 = tpu.memref_slice %arg2[%add3A_436] : memref<16384xi32, #tpu.memory_space<hbm>> -> memref<16xi32, #tpu.memory_space<hbm>>
      tpu.enqueue_dma source(%dma_start3A_577 : memref<16xi32, #tpu.memory_space<hbm>>) target(%arg11 : memref<16xi32, #tpu.memory_space<vmem>>) target_semaphore(%run_scoped3A : memref<!tpu.dma_semaphore, #tpu.memory_space<semaphore_mem>>)
      %dma_wait3A_578 = tpu.memref_slice %arg2[%add3A_436] : memref<16384xi32, #tpu.memory_space<hbm>> -> memref<16xi32, #tpu.memory_space<hbm>>
      %dma_wait3A_579 = tpu.memref_slice %arg2[%add3A_436] : memref<16384xi32, #tpu.memory_space<hbm>> -> memref<16xi32, #tpu.memory_space<hbm>>
      tpu.wait_dma2 semaphore(%run_scoped3A : memref<!tpu.dma_semaphore, #tpu.memory_space<semaphore_mem>>) src(%dma_wait3A_579 : memref<16xi32, #tpu.memory_space<hbm>>) dst(%arg11 : memref<16xi32, #tpu.memory_space<vmem>>)
      tpu.yield
    }) : () -> ()
    "tpu.region"() ({
      %run_scoped3A = tpu.sem_alloc : memref<!tpu.dma_semaphore, #tpu.memory_space<semaphore_mem>>
      %dma_start3A_576 = tpu.memref_slice %arg4[%add3A_436] : memref<16384xi32, #tpu.memory_space<hbm>> -> memref<16xi32, #tpu.memory_space<hbm>>
      %dma_start3A_577 = tpu.memref_slice %arg4[%add3A_436] : memref<16384xi32, #tpu.memory_space<hbm>> -> memref<16xi32, #tpu.memory_space<hbm>>
      tpu.enqueue_dma source(%dma_start3A_577 : memref<16xi32, #tpu.memory_space<hbm>>) target(%arg12 : memref<16xi32, #tpu.memory_space<vmem>>) target_semaphore(%run_scoped3A : memref<!tpu.dma_semaphore, #tpu.memory_space<semaphore_mem>>)
      %dma_wait3A_578 = tpu.memref_slice %arg4[%add3A_436] : memref<16384xi32, #tpu.memory_space<hbm>> -> memref<16xi32, #tpu.memory_space<hbm>>
      %dma_wait3A_579 = tpu.memref_slice %arg4[%add3A_436] : memref<16384xi32, #tpu.memory_space<hbm>> -> memref<16xi32, #tpu.memory_space<hbm>>
      tpu.wait_dma2 semaphore(%run_scoped3A : memref<!tpu.dma_semaphore, #tpu.memory_space<semaphore_mem>>) src(%dma_wait3A_579 : memref<16xi32, #tpu.memory_space<hbm>>) dst(%arg12 : memref<16xi32, #tpu.memory_space<vmem>>)
      tpu.yield
    }) : () -> ()
    %dma_start3A_437 = arith.constant 0 : i32
    %dma_start3A_438 = arith.constant 0 : i32
    %dma_start3A_439 = tpu.memref_slice %arg5[%dma_start3A_437, %dma_start3A_438] : memref<1000000x128xf32, #tpu.memory_space<hbm>> -> memref<1000000x128xf32, #tpu.memory_space<hbm>>
    tpu.enqueue_indirect_dma source(%dma_start3A_439 : memref<1000000x128xf32, #tpu.memory_space<hbm>>) target(%arg13 : memref<16x128xf32, #tpu.memory_space<vmem>>) offsets(%arg11 : memref<16xi32, #tpu.memory_space<vmem>>) semaphore(%arg24 : memref<!tpu.dma_semaphore, #tpu.memory_space<semaphore_mem>>)
    %dma_start3A_440 = arith.constant 0 : i32
    %dma_start3A_441 = arith.constant 0 : i32
    %dma_start3A_442 = tpu.memref_slice %arg5[%dma_start3A_440, %dma_start3A_441] : memref<1000000x128xf32, #tpu.memory_space<hbm>> -> memref<1000000x128xf32, #tpu.memory_space<hbm>>
    tpu.enqueue_indirect_dma source(%dma_start3A_442 : memref<1000000x128xf32, #tpu.memory_space<hbm>>) target(%arg14 : memref<16x128xf32, #tpu.memory_space<vmem>>) offsets(%arg12 : memref<16xi32, #tpu.memory_space<vmem>>) semaphore(%arg24 : memref<!tpu.dma_semaphore, #tpu.memory_space<semaphore_mem>>)
    %dma_wait3A_443 = arith.constant 0 : i32
    %dma_wait3A_444 = arith.constant 0 : i32
    %dma_wait3A_445 = tpu.memref_slice %arg5[%dma_wait3A_443, %dma_wait3A_444] : memref<1000000x128xf32, #tpu.memory_space<hbm>> -> memref<1000000x128xf32, #tpu.memory_space<hbm>>
    tpu.wait_indirect_dma semaphore(%arg24 : memref<!tpu.dma_semaphore, #tpu.memory_space<semaphore_mem>>) src(%dma_wait3A_445 : memref<1000000x128xf32, #tpu.memory_space<hbm>>) dst(%arg13 : memref<16x128xf32, #tpu.memory_space<vmem>>)
    %dma_wait3A_446 = arith.constant 0 : i32
    %dma_wait3A_447 = arith.constant 0 : i32
    %dma_wait3A_448 = tpu.memref_slice %arg5[%dma_wait3A_446, %dma_wait3A_447] : memref<1000000x128xf32, #tpu.memory_space<hbm>> -> memref<1000000x128xf32, #tpu.memory_space<hbm>>
    tpu.wait_indirect_dma semaphore(%arg24 : memref<!tpu.dma_semaphore, #tpu.memory_space<semaphore_mem>>) src(%dma_wait3A_448 : memref<1000000x128xf32, #tpu.memory_space<hbm>>) dst(%arg14 : memref<16x128xf32, #tpu.memory_space<vmem>>)
    "tpu.region"() ({
      %run_scoped3A = tpu.sem_alloc : memref<!tpu.dma_semaphore, #tpu.memory_space<semaphore_mem>>
      %dma_start3A_576 = arith.constant 0 : i32
      %dma_start3A_577 = tpu.memref_slice %arg8[%add3A_436, %dma_start3A_576] : memref<16384x128xf32, #tpu.memory_space<hbm>> -> memref<16x128xf32, #tpu.memory_space<hbm>>
      %dma_start3A_578 = arith.constant 0 : i32
      %dma_start3A_579 = tpu.memref_slice %arg8[%add3A_436, %dma_start3A_578] : memref<16384x128xf32, #tpu.memory_space<hbm>> -> memref<16x128xf32, #tpu.memory_space<hbm>>
      tpu.enqueue_dma source(%arg13 : memref<16x128xf32, #tpu.memory_space<vmem>>) target(%dma_start3A_579 : memref<16x128xf32, #tpu.memory_space<hbm>>) target_semaphore(%run_scoped3A : memref<!tpu.dma_semaphore, #tpu.memory_space<semaphore_mem>>)
      %dma_wait3A_580 = arith.constant 0 : i32
      %dma_wait3A_581 = tpu.memref_slice %arg8[%add3A_436, %dma_wait3A_580] : memref<16384x128xf32, #tpu.memory_space<hbm>> -> memref<16x128xf32, #tpu.memory_space<hbm>>
      %dma_wait3A_582 = arith.constant 0 : i32
      %dma_wait3A_583 = tpu.memref_slice %arg8[%add3A_436, %dma_wait3A_582] : memref<16384x128xf32, #tpu.memory_space<hbm>> -> memref<16x128xf32, #tpu.memory_space<hbm>>
      tpu.wait_dma2 semaphore(%run_scoped3A : memref<!tpu.dma_semaphore, #tpu.memory_space<semaphore_mem>>) src(%arg13 : memref<16x128xf32, #tpu.memory_space<vmem>>) dst(%dma_wait3A_583 : memref<16x128xf32, #tpu.memory_space<hbm>>)
      tpu.yield
    }) : () -> ()
    "tpu.region"() ({
      %run_scoped3A = tpu.sem_alloc : memref<!tpu.dma_semaphore, #tpu.memory_space<semaphore_mem>>
      %dma_start3A_576 = arith.constant 0 : i32
      %dma_start3A_577 = tpu.memref_slice %arg9[%add3A_436, %dma_start3A_576] : memref<16384x128xf32, #tpu.memory_space<hbm>> -> memref<16x128xf32, #tpu.memory_space<hbm>>
      %dma_start3A_578 = arith.constant 0 : i32
      %dma_start3A_579 = tpu.memref_slice %arg9[%add3A_436, %dma_start3A_578] : memref<16384x128xf32, #tpu.memory_space<hbm>> -> memref<16x128xf32, #tpu.memory_space<hbm>>
      tpu.enqueue_dma source(%arg14 : memref<16x128xf32, #tpu.memory_space<vmem>>) target(%dma_start3A_579 : memref<16x128xf32, #tpu.memory_space<hbm>>) target_semaphore(%run_scoped3A : memref<!tpu.dma_semaphore, #tpu.memory_space<semaphore_mem>>)
      %dma_wait3A_580 = arith.constant 0 : i32
      %dma_wait3A_581 = tpu.memref_slice %arg9[%add3A_436, %dma_wait3A_580] : memref<16384x128xf32, #tpu.memory_space<hbm>> -> memref<16x128xf32, #tpu.memory_space<hbm>>
      %dma_wait3A_582 = arith.constant 0 : i32
      %dma_wait3A_583 = tpu.memref_slice %arg9[%add3A_436, %dma_wait3A_582] : memref<16384x128xf32, #tpu.memory_space<hbm>> -> memref<16x128xf32, #tpu.memory_space<hbm>>
      tpu.wait_dma2 semaphore(%run_scoped3A : memref<!tpu.dma_semaphore, #tpu.memory_space<semaphore_mem>>) src(%arg14 : memref<16x128xf32, #tpu.memory_space<vmem>>) dst(%dma_wait3A_583 : memref<16x128xf32, #tpu.memory_space<hbm>>)
      tpu.yield
    }) : () -> ()
    %mul3A_449 = arith.constant 31744 : i32
    %mul3A_450 = arith.muli %add3A, %mul3A_449 : i32
    %add3A_451 = arith.constant 31744 : i32
    %add3A_452 = arith.addi %mul3A_450, %add3A_451 : i32
    %min3A = arith.constant 1000000 : i32
    %min3A_453 = arith.minsi %add3A_452, %min3A : i32
    "tpu.region"() ({
      %run_scoped3A = tpu.sem_alloc : memref<!tpu.dma_semaphore, #tpu.memory_space<semaphore_mem>>
      tpu.enqueue_dma source(%arg3 : memref<16384xi32, #tpu.memory_space<hbm>>) target(%arg15 : memref<16384xi32, #tpu.memory_space<vmem>>) target_semaphore(%run_scoped3A : memref<!tpu.dma_semaphore, #tpu.memory_space<semaphore_mem>>)
      tpu.wait_dma2 semaphore(%run_scoped3A : memref<!tpu.dma_semaphore, #tpu.memory_space<semaphore_mem>>) src(%arg3 : memref<16384xi32, #tpu.memory_space<hbm>>) dst(%arg15 : memref<16384xi32, #tpu.memory_space<vmem>>)
      tpu.yield
    }) : () -> ()
    %iota3A = tpu.iota {dimensions = array<i32: 0>} : vector<16xi32>
    %eq3A = arith.constant 0 : i32
    %eq3A_454 = vector.broadcast %eq3A : i32 to vector<16xi32>
    %eq3A_455 = arith.cmpi eq, %iota3A, %eq3A_454 : vector<16xi32>
    %scan3A = arith.constant 0 : i32
    %scan3A_456 = arith.constant 0 : i32
    %scan3A_457 = arith.constant 1024 : i32
    %scan3A_458 = arith.addi %scan3A_456, %scan3A_457 : i32
    %scan3A_459 = arith.constant 1 : i32
    %scan3A_460 = scf.for %scan3A_576 = %scan3A_456 to %scan3A_458 step %scan3A_459 iter_args(%scan3A_577 = %scan3A) -> (i32)  : i32 {
      %mul3A_578 = arith.constant 16 : i32
      %mul3A_579 = arith.muli %scan3A_576, %mul3A_578 : i32
      %get3A_580 = arith.index_cast %mul3A_579 : i32 to index
      %get3A_581 = tpu.vector_load %arg15[%get3A_580] {strides = array<i32>} : memref<16384xi32, #tpu.memory_space<vmem>>, vector<16xi32>,
      %broadcast_in_dim3A = vector.broadcast %mul3A_450 : i32 to vector<16xi32>
      %broadcast_in_dim3A_582 = vector.broadcast %min3A_453 : i32 to vector<16xi32>
      %ge3A = arith.cmpi sge, %get3A_581, %broadcast_in_dim3A : vector<16xi32>
      %lt3A = arith.cmpi slt, %get3A_581, %broadcast_in_dim3A_582 : vector<16xi32>
      %and3A_583 = arith.andi %ge3A, %lt3A : vector<16xi1>
      %convert_element_type3A = arith.extui %and3A_583 : vector<16xi1> to vector<16xi32>
      %broadcast_in_dim3A_584 = arith.constant true
      %broadcast_in_dim3A_585 = vector.broadcast %broadcast_in_dim3A_584 : i1 to vector<16xi1>
      %masked_cumsum3A = tpu.scan <sum>, %convert_element_type3A masked %broadcast_in_dim3A_585 : vector<16xi32>, vector<16xi1> -> vector<16xi32>
      %broadcast_in_dim3A_586 = vector.broadcast %scan3A_577 : i32 to vector<16xi32>
      %add3A_587 = arith.addi %broadcast_in_dim3A_586, %masked_cumsum3A : vector<16xi32>
      %sub3A_588 = arith.constant 1 : i32
      %sub3A_589 = vector.broadcast %sub3A_588 : i32 to vector<16xi32>
      %sub3A_590 = arith.subi %add3A_587, %sub3A_589 : vector<16xi32>
      %sub3A_591 = arith.subi %get3A_581, %broadcast_in_dim3A : vector<16xi32>
      %mul3A_592 = arith.constant 16 : i32
      %mul3A_593 = arith.muli %scan3A_576, %mul3A_592 : i32
      %broadcast_in_dim3A_594 = vector.broadcast %mul3A_593 : i32 to vector<16xi32>
      %add3A_595 = arith.addi %iota3A, %broadcast_in_dim3A_594 : vector<16xi32>
      %shift_right_arithmetic3A = arith.constant 9 : i32
      %shift_right_arithmetic3A_596 = vector.broadcast %shift_right_arithmetic3A : i32 to vector<16xi32>
      %shift_right_arithmetic3A_597 = arith.shrsi %sub3A_591, %shift_right_arithmetic3A_596 : vector<16xi32>
      %shift_left3A = arith.constant 23 : i32
      %shift_left3A_598 = vector.broadcast %shift_left3A : i32 to vector<16xi32>
      %shift_left3A_599 = arith.shli %shift_right_arithmetic3A_597, %shift_left3A_598 : vector<16xi32>
      %shift_left3A_600 = arith.constant 9 : i32
      %shift_left3A_601 = vector.broadcast %shift_left3A_600 : i32 to vector<16xi32>
      %shift_left3A_602 = arith.shli %add3A_595, %shift_left3A_601 : vector<16xi32>
      %or3A = arith.ori %shift_left3A_599, %shift_left3A_602 : vector<16xi32>
      %and3A_603 = arith.constant 511 : i32
      %and3A_604 = vector.broadcast %and3A_603 : i32 to vector<16xi32>
      %and3A_605 = arith.andi %sub3A_591, %and3A_604 : vector<16xi32>
      %or3A_606 = arith.ori %or3A, %and3A_605 : vector<16xi32>
      tpu.vector_store_idx %arg16[%sub3A_590], %or3A_606 masked %and3A_583 : memref<16400xi32, #tpu.memory_space<vmem>>[vector<16xi32>], vector<16xi32>, vector<16xi1>
      %slice3A = vector.extract_strided_slice %masked_cumsum3A {offsets = [15], sizes = [1], strides = [1]} : vector<16xi32> to vector<1xi32>
      %squeeze3A = vector.extract %slice3A[0] : i32 from vector<1xi32>
      %add3A_607 = arith.addi %scan3A_577, %squeeze3A : i32
      scf.yield %add3A_607 : i32
    }
    %scan3A_461 = arith.constant 1024 : i32
    %scan3A_462 = arith.constant 0 : i32
    %scan3A_463 = arith.constant 0 : i32
    %scan3A_464 = arith.constant 63 : i32
    %scan3A_465 = arith.addi %scan3A_463, %scan3A_464 : i32
    %scan3A_466 = arith.constant 1 : i32
    %scan3A_467 = scf.for %scan3A_576 = %scan3A_463 to %scan3A_465 step %scan3A_466 iter_args(%scan3A_577 = %scan3A_462) -> (i32)  : i32 {
      %swap3A_578 = arith.constant 0 : i32
      %swap3A_579 = arith.index_cast %scan3A_576 : i32 to index
      %swap3A_580 = memref.load %arg21[%swap3A_579] : memref<70xi32, #tpu.memory_space<smem>>
      memref.store %swap3A_578, %arg21[%swap3A_579] : memref<70xi32, #tpu.memory_space<smem>>
      %scan3A_581 = arith.constant 0 : i32
      scf.yield %scan3A_581 : i32
    }
    %scan3A_468 = arith.constant 63 : i32
    %while3A = arith.constant 0 : i32
    %while3A_469 = arith.constant 0 : i32
    %while3A_470 = arith.subi %scan3A_460, %while3A : i32
    %while3A_471 = arith.addi %while3A, %while3A_470 : i32
    %while3A_472 = arith.constant 1 : i32
    %while3A_473 = arith.divsi %while3A_470, %while3A_472 : i32
    %while3A_474 = arith.muli %while3A_473, %while3A_472 : i32
    %while3A_475 = arith.addi %while3A, %while3A_474 : i32
    %while3A_476 = arith.constant 1 : i32
    %while3A_477 = scf.for %while3A_576 = %while3A to %while3A_475 step %while3A_476 iter_args(%while3A_577 = %while3A_469) -> (i32)  : i32 {
      %get3A_578 = arith.index_cast %while3A_576 : i32 to index
      %get3A_579 = tpu.vector_load %arg16[%get3A_578] {strides = array<i32>} : memref<16400xi32, #tpu.memory_space<vmem>>, vector<16xi32>,
      %slice3A = vector.extract_strided_slice %get3A_579 {offsets = [0], sizes = [1], strides = [1]} : vector<16xi32> to vector<1xi32>
      %squeeze3A = vector.extract %slice3A[0] : i32 from vector<1xi32>
      %shift_right_arithmetic3A = arith.constant 23 : i32
      %shift_right_arithmetic3A_580 = arith.shrsi %squeeze3A, %shift_right_arithmetic3A : i32
      %get3A_581 = arith.index_cast %shift_right_arithmetic3A_580 : i32 to index
      %get3A_582 = memref.load %arg21[%get3A_581] : memref<70xi32, #tpu.memory_space<smem>>
      %add3A_583 = arith.constant 1 : i32
      %add3A_584 = arith.addi %get3A_582, %add3A_583 : i32
      %swap3A_585 = arith.index_cast %shift_right_arithmetic3A_580 : i32 to index
      %swap3A_586 = memref.load %arg21[%swap3A_585] : memref<70xi32, #tpu.memory_space<smem>>
      memref.store %add3A_584, %arg21[%swap3A_585] : memref<70xi32, #tpu.memory_space<smem>>
      %while3A_587 = arith.constant 0 : i32
      scf.yield %while3A_587 : i32
    }
    %while3A_478 = arith.constant 1 : i32
    %while3A_479 = scf.for %while3A_576 = %while3A_475 to %while3A_471 step %while3A_478 iter_args(%while3A_577 = %while3A_477) -> (i32)  : i32 {
      %get3A_578 = arith.index_cast %while3A_576 : i32 to index
      %get3A_579 = tpu.vector_load %arg16[%get3A_578] {strides = array<i32>} : memref<16400xi32, #tpu.memory_space<vmem>>, vector<16xi32>,
      %slice3A = vector.extract_strided_slice %get3A_579 {offsets = [0], sizes = [1], strides = [1]} : vector<16xi32> to vector<1xi32>
      %squeeze3A = vector.extract %slice3A[0] : i32 from vector<1xi32>
      %shift_right_arithmetic3A = arith.constant 23 : i32
      %shift_right_arithmetic3A_580 = arith.shrsi %squeeze3A, %shift_right_arithmetic3A : i32
      %get3A_581 = arith.index_cast %shift_right_arithmetic3A_580 : i32 to index
      %get3A_582 = memref.load %arg21[%get3A_581] : memref<70xi32, #tpu.memory_space<smem>>
      %add3A_583 = arith.constant 1 : i32
      %add3A_584 = arith.addi %get3A_582, %add3A_583 : i32
      %swap3A_585 = arith.index_cast %shift_right_arithmetic3A_580 : i32 to index
      %swap3A_586 = memref.load %arg21[%swap3A_585] : memref<70xi32, #tpu.memory_space<smem>>
      memref.store %add3A_584, %arg21[%swap3A_585] : memref<70xi32, #tpu.memory_space<smem>>
      %while3A_587 = arith.constant 0 : i32
      scf.yield %while3A_587 : i32
    }
    %scan3A_480 = arith.constant 0 : i32
    %scan3A_481 = arith.constant 0 : i32
    %scan3A_482 = arith.constant 63 : i32
    %scan3A_483 = arith.addi %scan3A_481, %scan3A_482 : i32
    %scan3A_484 = arith.constant 1 : i32
    %scan3A_485 = scf.for %scan3A_576 = %scan3A_481 to %scan3A_483 step %scan3A_484 iter_args(%scan3A_577 = %scan3A_480) -> (i32)  : i32 {
      %swap3A_578 = arith.index_cast %scan3A_576 : i32 to index
      %swap3A_579 = memref.load %arg22[%swap3A_578] : memref<70xi32, #tpu.memory_space<smem>>
      memref.store %scan3A_577, %arg22[%swap3A_578] : memref<70xi32, #tpu.memory_space<smem>>
      %swap3A_580 = arith.index_cast %scan3A_576 : i32 to index
      %swap3A_581 = memref.load %arg23[%swap3A_580] : memref<70xi32, #tpu.memory_space<smem>>
      memref.store %scan3A_577, %arg23[%swap3A_580] : memref<70xi32, #tpu.memory_space<smem>>
      %get3A_582 = arith.index_cast %scan3A_576 : i32 to index
      %get3A_583 = memref.load %arg21[%get3A_582] : memref<70xi32, #tpu.memory_space<smem>>
      %add3A_584 = arith.addi %scan3A_577, %get3A_583 : i32
      scf.yield %add3A_584 : i32
    }
    %scan3A_486 = arith.constant 63 : i32
    %swap3A = arith.constant 63 : i32
    %swap3A_487 = arith.index_cast %swap3A : i32 to index
    %swap3A_488 = memref.load %arg22[%swap3A_487] : memref<70xi32, #tpu.memory_space<smem>>
    memref.store %scan3A_485, %arg22[%swap3A_487] : memref<70xi32, #tpu.memory_space<smem>>
    %swap3A_489 = arith.constant 63 : i32
    %swap3A_490 = arith.index_cast %swap3A_489 : i32 to index
    %swap3A_491 = memref.load %arg23[%swap3A_490] : memref<70xi32, #tpu.memory_space<smem>>
    memref.store %scan3A_485, %arg23[%swap3A_490] : memref<70xi32, #tpu.memory_space<smem>>
    %while3A_492 = arith.constant 0 : i32
    %while3A_493 = arith.constant 0 : i32
    %while3A_494 = arith.subi %scan3A_460, %while3A_492 : i32
    %while3A_495 = arith.addi %while3A_492, %while3A_494 : i32
    %while3A_496 = arith.constant 1 : i32
    %while3A_497 = arith.divsi %while3A_494, %while3A_496 : i32
    %while3A_498 = arith.muli %while3A_497, %while3A_496 : i32
    %while3A_499 = arith.addi %while3A_492, %while3A_498 : i32
    %while3A_500 = arith.constant 1 : i32
    %while3A_501 = scf.for %while3A_576 = %while3A_492 to %while3A_499 step %while3A_500 iter_args(%while3A_577 = %while3A_493) -> (i32)  : i32 {
      %get3A_578 = arith.index_cast %while3A_576 : i32 to index
      %get3A_579 = tpu.vector_load %arg16[%get3A_578] {strides = array<i32>} : memref<16400xi32, #tpu.memory_space<vmem>>, vector<16xi32>,
      %slice3A = vector.extract_strided_slice %get3A_579 {offsets = [0], sizes = [1], strides = [1]} : vector<16xi32> to vector<1xi32>
      %squeeze3A = vector.extract %slice3A[0] : i32 from vector<1xi32>
      %shift_right_arithmetic3A = arith.constant 23 : i32
      %shift_right_arithmetic3A_580 = arith.shrsi %squeeze3A, %shift_right_arithmetic3A : i32
      %get3A_581 = arith.index_cast %shift_right_arithmetic3A_580 : i32 to index
      %get3A_582 = memref.load %arg23[%get3A_581] : memref<70xi32, #tpu.memory_space<smem>>
      %add3A_583 = arith.constant 1 : i32
      %add3A_584 = arith.addi %get3A_582, %add3A_583 : i32
      %swap3A_585 = arith.index_cast %shift_right_arithmetic3A_580 : i32 to index
      %swap3A_586 = memref.load %arg23[%swap3A_585] : memref<70xi32, #tpu.memory_space<smem>>
      memref.store %add3A_584, %arg23[%swap3A_585] : memref<70xi32, #tpu.memory_space<smem>>
      %broadcast_in_dim3A = vector.broadcast %get3A_582 : i32 to vector<16xi32>
      %broadcast_in_dim3A_587 = vector.broadcast %squeeze3A : i32 to vector<16xi32>
      tpu.vector_store_idx %arg17[%broadcast_in_dim3A], %broadcast_in_dim3A_587 masked %eq3A_455 : memref<16400xi32, #tpu.memory_space<vmem>>[vector<16xi32>], vector<16xi32>, vector<16xi1>
      %while3A_588 = arith.constant 0 : i32
      scf.yield %while3A_588 : i32
    }
    %while3A_502 = arith.constant 1 : i32
    %while3A_503 = scf.for %while3A_576 = %while3A_499 to %while3A_495 step %while3A_502 iter_args(%while3A_577 = %while3A_501) -> (i32)  : i32 {
      %get3A_578 = arith.index_cast %while3A_576 : i32 to index
      %get3A_579 = tpu.vector_load %arg16[%get3A_578] {strides = array<i32>} : memref<16400xi32, #tpu.memory_space<vmem>>, vector<16xi32>,
      %slice3A = vector.extract_strided_slice %get3A_579 {offsets = [0], sizes = [1], strides = [1]} : vector<16xi32> to vector<1xi32>
      %squeeze3A = vector.extract %slice3A[0] : i32 from vector<1xi32>
      %shift_right_arithmetic3A = arith.constant 23 : i32
      %shift_right_arithmetic3A_580 = arith.shrsi %squeeze3A, %shift_right_arithmetic3A : i32
      %get3A_581 = arith.index_cast %shift_right_arithmetic3A_580 : i32 to index
      %get3A_582 = memref.load %arg23[%get3A_581] : memref<70xi32, #tpu.memory_space<smem>>
      %add3A_583 = arith.constant 1 : i32
      %add3A_584 = arith.addi %get3A_582, %add3A_583 : i32
      %swap3A_585 = arith.index_cast %shift_right_arithmetic3A_580 : i32 to index
      %swap3A_586 = memref.load %arg23[%swap3A_585] : memref<70xi32, #tpu.memory_space<smem>>
      memref.store %add3A_584, %arg23[%swap3A_585] : memref<70xi32, #tpu.memory_space<smem>>
      %broadcast_in_dim3A = vector.broadcast %get3A_582 : i32 to vector<16xi32>
      %broadcast_in_dim3A_587 = vector.broadcast %squeeze3A : i32 to vector<16xi32>
      tpu.vector_store_idx %arg17[%broadcast_in_dim3A], %broadcast_in_dim3A_587 masked %eq3A_455 : memref<16400xi32, #tpu.memory_space<vmem>>[vector<16xi32>], vector<16xi32>, vector<16xi1>
      %while3A_588 = arith.constant 0 : i32
      scf.yield %while3A_588 : i32
    }
    %add3A_504 = arith.constant 31744 : i32
    %add3A_505 = arith.addi %mul3A_450, %add3A_504 : i32
    %min3A_506 = arith.constant 999936 : i32
    %min3A_507 = arith.minsi %add3A_505, %min3A_506 : i32
    %sub3A = arith.subi %min3A_507, %mul3A_450 : i32
    %jit3A = arith.constant 512 : i32
    %div3A = arith.divsi %sub3A, %jit3A : i32
    %sign3A = arith.constant 0 : i32
    %sign3A_508 = arith.cmpi sgt, %sub3A, %sign3A : i32
    %sign3A_509 = arith.extui %sign3A_508 : i1 to i32
    %sign3A_510 = arith.constant 0 : i32
    %sign3A_511 = arith.cmpi slt, %sub3A, %sign3A_510 : i32
    %sign3A_512 = arith.extui %sign3A_511 : i1 to i32
    %sign3A_513 = arith.subi %sign3A_509, %sign3A_512 : i32
    %sign3A_514 = arith.constant 0 : i32
    %sign3A_515 = arith.cmpi sgt, %jit3A, %sign3A_514 : i32
    %sign3A_516 = arith.extui %sign3A_515 : i1 to i32
    %sign3A_517 = arith.constant 0 : i32
    %sign3A_518 = arith.cmpi slt, %jit3A, %sign3A_517 : i32
    %sign3A_519 = arith.extui %sign3A_518 : i1 to i32
    %sign3A_520 = arith.subi %sign3A_516, %sign3A_519 : i32
    %ne3A = arith.cmpi ne, %sign3A_513, %sign3A_520 : i32
    %rem3A = arith.remsi %sub3A, %jit3A : i32
    %ne3A_521 = arith.constant 0 : i32
    %ne3A_522 = arith.cmpi ne, %rem3A, %ne3A_521 : i32
    %and3A = arith.andi %ne3A, %ne3A_522 : i1
    %sub3A_523 = arith.constant 1 : i32
    %sub3A_524 = arith.subi %div3A, %sub3A_523 : i32
    %select_n3A = arith.select %and3A, %sub3A_524, %div3A : i32
    %dma_start3A_525 = arith.constant 0 : i32
    %dma_start3A_526 = arith.constant 0 : i32
    %dma_start3A_527 = tpu.memref_slice %arg18[%dma_start3A_525, %dma_start3A_526] : memref<64x1024xf32, #tpu.memory_space<vmem>> -> memref<64x512xf32, #tpu.memory_space<vmem>>
    %dma_start3A_528 = arith.constant 0 : i32
    %dma_start3A_529 = tpu.memref_slice %arg6[%dma_start3A_528, %mul3A_450] : memref<64x1000000xf32, #tpu.memory_space<hbm>> -> memref<64x512xf32, #tpu.memory_space<hbm>>
    %dma_start3A_530 = arith.constant 0 : i32
    %dma_start3A_531 = arith.constant 0 : i32
    %dma_start3A_532 = tpu.memref_slice %arg18[%dma_start3A_530, %dma_start3A_531] : memref<64x1024xf32, #tpu.memory_space<vmem>> -> memref<64x512xf32, #tpu.memory_space<vmem>>
    %dma_start3A_533 = arith.constant 0 : i32
    %dma_start3A_534 = tpu.memref_slice %arg6[%dma_start3A_533, %mul3A_450] : memref<64x1000000xf32, #tpu.memory_space<hbm>> -> memref<64x512xf32, #tpu.memory_space<hbm>>
    tpu.enqueue_dma source(%dma_start3A_534 : memref<64x512xf32, #tpu.memory_space<hbm>>) target(%dma_start3A_532 : memref<64x512xf32, #tpu.memory_space<vmem>>) target_semaphore(%arg26 : memref<!tpu.dma_semaphore, #tpu.memory_space<semaphore_mem>>)
    %while3A_535 = arith.constant 0 : i32
    %while3A_536 = arith.constant 0 : i32
    %while3A_537 = arith.subi %select_n3A, %while3A_535 : i32
    %while3A_538 = arith.addi %while3A_535, %while3A_537 : i32
    %while3A_539 = arith.constant 1 : i32
    %while3A_540 = arith.divsi %while3A_537, %while3A_539 : i32
    %while3A_541 = arith.muli %while3A_540, %while3A_539 : i32
    %while3A_542 = arith.addi %while3A_535, %while3A_541 : i32
    %while3A_543 = arith.constant 1 : i32
    %while3A_544 = scf.for %while3A_576 = %while3A_535 to %while3A_542 step %while3A_543 iter_args(%while3A_577 = %while3A_536) -> (i32)  : i32 {
      %dma_wait3A_578 = arith.constant 0 : i32
      %dma_wait3A_579 = arith.constant 0 : i32
      %dma_wait3A_580 = tpu.memref_slice %arg18[%dma_wait3A_578, %dma_wait3A_579] : memref<64x1024xf32, #tpu.memory_space<vmem>> -> memref<64x512xf32, #tpu.memory_space<vmem>>
      %dma_wait3A_581 = arith.constant 0 : i32
      %dma_wait3A_582 = tpu.memref_slice %arg6[%dma_wait3A_581, %mul3A_450] : memref<64x1000000xf32, #tpu.memory_space<hbm>> -> memref<64x512xf32, #tpu.memory_space<hbm>>
      %dma_wait3A_583 = arith.constant 0 : i32
      %dma_wait3A_584 = arith.constant 0 : i32
      %dma_wait3A_585 = tpu.memref_slice %arg18[%dma_wait3A_583, %dma_wait3A_584] : memref<64x1024xf32, #tpu.memory_space<vmem>> -> memref<64x512xf32, #tpu.memory_space<vmem>>
      %dma_wait3A_586 = arith.constant 0 : i32
      %dma_wait3A_587 = tpu.memref_slice %arg6[%dma_wait3A_586, %mul3A_450] : memref<64x1000000xf32, #tpu.memory_space<hbm>> -> memref<64x512xf32, #tpu.memory_space<hbm>>
      tpu.wait_dma2 semaphore(%arg26 : memref<!tpu.dma_semaphore, #tpu.memory_space<semaphore_mem>>) src(%dma_wait3A_587 : memref<64x512xf32, #tpu.memory_space<hbm>>) dst(%dma_wait3A_585 : memref<64x512xf32, #tpu.memory_space<vmem>>)
      %add3A_588 = arith.constant 1 : i32
      %add3A_589 = arith.addi %while3A_576, %add3A_588 : i32
      %lt3A = arith.cmpi slt, %add3A_589, %select_n3A : i32
      %convert_element_type3A = arith.extui %lt3A : i1 to i32
      %cond3A = arith.constant 0 : i32
      %cond3A_590 = arith.cmpi ne, %convert_element_type3A, %cond3A : i32
      scf.if %cond3A_590 {
        %add3A_625 = arith.constant 1 : i32
        %add3A_626 = arith.addi %while3A_576, %add3A_625 : i32
        %jit3A_627 = arith.constant 2 : i32
        %eq3A_628 = arith.constant 0 : i32
        %eq3A_629 = arith.cmpi eq, %jit3A_627, %eq3A_628 : i32
        %jit3A_630 = arith.constant 1 : i32
        %select_n3A_631 = arith.select %eq3A_629, %jit3A_630, %jit3A_627 : i32
        %rem3A_632 = arith.remsi %add3A_626, %select_n3A_631 : i32
        %ne3A_633 = arith.constant 0 : i32
        %ne3A_634 = arith.cmpi ne, %rem3A_632, %ne3A_633 : i32
        %lt3A_635 = arith.constant 0 : i32
        %lt3A_636 = arith.cmpi slt, %rem3A_632, %lt3A_635 : i32
        %lt3A_637 = arith.constant 0 : i32
        %lt3A_638 = arith.cmpi slt, %select_n3A_631, %lt3A_637 : i32
        %ne3A_639 = arith.xori %lt3A_636, %lt3A_638 : i1
        %and3A_640 = arith.andi %ne3A_639, %ne3A_634 : i1
        %add3A_641 = arith.addi %rem3A_632, %select_n3A_631 : i32
        %select_n3A_642 = arith.select %and3A_640, %add3A_641, %rem3A_632 : i32
        %mul3A_643 = arith.constant 512 : i32
        %mul3A_644 = arith.muli %select_n3A_642, %mul3A_643 : i32
        %multiple_of3A = tpu.assume_multiple %mul3A_644, 128 : i32
        %add3A_645 = arith.constant 1 : i32
        %add3A_646 = arith.addi %while3A_576, %add3A_645 : i32
        %mul3A_647 = arith.constant 512 : i32
        %mul3A_648 = arith.muli %add3A_646, %mul3A_647 : i32
        %add3A_649 = arith.addi %mul3A_450, %mul3A_648 : i32
        %dma_start3A_650 = arith.constant 0 : i32
        %dma_start3A_651 = tpu.memref_slice %arg18[%dma_start3A_650, %multiple_of3A] : memref<64x1024xf32, #tpu.memory_space<vmem>> -> memref<64x512xf32, #tpu.memory_space<vmem>>
        %dma_start3A_652 = arith.constant 0 : i32
        %dma_start3A_653 = tpu.memref_slice %arg6[%dma_start3A_652, %add3A_649] : memref<64x1000000xf32, #tpu.memory_space<hbm>> -> memref<64x512xf32, #tpu.memory_space<hbm>>
        %dma_start3A_654 = arith.constant 0 : i32
        %dma_start3A_655 = tpu.memref_slice %arg18[%dma_start3A_654, %multiple_of3A] : memref<64x1024xf32, #tpu.memory_space<vmem>> -> memref<64x512xf32, #tpu.memory_space<vmem>>
        %dma_start3A_656 = arith.constant 0 : i32
        %dma_start3A_657 = tpu.memref_slice %arg6[%dma_start3A_656, %add3A_649] : memref<64x1000000xf32, #tpu.memory_space<hbm>> -> memref<64x512xf32, #tpu.memory_space<hbm>>
        tpu.enqueue_dma source(%dma_start3A_657 : memref<64x512xf32, #tpu.memory_space<hbm>>) target(%dma_start3A_655 : memref<64x512xf32, #tpu.memory_space<vmem>>) target_semaphore(%arg26 : memref<!tpu.dma_semaphore, #tpu.memory_space<semaphore_mem>>)
      } else {
      }
      %jit3A_591 = arith.constant 2 : i32
      %eq3A_592 = arith.constant 0 : i32
      %eq3A_593 = arith.cmpi eq, %jit3A_591, %eq3A_592 : i32
      %jit3A_594 = arith.constant 1 : i32
      %select_n3A_595 = arith.select %eq3A_593, %jit3A_594, %jit3A_591 : i32
      %rem3A_596 = arith.remsi %while3A_576, %select_n3A_595 : i32
      %ne3A_597 = arith.constant 0 : i32
      %ne3A_598 = arith.cmpi ne, %rem3A_596, %ne3A_597 : i32
      %lt3A_599 = arith.constant 0 : i32
      %lt3A_600 = arith.cmpi slt, %rem3A_596, %lt3A_599 : i32
      %lt3A_601 = arith.constant 0 : i32
      %lt3A_602 = arith.cmpi slt, %select_n3A_595, %lt3A_601 : i32
      %ne3A_603 = arith.xori %lt3A_600, %lt3A_602 : i1
      %and3A_604 = arith.andi %ne3A_603, %ne3A_598 : i1
      %add3A_605 = arith.addi %rem3A_596, %select_n3A_595 : i32
      %select_n3A_606 = arith.select %and3A_604, %add3A_605, %rem3A_596 : i32
      %mul3A_607 = arith.constant 512 : i32
      %mul3A_608 = arith.muli %select_n3A_606, %mul3A_607 : i32
      %get3A_609 = arith.index_cast %while3A_576 : i32 to index
      %get3A_610 = memref.load %arg22[%get3A_609] : memref<70xi32, #tpu.memory_space<smem>>
      %add3A_611 = arith.constant 1 : i32
      %add3A_612 = arith.addi %while3A_576, %add3A_611 : i32
      %get3A_613 = arith.index_cast %add3A_612 : i32 to index
      %get3A_614 = memref.load %arg22[%get3A_613] : memref<70xi32, #tpu.memory_space<smem>>
      %while3A_615 = arith.subi %get3A_614, %get3A_610 : i32
      %while3A_616 = arith.addi %get3A_610, %while3A_615 : i32
      %while3A_617 = arith.constant 1 : i32
      %while3A_618 = arith.divsi %while3A_615, %while3A_617 : i32
      %while3A_619 = arith.muli %while3A_618, %while3A_617 : i32
      %while3A_620 = arith.addi %get3A_610, %while3A_619 : i32
      %while3A_621 = arith.constant 1 : i32
      %while3A_622 = scf.for %while3A_625 = %get3A_610 to %while3A_620 step %while3A_621 iter_args(%while3A_626 = %while3A_577) -> (i32)  : i32 {
        %get3A_627 = arith.index_cast %while3A_625 : i32 to index
        %get3A_628 = tpu.vector_load %arg17[%get3A_627] {strides = array<i32>} : memref<16400xi32, #tpu.memory_space<vmem>>, vector<16xi32>,
        %slice3A = vector.extract_strided_slice %get3A_628 {offsets = [0], sizes = [1], strides = [1]} : vector<16xi32> to vector<1xi32>
        %squeeze3A = vector.extract %slice3A[0] : i32 from vector<1xi32>
        %shift_right_arithmetic3A = arith.constant 9 : i32
        %shift_right_arithmetic3A_629 = arith.shrsi %squeeze3A, %shift_right_arithmetic3A : i32
        %and3A_630 = arith.constant 16383 : i32
        %and3A_631 = arith.andi %shift_right_arithmetic3A_629, %and3A_630 : i32
        %and3A_632 = arith.constant 511 : i32
        %and3A_633 = arith.andi %squeeze3A, %and3A_632 : i32
        %add3A_634 = arith.addi %and3A_633, %mul3A_608 : i32
        %jit3A_635 = arith.constant 8 : i32
        %eq3A_636 = arith.constant 0 : i32
        %eq3A_637 = arith.cmpi eq, %jit3A_635, %eq3A_636 : i32
        %jit3A_638 = arith.constant 1 : i32
        %select_n3A_639 = arith.select %eq3A_637, %jit3A_638, %jit3A_635 : i32
        %rem3A_640 = arith.remsi %while3A_626, %select_n3A_639 : i32
        %ne3A_641 = arith.constant 0 : i32
        %ne3A_642 = arith.cmpi ne, %rem3A_640, %ne3A_641 : i32
        %lt3A_643 = arith.constant 0 : i32
        %lt3A_644 = arith.cmpi slt, %rem3A_640, %lt3A_643 : i32
        %lt3A_645 = arith.constant 0 : i32
        %lt3A_646 = arith.cmpi slt, %select_n3A_639, %lt3A_645 : i32
        %ne3A_647 = arith.xori %lt3A_644, %lt3A_646 : i1
        %and3A_648 = arith.andi %ne3A_647, %ne3A_642 : i1
        %add3A_649 = arith.addi %rem3A_640, %select_n3A_639 : i32
        %select_n3A_650 = arith.select %and3A_648, %add3A_649, %rem3A_640 : i32
        %ge3A = arith.constant 8 : i32
        %ge3A_651 = arith.cmpi sge, %while3A_626, %ge3A : i32
        %convert_element_type3A_652 = arith.extui %ge3A_651 : i1 to i32
        %cond3A_653 = arith.constant 0 : i32
        %cond3A_654 = arith.cmpi ne, %convert_element_type3A_652, %cond3A_653 : i32
        scf.if %cond3A_654 {
          %dma_wait3A_704 = arith.constant 0 : i32
          %dma_wait3A_705 = tpu.memref_slice %arg20[%dma_wait3A_704] : memref<512xf32, #tpu.memory_space<vmem>> -> memref<64xf32, #tpu.memory_space<vmem>>
          %dma_wait3A_706 = arith.constant 0 : i32
          %dma_wait3A_707 = tpu.memref_slice %arg10[%dma_wait3A_706] : memref<1048576xf32, #tpu.memory_space<hbm>> -> memref<64xf32, #tpu.memory_space<hbm>>
          %dma_wait3A_708 = arith.constant 0 : i32
          %dma_wait3A_709 = tpu.memref_slice %arg20[%dma_wait3A_708] : memref<512xf32, #tpu.memory_space<vmem>> -> memref<64xf32, #tpu.memory_space<vmem>>
          %dma_wait3A_710 = arith.constant 0 : i32
          %dma_wait3A_711 = tpu.memref_slice %arg10[%dma_wait3A_710] : memref<1048576xf32, #tpu.memory_space<hbm>> -> memref<64xf32, #tpu.memory_space<hbm>>
          tpu.wait_dma2 semaphore(%arg25 : memref<!tpu.dma_semaphore, #tpu.memory_space<semaphore_mem>>) src(%dma_wait3A_711 : memref<64xf32, #tpu.memory_space<hbm>>) dst(%dma_wait3A_709 : memref<64xf32, #tpu.memory_space<vmem>>)
        } else {
        }
        %broadcast_in_dim3A = vector.broadcast %add3A_634 : i32 to vector<16xi32>
        %add3A_655 = arith.constant 0 : i32
        %add3A_656 = vector.broadcast %add3A_655 : i32 to vector<16xi32>
        %add3A_657 = arith.addi %iota3A, %add3A_656 : vector<16xi32>
        %gather3A = tpu.vector_load_idx %arg18[%add3A_657, %broadcast_in_dim3A] : memref<64x1024xf32, #tpu.memory_space<vmem>>[vector<16xi32>, vector<16xi32>], vector<16xf32>,
        %mul3A_658 = arith.constant 64 : i32
        %mul3A_659 = arith.muli %select_n3A_650, %mul3A_658 : i32
        %add3A_660 = arith.constant 0 : i32
        %add3A_661 = arith.addi %mul3A_659, %add3A_660 : i32
        %swap3A_662 = arith.index_cast %add3A_661 : i32 to index
        %swap3A_663 = tpu.vector_load %arg20[%swap3A_662] {strides = array<i32>} : memref<512xf32, #tpu.memory_space<vmem>>, vector<16xf32>,
        tpu.vector_store %arg20[%swap3A_662], %gather3A {strides = array<i32>} : memref<512xf32, #tpu.memory_space<vmem>>, vector<16xf32>,
        %add3A_664 = arith.constant 16 : i32
        %add3A_665 = vector.broadcast %add3A_664 : i32 to vector<16xi32>
        %add3A_666 = arith.addi %iota3A, %add3A_665 : vector<16xi32>
        %gather3A_667 = tpu.vector_load_idx %arg18[%add3A_666, %broadcast_in_dim3A] : memref<64x1024xf32, #tpu.memory_space<vmem>>[vector<16xi32>, vector<16xi32>], vector<16xf32>,
        %mul3A_668 = arith.constant 64 : i32
        %mul3A_669 = arith.muli %select_n3A_650, %mul3A_668 : i32
        %add3A_670 = arith.constant 16 : i32
        %add3A_671 = arith.addi %mul3A_669, %add3A_670 : i32
        %swap3A_672 = arith.index_cast %add3A_671 : i32 to index
        %swap3A_673 = tpu.vector_load %arg20[%swap3A_672] {strides = array<i32>} : memref<512xf32, #tpu.memory_space<vmem>>, vector<16xf32>,
        tpu.vector_store %arg20[%swap3A_672], %gather3A_667 {strides = array<i32>} : memref<512xf32, #tpu.memory_space<vmem>>, vector<16xf32>,
        %add3A_674 = arith.constant 32 : i32
        %add3A_675 = vector.broadcast %add3A_674 : i32 to vector<16xi32>
        %add3A_676 = arith.addi %iota3A, %add3A_675 : vector<16xi32>
        %gather3A_677 = tpu.vector_load_idx %arg18[%add3A_676, %broadcast_in_dim3A] : memref<64x1024xf32, #tpu.memory_space<vmem>>[vector<16xi32>, vector<16xi32>], vector<16xf32>,
        %mul3A_678 = arith.constant 64 : i32
        %mul3A_679 = arith.muli %select_n3A_650, %mul3A_678 : i32
        %add3A_680 = arith.constant 32 : i32
        %add3A_681 = arith.addi %mul3A_679, %add3A_680 : i32
        %swap3A_682 = arith.index_cast %add3A_681 : i32 to index
        %swap3A_683 = tpu.vector_load %arg20[%swap3A_682] {strides = array<i32>} : memref<512xf32, #tpu.memory_space<vmem>>, vector<16xf32>,
        tpu.vector_store %arg20[%swap3A_682], %gather3A_677 {strides = array<i32>} : memref<512xf32, #tpu.memory_space<vmem>>, vector<16xf32>,
        %add3A_684 = arith.constant 48 : i32
        %add3A_685 = vector.broadcast %add3A_684 : i32 to vector<16xi32>
        %add3A_686 = arith.addi %iota3A, %add3A_685 : vector<16xi32>
        %gather3A_687 = tpu.vector_load_idx %arg18[%add3A_686, %broadcast_in_dim3A] : memref<64x1024xf32, #tpu.memory_space<vmem>>[vector<16xi32>, vector<16xi32>], vector<16xf32>,
        %mul3A_688 = arith.constant 64 : i32
        %mul3A_689 = arith.muli %select_n3A_650, %mul3A_688 : i32
        %add3A_690 = arith.constant 48 : i32
        %add3A_691 = arith.addi %mul3A_689, %add3A_690 : i32
        %swap3A_692 = arith.index_cast %add3A_691 : i32 to index
        %swap3A_693 = tpu.vector_load %arg20[%swap3A_692] {strides = array<i32>} : memref<512xf32, #tpu.memory_space<vmem>>, vector<16xf32>,
        tpu.vector_store %arg20[%swap3A_692], %gather3A_687 {strides = array<i32>} : memref<512xf32, #tpu.memory_space<vmem>>, vector<16xf32>,
        %mul3A_694 = arith.constant 64 : i32
        %mul3A_695 = arith.muli %select_n3A_650, %mul3A_694 : i32
        %mul3A_696 = arith.constant 64 : i32
        %mul3A_697 = arith.muli %and3A_631, %mul3A_696 : i32
        %dma_start3A_698 = tpu.memref_slice %arg20[%mul3A_695] : memref<512xf32, #tpu.memory_space<vmem>> -> memref<64xf32, #tpu.memory_space<vmem>>
        %dma_start3A_699 = tpu.memref_slice %arg10[%mul3A_697] : memref<1048576xf32, #tpu.memory_space<hbm>> -> memref<64xf32, #tpu.memory_space<hbm>>
        %dma_start3A_700 = tpu.memref_slice %arg10[%mul3A_697] : memref<1048576xf32, #tpu.memory_space<hbm>> -> memref<64xf32, #tpu.memory_space<hbm>>
        %dma_start3A_701 = tpu.memref_slice %arg20[%mul3A_695] : memref<512xf32, #tpu.memory_space<vmem>> -> memref<64xf32, #tpu.memory_space<vmem>>
        tpu.enqueue_dma source(%dma_start3A_701 : memref<64xf32, #tpu.memory_space<vmem>>) target(%dma_start3A_700 : memref<64xf32, #tpu.memory_space<hbm>>) target_semaphore(%arg25 : memref<!tpu.dma_semaphore, #tpu.memory_space<semaphore_mem>>)
        %add3A_702 = arith.constant 1 : i32
        %add3A_703 = arith.addi %while3A_626, %add3A_702 : i32
        scf.yield %add3A_703 : i32
      }
      %while3A_623 = arith.constant 1 : i32
      %while3A_624 = scf.for %while3A_625 = %while3A_620 to %while3A_616 step %while3A_623 iter_args(%while3A_626 = %while3A_622) -> (i32)  : i32 {
        %get3A_627 = arith.index_cast %while3A_625 : i32 to index
        %get3A_628 = tpu.vector_load %arg17[%get3A_627] {strides = array<i32>} : memref<16400xi32, #tpu.memory_space<vmem>>, vector<16xi32>,
        %slice3A = vector.extract_strided_slice %get3A_628 {offsets = [0], sizes = [1], strides = [1]} : vector<16xi32> to vector<1xi32>
        %squeeze3A = vector.extract %slice3A[0] : i32 from vector<1xi32>
        %shift_right_arithmetic3A = arith.constant 9 : i32
        %shift_right_arithmetic3A_629 = arith.shrsi %squeeze3A, %shift_right_arithmetic3A : i32
        %and3A_630 = arith.constant 16383 : i32
        %and3A_631 = arith.andi %shift_right_arithmetic3A_629, %and3A_630 : i32
        %and3A_632 = arith.constant 511 : i32
        %and3A_633 = arith.andi %squeeze3A, %and3A_632 : i32
        %add3A_634 = arith.addi %and3A_633, %mul3A_608 : i32
        %jit3A_635 = arith.constant 8 : i32
        %eq3A_636 = arith.constant 0 : i32
        %eq3A_637 = arith.cmpi eq, %jit3A_635, %eq3A_636 : i32
        %jit3A_638 = arith.constant 1 : i32
        %select_n3A_639 = arith.select %eq3A_637, %jit3A_638, %jit3A_635 : i32
        %rem3A_640 = arith.remsi %while3A_626, %select_n3A_639 : i32
        %ne3A_641 = arith.constant 0 : i32
        %ne3A_642 = arith.cmpi ne, %rem3A_640, %ne3A_641 : i32
        %lt3A_643 = arith.constant 0 : i32
        %lt3A_644 = arith.cmpi slt, %rem3A_640, %lt3A_643 : i32
        %lt3A_645 = arith.constant 0 : i32
        %lt3A_646 = arith.cmpi slt, %select_n3A_639, %lt3A_645 : i32
        %ne3A_647 = arith.xori %lt3A_644, %lt3A_646 : i1
        %and3A_648 = arith.andi %ne3A_647, %ne3A_642 : i1
        %add3A_649 = arith.addi %rem3A_640, %select_n3A_639 : i32
        %select_n3A_650 = arith.select %and3A_648, %add3A_649, %rem3A_640 : i32
        %ge3A = arith.constant 8 : i32
        %ge3A_651 = arith.cmpi sge, %while3A_626, %ge3A : i32
        %convert_element_type3A_652 = arith.extui %ge3A_651 : i1 to i32
        %cond3A_653 = arith.constant 0 : i32
        %cond3A_654 = arith.cmpi ne, %convert_element_type3A_652, %cond3A_653 : i32
        scf.if %cond3A_654 {
          %dma_wait3A_704 = arith.constant 0 : i32
          %dma_wait3A_705 = tpu.memref_slice %arg20[%dma_wait3A_704] : memref<512xf32, #tpu.memory_space<vmem>> -> memref<64xf32, #tpu.memory_space<vmem>>
          %dma_wait3A_706 = arith.constant 0 : i32
          %dma_wait3A_707 = tpu.memref_slice %arg10[%dma_wait3A_706] : memref<1048576xf32, #tpu.memory_space<hbm>> -> memref<64xf32, #tpu.memory_space<hbm>>
          %dma_wait3A_708 = arith.constant 0 : i32
          %dma_wait3A_709 = tpu.memref_slice %arg20[%dma_wait3A_708] : memref<512xf32, #tpu.memory_space<vmem>> -> memref<64xf32, #tpu.memory_space<vmem>>
          %dma_wait3A_710 = arith.constant 0 : i32
          %dma_wait3A_711 = tpu.memref_slice %arg10[%dma_wait3A_710] : memref<1048576xf32, #tpu.memory_space<hbm>> -> memref<64xf32, #tpu.memory_space<hbm>>
          tpu.wait_dma2 semaphore(%arg25 : memref<!tpu.dma_semaphore, #tpu.memory_space<semaphore_mem>>) src(%dma_wait3A_711 : memref<64xf32, #tpu.memory_space<hbm>>) dst(%dma_wait3A_709 : memref<64xf32, #tpu.memory_space<vmem>>)
        } else {
        }
        %broadcast_in_dim3A = vector.broadcast %add3A_634 : i32 to vector<16xi32>
        %add3A_655 = arith.constant 0 : i32
        %add3A_656 = vector.broadcast %add3A_655 : i32 to vector<16xi32>
        %add3A_657 = arith.addi %iota3A, %add3A_656 : vector<16xi32>
        %gather3A = tpu.vector_load_idx %arg18[%add3A_657, %broadcast_in_dim3A] : memref<64x1024xf32, #tpu.memory_space<vmem>>[vector<16xi32>, vector<16xi32>], vector<16xf32>,
        %mul3A_658 = arith.constant 64 : i32
        %mul3A_659 = arith.muli %select_n3A_650, %mul3A_658 : i32
        %add3A_660 = arith.constant 0 : i32
        %add3A_661 = arith.addi %mul3A_659, %add3A_660 : i32
        %swap3A_662 = arith.index_cast %add3A_661 : i32 to index
        %swap3A_663 = tpu.vector_load %arg20[%swap3A_662] {strides = array<i32>} : memref<512xf32, #tpu.memory_space<vmem>>, vector<16xf32>,
        tpu.vector_store %arg20[%swap3A_662], %gather3A {strides = array<i32>} : memref<512xf32, #tpu.memory_space<vmem>>, vector<16xf32>,
        %add3A_664 = arith.constant 16 : i32
        %add3A_665 = vector.broadcast %add3A_664 : i32 to vector<16xi32>
        %add3A_666 = arith.addi %iota3A, %add3A_665 : vector<16xi32>
        %gather3A_667 = tpu.vector_load_idx %arg18[%add3A_666, %broadcast_in_dim3A] : memref<64x1024xf32, #tpu.memory_space<vmem>>[vector<16xi32>, vector<16xi32>], vector<16xf32>,
        %mul3A_668 = arith.constant 64 : i32
        %mul3A_669 = arith.muli %select_n3A_650, %mul3A_668 : i32
        %add3A_670 = arith.constant 16 : i32
        %add3A_671 = arith.addi %mul3A_669, %add3A_670 : i32
        %swap3A_672 = arith.index_cast %add3A_671 : i32 to index
        %swap3A_673 = tpu.vector_load %arg20[%swap3A_672] {strides = array<i32>} : memref<512xf32, #tpu.memory_space<vmem>>, vector<16xf32>,
        tpu.vector_store %arg20[%swap3A_672], %gather3A_667 {strides = array<i32>} : memref<512xf32, #tpu.memory_space<vmem>>, vector<16xf32>,
        %add3A_674 = arith.constant 32 : i32
        %add3A_675 = vector.broadcast %add3A_674 : i32 to vector<16xi32>
        %add3A_676 = arith.addi %iota3A, %add3A_675 : vector<16xi32>
        %gather3A_677 = tpu.vector_load_idx %arg18[%add3A_676, %broadcast_in_dim3A] : memref<64x1024xf32, #tpu.memory_space<vmem>>[vector<16xi32>, vector<16xi32>], vector<16xf32>,
        %mul3A_678 = arith.constant 64 : i32
        %mul3A_679 = arith.muli %select_n3A_650, %mul3A_678 : i32
        %add3A_680 = arith.constant 32 : i32
        %add3A_681 = arith.addi %mul3A_679, %add3A_680 : i32
        %swap3A_682 = arith.index_cast %add3A_681 : i32 to index
        %swap3A_683 = tpu.vector_load %arg20[%swap3A_682] {strides = array<i32>} : memref<512xf32, #tpu.memory_space<vmem>>, vector<16xf32>,
        tpu.vector_store %arg20[%swap3A_682], %gather3A_677 {strides = array<i32>} : memref<512xf32, #tpu.memory_space<vmem>>, vector<16xf32>,
        %add3A_684 = arith.constant 48 : i32
        %add3A_685 = vector.broadcast %add3A_684 : i32 to vector<16xi32>
        %add3A_686 = arith.addi %iota3A, %add3A_685 : vector<16xi32>
        %gather3A_687 = tpu.vector_load_idx %arg18[%add3A_686, %broadcast_in_dim3A] : memref<64x1024xf32, #tpu.memory_space<vmem>>[vector<16xi32>, vector<16xi32>], vector<16xf32>,
        %mul3A_688 = arith.constant 64 : i32
        %mul3A_689 = arith.muli %select_n3A_650, %mul3A_688 : i32
        %add3A_690 = arith.constant 48 : i32
        %add3A_691 = arith.addi %mul3A_689, %add3A_690 : i32
        %swap3A_692 = arith.index_cast %add3A_691 : i32 to index
        %swap3A_693 = tpu.vector_load %arg20[%swap3A_692] {strides = array<i32>} : memref<512xf32, #tpu.memory_space<vmem>>, vector<16xf32>,
        tpu.vector_store %arg20[%swap3A_692], %gather3A_687 {strides = array<i32>} : memref<512xf32, #tpu.memory_space<vmem>>, vector<16xf32>,
        %mul3A_694 = arith.constant 64 : i32
        %mul3A_695 = arith.muli %select_n3A_650, %mul3A_694 : i32
        %mul3A_696 = arith.constant 64 : i32
        %mul3A_697 = arith.muli %and3A_631, %mul3A_696 : i32
        %dma_start3A_698 = tpu.memref_slice %arg20[%mul3A_695] : memref<512xf32, #tpu.memory_space<vmem>> -> memref<64xf32, #tpu.memory_space<vmem>>
        %dma_start3A_699 = tpu.memref_slice %arg10[%mul3A_697] : memref<1048576xf32, #tpu.memory_space<hbm>> -> memref<64xf32, #tpu.memory_space<hbm>>
        %dma_start3A_700 = tpu.memref_slice %arg10[%mul3A_697] : memref<1048576xf32, #tpu.memory_space<hbm>> -> memref<64xf32, #tpu.memory_space<hbm>>
        %dma_start3A_701 = tpu.memref_slice %arg20[%mul3A_695] : memref<512xf32, #tpu.memory_space<vmem>> -> memref<64xf32, #tpu.memory_space<vmem>>
        tpu.enqueue_dma source(%dma_start3A_701 : memref<64xf32, #tpu.memory_space<vmem>>) target(%dma_start3A_700 : memref<64xf32, #tpu.memory_space<hbm>>) target_semaphore(%arg25 : memref<!tpu.dma_semaphore, #tpu.memory_space<semaphore_mem>>)
        %add3A_702 = arith.constant 1 : i32
        %add3A_703 = arith.addi %while3A_626, %add3A_702 : i32
        scf.yield %add3A_703 : i32
      }
      scf.yield %while3A_624 : i32
    }
    %while3A_545 = arith.constant 1 : i32
    %while3A_546 = scf.for %while3A_576 = %while3A_542 to %while3A_538 step %while3A_545 iter_args(%while3A_577 = %while3A_544) -> (i32)  : i32 {
      %dma_wait3A_578 = arith.constant 0 : i32
      %dma_wait3A_579 = arith.constant 0 : i32
      %dma_wait3A_580 = tpu.memref_slice %arg18[%dma_wait3A_578, %dma_wait3A_579] : memref<64x1024xf32, #tpu.memory_space<vmem>> -> memref<64x512xf32, #tpu.memory_space<vmem>>
      %dma_wait3A_581 = arith.constant 0 : i32
      %dma_wait3A_582 = tpu.memref_slice %arg6[%dma_wait3A_581, %mul3A_450] : memref<64x1000000xf32, #tpu.memory_space<hbm>> -> memref<64x512xf32, #tpu.memory_space<hbm>>
      %dma_wait3A_583 = arith.constant 0 : i32
      %dma_wait3A_584 = arith.constant 0 : i32
      %dma_wait3A_585 = tpu.memref_slice %arg18[%dma_wait3A_583, %dma_wait3A_584] : memref<64x1024xf32, #tpu.memory_space<vmem>> -> memref<64x512xf32, #tpu.memory_space<vmem>>
      %dma_wait3A_586 = arith.constant 0 : i32
      %dma_wait3A_587 = tpu.memref_slice %arg6[%dma_wait3A_586, %mul3A_450] : memref<64x1000000xf32, #tpu.memory_space<hbm>> -> memref<64x512xf32, #tpu.memory_space<hbm>>
      tpu.wait_dma2 semaphore(%arg26 : memref<!tpu.dma_semaphore, #tpu.memory_space<semaphore_mem>>) src(%dma_wait3A_587 : memref<64x512xf32, #tpu.memory_space<hbm>>) dst(%dma_wait3A_585 : memref<64x512xf32, #tpu.memory_space<vmem>>)
      %add3A_588 = arith.constant 1 : i32
      %add3A_589 = arith.addi %while3A_576, %add3A_588 : i32
      %lt3A = arith.cmpi slt, %add3A_589, %select_n3A : i32
      %convert_element_type3A = arith.extui %lt3A : i1 to i32
      %cond3A = arith.constant 0 : i32
      %cond3A_590 = arith.cmpi ne, %convert_element_type3A, %cond3A : i32
      scf.if %cond3A_590 {
        %add3A_625 = arith.constant 1 : i32
        %add3A_626 = arith.addi %while3A_576, %add3A_625 : i32
        %jit3A_627 = arith.constant 2 : i32
        %eq3A_628 = arith.constant 0 : i32
        %eq3A_629 = arith.cmpi eq, %jit3A_627, %eq3A_628 : i32
        %jit3A_630 = arith.constant 1 : i32
        %select_n3A_631 = arith.select %eq3A_629, %jit3A_630, %jit3A_627 : i32
        %rem3A_632 = arith.remsi %add3A_626, %select_n3A_631 : i32
        %ne3A_633 = arith.constant 0 : i32
        %ne3A_634 = arith.cmpi ne, %rem3A_632, %ne3A_633 : i32
        %lt3A_635 = arith.constant 0 : i32
        %lt3A_636 = arith.cmpi slt, %rem3A_632, %lt3A_635 : i32
        %lt3A_637 = arith.constant 0 : i32
        %lt3A_638 = arith.cmpi slt, %select_n3A_631, %lt3A_637 : i32
        %ne3A_639 = arith.xori %lt3A_636, %lt3A_638 : i1
        %and3A_640 = arith.andi %ne3A_639, %ne3A_634 : i1
        %add3A_641 = arith.addi %rem3A_632, %select_n3A_631 : i32
        %select_n3A_642 = arith.select %and3A_640, %add3A_641, %rem3A_632 : i32
        %mul3A_643 = arith.constant 512 : i32
        %mul3A_644 = arith.muli %select_n3A_642, %mul3A_643 : i32
        %multiple_of3A = tpu.assume_multiple %mul3A_644, 128 : i32
        %add3A_645 = arith.constant 1 : i32
        %add3A_646 = arith.addi %while3A_576, %add3A_645 : i32
        %mul3A_647 = arith.constant 512 : i32
        %mul3A_648 = arith.muli %add3A_646, %mul3A_647 : i32
        %add3A_649 = arith.addi %mul3A_450, %mul3A_648 : i32
        %dma_start3A_650 = arith.constant 0 : i32
        %dma_start3A_651 = tpu.memref_slice %arg18[%dma_start3A_650, %multiple_of3A] : memref<64x1024xf32, #tpu.memory_space<vmem>> -> memref<64x512xf32, #tpu.memory_space<vmem>>
        %dma_start3A_652 = arith.constant 0 : i32
        %dma_start3A_653 = tpu.memref_slice %arg6[%dma_start3A_652, %add3A_649] : memref<64x1000000xf32, #tpu.memory_space<hbm>> -> memref<64x512xf32, #tpu.memory_space<hbm>>
        %dma_start3A_654 = arith.constant 0 : i32
        %dma_start3A_655 = tpu.memref_slice %arg18[%dma_start3A_654, %multiple_of3A] : memref<64x1024xf32, #tpu.memory_space<vmem>> -> memref<64x512xf32, #tpu.memory_space<vmem>>
        %dma_start3A_656 = arith.constant 0 : i32
        %dma_start3A_657 = tpu.memref_slice %arg6[%dma_start3A_656, %add3A_649] : memref<64x1000000xf32, #tpu.memory_space<hbm>> -> memref<64x512xf32, #tpu.memory_space<hbm>>
        tpu.enqueue_dma source(%dma_start3A_657 : memref<64x512xf32, #tpu.memory_space<hbm>>) target(%dma_start3A_655 : memref<64x512xf32, #tpu.memory_space<vmem>>) target_semaphore(%arg26 : memref<!tpu.dma_semaphore, #tpu.memory_space<semaphore_mem>>)
      } else {
      }
      %jit3A_591 = arith.constant 2 : i32
      %eq3A_592 = arith.constant 0 : i32
      %eq3A_593 = arith.cmpi eq, %jit3A_591, %eq3A_592 : i32
      %jit3A_594 = arith.constant 1 : i32
      %select_n3A_595 = arith.select %eq3A_593, %jit3A_594, %jit3A_591 : i32
      %rem3A_596 = arith.remsi %while3A_576, %select_n3A_595 : i32
      %ne3A_597 = arith.constant 0 : i32
      %ne3A_598 = arith.cmpi ne, %rem3A_596, %ne3A_597 : i32
      %lt3A_599 = arith.constant 0 : i32
      %lt3A_600 = arith.cmpi slt, %rem3A_596, %lt3A_599 : i32
      %lt3A_601 = arith.constant 0 : i32
      %lt3A_602 = arith.cmpi slt, %select_n3A_595, %lt3A_601 : i32
      %ne3A_603 = arith.xori %lt3A_600, %lt3A_602 : i1
      %and3A_604 = arith.andi %ne3A_603, %ne3A_598 : i1
      %add3A_605 = arith.addi %rem3A_596, %select_n3A_595 : i32
      %select_n3A_606 = arith.select %and3A_604, %add3A_605, %rem3A_596 : i32
      %mul3A_607 = arith.constant 512 : i32
      %mul3A_608 = arith.muli %select_n3A_606, %mul3A_607 : i32
      %get3A_609 = arith.index_cast %while3A_576 : i32 to index
      %get3A_610 = memref.load %arg22[%get3A_609] : memref<70xi32, #tpu.memory_space<smem>>
      %add3A_611 = arith.constant 1 : i32
      %add3A_612 = arith.addi %while3A_576, %add3A_611 : i32
      %get3A_613 = arith.index_cast %add3A_612 : i32 to index
      %get3A_614 = memref.load %arg22[%get3A_613] : memref<70xi32, #tpu.memory_space<smem>>
      %while3A_615 = arith.subi %get3A_614, %get3A_610 : i32
      %while3A_616 = arith.addi %get3A_610, %while3A_615 : i32
      %while3A_617 = arith.constant 1 : i32
      %while3A_618 = arith.divsi %while3A_615, %while3A_617 : i32
      %while3A_619 = arith.muli %while3A_618, %while3A_617 : i32
      %while3A_620 = arith.addi %get3A_610, %while3A_619 : i32
      %while3A_621 = arith.constant 1 : i32
      %while3A_622 = scf.for %while3A_625 = %get3A_610 to %while3A_620 step %while3A_621 iter_args(%while3A_626 = %while3A_577) -> (i32)  : i32 {
        %get3A_627 = arith.index_cast %while3A_625 : i32 to index
        %get3A_628 = tpu.vector_load %arg17[%get3A_627] {strides = array<i32>} : memref<16400xi32, #tpu.memory_space<vmem>>, vector<16xi32>,
        %slice3A = vector.extract_strided_slice %get3A_628 {offsets = [0], sizes = [1], strides = [1]} : vector<16xi32> to vector<1xi32>
        %squeeze3A = vector.extract %slice3A[0] : i32 from vector<1xi32>
        %shift_right_arithmetic3A = arith.constant 9 : i32
        %shift_right_arithmetic3A_629 = arith.shrsi %squeeze3A, %shift_right_arithmetic3A : i32
        %and3A_630 = arith.constant 16383 : i32
        %and3A_631 = arith.andi %shift_right_arithmetic3A_629, %and3A_630 : i32
        %and3A_632 = arith.constant 511 : i32
        %and3A_633 = arith.andi %squeeze3A, %and3A_632 : i32
        %add3A_634 = arith.addi %and3A_633, %mul3A_608 : i32
        %jit3A_635 = arith.constant 8 : i32
        %eq3A_636 = arith.constant 0 : i32
        %eq3A_637 = arith.cmpi eq, %jit3A_635, %eq3A_636 : i32
        %jit3A_638 = arith.constant 1 : i32
        %select_n3A_639 = arith.select %eq3A_637, %jit3A_638, %jit3A_635 : i32
        %rem3A_640 = arith.remsi %while3A_626, %select_n3A_639 : i32
        %ne3A_641 = arith.constant 0 : i32
        %ne3A_642 = arith.cmpi ne, %rem3A_640, %ne3A_641 : i32
        %lt3A_643 = arith.constant 0 : i32
        %lt3A_644 = arith.cmpi slt, %rem3A_640, %lt3A_643 : i32
        %lt3A_645 = arith.constant 0 : i32
        %lt3A_646 = arith.cmpi slt, %select_n3A_639, %lt3A_645 : i32
        %ne3A_647 = arith.xori %lt3A_644, %lt3A_646 : i1
        %and3A_648 = arith.andi %ne3A_647, %ne3A_642 : i1
        %add3A_649 = arith.addi %rem3A_640, %select_n3A_639 : i32
        %select_n3A_650 = arith.select %and3A_648, %add3A_649, %rem3A_640 : i32
        %ge3A = arith.constant 8 : i32
        %ge3A_651 = arith.cmpi sge, %while3A_626, %ge3A : i32
        %convert_element_type3A_652 = arith.extui %ge3A_651 : i1 to i32
        %cond3A_653 = arith.constant 0 : i32
        %cond3A_654 = arith.cmpi ne, %convert_element_type3A_652, %cond3A_653 : i32
        scf.if %cond3A_654 {
          %dma_wait3A_704 = arith.constant 0 : i32
          %dma_wait3A_705 = tpu.memref_slice %arg20[%dma_wait3A_704] : memref<512xf32, #tpu.memory_space<vmem>> -> memref<64xf32, #tpu.memory_space<vmem>>
          %dma_wait3A_706 = arith.constant 0 : i32
          %dma_wait3A_707 = tpu.memref_slice %arg10[%dma_wait3A_706] : memref<1048576xf32, #tpu.memory_space<hbm>> -> memref<64xf32, #tpu.memory_space<hbm>>
          %dma_wait3A_708 = arith.constant 0 : i32
          %dma_wait3A_709 = tpu.memref_slice %arg20[%dma_wait3A_708] : memref<512xf32, #tpu.memory_space<vmem>> -> memref<64xf32, #tpu.memory_space<vmem>>
          %dma_wait3A_710 = arith.constant 0 : i32
          %dma_wait3A_711 = tpu.memref_slice %arg10[%dma_wait3A_710] : memref<1048576xf32, #tpu.memory_space<hbm>> -> memref<64xf32, #tpu.memory_space<hbm>>
          tpu.wait_dma2 semaphore(%arg25 : memref<!tpu.dma_semaphore, #tpu.memory_space<semaphore_mem>>) src(%dma_wait3A_711 : memref<64xf32, #tpu.memory_space<hbm>>) dst(%dma_wait3A_709 : memref<64xf32, #tpu.memory_space<vmem>>)
        } else {
        }
        %broadcast_in_dim3A = vector.broadcast %add3A_634 : i32 to vector<16xi32>
        %add3A_655 = arith.constant 0 : i32
        %add3A_656 = vector.broadcast %add3A_655 : i32 to vector<16xi32>
        %add3A_657 = arith.addi %iota3A, %add3A_656 : vector<16xi32>
        %gather3A = tpu.vector_load_idx %arg18[%add3A_657, %broadcast_in_dim3A] : memref<64x1024xf32, #tpu.memory_space<vmem>>[vector<16xi32>, vector<16xi32>], vector<16xf32>,
        %mul3A_658 = arith.constant 64 : i32
        %mul3A_659 = arith.muli %select_n3A_650, %mul3A_658 : i32
        %add3A_660 = arith.constant 0 : i32
        %add3A_661 = arith.addi %mul3A_659, %add3A_660 : i32
        %swap3A_662 = arith.index_cast %add3A_661 : i32 to index
        %swap3A_663 = tpu.vector_load %arg20[%swap3A_662] {strides = array<i32>} : memref<512xf32, #tpu.memory_space<vmem>>, vector<16xf32>,
        tpu.vector_store %arg20[%swap3A_662], %gather3A {strides = array<i32>} : memref<512xf32, #tpu.memory_space<vmem>>, vector<16xf32>,
        %add3A_664 = arith.constant 16 : i32
        %add3A_665 = vector.broadcast %add3A_664 : i32 to vector<16xi32>
        %add3A_666 = arith.addi %iota3A, %add3A_665 : vector<16xi32>
        %gather3A_667 = tpu.vector_load_idx %arg18[%add3A_666, %broadcast_in_dim3A] : memref<64x1024xf32, #tpu.memory_space<vmem>>[vector<16xi32>, vector<16xi32>], vector<16xf32>,
        %mul3A_668 = arith.constant 64 : i32
        %mul3A_669 = arith.muli %select_n3A_650, %mul3A_668 : i32
        %add3A_670 = arith.constant 16 : i32
        %add3A_671 = arith.addi %mul3A_669, %add3A_670 : i32
        %swap3A_672 = arith.index_cast %add3A_671 : i32 to index
        %swap3A_673 = tpu.vector_load %arg20[%swap3A_672] {strides = array<i32>} : memref<512xf32, #tpu.memory_space<vmem>>, vector<16xf32>,
        tpu.vector_store %arg20[%swap3A_672], %gather3A_667 {strides = array<i32>} : memref<512xf32, #tpu.memory_space<vmem>>, vector<16xf32>,
        %add3A_674 = arith.constant 32 : i32
        %add3A_675 = vector.broadcast %add3A_674 : i32 to vector<16xi32>
        %add3A_676 = arith.addi %iota3A, %add3A_675 : vector<16xi32>
        %gather3A_677 = tpu.vector_load_idx %arg18[%add3A_676, %broadcast_in_dim3A] : memref<64x1024xf32, #tpu.memory_space<vmem>>[vector<16xi32>, vector<16xi32>], vector<16xf32>,
        %mul3A_678 = arith.constant 64 : i32
        %mul3A_679 = arith.muli %select_n3A_650, %mul3A_678 : i32
        %add3A_680 = arith.constant 32 : i32
        %add3A_681 = arith.addi %mul3A_679, %add3A_680 : i32
        %swap3A_682 = arith.index_cast %add3A_681 : i32 to index
        %swap3A_683 = tpu.vector_load %arg20[%swap3A_682] {strides = array<i32>} : memref<512xf32, #tpu.memory_space<vmem>>, vector<16xf32>,
        tpu.vector_store %arg20[%swap3A_682], %gather3A_677 {strides = array<i32>} : memref<512xf32, #tpu.memory_space<vmem>>, vector<16xf32>,
        %add3A_684 = arith.constant 48 : i32
        %add3A_685 = vector.broadcast %add3A_684 : i32 to vector<16xi32>
        %add3A_686 = arith.addi %iota3A, %add3A_685 : vector<16xi32>
        %gather3A_687 = tpu.vector_load_idx %arg18[%add3A_686, %broadcast_in_dim3A] : memref<64x1024xf32, #tpu.memory_space<vmem>>[vector<16xi32>, vector<16xi32>], vector<16xf32>,
        %mul3A_688 = arith.constant 64 : i32
        %mul3A_689 = arith.muli %select_n3A_650, %mul3A_688 : i32
        %add3A_690 = arith.constant 48 : i32
        %add3A_691 = arith.addi %mul3A_689, %add3A_690 : i32
        %swap3A_692 = arith.index_cast %add3A_691 : i32 to index
        %swap3A_693 = tpu.vector_load %arg20[%swap3A_692] {strides = array<i32>} : memref<512xf32, #tpu.memory_space<vmem>>, vector<16xf32>,
        tpu.vector_store %arg20[%swap3A_692], %gather3A_687 {strides = array<i32>} : memref<512xf32, #tpu.memory_space<vmem>>, vector<16xf32>,
        %mul3A_694 = arith.constant 64 : i32
        %mul3A_695 = arith.muli %select_n3A_650, %mul3A_694 : i32
        %mul3A_696 = arith.constant 64 : i32
        %mul3A_697 = arith.muli %and3A_631, %mul3A_696 : i32
        %dma_start3A_698 = tpu.memref_slice %arg20[%mul3A_695] : memref<512xf32, #tpu.memory_space<vmem>> -> memref<64xf32, #tpu.memory_space<vmem>>
        %dma_start3A_699 = tpu.memref_slice %arg10[%mul3A_697] : memref<1048576xf32, #tpu.memory_space<hbm>> -> memref<64xf32, #tpu.memory_space<hbm>>
        %dma_start3A_700 = tpu.memref_slice %arg10[%mul3A_697] : memref<1048576xf32, #tpu.memory_space<hbm>> -> memref<64xf32, #tpu.memory_space<hbm>>
        %dma_start3A_701 = tpu.memref_slice %arg20[%mul3A_695] : memref<512xf32, #tpu.memory_space<vmem>> -> memref<64xf32, #tpu.memory_space<vmem>>
        tpu.enqueue_dma source(%dma_start3A_701 : memref<64xf32, #tpu.memory_space<vmem>>) target(%dma_start3A_700 : memref<64xf32, #tpu.memory_space<hbm>>) target_semaphore(%arg25 : memref<!tpu.dma_semaphore, #tpu.memory_space<semaphore_mem>>)
        %add3A_702 = arith.constant 1 : i32
        %add3A_703 = arith.addi %while3A_626, %add3A_702 : i32
        scf.yield %add3A_703 : i32
      }
      %while3A_623 = arith.constant 1 : i32
      %while3A_624 = scf.for %while3A_625 = %while3A_620 to %while3A_616 step %while3A_623 iter_args(%while3A_626 = %while3A_622) -> (i32)  : i32 {
        %get3A_627 = arith.index_cast %while3A_625 : i32 to index
        %get3A_628 = tpu.vector_load %arg17[%get3A_627] {strides = array<i32>} : memref<16400xi32, #tpu.memory_space<vmem>>, vector<16xi32>,
        %slice3A = vector.extract_strided_slice %get3A_628 {offsets = [0], sizes = [1], strides = [1]} : vector<16xi32> to vector<1xi32>
        %squeeze3A = vector.extract %slice3A[0] : i32 from vector<1xi32>
        %shift_right_arithmetic3A = arith.constant 9 : i32
        %shift_right_arithmetic3A_629 = arith.shrsi %squeeze3A, %shift_right_arithmetic3A : i32
        %and3A_630 = arith.constant 16383 : i32
        %and3A_631 = arith.andi %shift_right_arithmetic3A_629, %and3A_630 : i32
        %and3A_632 = arith.constant 511 : i32
        %and3A_633 = arith.andi %squeeze3A, %and3A_632 : i32
        %add3A_634 = arith.addi %and3A_633, %mul3A_608 : i32
        %jit3A_635 = arith.constant 8 : i32
        %eq3A_636 = arith.constant 0 : i32
        %eq3A_637 = arith.cmpi eq, %jit3A_635, %eq3A_636 : i32
        %jit3A_638 = arith.constant 1 : i32
        %select_n3A_639 = arith.select %eq3A_637, %jit3A_638, %jit3A_635 : i32
        %rem3A_640 = arith.remsi %while3A_626, %select_n3A_639 : i32
        %ne3A_641 = arith.constant 0 : i32
        %ne3A_642 = arith.cmpi ne, %rem3A_640, %ne3A_641 : i32
        %lt3A_643 = arith.constant 0 : i32
        %lt3A_644 = arith.cmpi slt, %rem3A_640, %lt3A_643 : i32
        %lt3A_645 = arith.constant 0 : i32
        %lt3A_646 = arith.cmpi slt, %select_n3A_639, %lt3A_645 : i32
        %ne3A_647 = arith.xori %lt3A_644, %lt3A_646 : i1
        %and3A_648 = arith.andi %ne3A_647, %ne3A_642 : i1
        %add3A_649 = arith.addi %rem3A_640, %select_n3A_639 : i32
        %select_n3A_650 = arith.select %and3A_648, %add3A_649, %rem3A_640 : i32
        %ge3A = arith.constant 8 : i32
        %ge3A_651 = arith.cmpi sge, %while3A_626, %ge3A : i32
        %convert_element_type3A_652 = arith.extui %ge3A_651 : i1 to i32
        %cond3A_653 = arith.constant 0 : i32
        %cond3A_654 = arith.cmpi ne, %convert_element_type3A_652, %cond3A_653 : i32
        scf.if %cond3A_654 {
          %dma_wait3A_704 = arith.constant 0 : i32
          %dma_wait3A_705 = tpu.memref_slice %arg20[%dma_wait3A_704] : memref<512xf32, #tpu.memory_space<vmem>> -> memref<64xf32, #tpu.memory_space<vmem>>
          %dma_wait3A_706 = arith.constant 0 : i32
          %dma_wait3A_707 = tpu.memref_slice %arg10[%dma_wait3A_706] : memref<1048576xf32, #tpu.memory_space<hbm>> -> memref<64xf32, #tpu.memory_space<hbm>>
          %dma_wait3A_708 = arith.constant 0 : i32
          %dma_wait3A_709 = tpu.memref_slice %arg20[%dma_wait3A_708] : memref<512xf32, #tpu.memory_space<vmem>> -> memref<64xf32, #tpu.memory_space<vmem>>
          %dma_wait3A_710 = arith.constant 0 : i32
          %dma_wait3A_711 = tpu.memref_slice %arg10[%dma_wait3A_710] : memref<1048576xf32, #tpu.memory_space<hbm>> -> memref<64xf32, #tpu.memory_space<hbm>>
          tpu.wait_dma2 semaphore(%arg25 : memref<!tpu.dma_semaphore, #tpu.memory_space<semaphore_mem>>) src(%dma_wait3A_711 : memref<64xf32, #tpu.memory_space<hbm>>) dst(%dma_wait3A_709 : memref<64xf32, #tpu.memory_space<vmem>>)
        } else {
        }
        %broadcast_in_dim3A = vector.broadcast %add3A_634 : i32 to vector<16xi32>
        %add3A_655 = arith.constant 0 : i32
        %add3A_656 = vector.broadcast %add3A_655 : i32 to vector<16xi32>
        %add3A_657 = arith.addi %iota3A, %add3A_656 : vector<16xi32>
        %gather3A = tpu.vector_load_idx %arg18[%add3A_657, %broadcast_in_dim3A] : memref<64x1024xf32, #tpu.memory_space<vmem>>[vector<16xi32>, vector<16xi32>], vector<16xf32>,
        %mul3A_658 = arith.constant 64 : i32
        %mul3A_659 = arith.muli %select_n3A_650, %mul3A_658 : i32
        %add3A_660 = arith.constant 0 : i32
        %add3A_661 = arith.addi %mul3A_659, %add3A_660 : i32
        %swap3A_662 = arith.index_cast %add3A_661 : i32 to index
        %swap3A_663 = tpu.vector_load %arg20[%swap3A_662] {strides = array<i32>} : memref<512xf32, #tpu.memory_space<vmem>>, vector<16xf32>,
        tpu.vector_store %arg20[%swap3A_662], %gather3A {strides = array<i32>} : memref<512xf32, #tpu.memory_space<vmem>>, vector<16xf32>,
        %add3A_664 = arith.constant 16 : i32
        %add3A_665 = vector.broadcast %add3A_664 : i32 to vector<16xi32>
        %add3A_666 = arith.addi %iota3A, %add3A_665 : vector<16xi32>
        %gather3A_667 = tpu.vector_load_idx %arg18[%add3A_666, %broadcast_in_dim3A] : memref<64x1024xf32, #tpu.memory_space<vmem>>[vector<16xi32>, vector<16xi32>], vector<16xf32>,
        %mul3A_668 = arith.constant 64 : i32
        %mul3A_669 = arith.muli %select_n3A_650, %mul3A_668 : i32
        %add3A_670 = arith.constant 16 : i32
        %add3A_671 = arith.addi %mul3A_669, %add3A_670 : i32
        %swap3A_672 = arith.index_cast %add3A_671 : i32 to index
        %swap3A_673 = tpu.vector_load %arg20[%swap3A_672] {strides = array<i32>} : memref<512xf32, #tpu.memory_space<vmem>>, vector<16xf32>,
        tpu.vector_store %arg20[%swap3A_672], %gather3A_667 {strides = array<i32>} : memref<512xf32, #tpu.memory_space<vmem>>, vector<16xf32>,
        %add3A_674 = arith.constant 32 : i32
        %add3A_675 = vector.broadcast %add3A_674 : i32 to vector<16xi32>
        %add3A_676 = arith.addi %iota3A, %add3A_675 : vector<16xi32>
        %gather3A_677 = tpu.vector_load_idx %arg18[%add3A_676, %broadcast_in_dim3A] : memref<64x1024xf32, #tpu.memory_space<vmem>>[vector<16xi32>, vector<16xi32>], vector<16xf32>,
        %mul3A_678 = arith.constant 64 : i32
        %mul3A_679 = arith.muli %select_n3A_650, %mul3A_678 : i32
        %add3A_680 = arith.constant 32 : i32
        %add3A_681 = arith.addi %mul3A_679, %add3A_680 : i32
        %swap3A_682 = arith.index_cast %add3A_681 : i32 to index
        %swap3A_683 = tpu.vector_load %arg20[%swap3A_682] {strides = array<i32>} : memref<512xf32, #tpu.memory_space<vmem>>, vector<16xf32>,
        tpu.vector_store %arg20[%swap3A_682], %gather3A_677 {strides = array<i32>} : memref<512xf32, #tpu.memory_space<vmem>>, vector<16xf32>,
        %add3A_684 = arith.constant 48 : i32
        %add3A_685 = vector.broadcast %add3A_684 : i32 to vector<16xi32>
        %add3A_686 = arith.addi %iota3A, %add3A_685 : vector<16xi32>
        %gather3A_687 = tpu.vector_load_idx %arg18[%add3A_686, %broadcast_in_dim3A] : memref<64x1024xf32, #tpu.memory_space<vmem>>[vector<16xi32>, vector<16xi32>], vector<16xf32>,
        %mul3A_688 = arith.constant 64 : i32
        %mul3A_689 = arith.muli %select_n3A_650, %mul3A_688 : i32
        %add3A_690 = arith.constant 48 : i32
        %add3A_691 = arith.addi %mul3A_689, %add3A_690 : i32
        %swap3A_692 = arith.index_cast %add3A_691 : i32 to index
        %swap3A_693 = tpu.vector_load %arg20[%swap3A_692] {strides = array<i32>} : memref<512xf32, #tpu.memory_space<vmem>>, vector<16xf32>,
        tpu.vector_store %arg20[%swap3A_692], %gather3A_687 {strides = array<i32>} : memref<512xf32, #tpu.memory_space<vmem>>, vector<16xf32>,
        %mul3A_694 = arith.constant 64 : i32
        %mul3A_695 = arith.muli %select_n3A_650, %mul3A_694 : i32
        %mul3A_696 = arith.constant 64 : i32
        %mul3A_697 = arith.muli %and3A_631, %mul3A_696 : i32
        %dma_start3A_698 = tpu.memref_slice %arg20[%mul3A_695] : memref<512xf32, #tpu.memory_space<vmem>> -> memref<64xf32, #tpu.memory_space<vmem>>
        %dma_start3A_699 = tpu.memref_slice %arg10[%mul3A_697] : memref<1048576xf32, #tpu.memory_space<hbm>> -> memref<64xf32, #tpu.memory_space<hbm>>
        %dma_start3A_700 = tpu.memref_slice %arg10[%mul3A_697] : memref<1048576xf32, #tpu.memory_space<hbm>> -> memref<64xf32, #tpu.memory_space<hbm>>
        %dma_start3A_701 = tpu.memref_slice %arg20[%mul3A_695] : memref<512xf32, #tpu.memory_space<vmem>> -> memref<64xf32, #tpu.memory_space<vmem>>
        tpu.enqueue_dma source(%dma_start3A_701 : memref<64xf32, #tpu.memory_space<vmem>>) target(%dma_start3A_700 : memref<64xf32, #tpu.memory_space<hbm>>) target_semaphore(%arg25 : memref<!tpu.dma_semaphore, #tpu.memory_space<semaphore_mem>>)
        %add3A_702 = arith.constant 1 : i32
        %add3A_703 = arith.addi %while3A_626, %add3A_702 : i32
        scf.yield %add3A_703 : i32
      }
      scf.yield %while3A_624 : i32
    }
    "tpu.region"() ({
      %run_scoped3A = tpu.sem_alloc : memref<!tpu.dma_semaphore, #tpu.memory_space<semaphore_mem>>
      tpu.enqueue_dma source(%arg7 : memref<64x64xf32, #tpu.memory_space<hbm>>) target(%arg19 : memref<64x64xf32, #tpu.memory_space<vmem>>) target_semaphore(%run_scoped3A : memref<!tpu.dma_semaphore, #tpu.memory_space<semaphore_mem>>)
      tpu.wait_dma2 semaphore(%run_scoped3A : memref<!tpu.dma_semaphore, #tpu.memory_space<semaphore_mem>>) src(%arg7 : memref<64x64xf32, #tpu.memory_space<hbm>>) dst(%arg19 : memref<64x64xf32, #tpu.memory_space<vmem>>)
      tpu.yield
    }) : () -> ()
    %get3A = arith.index_cast %select_n3A : i32 to index
    %get3A_547 = memref.load %arg22[%get3A] : memref<70xi32, #tpu.memory_space<smem>>
    %add3A_548 = arith.constant 1 : i32
    %add3A_549 = arith.addi %select_n3A, %add3A_548 : i32
    %get3A_550 = arith.index_cast %add3A_549 : i32 to index
    %get3A_551 = memref.load %arg22[%get3A_550] : memref<70xi32, #tpu.memory_space<smem>>
    %while3A_552 = arith.subi %get3A_551, %get3A_547 : i32
    %while3A_553 = arith.addi %get3A_547, %while3A_552 : i32
    %while3A_554 = arith.constant 1 : i32
    %while3A_555 = arith.divsi %while3A_552, %while3A_554 : i32
    %while3A_556 = arith.muli %while3A_555, %while3A_554 : i32
    %while3A_557 = arith.addi %get3A_547, %while3A_556 : i32
    %while3A_558 = arith.constant 1 : i32
    %while3A_559 = scf.for %while3A_576 = %get3A_547 to %while3A_557 step %while3A_558 iter_args(%while3A_577 = %while3A_546) -> (i32)  : i32 {
      %get3A_578 = arith.index_cast %while3A_576 : i32 to index
      %get3A_579 = tpu.vector_load %arg17[%get3A_578] {strides = array<i32>} : memref<16400xi32, #tpu.memory_space<vmem>>, vector<16xi32>,
      %slice3A = vector.extract_strided_slice %get3A_579 {offsets = [0], sizes = [1], strides = [1]} : vector<16xi32> to vector<1xi32>
      %squeeze3A = vector.extract %slice3A[0] : i32 from vector<1xi32>
      %shift_right_arithmetic3A = arith.constant 9 : i32
      %shift_right_arithmetic3A_580 = arith.shrsi %squeeze3A, %shift_right_arithmetic3A : i32
      %and3A_581 = arith.constant 16383 : i32
      %and3A_582 = arith.andi %shift_right_arithmetic3A_580, %and3A_581 : i32
      %and3A_583 = arith.constant 511 : i32
      %and3A_584 = arith.andi %squeeze3A, %and3A_583 : i32
      %add3A_585 = arith.constant 0 : i32
      %add3A_586 = arith.addi %and3A_584, %add3A_585 : i32
      %jit3A_587 = arith.constant 8 : i32
      %eq3A_588 = arith.constant 0 : i32
      %eq3A_589 = arith.cmpi eq, %jit3A_587, %eq3A_588 : i32
      %jit3A_590 = arith.constant 1 : i32
      %select_n3A_591 = arith.select %eq3A_589, %jit3A_590, %jit3A_587 : i32
      %rem3A_592 = arith.remsi %while3A_577, %select_n3A_591 : i32
      %ne3A_593 = arith.constant 0 : i32
      %ne3A_594 = arith.cmpi ne, %rem3A_592, %ne3A_593 : i32
      %lt3A = arith.constant 0 : i32
      %lt3A_595 = arith.cmpi slt, %rem3A_592, %lt3A : i32
      %lt3A_596 = arith.constant 0 : i32
      %lt3A_597 = arith.cmpi slt, %select_n3A_591, %lt3A_596 : i32
      %ne3A_598 = arith.xori %lt3A_595, %lt3A_597 : i1
      %and3A_599 = arith.andi %ne3A_598, %ne3A_594 : i1
      %add3A_600 = arith.addi %rem3A_592, %select_n3A_591 : i32
      %select_n3A_601 = arith.select %and3A_599, %add3A_600, %rem3A_592 : i32
      %ge3A = arith.constant 8 : i32
      %ge3A_602 = arith.cmpi sge, %while3A_577, %ge3A : i32
      %convert_element_type3A = arith.extui %ge3A_602 : i1 to i32
      %cond3A = arith.constant 0 : i32
      %cond3A_603 = arith.cmpi ne, %convert_element_type3A, %cond3A : i32
      scf.if %cond3A_603 {
        %dma_wait3A_653 = arith.constant 0 : i32
        %dma_wait3A_654 = tpu.memref_slice %arg20[%dma_wait3A_653] : memref<512xf32, #tpu.memory_space<vmem>> -> memref<64xf32, #tpu.memory_space<vmem>>
        %dma_wait3A_655 = arith.constant 0 : i32
        %dma_wait3A_656 = tpu.memref_slice %arg10[%dma_wait3A_655] : memref<1048576xf32, #tpu.memory_space<hbm>> -> memref<64xf32, #tpu.memory_space<hbm>>
        %dma_wait3A_657 = arith.constant 0 : i32
        %dma_wait3A_658 = tpu.memref_slice %arg20[%dma_wait3A_657] : memref<512xf32, #tpu.memory_space<vmem>> -> memref<64xf32, #tpu.memory_space<vmem>>
        %dma_wait3A_659 = arith.constant 0 : i32
        %dma_wait3A_660 = tpu.memref_slice %arg10[%dma_wait3A_659] : memref<1048576xf32, #tpu.memory_space<hbm>> -> memref<64xf32, #tpu.memory_space<hbm>>
        tpu.wait_dma2 semaphore(%arg25 : memref<!tpu.dma_semaphore, #tpu.memory_space<semaphore_mem>>) src(%dma_wait3A_660 : memref<64xf32, #tpu.memory_space<hbm>>) dst(%dma_wait3A_658 : memref<64xf32, #tpu.memory_space<vmem>>)
      } else {
      }
      %broadcast_in_dim3A = vector.broadcast %add3A_586 : i32 to vector<16xi32>
      %add3A_604 = arith.constant 0 : i32
      %add3A_605 = vector.broadcast %add3A_604 : i32 to vector<16xi32>
      %add3A_606 = arith.addi %iota3A, %add3A_605 : vector<16xi32>
      %gather3A = tpu.vector_load_idx %arg19[%add3A_606, %broadcast_in_dim3A] : memref<64x64xf32, #tpu.memory_space<vmem>>[vector<16xi32>, vector<16xi32>], vector<16xf32>,
      %mul3A_607 = arith.constant 64 : i32
      %mul3A_608 = arith.muli %select_n3A_601, %mul3A_607 : i32
      %add3A_609 = arith.constant 0 : i32
      %add3A_610 = arith.addi %mul3A_608, %add3A_609 : i32
      %swap3A_611 = arith.index_cast %add3A_610 : i32 to index
      %swap3A_612 = tpu.vector_load %arg20[%swap3A_611] {strides = array<i32>} : memref<512xf32, #tpu.memory_space<vmem>>, vector<16xf32>,
      tpu.vector_store %arg20[%swap3A_611], %gather3A {strides = array<i32>} : memref<512xf32, #tpu.memory_space<vmem>>, vector<16xf32>,
      %add3A_613 = arith.constant 16 : i32
      %add3A_614 = vector.broadcast %add3A_613 : i32 to vector<16xi32>
      %add3A_615 = arith.addi %iota3A, %add3A_614 : vector<16xi32>
      %gather3A_616 = tpu.vector_load_idx %arg19[%add3A_615, %broadcast_in_dim3A] : memref<64x64xf32, #tpu.memory_space<vmem>>[vector<16xi32>, vector<16xi32>], vector<16xf32>,
      %mul3A_617 = arith.constant 64 : i32
      %mul3A_618 = arith.muli %select_n3A_601, %mul3A_617 : i32
      %add3A_619 = arith.constant 16 : i32
      %add3A_620 = arith.addi %mul3A_618, %add3A_619 : i32
      %swap3A_621 = arith.index_cast %add3A_620 : i32 to index
      %swap3A_622 = tpu.vector_load %arg20[%swap3A_621] {strides = array<i32>} : memref<512xf32, #tpu.memory_space<vmem>>, vector<16xf32>,
      tpu.vector_store %arg20[%swap3A_621], %gather3A_616 {strides = array<i32>} : memref<512xf32, #tpu.memory_space<vmem>>, vector<16xf32>,
      %add3A_623 = arith.constant 32 : i32
      %add3A_624 = vector.broadcast %add3A_623 : i32 to vector<16xi32>
      %add3A_625 = arith.addi %iota3A, %add3A_624 : vector<16xi32>
      %gather3A_626 = tpu.vector_load_idx %arg19[%add3A_625, %broadcast_in_dim3A] : memref<64x64xf32, #tpu.memory_space<vmem>>[vector<16xi32>, vector<16xi32>], vector<16xf32>,
      %mul3A_627 = arith.constant 64 : i32
      %mul3A_628 = arith.muli %select_n3A_601, %mul3A_627 : i32
      %add3A_629 = arith.constant 32 : i32
      %add3A_630 = arith.addi %mul3A_628, %add3A_629 : i32
      %swap3A_631 = arith.index_cast %add3A_630 : i32 to index
      %swap3A_632 = tpu.vector_load %arg20[%swap3A_631] {strides = array<i32>} : memref<512xf32, #tpu.memory_space<vmem>>, vector<16xf32>,
      tpu.vector_store %arg20[%swap3A_631], %gather3A_626 {strides = array<i32>} : memref<512xf32, #tpu.memory_space<vmem>>, vector<16xf32>,
      %add3A_633 = arith.constant 48 : i32
      %add3A_634 = vector.broadcast %add3A_633 : i32 to vector<16xi32>
      %add3A_635 = arith.addi %iota3A, %add3A_634 : vector<16xi32>
      %gather3A_636 = tpu.vector_load_idx %arg19[%add3A_635, %broadcast_in_dim3A] : memref<64x64xf32, #tpu.memory_space<vmem>>[vector<16xi32>, vector<16xi32>], vector<16xf32>,
      %mul3A_637 = arith.constant 64 : i32
      %mul3A_638 = arith.muli %select_n3A_601, %mul3A_637 : i32
      %add3A_639 = arith.constant 48 : i32
      %add3A_640 = arith.addi %mul3A_638, %add3A_639 : i32
      %swap3A_641 = arith.index_cast %add3A_640 : i32 to index
      %swap3A_642 = tpu.vector_load %arg20[%swap3A_641] {strides = array<i32>} : memref<512xf32, #tpu.memory_space<vmem>>, vector<16xf32>,
      tpu.vector_store %arg20[%swap3A_641], %gather3A_636 {strides = array<i32>} : memref<512xf32, #tpu.memory_space<vmem>>, vector<16xf32>,
      %mul3A_643 = arith.constant 64 : i32
      %mul3A_644 = arith.muli %select_n3A_601, %mul3A_643 : i32
      %mul3A_645 = arith.constant 64 : i32
      %mul3A_646 = arith.muli %and3A_582, %mul3A_645 : i32
      %dma_start3A_647 = tpu.memref_slice %arg20[%mul3A_644] : memref<512xf32, #tpu.memory_space<vmem>> -> memref<64xf32, #tpu.memory_space<vmem>>
      %dma_start3A_648 = tpu.memref_slice %arg10[%mul3A_646] : memref<1048576xf32, #tpu.memory_space<hbm>> -> memref<64xf32, #tpu.memory_space<hbm>>
      %dma_start3A_649 = tpu.memref_slice %arg10[%mul3A_646] : memref<1048576xf32, #tpu.memory_space<hbm>> -> memref<64xf32, #tpu.memory_space<hbm>>
      %dma_start3A_650 = tpu.memref_slice %arg20[%mul3A_644] : memref<512xf32, #tpu.memory_space<vmem>> -> memref<64xf32, #tpu.memory_space<vmem>>
      tpu.enqueue_dma source(%dma_start3A_650 : memref<64xf32, #tpu.memory_space<vmem>>) target(%dma_start3A_649 : memref<64xf32, #tpu.memory_space<hbm>>) target_semaphore(%arg25 : memref<!tpu.dma_semaphore, #tpu.memory_space<semaphore_mem>>)
      %add3A_651 = arith.constant 1 : i32
      %add3A_652 = arith.addi %while3A_577, %add3A_651 : i32
      scf.yield %add3A_652 : i32
    }
    %while3A_560 = arith.constant 1 : i32
    %while3A_561 = scf.for %while3A_576 = %while3A_557 to %while3A_553 step %while3A_560 iter_args(%while3A_577 = %while3A_559) -> (i32)  : i32 {
      %get3A_578 = arith.index_cast %while3A_576 : i32 to index
      %get3A_579 = tpu.vector_load %arg17[%get3A_578] {strides = array<i32>} : memref<16400xi32, #tpu.memory_space<vmem>>, vector<16xi32>,
      %slice3A = vector.extract_strided_slice %get3A_579 {offsets = [0], sizes = [1], strides = [1]} : vector<16xi32> to vector<1xi32>
      %squeeze3A = vector.extract %slice3A[0] : i32 from vector<1xi32>
      %shift_right_arithmetic3A = arith.constant 9 : i32
      %shift_right_arithmetic3A_580 = arith.shrsi %squeeze3A, %shift_right_arithmetic3A : i32
      %and3A_581 = arith.constant 16383 : i32
      %and3A_582 = arith.andi %shift_right_arithmetic3A_580, %and3A_581 : i32
      %and3A_583 = arith.constant 511 : i32
      %and3A_584 = arith.andi %squeeze3A, %and3A_583 : i32
      %add3A_585 = arith.constant 0 : i32
      %add3A_586 = arith.addi %and3A_584, %add3A_585 : i32
      %jit3A_587 = arith.constant 8 : i32
      %eq3A_588 = arith.constant 0 : i32
      %eq3A_589 = arith.cmpi eq, %jit3A_587, %eq3A_588 : i32
      %jit3A_590 = arith.constant 1 : i32
      %select_n3A_591 = arith.select %eq3A_589, %jit3A_590, %jit3A_587 : i32
      %rem3A_592 = arith.remsi %while3A_577, %select_n3A_591 : i32
      %ne3A_593 = arith.constant 0 : i32
      %ne3A_594 = arith.cmpi ne, %rem3A_592, %ne3A_593 : i32
      %lt3A = arith.constant 0 : i32
      %lt3A_595 = arith.cmpi slt, %rem3A_592, %lt3A : i32
      %lt3A_596 = arith.constant 0 : i32
      %lt3A_597 = arith.cmpi slt, %select_n3A_591, %lt3A_596 : i32
      %ne3A_598 = arith.xori %lt3A_595, %lt3A_597 : i1
      %and3A_599 = arith.andi %ne3A_598, %ne3A_594 : i1
      %add3A_600 = arith.addi %rem3A_592, %select_n3A_591 : i32
      %select_n3A_601 = arith.select %and3A_599, %add3A_600, %rem3A_592 : i32
      %ge3A = arith.constant 8 : i32
      %ge3A_602 = arith.cmpi sge, %while3A_577, %ge3A : i32
      %convert_element_type3A = arith.extui %ge3A_602 : i1 to i32
      %cond3A = arith.constant 0 : i32
      %cond3A_603 = arith.cmpi ne, %convert_element_type3A, %cond3A : i32
      scf.if %cond3A_603 {
        %dma_wait3A_653 = arith.constant 0 : i32
        %dma_wait3A_654 = tpu.memref_slice %arg20[%dma_wait3A_653] : memref<512xf32, #tpu.memory_space<vmem>> -> memref<64xf32, #tpu.memory_space<vmem>>
        %dma_wait3A_655 = arith.constant 0 : i32
        %dma_wait3A_656 = tpu.memref_slice %arg10[%dma_wait3A_655] : memref<1048576xf32, #tpu.memory_space<hbm>> -> memref<64xf32, #tpu.memory_space<hbm>>
        %dma_wait3A_657 = arith.constant 0 : i32
        %dma_wait3A_658 = tpu.memref_slice %arg20[%dma_wait3A_657] : memref<512xf32, #tpu.memory_space<vmem>> -> memref<64xf32, #tpu.memory_space<vmem>>
        %dma_wait3A_659 = arith.constant 0 : i32
        %dma_wait3A_660 = tpu.memref_slice %arg10[%dma_wait3A_659] : memref<1048576xf32, #tpu.memory_space<hbm>> -> memref<64xf32, #tpu.memory_space<hbm>>
        tpu.wait_dma2 semaphore(%arg25 : memref<!tpu.dma_semaphore, #tpu.memory_space<semaphore_mem>>) src(%dma_wait3A_660 : memref<64xf32, #tpu.memory_space<hbm>>) dst(%dma_wait3A_658 : memref<64xf32, #tpu.memory_space<vmem>>)
      } else {
      }
      %broadcast_in_dim3A = vector.broadcast %add3A_586 : i32 to vector<16xi32>
      %add3A_604 = arith.constant 0 : i32
      %add3A_605 = vector.broadcast %add3A_604 : i32 to vector<16xi32>
      %add3A_606 = arith.addi %iota3A, %add3A_605 : vector<16xi32>
      %gather3A = tpu.vector_load_idx %arg19[%add3A_606, %broadcast_in_dim3A] : memref<64x64xf32, #tpu.memory_space<vmem>>[vector<16xi32>, vector<16xi32>], vector<16xf32>,
      %mul3A_607 = arith.constant 64 : i32
      %mul3A_608 = arith.muli %select_n3A_601, %mul3A_607 : i32
      %add3A_609 = arith.constant 0 : i32
      %add3A_610 = arith.addi %mul3A_608, %add3A_609 : i32
      %swap3A_611 = arith.index_cast %add3A_610 : i32 to index
      %swap3A_612 = tpu.vector_load %arg20[%swap3A_611] {strides = array<i32>} : memref<512xf32, #tpu.memory_space<vmem>>, vector<16xf32>,
      tpu.vector_store %arg20[%swap3A_611], %gather3A {strides = array<i32>} : memref<512xf32, #tpu.memory_space<vmem>>, vector<16xf32>,
      %add3A_613 = arith.constant 16 : i32
      %add3A_614 = vector.broadcast %add3A_613 : i32 to vector<16xi32>
      %add3A_615 = arith.addi %iota3A, %add3A_614 : vector<16xi32>
      %gather3A_616 = tpu.vector_load_idx %arg19[%add3A_615, %broadcast_in_dim3A] : memref<64x64xf32, #tpu.memory_space<vmem>>[vector<16xi32>, vector<16xi32>], vector<16xf32>,
      %mul3A_617 = arith.constant 64 : i32
      %mul3A_618 = arith.muli %select_n3A_601, %mul3A_617 : i32
      %add3A_619 = arith.constant 16 : i32
      %add3A_620 = arith.addi %mul3A_618, %add3A_619 : i32
      %swap3A_621 = arith.index_cast %add3A_620 : i32 to index
      %swap3A_622 = tpu.vector_load %arg20[%swap3A_621] {strides = array<i32>} : memref<512xf32, #tpu.memory_space<vmem>>, vector<16xf32>,
      tpu.vector_store %arg20[%swap3A_621], %gather3A_616 {strides = array<i32>} : memref<512xf32, #tpu.memory_space<vmem>>, vector<16xf32>,
      %add3A_623 = arith.constant 32 : i32
      %add3A_624 = vector.broadcast %add3A_623 : i32 to vector<16xi32>
      %add3A_625 = arith.addi %iota3A, %add3A_624 : vector<16xi32>
      %gather3A_626 = tpu.vector_load_idx %arg19[%add3A_625, %broadcast_in_dim3A] : memref<64x64xf32, #tpu.memory_space<vmem>>[vector<16xi32>, vector<16xi32>], vector<16xf32>,
      %mul3A_627 = arith.constant 64 : i32
      %mul3A_628 = arith.muli %select_n3A_601, %mul3A_627 : i32
      %add3A_629 = arith.constant 32 : i32
      %add3A_630 = arith.addi %mul3A_628, %add3A_629 : i32
      %swap3A_631 = arith.index_cast %add3A_630 : i32 to index
      %swap3A_632 = tpu.vector_load %arg20[%swap3A_631] {strides = array<i32>} : memref<512xf32, #tpu.memory_space<vmem>>, vector<16xf32>,
      tpu.vector_store %arg20[%swap3A_631], %gather3A_626 {strides = array<i32>} : memref<512xf32, #tpu.memory_space<vmem>>, vector<16xf32>,
      %add3A_633 = arith.constant 48 : i32
      %add3A_634 = vector.broadcast %add3A_633 : i32 to vector<16xi32>
      %add3A_635 = arith.addi %iota3A, %add3A_634 : vector<16xi32>
      %gather3A_636 = tpu.vector_load_idx %arg19[%add3A_635, %broadcast_in_dim3A] : memref<64x64xf32, #tpu.memory_space<vmem>>[vector<16xi32>, vector<16xi32>], vector<16xf32>,
      %mul3A_637 = arith.constant 64 : i32
      %mul3A_638 = arith.muli %select_n3A_601, %mul3A_637 : i32
      %add3A_639 = arith.constant 48 : i32
      %add3A_640 = arith.addi %mul3A_638, %add3A_639 : i32
      %swap3A_641 = arith.index_cast %add3A_640 : i32 to index
      %swap3A_642 = tpu.vector_load %arg20[%swap3A_641] {strides = array<i32>} : memref<512xf32, #tpu.memory_space<vmem>>, vector<16xf32>,
      tpu.vector_store %arg20[%swap3A_641], %gather3A_636 {strides = array<i32>} : memref<512xf32, #tpu.memory_space<vmem>>, vector<16xf32>,
      %mul3A_643 = arith.constant 64 : i32
      %mul3A_644 = arith.muli %select_n3A_601, %mul3A_643 : i32
      %mul3A_645 = arith.constant 64 : i32
      %mul3A_646 = arith.muli %and3A_582, %mul3A_645 : i32
      %dma_start3A_647 = tpu.memref_slice %arg20[%mul3A_644] : memref<512xf32, #tpu.memory_space<vmem>> -> memref<64xf32, #tpu.memory_space<vmem>>
      %dma_start3A_648 = tpu.memref_slice %arg10[%mul3A_646] : memref<1048576xf32, #tpu.memory_space<hbm>> -> memref<64xf32, #tpu.memory_space<hbm>>
      %dma_start3A_649 = tpu.memref_slice %arg10[%mul3A_646] : memref<1048576xf32, #tpu.memory_space<hbm>> -> memref<64xf32, #tpu.memory_space<hbm>>
      %dma_start3A_650 = tpu.memref_slice %arg20[%mul3A_644] : memref<512xf32, #tpu.memory_space<vmem>> -> memref<64xf32, #tpu.memory_space<vmem>>
      tpu.enqueue_dma source(%dma_start3A_650 : memref<64xf32, #tpu.memory_space<vmem>>) target(%dma_start3A_649 : memref<64xf32, #tpu.memory_space<hbm>>) target_semaphore(%arg25 : memref<!tpu.dma_semaphore, #tpu.memory_space<semaphore_mem>>)
      %add3A_651 = arith.constant 1 : i32
      %add3A_652 = arith.addi %while3A_577, %add3A_651 : i32
      scf.yield %add3A_652 : i32
    }
    %min3A_562 = arith.constant 8 : i32
    %min3A_563 = arith.minsi %while3A_561, %min3A_562 : i32
    %while3A_564 = arith.constant 0 : i32
    %while3A_565 = arith.constant 0 : i32
    %while3A_566 = arith.subi %min3A_563, %while3A_564 : i32
    %while3A_567 = arith.addi %while3A_564, %while3A_566 : i32
    %while3A_568 = arith.constant 1 : i32
    %while3A_569 = arith.divsi %while3A_566, %while3A_568 : i32
    %while3A_570 = arith.muli %while3A_569, %while3A_568 : i32
    %while3A_571 = arith.addi %while3A_564, %while3A_570 : i32
    %while3A_572 = arith.constant 1 : i32
    %while3A_573 = scf.for %while3A_576 = %while3A_564 to %while3A_571 step %while3A_572 iter_args(%while3A_577 = %while3A_565) -> (i32)  : i32 {
      %dma_wait3A_578 = arith.constant 0 : i32
      %dma_wait3A_579 = tpu.memref_slice %arg20[%dma_wait3A_578] : memref<512xf32, #tpu.memory_space<vmem>> -> memref<64xf32, #tpu.memory_space<vmem>>
      %dma_wait3A_580 = arith.constant 0 : i32
      %dma_wait3A_581 = tpu.memref_slice %arg10[%dma_wait3A_580] : memref<1048576xf32, #tpu.memory_space<hbm>> -> memref<64xf32, #tpu.memory_space<hbm>>
      %dma_wait3A_582 = arith.constant 0 : i32
      %dma_wait3A_583 = tpu.memref_slice %arg20[%dma_wait3A_582] : memref<512xf32, #tpu.memory_space<vmem>> -> memref<64xf32, #tpu.memory_space<vmem>>
      %dma_wait3A_584 = arith.constant 0 : i32
      %dma_wait3A_585 = tpu.memref_slice %arg10[%dma_wait3A_584] : memref<1048576xf32, #tpu.memory_space<hbm>> -> memref<64xf32, #tpu.memory_space<hbm>>
      tpu.wait_dma2 semaphore(%arg25 : memref<!tpu.dma_semaphore, #tpu.memory_space<semaphore_mem>>) src(%dma_wait3A_585 : memref<64xf32, #tpu.memory_space<hbm>>) dst(%dma_wait3A_583 : memref<64xf32, #tpu.memory_space<vmem>>)
      %while3A_586 = arith.constant 0 : i32
      scf.yield %while3A_586 : i32
    }
    %while3A_574 = arith.constant 1 : i32
    %while3A_575 = scf.for %while3A_576 = %while3A_571 to %while3A_567 step %while3A_574 iter_args(%while3A_577 = %while3A_573) -> (i32)  : i32 {
      %dma_wait3A_578 = arith.constant 0 : i32
      %dma_wait3A_579 = tpu.memref_slice %arg20[%dma_wait3A_578] : memref<512xf32, #tpu.memory_space<vmem>> -> memref<64xf32, #tpu.memory_space<vmem>>
      %dma_wait3A_580 = arith.constant 0 : i32
      %dma_wait3A_581 = tpu.memref_slice %arg10[%dma_wait3A_580] : memref<1048576xf32, #tpu.memory_space<hbm>> -> memref<64xf32, #tpu.memory_space<hbm>>
      %dma_wait3A_582 = arith.constant 0 : i32
      %dma_wait3A_583 = tpu.memref_slice %arg20[%dma_wait3A_582] : memref<512xf32, #tpu.memory_space<vmem>> -> memref<64xf32, #tpu.memory_space<vmem>>
      %dma_wait3A_584 = arith.constant 0 : i32
      %dma_wait3A_585 = tpu.memref_slice %arg10[%dma_wait3A_584] : memref<1048576xf32, #tpu.memory_space<hbm>> -> memref<64xf32, #tpu.memory_space<hbm>>
      tpu.wait_dma2 semaphore(%arg25 : memref<!tpu.dma_semaphore, #tpu.memory_space<semaphore_mem>>) src(%dma_wait3A_585 : memref<64xf32, #tpu.memory_space<hbm>>) dst(%dma_wait3A_583 : memref<64xf32, #tpu.memory_space<vmem>>)
      %while3A_586 = arith.constant 0 : i32
      scf.yield %while3A_586 : i32
    }
    return
  }
}

module attributes {stable_mosaic.version = 14 : i64} {
  func.func @_tc_math_body(%arg0: i32, %arg1: memref<2048x128xf32, #tpu.memory_space<vmem>>, %arg2: memref<2048x128xf32, #tpu.memory_space<vmem>>, %arg3: memref<2048x64xf32, #tpu.memory_space<vmem>>, %arg4: memref<2048x1xf32, #tpu.memory_space<vmem>>) attributes {dimension_semantics = [#tpu.dimension_semantics<arbitrary>], iteration_bounds = array<i64: 8>, scalar_prefetch = 0 : i64, scratch_operands = 0 : i64, tpu.core_type = #tpu.core_type<tc>, window_params = [{transform_indices = @transform_0, window_bounds = array<i64: 2048, 128>}, {transform_indices = @transform_1, window_bounds = array<i64: 2048, 128>}, {transform_indices = @transform_2, window_bounds = array<i64: 2048, 64>}, {transform_indices = @transform_3, window_bounds = array<i64: 2048, 1>}]} {
    %get3A = arith.constant 0 : index
    %get3A_0 = arith.constant 0 : index
    %get3A_1 = vector.load %arg1[%get3A, %get3A_0] : memref<2048x128xf32, #tpu.memory_space<vmem>>, vector<2048x128xf32>
    %get3A_2 = arith.constant 0 : index
    %get3A_3 = arith.constant 0 : index
    %get3A_4 = vector.load %arg2[%get3A_2, %get3A_3] : memref<2048x128xf32, #tpu.memory_space<vmem>>, vector<2048x128xf32>
    %get3A_5 = arith.constant 0 : index
    %get3A_6 = arith.constant 0 : index
    %get3A_7 = vector.load %arg3[%get3A_5, %get3A_6] : memref<2048x64xf32, #tpu.memory_space<vmem>>, vector<2048x64xf32>
    %mul3A = arith.constant 50.2654839 : f32
    %mul3A_8 = vector.broadcast %mul3A : f32 to vector<2048x64xf32>
    %mul3A_9 = arith.mulf %get3A_7, %mul3A_8 : vector<2048x64xf32>
    %cos3A = math.cos %mul3A_9 : vector<2048x64xf32>
    %sin3A = math.sin %mul3A_9 : vector<2048x64xf32>
    %slice3A = vector.extract_strided_slice %get3A_1 {offsets = [0, 0], sizes = [2048, 64], strides = [1, 1]} : vector<2048x128xf32> to vector<2048x64xf32>
    %slice3A_10 = vector.extract_strided_slice %get3A_1 {offsets = [0, 64], sizes = [2048, 64], strides = [1, 1]} : vector<2048x128xf32> to vector<2048x64xf32>
    %mul3A_11 = arith.mulf %slice3A, %cos3A : vector<2048x64xf32>
    %mul3A_12 = arith.mulf %slice3A_10, %sin3A : vector<2048x64xf32>
    %sub3A = arith.subf %mul3A_11, %mul3A_12 : vector<2048x64xf32>
    %slice3A_13 = vector.extract_strided_slice %get3A_4 {offsets = [0, 0], sizes = [2048, 64], strides = [1, 1]} : vector<2048x128xf32> to vector<2048x64xf32>
    %sub3A_14 = arith.subf %sub3A, %slice3A_13 : vector<2048x64xf32>
    %mul3A_15 = arith.mulf %slice3A, %sin3A : vector<2048x64xf32>
    %mul3A_16 = arith.mulf %slice3A_10, %cos3A : vector<2048x64xf32>
    %add3A = arith.addf %mul3A_15, %mul3A_16 : vector<2048x64xf32>
    %slice3A_17 = vector.extract_strided_slice %get3A_4 {offsets = [0, 64], sizes = [2048, 64], strides = [1, 1]} : vector<2048x128xf32> to vector<2048x64xf32>
    %sub3A_18 = arith.subf %add3A, %slice3A_17 : vector<2048x64xf32>
    %mul3A_19 = arith.mulf %sub3A_14, %sub3A_14 : vector<2048x64xf32>
    %mul3A_20 = arith.mulf %sub3A_18, %sub3A_18 : vector<2048x64xf32>
    %add3A_21 = arith.addf %mul3A_19, %mul3A_20 : vector<2048x64xf32>
    %sqrt3A = math.sqrt %add3A_21 : vector<2048x64xf32>
    %reduce_sum3A = arith.constant dense<0.000000e+00> : vector<2048xf32>
    %reduce_sum3A_22 = vector.multi_reduction <add>, %sqrt3A, %reduce_sum3A [1] : vector<2048x64xf32> to vector<2048xf32>
    %broadcast_in_dim3A = vector.shape_cast %reduce_sum3A_22 : vector<2048xf32> to vector<2048x1xf32>
    %sub3A_23 = arith.constant 6.000000e+00 : f32
    %sub3A_24 = vector.broadcast %sub3A_23 : f32 to vector<2048x1xf32>
    %sub3A_25 = arith.subf %sub3A_24, %broadcast_in_dim3A : vector<2048x1xf32>
    %swap3A = arith.constant 0 : index
    %swap3A_26 = arith.constant 0 : index
    %swap3A_27 = vector.load %arg4[%swap3A, %swap3A_26] : memref<2048x1xf32, #tpu.memory_space<vmem>>, vector<2048x1xf32>
    tpu.vector_store %arg4[%swap3A, %swap3A_26], %sub3A_25 {strides = array<i32>} : memref<2048x1xf32, #tpu.memory_space<vmem>>, vector<2048x1xf32>,
    return
  }
  func.func @transform_0(%arg0: i32) -> (i32, i32) {
    %c0_i32 = arith.constant 0 : i32
    %c0_i32_0 = arith.constant 0 : i32
    return %arg0, %c0_i32 : i32, i32
  }
  func.func @transform_1(%arg0: i32) -> (i32, i32) {
    %c0_i32 = arith.constant 0 : i32
    %c0_i32_0 = arith.constant 0 : i32
    return %arg0, %c0_i32 : i32, i32
  }
  func.func @transform_2(%arg0: i32) -> (i32, i32) {
    %c0_i32 = arith.constant 0 : i32
    %c0_i32_0 = arith.constant 0 : i32
    return %arg0, %c0_i32 : i32, i32
  }
  func.func @transform_3(%arg0: i32) -> (i32, i32) {
    %c0_i32 = arith.constant 0 : i32
    %c0_i32_0 = arith.constant 0 : i32
    return %arg0, %c0_i32 : i32, i32
  }
}

</mosaic_0001>

<sc_bundles>
// kernel: kernel.4.cloned.1.call-start
scs
__scs_entry_jumppad:
0x0: {  	(pc) =	sbr.rel $0x88, $3  }
0x1: {  	(tag) =	ssettag $0x0;
	lr =	simm.s32 $0x1  }
0x2: {  	[smem:$0x3F9E] =	sst lr;
	_ =	strace $0xD0000000  }
0x3: {  	_ = 	snop  }
0x4: {  	_ = 	snop  }
0x5: {  	_ = 	snop  }
0x6: {  	_ = 	snop  }
0x7: {  	_ = 	snop  }
__scs_overlays_trampoline_lowered:
0x8: {  	[smem:$0x3FAD] =	sst s0  }
0x9: {  	[smem:$0x3FAE] =	sst s1  }
0xa: {  	[smem:$0x3FAF] =	sst s2  }
0xb: {  	[smem:$0x3FB0] =	sst s3  }
0xc: {  	[smem:$0x3FB1] =	sst s4  }
0xd: {  	[smem:$0x3FB2] =	sst s5  }
0xe: {  	[smem:$0x3FB3] =	sst s6  }
0xf: {  	[smem:$0x3FB4] =	sst s7  }
0x10: {  	[smem:$0x3FB5] =	sst s8  }
0x11: {  	[smem:$0x3FB6] =	sst s9;
	s0 =	simm.s32 @!p0 $0x0  }
0x12: {  	s1 =	sld [smem:$0x3F9C];
	s0 =	simm.s32 @p0 $0x1  }
0x13: {  	[smem:$0x3FB7] =	sst s0;
	s0 =	simm.s32 @!p1 $0x0  }
0x14: {  	s2 =	sld [smem:$0x3F9B];
	s0 =	simm.s32 @p1 $0x1  }
0x15: {  	[smem:$0x3FB8] =	sst s0;
	s0 =	simm.s32 @!p2 $0x0  }
0x16: {  	s3 =	sld [smem:$0x3FDB];
	s0 =	simm.s32 @p2 $0x1  }
0x17: {  	s4 =	simm.s32 $0x1BF5;
	[smem:$0x3FBA] =	sst s0  }
0x18: {  	s0 =	sld [smem:$0x3F9D];
	_ =	swait.ge [sflag:s4], $0x0  }
0x19: {  	s7 =	sld [smem:$0x3F9E]  }
0x1a: {  	s8 =	sadd.s32 $0xFFFFE003, lr  }
0x1b: {  	s9 =	sadd.s32 $0xFFFFFEF7, lr;
	s5 =	simm.s32 $0xFFFFFFFF;
	p2 =	slt.u32 s8, $0xFFFFF086  }
0x1c: {  	p1 =	slt.u32 s9, $0xF7A;
	s5 =	simm.s32 @!p2 $0x0  }
0x1d: {  	s5 =	simm.s32 @p1 $0x1;
	p0 =	seq.s32 s7, s2  }
0x1e: {  	s7 =	smul.u32 @!p0 $0xF7A, s2;
	p2 =	seq.s32 @!p0 s5, $0x0  }
0x1f: {  	s9 =	smul.u32 $0xF7A, s1;
	s8 =	simm.s32 @!p0 $0x1BF5;
	p2 =	por !p2, p0  }
0x20: {  	[sflag:s8] =	ssyncset.s32 @!p0 $0xFFFFF086;
	s6 =	sadd.s32 @!p0 s3, s7;
	s7 =	simm.s32 @!p0 $0x108  }
0x21: {  	s3 =	sadd.s32 s3, s9;
	s6 =	sadd.s32 @!p0 $0x88, s6;
	s7 =	simm.s32 @p2 $0x1082  }
0x22: {  	[simem:s7], [sflag:s8] =	dma.local @!p0 [hbm:s6], $0xF7A  }
0x23: {  	s9 =	sor.u32 $0xD0000000, s2;
	s6 =	simm.s32 $0x108;
	_ =	swait.ge @!p0 [sflag:s8], $0x0  }
0x24: {  	s3 =	sadd.s32 $0x88, s3;
	s6 =	simm.s32 @!p1 $0x1082;
	[sflag:s4] =	ssyncset.s32 $0xFFFFF086  }
0x25: {  	[simem:s6], [sflag:s4] =	dma.local [hbm:s3], $0xF7A  }
0x26: {  	[smem:$0x3F9E] =	sst s1;
	(tag) =	ssettag s2;
	_ =	strace s9  }
0x27: {  	s1 =	sld [smem:$0x3FAE]  }
0x28: {  	s2 =	sld [smem:$0x3FAF]  }
0x29: {  	s4 =	sld [smem:$0x3FB1]  }
0x2a: {  	p0 =	seq.s32 s5, $0x0;
	s5 =	sld [smem:$0x3FB2]  }
0x2b: {  	s6 =	sld [smem:$0x3FB3]  }
0x2c: {  	s7 =	sld [smem:$0x3FB4]  }
0x2d: {  	s3 =	simm.s32 $0x108;
	s8 =	sld [smem:$0x3FB5]  }
0x2e: {  	s3 =	simm.s32 @!p0 $0x1082;
	s9 =	sld [smem:$0x3FB6]  }
0x2f: {  	lr =	sadd.s32 s0, s3;
	s0 =	sld [smem:$0x3FAD]  }
0x30: {  	s3 =	sld [smem:$0x3FB0]  }
0x31: {  	[smem:$0x3FB9] =	sst s10  }
0x32: {  	s10 =	sld [smem:$0x3FB7];
	_ =	sdelay $0x3  }
0x33: {  	p0 =	seq.s32 s10, $0x1;
	s10 =	sld [smem:$0x3FB9];
	_ =	sdelay $0x3  }
0x34: {  	[smem:$0x3FB9] =	sst s10  }
0x35: {  	s10 =	sld [smem:$0x3FB8];
	_ =	sdelay $0x3  }
0x36: {  	p1 =	seq.s32 s10, $0x1;
	s10 =	sld [smem:$0x3FB9];
	_ =	sdelay $0x3  }
0x37: {  	[smem:$0x3FB9] =	sst s10  }
0x38: {  	s10 =	sld [smem:$0x3FBA]  }
0x39: {  	_ = 	snop;
	(pc) =	sbr.ind lr, $3  }
0x3a: {  	_ = 	snop  }
0x3b: {  	_ = 	snop  }
0x3c: {  	p2 =	seq.s32 s10, $0x1;
	s10 =	sld [smem:$0x3FB9]  }
0x3d: {  	_ =	shalt  }
0x3e: {  	_ =	shalt  }
0x3f: {  	_ =	shalt  }
0x40: {  	_ =	shalt  }
0x41: {  	_ =	shalt  }
0x42: {  	_ =	shalt  }
0x43: {  	_ =	shalt  }
0x44: {  	_ =	shalt  }
0x45: {  	_ =	shalt  }
0x46: {  	_ =	shalt  }
0x47: {  	_ =	shalt  }
0x48: {  	_ =	shalt  }
0x49: {  	_ =	shalt  }
0x4a: {  	_ =	shalt  }
0x4b: {  	_ =	shalt  }
0x4c: {  	_ =	shalt  }
0x4d: {  	_ =	shalt  }
0x4e: {  	_ =	shalt  }
0x4f: {  	_ =	shalt  }
0x50: {  	_ =	shalt  }
0x51: {  	_ =	shalt  }
0x52: {  	_ =	shalt  }
0x53: {  	_ =	shalt  }
0x54: {  	_ =	shalt  }
0x55: {  	_ =	shalt  }
0x56: {  	_ =	shalt  }
0x57: {  	_ =	shalt  }
0x58: {  	_ =	shalt  }
0x59: {  	_ =	shalt  }
0x5a: {  	_ =	shalt  }
0x5b: {  	_ =	shalt  }
0x5c: {  	_ =	shalt  }
0x5d: {  	_ =	shalt  }
0x5e: {  	_ =	shalt  }
0x5f: {  	_ =	shalt  }
0x60: {  	_ =	shalt  }
0x61: {  	_ =	shalt  }
0x62: {  	_ =	shalt  }
0x63: {  	_ =	shalt  }
0x64: {  	_ =	shalt  }
0x65: {  	_ =	shalt  }
0x66: {  	_ =	shalt  }
0x67: {  	_ =	shalt  }
0x68: {  	_ =	shalt  }
0x69: {  	_ =	shalt  }
0x6a: {  	_ =	shalt  }
0x6b: {  	_ =	shalt  }
0x6c: {  	_ =	shalt  }
0x6d: {  	_ =	shalt  }
0x6e: {  	_ =	shalt  }
0x6f: {  	_ =	shalt  }
0x70: {  	_ =	shalt  }
0x71: {  	_ =	shalt  }
0x72: {  	_ =	shalt  }
0x73: {  	_ =	shalt  }
0x74: {  	_ =	shalt  }
0x75: {  	_ =	shalt  }
0x76: {  	_ =	shalt  }
0x77: {  	_ =	shalt  }
0x78: {  	_ =	shalt  }
0x79: {  	_ =	shalt  }
0x7a: {  	_ =	shalt  }
0x7b: {  	_ =	shalt  }
0x7c: {  	_ =	shalt  }
0x7d: {  	_ =	shalt  }
0x7e: {  	_ =	shalt  }
0x7f: {  	_ =	shalt  }
0x80: {  	_ =	shalt  }
0x81: {  	_ =	shalt  }
0x82: {  	_ =	shalt  }
0x83: {  	_ =	shalt  }
0x84: {  	_ =	shalt  }
0x85: {  	_ =	shalt  }
0x86: {  	_ =	shalt  }
0x87: {  	_ =	shalt  }
.Lfunc_end0:
.L_simem_size_0:
called_computation_lowered:
.L_overlay_start_0:
0x88: {  	s2 =	sld [smem:$0x3FD9]  }
0x89: {  	s3 =	sld [smem:$0x3FFE];
	_ =	sdelay $0x1  }
0x8a: {  	s1 =	srdreg.scid  }
0x8b: {  	s0 =	sand.u32 $0x1, s1  }
0x8c: {  	s17 =	sshll.u32 s0, $0xA;
	s2 =	sadd.s32 s3, s2  }
0x8d: {  	s2 =	sadd.s32 s2, s17  }
0x8e: {  	[smem:$0x3FC5] =	sst s2  }
0x8f: {  	_ = 	snop  }
0x90: {  	s2 =	sld [smem:$0x3FC8]  }
0x91: {  	s18 =	sld [smem:$0x3FC7]  }
0x92: {  	s4 =	sld [smem:$0x3FD0];
	(tm) =	ssettm $0x1  }
0x93: {  	s5 =	sld [smem:$0x3FFB];
	_ =	sdelay $0x3  }
0x94: {  	_ =	strace s5  }
0x95: {  	s5 =	sld [smem:$0x3FFC];
	_ =	sdelay $0x3  }
0x96: {  	_ =	strace s5  }
0x97: {  	s5 =	sld [smem:$0x3FFD];
	_ =	sdelay $0x3  }
0x98: {  	_ =	strace s5  }
0x99: {  	_ =	strace $0x8FFFFFFF  }
0x9a: {  	s19 =	sld [smem:$0x3FDB];
	_ =	sdelay $0x1  }
0x9b: {  	s6 =	simm.s32 $_scs_section_size  }
0x9c: {  	s7 =	simm.s32 $_size__tile_overlayer_lowered;
	s8 =	simm.s32 $_tile_overlayer_lowered  }
0x9d: {  	s22 =	simm.s32 $0x1BFF;
	s21 =	sshll.u32 s8, $0x1;
	s5 =	sadd.s32 s6, s19  }
0x9e: {  	s9 =	simm.s32 $0x0;
	s20 =	sshll.u32 s7, $0x1;
	s7 =	sadd.s32 s21, s5  }
0x9f: {  	[timem:s9], [sflag:s22] =	dma.local [hbm:s7], s20  }
0xa0: {  	_ =	swait.ge [sflag:s22], s20  }
0xa1: {  	s6 =	ssub.s32 $0x0, s20;
	[sflag:s22] =	ssyncset.done $0x0  }
0xa2: {  	[sflag:s22] =	ssyncadd.s32 s6;
	_ =	sdelay $0x1  }
0xa3: {  	s23 =	simm.s32 $0x1B8B  }
0xa4: {  	_ =	swait.ge [sflag:s23], $0x1  }
0xa5: {  	[sflag:s23] =	ssyncset.done $0x0  }
0xa6: {  	s25 =	simm.s32 $0x1B8E;
	s24 =	sld [smem:$0x3FFE];
	[sflag:s23] =	ssyncadd.s32 $0xFFFFFFFF  }
0xa7: {  	s26 =	simm.s32 $execute0_lowered;
	[smem:$0x3FD2] =	sst s25  }
0xa8: {  	s7 =	sshll.u32 s26, $0x1;
	_ =	strace $0x80000046;
	[dreg:$0x1] =	wrdreg $0xFFFFFFFF  }
0xa9: {  	s28 =	simm.s32 $_size_execute0_lowered;
	s5 =	sadd.s32 s5, s7;
	[dreg:$0x0] =	wrdreg $0x0  }
0xaa: {  	s7 =	sshll.u32 s28, $0x1;
	[dreg:$0x2] =	wrdreg s5  }
0xab: {  	[dreg:$0x3] =	wrdreg s7  }
0xac: {  	[dreg:$0x4] =	wrdreg $0xC0  }
0xad: {  	_ =	task [dreg:s9], $0x5FFFF  }
0xae: {  	[dreg:$0x1] =	wrdreg $0xFFFFFFFF  }
0xaf: {  	[dreg:$0x0] =	wrdreg $0x60  }
0xb0: {  	[dreg:$0x2] =	wrdreg s24  }
0xb1: {  	[dreg:$0x3] =	wrdreg s4  }
0xb2: {  	[dreg:$0x4] =	wrdreg s2  }
0xb3: {  	[dreg:$0x5] =	wrdreg s18  }
0xb4: {  	[dreg:$0x6] =	wrdreg $0x9  }
0xb5: {  	_ =	task.clear_ibuf [dreg:s9], $0x7FFFF;
	_ =	strace $0x90000046  }
0xb6: {  	s29 =	simm.s32 $0x9;
	_ =	strace $0x80000048  }
0xb7: {  	_ =	swait.ge [sflag:s29], $0x1  }
0xb8: {  	[sflag:s29] =	ssyncadd.s32 $0xFFFFFFFF  }
0xb9: {  	_ =	strace $0x90000048  }
0xba: {  	_ =	sfence  }
0xbb: {  	s30 =	sld [smem:$0x0];
	_ =	sdelay $0x2  }
0xbc: {  	s31 =	sshll.u32 s1, $0xD;
	s1 =	sshrl.u32 s1, $0x2  }
0xbd: {  	s3 =	sand.u32 $0x4000, s31;
	s1 =	sadd.s32 s1, s30  }
0xbe: {  	s0 =	sor.u32 s3, s0;
	s1 =	sshll.u32 s1, $0x11  }
0xbf: {  	s0 =	sor.u32 s1, s0  }
0xc0: {  	s0 =	sadd.s32 $0x8F2B, s0  }
0xc1: {  	[sflag:s0] =	ssyncadd.remote.s32 $0x1  }
0xc2: {  	_ =	sfence.sel $0xFFFF  }
0xc3: {  	[dreg:$0x0] =	wrdreg $0xFFFFFFFF;
	(pc) =	sbr.abs _section_cstart, $3  }
0xc4: {  	[dreg:$0x1] =	wrdreg $0xFFFFFFFF  }
0xc5: {  	_ =	task.clear_ibuf [dreg:s9], $0x2FFFF;
	_ =	strace $0x9FFFFFFF  }
0xc6: {  	(tm) =	ssettm $0x7FFFFFFF  }
0xc7: {  	_ =	shalt  }
tec
execute0_lowered:
.L_overlay_start_1:
0x0: {  	(tag) =	ssettag $0x1  }
0x1: {  	s1 =	srdreg.scid;
	s0 =	stileid.u32  }
0x2: {  	s4 =	rddreg [dreg:$0x0];
	s1 =	sand.u32 $0x1, s1;
	s2 =	sshll.u32 s0, $0x1  }
0x3: {  	s3 =	rddreg [dreg:$0x1];
	s22 =	sor.u32 s1, s2  }
0x4: {  	s7 =	sadd.s32 $0x1800, s4;
	s21 =	ssub.s32 $0x2, s1;
	[smem:$0x7B3] =	sst s22  }
0x5: {  	s23 =	sshrl.u32 s21, $0x1;
	s1 =	sshll.u32 s22, $0x9;
	s4 =	sshll.u32 s22, $0x6  }
0x6: {  	s0 =	ssub.s32 s21, s23;
	s24 =	sadd.s32 s7, s4;
	s17 =	sor.u32 $0x10, s1  }
0x7: {  	s25 =	sadd.s32 s3, s4;
	s18 =	sor.u32 $0x20, s1;
	[smem:$0x7FC] =	sst s0  }
0x8: {  	s19 =	sor.u32 $0x30, s1;
	[dreg:$0x5] =	wrdreg s24;
	s26 =	sshrl.u32 s17, $0x3  }
0x9: {  	s20 =	sor.u32 $0x40, s1;
	[dreg:$0x6] =	wrdreg s25;
	s31 =	sadd.s32 s7, s26  }
0xa: {  	s4 =	sshrl.u32 s18, $0x3;
	s2 =	sadd.s32 s3, s26;
	[dreg:$0x7] =	wrdreg s31  }
0xb: {  	s21 =	sor.u32 $0x50, s1;
	s5 =	sadd.s32 s7, s4;
	[dreg:$0x8] =	wrdreg s2  }
0xc: {  	s6 =	sshrl.u32 s19, $0x3;
	s0 =	sadd.s32 s3, s4;
	[dreg:$0x9] =	wrdreg s5  }
0xd: {  	s22 =	sor.u32 $0x60, s1;
	s8 =	sadd.s32 s7, s6;
	[dreg:$0xa] =	wrdreg s0  }
0xe: {  	s10 =	sshrl.u32 s20, $0x3;
	s9 =	sadd.s32 s3, s6;
	[dreg:$0xb] =	wrdreg s8  }
0xf: {  	s12 =	sshrl.u32 s21, $0x3;
	s11 =	sadd.s32 s7, s10;
	[dreg:$0xc] =	wrdreg s9  }
0x10: {  	s14 =	sshrl.u32 s22, $0x3;
	s13 =	sadd.s32 s7, s12;
	[dreg:$0xd] =	wrdreg s11  }
0x11: {  	s15 =	sadd.s32 s7, s14;
	[dreg:$0xf] =	wrdreg s13  }
0x12: {  	s28 =	sor.u32 $0x80, s1;
	s16 =	sadd.s32 s3, s14;
	[dreg:$0x11] =	wrdreg s15  }
0x13: {  	s29 =	sor.u32 $0x90, s1;
	s2 =	sadd.s32 s3, s10;
	[dreg:$0x12] =	wrdreg s16  }
0x14: {  	s25 =	sshrl.u32 s28, $0x3;
	s0 =	sadd.s32 s3, s12;
	[dreg:$0xe] =	wrdreg s2  }
0x15: {  	s4 =	sshrl.u32 s29, $0x3;
	s31 =	sadd.s32 s7, s25;
	[dreg:$0x10] =	wrdreg s0  }
0x16: {  	s26 =	sor.u32 $0x70, s1;
	s5 =	sadd.s32 s7, s4;
	[dreg:$0x15] =	wrdreg s31  }
0x17: {  	s23 =	sshrl.u32 s26, $0x3;
	s6 =	sadd.s32 s3, s4;
	[dreg:$0x17] =	wrdreg s5  }
0x18: {  	s30 =	sor.u32 $0xF0, s1;
	s24 =	sadd.s32 s7, s23;
	[dreg:$0x18] =	wrdreg s6  }
0x19: {  	s14 =	sor.u32 $0xB0, s1;
	s2 =	sadd.s32 s3, s23;
	[dreg:$0x13] =	wrdreg s24  }
0x1a: {  	s0 =	sadd.s32 s3, s25;
	s6 =	sshrl.u32 s14, $0x3;
	[dreg:$0x14] =	wrdreg s2  }
0x1b: {  	s4 =	sor.u32 $0xD0, s1;
	[dreg:$0x16] =	wrdreg s0;
	s11 =	sadd.s32 s7, s6  }
0x1c: {  	s23 =	sshrl.u32 s4, $0x3;
	s12 =	sadd.s32 s3, s6;
	[dreg:$0x1b] =	wrdreg s11  }
0x1d: {  	s5 =	sor.u32 $0xA0, s1;
	s24 =	sadd.s32 s7, s23;
	[dreg:$0x1c] =	wrdreg s12  }
0x1e: {  	s8 =	sshrl.u32 s5, $0x3;
	s25 =	sadd.s32 s3, s23;
	[dreg:$0x1f] =	wrdreg s24  }
0x1f: {  	s13 =	sor.u32 $0xC0, s1;
	s9 =	sadd.s32 s7, s8;
	[smem:$0x78E] =	sst s25  }
0x20: {  	s10 =	sadd.s32 s3, s8;
	s8 =	sshrl.u32 s13, $0x3;
	[dreg:$0x19] =	wrdreg s9  }
0x21: {  	s6 =	sor.u32 $0xE0, s1;
	[dreg:$0x1a] =	wrdreg s10;
	s15 =	sadd.s32 s7, s8  }
0x22: {  	s16 =	sadd.s32 s3, s8;
	s9 =	sshrl.u32 s6, $0x3;
	[dreg:$0x1d] =	wrdreg s15  }
0x23: {  	s23 =	sor.u32 $0x120, s1;
	[dreg:$0x1e] =	wrdreg s16;
	s31 =	sadd.s32 s7, s9  }
0x24: {  	s10 =	sshrl.u32 s30, $0x3;
	s2 =	sadd.s32 s3, s9;
	[smem:$0x78F] =	sst s31  }
0x25: {  	s25 =	sor.u32 $0x110, s1;
	s8 =	sadd.s32 s7, s10;
	[smem:$0x790] =	sst s2  }
0x26: {  	s12 =	sshrl.u32 s25, $0x3;
	s9 =	sadd.s32 s3, s10;
	[smem:$0x791] =	sst s8  }
0x27: {  	s16 =	sadd.s32 s7, s12;
	s8 =	sor.u32 $0x100, s1;
	[smem:$0x792] =	sst s9  }
0x28: {  	[smem:$0x795] =	sst s16;
	s2 =	sadd.s32 s3, s12;
	s10 =	sshrl.u32 s8, $0x3  }
0x29: {  	s24 =	sshrl.u32 s23, $0x3;
	[smem:$0x796] =	sst s2;
	s11 =	sadd.s32 s7, s10  }
0x2a: {  	s31 =	sor.u32 $0x130, s1;
	s15 =	sadd.s32 s3, s10;
	[smem:$0x793] =	sst s11  }
0x2b: {  	s12 =	sshrl.u32 s31, $0x3;
	s10 =	sadd.s32 s7, s24;
	[smem:$0x794] =	sst s15  }
0x2c: {  	s16 =	sadd.s32 s7, s12;
	[smem:$0x797] =	sst s10  }
0x2d: {  	s11 =	sadd.s32 s3, s24;
	s24 =	sor.u32 $0x140, s1;
	[smem:$0x799] =	sst s16  }
0x2e: {  	[smem:$0x798] =	sst s11;
	s2 =	sshrl.u32 s24, $0x3;
	s11 =	sadd.s32 s3, s12  }
0x2f: {  	s15 =	sor.u32 $0x150, s1;
	[smem:$0x79A] =	sst s11;
	s12 =	sadd.s32 s7, s2  }
0x30: {  	s16 =	sshrl.u32 s15, $0x3;
	s2 =	sadd.s32 s3, s2;
	[smem:$0x79B] =	sst s12  }
0x31: {  	s10 =	sadd.s32 s7, s16;
	[smem:$0x79C] =	sst s2  }
0x32: {  	s11 =	sor.u32 $0x160, s1;
	[smem:$0x79D] =	sst s10  }
0x33: {  	[smem:$0x7E0] =	sst s11;
	s12 =	sadd.s32 s3, s16  }
0x34: {  	s16 =	sshrl.u32 s11, $0x3;
	s11 =	sor.u32 $0x180, s1;
	[smem:$0x79E] =	sst s12  }
0x35: {  	s9 =	sor.u32 $0x170, s1;
	s2 =	sadd.s32 s7, s16;
	[smem:$0x7E5] =	sst s11  }
0x36: {  	s12 =	sshrl.u32 s9, $0x3;
	s16 =	sadd.s32 s3, s16;
	[smem:$0x79F] =	sst s2  }
0x37: {  	[smem:$0x7A0] =	sst s16;
	s10 =	sadd.s32 s7, s12  }
0x38: {  	s16 =	sshrl.u32 s11, $0x3;
	s11 =	sadd.s32 s3, s12;
	[smem:$0x7A1] =	sst s10  }
0x39: {  	[smem:$0x7A2] =	sst s11;
	s12 =	sadd.s32 s7, s16;
	s10 =	sor.u32 $0x190, s1  }
0x3a: {  	s2 =	sadd.s32 s3, s16;
	[smem:$0x7A3] =	sst s12;
	s16 =	sshrl.u32 s10, $0x3  }
0x3b: {  	[smem:$0x7A4] =	sst s2;
	s11 =	sadd.s32 s7, s16  }
0x3c: {  	s12 =	sor.u32 $0x1A0, s1;
	s16 =	sadd.s32 s3, s16;
	[smem:$0x7A5] =	sst s11  }
0x3d: {  	s2 =	sshrl.u32 s12, $0x3;
	s11 =	sor.u32 $0x1B0, s1;
	[smem:$0x7A6] =	sst s16  }
0x3e: {  	s16 =	sadd.s32 s7, s2;
	[smem:$0x7EC] =	sst s11  }
0x3f: {  	s2 =	sadd.s32 s3, s2;
	[smem:$0x7A7] =	sst s16;
	s11 =	sshrl.u32 s11, $0x3  }
0x40: {  	[smem:$0x7A8] =	sst s2;
	s16 =	sadd.s32 s7, s11  }
0x41: {  	s0 =	sadd.s32 s3, s11;
	[smem:$0x7A9] =	sst s16;
	s16 =	sor.u32 $0x1C0, s1  }
0x42: {  	s11 =	sor.u32 $0x1D0, s1;
	[smem:$0x7AA] =	sst s0;
	s0 =	sshrl.u32 s16, $0x3  }
0x43: {  	[smem:$0x7F1] =	sst s11;
	s2 =	sadd.s32 s7, s0  }
0x44: {  	s0 =	sadd.s32 s3, s0;
	[smem:$0x7AB] =	sst s2  }
0x45: {  	s2 =	sshrl.u32 s11, $0x3;
	s11 =	sor.u32 $0x1E0, s1;
	[smem:$0x7AC] =	sst s0  }
0x46: {  	[smem:$0x7F4] =	sst s11;
	s0 =	sadd.s32 s7, s2  }
0x47: {  	s2 =	sadd.s32 s3, s2;
	[smem:$0x7AD] =	sst s0  }
0x48: {  	s0 =	sshrl.u32 s11, $0x3;
	[smem:$0x7AE] =	sst s2;
	s2 =	sor.u32 $0x1F0, s1  }
0x49: {  	[smem:$0x7F5] =	sst s2;
	s11 =	sadd.s32 s7, s0  }
0x4a: {  	s0 =	sadd.s32 s3, s0;
	[smem:$0x7AF] =	sst s11  }
0x4b: {  	[smem:$0x7B0] =	sst s0;
	s11 =	sshrl.u32 s2, $0x3  }
0x4c: {  	s2 =	sadd.s32 s7, s11;
	s0 =	sadd.s32 s3, s11;
	s11 =	rddreg [dreg:$0x0]  }
0x4d: {  	[smem:$0x7B2] =	sst s0  }
0x4e: {  	s7 =	sadd.s32 $0x22000, s11;
	s0 =	sadd.s32 $0x62000, s11;
	s11 =	sld [smem:$0x7B3]  }
0x4f: {  	_ =	sdelay $0x1  }
0x50: {  	s1 =	simm.s32 $0x0;
	[smem:$0x7B1] =	sst s2;
	s2 =	sshll.u32 s11, $0xD  }
0x51: {  	[smem:$0x7FF] =	sst s1;
	s3 =	sadd.s32 s7, s2;
	s2 =	sadd.s32 s0, s2  }
0x52: {  	[smem:$0x7B5] =	sst s2;
	s2 =	sshll.u32 s17, $0x4  }
0x53: {  	[smem:$0x7B4] =	sst s3;
	s17 =	sadd.s32 s7, s2  }
0x54: {  	s2 =	sadd.s32 s0, s2;
	[smem:$0x7B6] =	sst s17;
	s17 =	sshll.u32 s18, $0x4  }
0x55: {  	[smem:$0x7B7] =	sst s2;
	s18 =	sadd.s32 s7, s17  }
0x56: {  	s19 =	sshll.u32 s19, $0x4;
	s2 =	sadd.s32 s0, s17;
	[smem:$0x7B8] =	sst s18  }
0x57: {  	s17 =	sadd.s32 s7, s19;
	[smem:$0x7B9] =	sst s2  }
0x58: {  	[smem:$0x7BA] =	sst s17;
	s2 =	sadd.s32 s0, s19;
	s18 =	sshll.u32 s20, $0x4  }
0x59: {  	[smem:$0x7BB] =	sst s2;
	s19 =	sadd.s32 s7, s18  }
0x5a: {  	s20 =	sshll.u32 s21, $0x4;
	s2 =	sadd.s32 s0, s18;
	[smem:$0x7BC] =	sst s19  }
0x5b: {  	s17 =	sshll.u32 s22, $0x4;
	s21 =	sadd.s32 s7, s20;
	[smem:$0x7BD] =	sst s2  }
0x5c: {  	s18 =	sadd.s32 s7, s17;
	[smem:$0x7BE] =	sst s21  }
0x5d: {  	s2 =	sadd.s32 s0, s20;
	[smem:$0x7C0] =	sst s18  }
0x5e: {  	s19 =	sshll.u32 s26, $0x4;
	[smem:$0x7BF] =	sst s2;
	s2 =	sadd.s32 s0, s17  }
0x5f: {  	s21 =	sshll.u32 s28, $0x4;
	s20 =	sadd.s32 s7, s19;
	[smem:$0x7C1] =	sst s2  }
0x60: {  	s26 =	sshll.u32 s29, $0x4;
	s22 =	sadd.s32 s7, s21;
	[smem:$0x7C2] =	sst s20  }
0x61: {  	s17 =	sadd.s32 s7, s26;
	[smem:$0x7C4] =	sst s22  }
0x62: {  	s18 =	sshll.u32 s5, $0x4;
	s2 =	sadd.s32 s0, s19;
	[smem:$0x7C6] =	sst s17  }
0x63: {  	s5 =	sshll.u32 s4, $0x4;
	s19 =	sadd.s32 s7, s18;
	[smem:$0x7C3] =	sst s2  }
0x64: {  	s22 =	sshll.u32 s13, $0x4;
	s13 =	sadd.s32 s7, s5;
	[smem:$0x7C8] =	sst s19  }
0x65: {  	s20 =	sshll.u32 s14, $0x4;
	s2 =	sadd.s32 s0, s21;
	[smem:$0x7CE] =	sst s13  }
0x66: {  	s14 =	sshll.u32 s6, $0x4;
	s21 =	sadd.s32 s7, s20;
	[smem:$0x7C5] =	sst s2  }
0x67: {  	s31 =	sshll.u32 s31, $0x4;
	s17 =	sadd.s32 s7, s14;
	[smem:$0x7CA] =	sst s21  }
0x68: {  	s13 =	sadd.s32 s0, s31;
	[smem:$0x7D0] =	sst s17  }
0x69: {  	s2 =	sadd.s32 s0, s26;
	[smem:$0x7DB] =	sst s13  }
0x6a: {  	s6 =	sshll.u32 s24, $0x4;
	s26 =	sadd.s32 s7, s22;
	[smem:$0x7C7] =	sst s2  }
0x6b: {  	s17 =	sadd.s32 s0, s6;
	[smem:$0x7CC] =	sst s26  }
0x6c: {  	[smem:$0x7DD] =	sst s17  }
0x6d: {  	s2 =	sadd.s32 s0, s18;
	s18 =	sshll.u32 s30, $0x4;
	s17 =	sld [smem:$0x7F4]  }
0x6e: {  	[smem:$0x7C9] =	sst s2;
	s2 =	sadd.s32 s0, s20;
	s20 =	sshll.u32 s8, $0x4  }
0x6f: {  	s8 =	sadd.s32 s7, s31;
	s31 =	sshll.u32 s10, $0x4;
	s10 =	sld [smem:$0x7EC]  }
0x70: {  	s26 =	sshll.u32 s23, $0x4;
	s19 =	sadd.s32 s7, s18;
	[smem:$0x7CB] =	sst s2  }
0x71: {  	s3 =	sadd.s32 s0, s26;
	[smem:$0x7D2] =	sst s19  }
0x72: {  	s23 =	sshll.u32 s9, $0x4;
	[smem:$0x7D9] =	sst s3  }
0x73: {  	s24 =	sadd.s32 s7, s23;
	[smem:$0x7DA] =	sst s8  }
0x74: {  	s2 =	sadd.s32 s0, s22;
	[smem:$0x7E3] =	sst s24  }
0x75: {  	s21 =	sadd.s32 s7, s20;
	[smem:$0x7CD] =	sst s2  }
0x76: {  	[smem:$0x7D4] =	sst s21  }
0x77: {  	s22 =	sshll.u32 s25, $0x4;
	s2 =	sadd.s32 s0, s5;
	s21 =	sld [smem:$0x7E0]  }
0x78: {  	s25 =	sadd.s32 s7, s22;
	[smem:$0x7CF] =	sst s2  }
0x79: {  	s5 =	sadd.s32 s7, s26;
	[smem:$0x7D6] =	sst s25  }
0x7a: {  	s8 =	sshll.u32 s12, $0x4;
	[smem:$0x7D8] =	sst s5  }
0x7b: {  	s9 =	sadd.s32 s7, s8;
	s25 =	sld [smem:$0x7E5]  }
0x7c: {  	s2 =	sadd.s32 s0, s14;
	[smem:$0x7EA] =	sst s9  }
0x7d: {  	s14 =	sadd.s32 s7, s6;
	[smem:$0x7D1] =	sst s2  }
0x7e: {  	s6 =	sadd.s32 s7, s31;
	[smem:$0x7DC] =	sst s14  }
0x7f: {  	s13 =	sshll.u32 s16, $0x4;
	[smem:$0x7E8] =	sst s6  }
0x80: {  	s2 =	sadd.s32 s0, s18;
	s18 =	sshll.u32 s15, $0x4;
	s15 =	sld [smem:$0x7F1]  }
0x81: {  	s14 =	sadd.s32 s7, s13;
	[smem:$0x7D3] =	sst s2  }
0x82: {  	v0 =	vimm.s32 $0x2380;
	s2 =	sadd.s32 s0, s20;
	[smem:$0x7EF] =	sst s14  }
0x83: {  	vm14 =	vcmask $0x300;
	vm12 =	vcmask $0x704;
	vm11 =	vcmask $0xB08;
	s20 =	sadd.s32 s7, s18;
	[smem:$0x7D5] =	sst s2  }
0x84: {  	vm13 =	vcmask $0xF0C;
	vm10 =	vcmask $0x1310;
	vm9 =	vcmask $0x1714;
	s4 =	sadd.s32 s0, s18;
	[smem:$0x7DE] =	sst s20  }
0x85: {  	vm8 =	vcmask $0x1B18;
	vm0 =	vcmask $0x1F1C;
	v0 =	vsel vm14, $0x0, v0;
	s18 =	sshll.u32 s17, $0x4;
	s2 =	sadd.s32 s0, s22;
	[smem:$0x7DF] =	sst s4  }
0x86: {  	vm1 =	vcmask $0x2320;
	vm2 =	vcmask $0x2724;
	v0 =	vsel vm12, $0x80, v0;
	s4 =	sshll.u32 s21, $0x4;
	s21 =	sadd.s32 s7, s18;
	[smem:$0x7D7] =	sst s2  }
0x87: {  	vm3 =	vcmask $0x2B28;
	vm4 =	vcmask $0x2F2C;
	v0 =	vsel vm11, $0x100, v0;
	s5 =	sadd.s32 s0, s18;
	[smem:$0x7F6] =	sst s21  }
0x88: {  	vm5 =	vcmask $0x3330;
	vm7 =	vcmask $0x3734;
	v0 =	vsel vm13, $0x180, v0;
	s22 =	sadd.s32 s7, s4;
	s4 =	sadd.s32 s0, s4;
	[smem:$0x7F7] =	sst s5  }
0x89: {  	v5 =	vlaneseq.u32;
	vm6 =	vcmask $0x3B38;
	v0 =	vsel vm10, $0x200, v0;
	[smem:$0x7E2] =	sst s4;
	s4 =	sadd.s32 s0, s23  }
0x8a: {  	v6 =	vimm.s32 $0x6380;
	v7 =	vimm.s32 $0xA380;
	v0 =	vsel vm9, $0x280, v0;
	s2 =	smul.u32 $0x7C00, s11;
	[smem:$0x7E4] =	sst s4;
	s4 =	sshll.u32 s25, $0x4  }
0x8b: {  	v8 =	vimm.s32 $0xE380;
	v6 =	vsel vm14, $0x4000, v6;
	v0 =	vsel vm8, $0x300, v0;
	[smem:$0x7E1] =	sst s22;
	s26 =	sadd.s32 s7, s4  }
0x8c: {  	v7 =	vsel vm14, $0x8000, v7;
	v8 =	vsel vm14, $0xC000, v8;
	v0 =	vsel vm0, $0x380, v0;
	s3 =	sadd.s32 $0x7C00, s2;
	s4 =	sadd.s32 s0, s4;
	[smem:$0x7E6] =	sst s26  }
0x8d: {  	v6 =	vsel vm12, $0x4080, v6;
	v7 =	vsel vm12, $0x8080, v7;
	v0 =	vsel vm1, $0x2000, v0;
	s19 =	smin.u32 s3, $0xF4240;
	[smem:$0x7E7] =	sst s4  }
0x8e: {  	v8 =	vsel vm12, $0xC080, v8;
	v1 =	vsel vm2, $0x2080, v0;
	s28 =	simm.s32 $0x1D200;
	v0 =	vmov s19;
	s4 =	sadd.s32 s0, s31;
	s19 =	sld [smem:$0x7F5]  }
0x8f: {  	v6 =	vsel vm11, $0x4100, v6;
	v7 =	vsel vm11, $0x8100, v7;
	v8 =	vsel vm11, $0xC100, v8;
	s29 =	simm.s32 $0x2;
	[smem:$0x7E9] =	sst s4;
	s4 =	sadd.s32 s0, s8  }
0x90: {  	v6 =	vsel vm13, $0x4180, v6;
	v7 =	vsel vm13, $0x8180, v7;
	v8 =	vsel vm13, $0xC180, v8;
	s30 =	simm.s32 $0x0;
	[smem:$0x7EB] =	sst s4;
	s4 =	sshll.u32 s10, $0x4  }
0x91: {  	v6 =	vsel vm10, $0x4200, v6;
	v7 =	vsel vm10, $0x8200, v7;
	v8 =	vsel vm10, $0xC200, v8;
	s17 =	simm.s32 $0x4;
	s8 =	rddreg [dreg:$0x3];
	s12 =	sadd.s32 s7, s4  }
0x92: {  	v6 =	vsel vm9, $0x4280, v6;
	v7 =	vsel vm9, $0x8280, v7;
	v8 =	vsel vm9, $0xC280, v8;
	s18 =	simm.s32 $0x80;
	s4 =	sadd.s32 s0, s4;
	[smem:$0x7ED] =	sst s12  }
0x93: {  	v6 =	vsel vm8, $0x4300, v6;
	v7 =	vsel vm8, $0x8300, v7;
	v8 =	vsel vm8, $0xC300, v8;
	s20 =	sshll.u32 s19, $0x4;
	[smem:$0x7EE] =	sst s4;
	s4 =	sadd.s32 s0, s13  }
0x94: {  	v6 =	vsel vm0, $0x4380, v6;
	v7 =	vsel vm0, $0x8380, v7;
	v8 =	vsel vm0, $0xC380, v8;
	s22 =	sadd.s32 s7, s20;
	[smem:$0x7F0] =	sst s4;
	s4 =	sshll.u32 s15, $0x4  }
0x95: {  	v6 =	vsel vm1, $0x6000, v6;
	v7 =	vsel vm1, $0xA000, v7;
	v8 =	vsel vm1, $0xE000, v8;
	s21 =	simm.s32 $0x900;
	[smem:$0x7F8] =	sst s22;
	s16 =	sadd.s32 s7, s4  }
0x96: {  	v6 =	vsel vm2, $0x6080, v6;
	v7 =	vsel vm2, $0xA080, v7;
	v8 =	vsel vm2, $0xE080, v8;
	s23 =	smin.u32 s3, $0xF4200;
	s4 =	sadd.s32 s0, s4;
	[smem:$0x7F2] =	sst s16  }
0x97: {  	v2 =	vsel vm3, $0x2100, v1;
	v6 =	vsel vm3, $0x6100, v6;
	v7 =	vsel vm3, $0xA100, v7;
	s14 =	sadd.s32 s8, s2;
	s0 =	sadd.s32 s0, s20;
	[smem:$0x7F3] =	sst s4  }
0x98: {  	v8 =	vsel vm3, $0xE100, v8;
	v3 =	vsel vm4, $0x2180, v2;
	v2 =	vimm.s32 $0x0;
	s19 =	simm.s32 $0x10;
	s15 =	smul.u32 $0x3E000, s11;
	[smem:$0x7F9] =	sst s0  }
0x99: {  	v6 =	vsel vm4, $0x6180, v6;
	v7 =	vsel vm4, $0xA180, v7;
	v8 =	vsel vm4, $0xE180, v8;
	s22 =	simm.s32 $0x1;
	s4 =	rddreg [dreg:$0x2];
	_ =	strace $0x80000047  }
0x9a: {  	v3 =	vsel vm5, $0x2200, v3;
	v6 =	vsel vm5, $0x6200, v6;
	v7 =	vsel vm5, $0xA200, v7;
	s20 =	simm.s32 $0x100;
	s0 =	ssub.s32 s23, s2;
	s24 =	rddreg [dreg:$0x0]  }
.Ltmp0:
0x9b: {  	v8 =	vsel vm5, $0xE200, v8;
	v4 =	vsel vm7, $0x2280, v3;
	v3 =	vmul.u32 $0x200, v5;
	s13 =	sshra.s32 s0, $0x9;
	s31 =	sld [smem:$0x7FC];
	(pc) =	sbr.rel .LBB2_1-.Ltmp0, $4  }
0x9c: {  	v6 =	vsel vm7, $0x6280, v6;
	v7 =	vsel vm7, $0xA280, v7;
	v5 =	vmul.u32 $0x80, v5;
	s23 =	simm.s32 $0x5100;
	p0 =	sgt.s32 s13, $0x0;
	s25 =	sadd.s32 $0x1000, s24  }
0x9d: {  	v8 =	vsel vm7, $0xE280, v8;
	v4 =	vsel vm6, $0x2300, v4;
	v6 =	vsel vm6, $0x6300, v6;
	s26 =	sadd.s32 $0xC00, s24;
	s12 =	sadd.s32 $0x2000, s24;
	[smem:$0x7FA] =	sst s25  }
0x9e: {  	v7 =	vsel vm6, $0xA300, v7;
	v8 =	vsel vm6, $0xE300, v8;
	v9 =	vor.u32 $0x800, v5;
	s24 =	simm.s32 $0x9180;
	[smem:$0x7FB] =	sst s26;
	s0 =	smax.u32 s31, $0x1  }
0x9f: {  	v10 =	vor.u32 $0x1000, v5;
	v11 =	vor.u32 $0x1800, v5;
	v1 =	vmov s2;
	s25 =	simm.s32 $0xD200;
	s26 =	simm.s32 $0x3;
	[smem:$0x7FD] =	sst s0  }
.LBB2_40:
0xa0: {  	[sflag:s29] =	ssyncadd.s32 $0xFFFFFFC0  }
.LBB2_41:
0xa1: {  	s0 =	sld [smem:$0x7FD];
	_ =	sdelay $0x1  }
0xa2: {  	s30 =	sadd.s32 $0x1, s30  }
0xa3: {  	p1 =	sne.s32 s30, s0  }
.Ltmp1:
0xa4: {  	_ = 	snop;
	(pc) =	sbr.rel @!p1 .LBB2_42-.Ltmp1, $1  }
0xa5: {  	_ =	sdelay $0x3  }
.LBB2_1:
0xa6: {  	s0 =	rddreg [dreg:$0x5]  }
0xa7: {  	[tilespmem:s1], [sflag:$0x4] =	stream.linear.gather [hbm4b:s0+s1], $0x10, $0x38;
	[tilespmem:$0x1F400] =	vst v63  }
0xa8: {  	_ =	swait.ge [sflag:s17], $0x10  }
0xa9: {  	[sflag:s17] =	ssyncset.done $0x0  }
0xaa: {  	s6 =	rddreg [dreg:$0x6];
	[sflag:s17] =	ssyncadd.s32 $0xFFFFFFF0  }
0xab: {  	[tilespmem:s18], [sflag:$0x4] =	stream.linear.gather [hbm4b:s6+s1], $0x10, $0x38;
	[tilespmem:$0x1F400] =	vst v63  }
0xac: {  	_ =	swait.ge [sflag:s17], $0x10  }
0xad: {  	[sflag:s17] =	ssyncset.done $0x0  }
0xae: {  	[sflag:s17] =	ssyncadd.s32 $0xFFFFFFF0  }
0xaf: {  	[tilespmem:s20], [sflag:$0x1] =	stream.indirect.gather [hbm4b:s4+s19], $0x80, s1, s19, $0xb8;
	[tilespmem:$0x1F400] =	vst v63  }
0xb0: {  	_ = 	snop  }
0xb1: {  	[tilespmem:s21], [sflag:$0x1] =	stream.indirect.gather [hbm4b:s4+s19], $0x80, s18, s19, $0xb8;
	[tilespmem:$0x1F400] =	vst v63  }
0xb2: {  	_ =	swait.ge [sflag:s22], $0x800  }
0xb3: {  	[sflag:s22] =	ssyncset.done $0x0  }
0xb4: {  	[sflag:s22] =	ssyncadd.s32 $0xFFFFF800  }
0xb5: {  	_ =	swait.ge [sflag:s22], $0x800  }
0xb6: {  	s7 =	sld [smem:$0x7B4]  }
0xb7: {  	[sflag:s22] =	ssyncset.done $0x0  }
0xb8: {  	[sflag:s22] =	ssyncadd.s32 $0xFFFFF800  }
0xb9: {  	[hbm4b:s7+s1] =	stream.linear.scatter [tilespmem:s20], [sflag:$0x4], $0x800, $0x38;
	[tilespmem:$0x1F400] =	vst v63  }
0xba: {  	_ =	swait.ge [sflag:s17], $0x800  }
0xbb: {  	s9 =	sld [smem:$0x7B5]  }
0xbc: {  	[sflag:s17] =	ssyncset.done $0x0  }
0xbd: {  	[sflag:s17] =	ssyncadd.s32 $0xFFFFF800  }
0xbe: {  	[hbm4b:s9+s1] =	stream.linear.scatter [tilespmem:s21], [sflag:$0x4], $0x800, $0x38;
	[tilespmem:$0x1F400] =	vst v63  }
0xbf: {  	_ =	swait.ge [sflag:s17], $0x800  }
0xc0: {  	[sflag:s17] =	ssyncset.done $0x0  }
0xc1: {  	s10 =	rddreg [dreg:$0x7];
	[sflag:s17] =	ssyncadd.s32 $0xFFFFF800  }
0xc2: {  	[tilespmem:s1], [sflag:$0x4] =	stream.linear.gather [hbm4b:s10+s1], $0x10, $0x38;
	[tilespmem:$0x1F400] =	vst v63  }
0xc3: {  	_ =	swait.ge [sflag:s17], $0x10  }
0xc4: {  	[sflag:s17] =	ssyncset.done $0x0  }
0xc5: {  	s11 =	rddreg [dreg:$0x8];
	[sflag:s17] =	ssyncadd.s32 $0xFFFFFFF0  }
0xc6: {  	[tilespmem:s18], [sflag:$0x4] =	stream.linear.gather [hbm4b:s11+s1], $0x10, $0x38;
	[tilespmem:$0x1F400] =	vst v63  }
0xc7: {  	_ =	swait.ge [sflag:s17], $0x10  }
0xc8: {  	[sflag:s17] =	ssyncset.done $0x0  }
0xc9: {  	[sflag:s17] =	ssyncadd.s32 $0xFFFFFFF0  }
0xca: {  	[tilespmem:s20], [sflag:$0x1] =	stream.indirect.gather [hbm4b:s4+s19], $0x80, s1, s19, $0xb8;
	[tilespmem:$0x1F400] =	vst v63  }
0xcb: {  	_ = 	snop  }
0xcc: {  	[tilespmem:s21], [sflag:$0x1] =	stream.indirect.gather [hbm4b:s4+s19], $0x80, s18, s19, $0xb8;
	[tilespmem:$0x1F400] =	vst v63  }
0xcd: {  	_ =	swait.ge [sflag:s22], $0x800  }
0xce: {  	[sflag:s22] =	ssyncset.done $0x0  }
0xcf: {  	[sflag:s22] =	ssyncadd.s32 $0xFFFFF800  }
0xd0: {  	_ =	swait.ge [sflag:s22], $0x800  }
0xd1: {  	s16 =	sld [smem:$0x7B6]  }
0xd2: {  	[sflag:s22] =	ssyncset.done $0x0  }
0xd3: {  	[sflag:s22] =	ssyncadd.s32 $0xFFFFF800  }
0xd4: {  	[hbm4b:s16+s1] =	stream.linear.scatter [tilespmem:s20], [sflag:$0x4], $0x800, $0x38;
	[tilespmem:$0x1F400] =	vst v63  }
0xd5: {  	_ =	swait.ge [sflag:s17], $0x800  }
0xd6: {  	s31 =	sld [smem:$0x7B7]  }
0xd7: {  	[sflag:s17] =	ssyncset.done $0x0  }
0xd8: {  	[sflag:s17] =	ssyncadd.s32 $0xFFFFF800  }
0xd9: {  	[hbm4b:s31+s1] =	stream.linear.scatter [tilespmem:s21], [sflag:$0x4], $0x800, $0x38;
	[tilespmem:$0x1F400] =	vst v63  }
0xda: {  	_ =	swait.ge [sflag:s17], $0x800  }
0xdb: {  	[sflag:s17] =	ssyncset.done $0x0  }
0xdc: {  	s2 =	rddreg [dreg:$0x9];
	[sflag:s17] =	ssyncadd.s32 $0xFFFFF800  }
0xdd: {  	[tilespmem:s1], [sflag:$0x4] =	stream.linear.gather [hbm4b:s2+s1], $0x10, $0x38;
	[tilespmem:$0x1F400] =	vst v63  }
0xde: {  	_ =	swait.ge [sflag:s17], $0x10  }
0xdf: {  	[sflag:s17] =	ssyncset.done $0x0  }
0xe0: {  	s3 =	rddreg [dreg:$0xa];
	[sflag:s17] =	ssyncadd.s32 $0xFFFFFFF0  }
0xe1: {  	[tilespmem:s18], [sflag:$0x4] =	stream.linear.gather [hbm4b:s3+s1], $0x10, $0x38;
	[tilespmem:$0x1F400] =	vst v63  }
0xe2: {  	_ =	swait.ge [sflag:s17], $0x10  }
0xe3: {  	[sflag:s17] =	ssyncset.done $0x0  }
0xe4: {  	[sflag:s17] =	ssyncadd.s32 $0xFFFFFFF0  }
0xe5: {  	[tilespmem:s20], [sflag:$0x1] =	stream.indirect.gather [hbm4b:s4+s19], $0x80, s1, s19, $0xb8;
	[tilespmem:$0x1F400] =	vst v63  }
0xe6: {  	_ = 	snop  }
0xe7: {  	[tilespmem:s21], [sflag:$0x1] =	stream.indirect.gather [hbm4b:s4+s19], $0x80, s18, s19, $0xb8;
	[tilespmem:$0x1F400] =	vst v63  }
0xe8: {  	_ =	swait.ge [sflag:s22], $0x800  }
0xe9: {  	[sflag:s22] =	ssyncset.done $0x0  }
0xea: {  	[sflag:s22] =	ssyncadd.s32 $0xFFFFF800  }
0xeb: {  	_ =	swait.ge [sflag:s22], $0x800  }
0xec: {  	s5 =	sld [smem:$0x7B8]  }
0xed: {  	[sflag:s22] =	ssyncset.done $0x0  }
0xee: {  	[sflag:s22] =	ssyncadd.s32 $0xFFFFF800  }
0xef: {  	[hbm4b:s5+s1] =	stream.linear.scatter [tilespmem:s20], [sflag:$0x4], $0x800, $0x38;
	[tilespmem:$0x1F400] =	vst v63  }
0xf0: {  	_ =	swait.ge [sflag:s17], $0x800  }
0xf1: {  	s6 =	sld [smem:$0x7B9]  }
0xf2: {  	[sflag:s17] =	ssyncset.done $0x0  }
0xf3: {  	[sflag:s17] =	ssyncadd.s32 $0xFFFFF800  }
0xf4: {  	[hbm4b:s6+s1] =	stream.linear.scatter [tilespmem:s21], [sflag:$0x4], $0x800, $0x38;
	[tilespmem:$0x1F400] =	vst v63  }
0xf5: {  	_ =	swait.ge [sflag:s17], $0x800  }
0xf6: {  	[sflag:s17] =	ssyncset.done $0x0  }
0xf7: {  	s7 =	rddreg [dreg:$0xb];
	[sflag:s17] =	ssyncadd.s32 $0xFFFFF800  }
0xf8: {  	[tilespmem:s1], [sflag:$0x4] =	stream.linear.gather [hbm4b:s7+s1], $0x10, $0x38;
	[tilespmem:$0x1F400] =	vst v63  }
0xf9: {  	_ =	swait.ge [sflag:s17], $0x10  }
0xfa: {  	[sflag:s17] =	ssyncset.done $0x0  }
0xfb: {  	s9 =	rddreg [dreg:$0xc];
	[sflag:s17] =	ssyncadd.s32 $0xFFFFFFF0  }
0xfc: {  	[tilespmem:s18], [sflag:$0x4] =	stream.linear.gather [hbm4b:s9+s1], $0x10, $0x38;
	[tilespmem:$0x1F400] =	vst v63  }
0xfd: {  	_ =	swait.ge [sflag:s17], $0x10  }
0xfe: {  	[sflag:s17] =	ssyncset.done $0x0  }
0xff: {  	[sflag:s17] =	ssyncadd.s32 $0xFFFFFFF0  }
0x100: {  	[tilespmem:s20], [sflag:$0x1] =	stream.indirect.gather [hbm4b:s4+s19], $0x80, s1, s19, $0xb8;
	[tilespmem:$0x1F400] =	vst v63  }
0x101: {  	_ = 	snop  }
0x102: {  	[tilespmem:s21], [sflag:$0x1] =	stream.indirect.gather [hbm4b:s4+s19], $0x80, s18, s19, $0xb8;
	[tilespmem:$0x1F400] =	vst v63  }
0x103: {  	_ =	swait.ge [sflag:s22], $0x800  }
0x104: {  	[sflag:s22] =	ssyncset.done $0x0  }
0x105: {  	[sflag:s22] =	ssyncadd.s32 $0xFFFFF800  }
0x106: {  	_ =	swait.ge [sflag:s22], $0x800  }
0x107: {  	s10 =	sld [smem:$0x7BA]  }
0x108: {  	[sflag:s22] =	ssyncset.done $0x0  }
0x109: {  	[sflag:s22] =	ssyncadd.s32 $0xFFFFF800  }
0x10a: {  	[hbm4b:s10+s1] =	stream.linear.scatter [tilespmem:s20], [sflag:$0x4], $0x800, $0x38;
	[tilespmem:$0x1F400] =	vst v63  }
0x10b: {  	_ =	swait.ge [sflag:s17], $0x800  }
0x10c: {  	s11 =	sld [smem:$0x7BB]  }
0x10d: {  	[sflag:s17] =	ssyncset.done $0x0  }
0x10e: {  	[sflag:s17] =	ssyncadd.s32 $0xFFFFF800  }
0x10f: {  	[hbm4b:s11+s1] =	stream.linear.scatter [tilespmem:s21], [sflag:$0x4], $0x800, $0x38;
	[tilespmem:$0x1F400] =	vst v63  }
0x110: {  	_ =	swait.ge [sflag:s17], $0x800  }
0x111: {  	[sflag:s17] =	ssyncset.done $0x0  }
0x112: {  	s16 =	rddreg [dreg:$0xd];
	[sflag:s17] =	ssyncadd.s32 $0xFFFFF800  }
0x113: {  	[tilespmem:s1], [sflag:$0x4] =	stream.linear.gather [hbm4b:s16+s1], $0x10, $0x38;
	[tilespmem:$0x1F400] =	vst v63  }
0x114: {  	_ =	swait.ge [sflag:s17], $0x10  }
0x115: {  	[sflag:s17] =	ssyncset.done $0x0  }
0x116: {  	s31 =	rddreg [dreg:$0xe];
	[sflag:s17] =	ssyncadd.s32 $0xFFFFFFF0  }
0x117: {  	[tilespmem:s18], [sflag:$0x4] =	stream.linear.gather [hbm4b:s31+s1], $0x10, $0x38;
	[tilespmem:$0x1F400] =	vst v63  }
0x118: {  	_ =	swait.ge [sflag:s17], $0x10  }
0x119: {  	[sflag:s17] =	ssyncset.done $0x0  }
0x11a: {  	[sflag:s17] =	ssyncadd.s32 $0xFFFFFFF0  }
0x11b: {  	[tilespmem:s20], [sflag:$0x1] =	stream.indirect.gather [hbm4b:s4+s19], $0x80, s1, s19, $0xb8;
	[tilespmem:$0x1F400] =	vst v63  }
0x11c: {  	_ = 	snop  }
0x11d: {  	[tilespmem:s21], [sflag:$0x1] =	stream.indirect.gather [hbm4b:s4+s19], $0x80, s18, s19, $0xb8;
	[tilespmem:$0x1F400] =	vst v63  }
0x11e: {  	_ =	swait.ge [sflag:s22], $0x800  }
0x11f: {  	[sflag:s22] =	ssyncset.done $0x0  }
0x120: {  	[sflag:s22] =	ssyncadd.s32 $0xFFFFF800  }
0x121: {  	_ =	swait.ge [sflag:s22], $0x800  }
0x122: {  	s2 =	sld [smem:$0x7BC]  }
0x123: {  	[sflag:s22] =	ssyncset.done $0x0  }
0x124: {  	[sflag:s22] =	ssyncadd.s32 $0xFFFFF800  }
0x125: {  	[hbm4b:s2+s1] =	stream.linear.scatter [tilespmem:s20], [sflag:$0x4], $0x800, $0x38;
	[tilespmem:$0x1F400] =	vst v63  }
0x126: {  	_ =	swait.ge [sflag:s17], $0x800  }
0x127: {  	s3 =	sld [smem:$0x7BD]  }
0x128: {  	[sflag:s17] =	ssyncset.done $0x0  }
0x129: {  	[sflag:s17] =	ssyncadd.s32 $0xFFFFF800  }
0x12a: {  	[hbm4b:s3+s1] =	stream.linear.scatter [tilespmem:s21], [sflag:$0x4], $0x800, $0x38;
	[tilespmem:$0x1F400] =	vst v63  }
0x12b: {  	_ =	swait.ge [sflag:s17], $0x800  }
0x12c: {  	[sflag:s17] =	ssyncset.done $0x0  }
0x12d: {  	s5 =	rddreg [dreg:$0xf];
	[sflag:s17] =	ssyncadd.s32 $0xFFFFF800  }
0x12e: {  	[tilespmem:s1], [sflag:$0x4] =	stream.linear.gather [hbm4b:s5+s1], $0x10, $0x38;
	[tilespmem:$0x1F400] =	vst v63  }
0x12f: {  	_ =	swait.ge [sflag:s17], $0x10  }
0x130: {  	[sflag:s17] =	ssyncset.done $0x0  }
0x131: {  	s6 =	rddreg [dreg:$0x10];
	[sflag:s17] =	ssyncadd.s32 $0xFFFFFFF0  }
0x132: {  	[tilespmem:s18], [sflag:$0x4] =	stream.linear.gather [hbm4b:s6+s1], $0x10, $0x38;
	[tilespmem:$0x1F400] =	vst v63  }
0x133: {  	_ =	swait.ge [sflag:s17], $0x10  }
0x134: {  	[sflag:s17] =	ssyncset.done $0x0  }
0x135: {  	[sflag:s17] =	ssyncadd.s32 $0xFFFFFFF0  }
0x136: {  	[tilespmem:s20], [sflag:$0x1] =	stream.indirect.gather [hbm4b:s4+s19], $0x80, s1, s19, $0xb8;
	[tilespmem:$0x1F400] =	vst v63  }
0x137: {  	_ = 	snop  }
0x138: {  	[tilespmem:s21], [sflag:$0x1] =	stream.indirect.gather [hbm4b:s4+s19], $0x80, s18, s19, $0xb8;
	[tilespmem:$0x1F400] =	vst v63  }
0x139: {  	_ =	swait.ge [sflag:s22], $0x800  }
0x13a: {  	[sflag:s22] =	ssyncset.done $0x0  }
0x13b: {  	[sflag:s22] =	ssyncadd.s32 $0xFFFFF800  }
0x13c: {  	_ =	swait.ge [sflag:s22], $0x800  }
0x13d: {  	s7 =	sld [smem:$0x7BE]  }
0x13e: {  	[sflag:s22] =	ssyncset.done $0x0  }
0x13f: {  	[sflag:s22] =	ssyncadd.s32 $0xFFFFF800  }
0x140: {  	[hbm4b:s7+s1] =	stream.linear.scatter [tilespmem:s20], [sflag:$0x4], $0x800, $0x38;
	[tilespmem:$0x1F400] =	vst v63  }
0x141: {  	_ =	swait.ge [sflag:s17], $0x800  }
0x142: {  	s9 =	sld [smem:$0x7BF]  }
0x143: {  	[sflag:s17] =	ssyncset.done $0x0  }
0x144: {  	[sflag:s17] =	ssyncadd.s32 $0xFFFFF800  }
0x145: {  	[hbm4b:s9+s1] =	stream.linear.scatter [tilespmem:s21], [sflag:$0x4], $0x800, $0x38;
	[tilespmem:$0x1F400] =	vst v63  }
0x146: {  	_ =	swait.ge [sflag:s17], $0x800  }
0x147: {  	[sflag:s17] =	ssyncset.done $0x0  }
0x148: {  	s10 =	rddreg [dreg:$0x11];
	[sflag:s17] =	ssyncadd.s32 $0xFFFFF800  }
0x149: {  	[tilespmem:s1], [sflag:$0x4] =	stream.linear.gather [hbm4b:s10+s1], $0x10, $0x38;
	[tilespmem:$0x1F400] =	vst v63  }
0x14a: {  	_ =	swait.ge [sflag:s17], $0x10  }
0x14b: {  	[sflag:s17] =	ssyncset.done $0x0  }
0x14c: {  	s11 =	rddreg [dreg:$0x12];
	[sflag:s17] =	ssyncadd.s32 $0xFFFFFFF0  }
0x14d: {  	[tilespmem:s18], [sflag:$0x4] =	stream.linear.gather [hbm4b:s11+s1], $0x10, $0x38;
	[tilespmem:$0x1F400] =	vst v63  }
0x14e: {  	_ =	swait.ge [sflag:s17], $0x10  }
0x14f: {  	[sflag:s17] =	ssyncset.done $0x0  }
0x150: {  	[sflag:s17] =	ssyncadd.s32 $0xFFFFFFF0  }
0x151: {  	[tilespmem:s20], [sflag:$0x1] =	stream.indirect.gather [hbm4b:s4+s19], $0x80, s1, s19, $0xb8;
	[tilespmem:$0x1F400] =	vst v63  }
0x152: {  	_ = 	snop  }
0x153: {  	[tilespmem:s21], [sflag:$0x1] =	stream.indirect.gather [hbm4b:s4+s19], $0x80, s18, s19, $0xb8;
	[tilespmem:$0x1F400] =	vst v63  }
0x154: {  	_ =	swait.ge [sflag:s22], $0x800  }
0x155: {  	[sflag:s22] =	ssyncset.done $0x0  }
0x156: {  	[sflag:s22] =	ssyncadd.s32 $0xFFFFF800  }
0x157: {  	_ =	swait.ge [sflag:s22], $0x800  }
0x158: {  	s16 =	sld [smem:$0x7C0]  }
0x159: {  	[sflag:s22] =	ssyncset.done $0x0  }
0x15a: {  	[sflag:s22] =	ssyncadd.s32 $0xFFFFF800  }
0x15b: {  	[hbm4b:s16+s1] =	stream.linear.scatter [tilespmem:s20], [sflag:$0x4], $0x800, $0x38;
	[tilespmem:$0x1F400] =	vst v63  }
0x15c: {  	_ =	swait.ge [sflag:s17], $0x800  }
0x15d: {  	s31 =	sld [smem:$0x7C1]  }
0x15e: {  	[sflag:s17] =	ssyncset.done $0x0  }
0x15f: {  	[sflag:s17] =	ssyncadd.s32 $0xFFFFF800  }
0x160: {  	[hbm4b:s31+s1] =	stream.linear.scatter [tilespmem:s21], [sflag:$0x4], $0x800, $0x38;
	[tilespmem:$0x1F400] =	vst v63  }
0x161: {  	_ =	swait.ge [sflag:s17], $0x800  }
0x162: {  	[sflag:s17] =	ssyncset.done $0x0  }
0x163: {  	s2 =	rddreg [dreg:$0x13];
	[sflag:s17] =	ssyncadd.s32 $0xFFFFF800  }
0x164: {  	[tilespmem:s1], [sflag:$0x4] =	stream.linear.gather [hbm4b:s2+s1], $0x10, $0x38;
	[tilespmem:$0x1F400] =	vst v63  }
0x165: {  	_ =	swait.ge [sflag:s17], $0x10  }
0x166: {  	[sflag:s17] =	ssyncset.done $0x0  }
0x167: {  	s3 =	rddreg [dreg:$0x14];
	[sflag:s17] =	ssyncadd.s32 $0xFFFFFFF0  }
0x168: {  	[tilespmem:s18], [sflag:$0x4] =	stream.linear.gather [hbm4b:s3+s1], $0x10, $0x38;
	[tilespmem:$0x1F400] =	vst v63  }
0x169: {  	_ =	swait.ge [sflag:s17], $0x10  }
0x16a: {  	[sflag:s17] =	ssyncset.done $0x0  }
0x16b: {  	[sflag:s17] =	ssyncadd.s32 $0xFFFFFFF0  }
0x16c: {  	[tilespmem:s20], [sflag:$0x1] =	stream.indirect.gather [hbm4b:s4+s19], $0x80, s1, s19, $0xb8;
	[tilespmem:$0x1F400] =	vst v63  }
0x16d: {  	_ = 	snop  }
0x16e: {  	[tilespmem:s21], [sflag:$0x1] =	stream.indirect.gather [hbm4b:s4+s19], $0x80, s18, s19, $0xb8;
	[tilespmem:$0x1F400] =	vst v63  }
0x16f: {  	_ =	swait.ge [sflag:s22], $0x800  }
0x170: {  	[sflag:s22] =	ssyncset.done $0x0  }
0x171: {  	[sflag:s22] =	ssyncadd.s32 $0xFFFFF800  }
0x172: {  	_ =	swait.ge [sflag:s22], $0x800  }
0x173: {  	s5 =	sld [smem:$0x7C2]  }
0x174: {  	[sflag:s22] =	ssyncset.done $0x0  }
0x175: {  	[sflag:s22] =	ssyncadd.s32 $0xFFFFF800  }
0x176: {  	[hbm4b:s5+s1] =	stream.linear.scatter [tilespmem:s20], [sflag:$0x4], $0x800, $0x38;
	[tilespmem:$0x1F400] =	vst v63  }
0x177: {  	_ =	swait.ge [sflag:s17], $0x800  }
0x178: {  	s6 =	sld [smem:$0x7C3]  }
0x179: {  	[sflag:s17] =	ssyncset.done $0x0  }
0x17a: {  	[sflag:s17] =	ssyncadd.s32 $0xFFFFF800  }
0x17b: {  	[hbm4b:s6+s1] =	stream.linear.scatter [tilespmem:s21], [sflag:$0x4], $0x800, $0x38;
	[tilespmem:$0x1F400] =	vst v63  }
0x17c: {  	_ =	swait.ge [sflag:s17], $0x800  }
0x17d: {  	[sflag:s17] =	ssyncset.done $0x0  }
0x17e: {  	s7 =	rddreg [dreg:$0x15];
	[sflag:s17] =	ssyncadd.s32 $0xFFFFF800  }
0x17f: {  	[tilespmem:s1], [sflag:$0x4] =	stream.linear.gather [hbm4b:s7+s1], $0x10, $0x38;
	[tilespmem:$0x1F400] =	vst v63  }
0x180: {  	_ =	swait.ge [sflag:s17], $0x10  }
0x181: {  	[sflag:s17] =	ssyncset.done $0x0  }
0x182: {  	s9 =	rddreg [dreg:$0x16];
	[sflag:s17] =	ssyncadd.s32 $0xFFFFFFF0  }
0x183: {  	[tilespmem:s18], [sflag:$0x4] =	stream.linear.gather [hbm4b:s9+s1], $0x10, $0x38;
	[tilespmem:$0x1F400] =	vst v63  }
0x184: {  	_ =	swait.ge [sflag:s17], $0x10  }
0x185: {  	[sflag:s17] =	ssyncset.done $0x0  }
0x186: {  	[sflag:s17] =	ssyncadd.s32 $0xFFFFFFF0  }
0x187: {  	[tilespmem:s20], [sflag:$0x1] =	stream.indirect.gather [hbm4b:s4+s19], $0x80, s1, s19, $0xb8;
	[tilespmem:$0x1F400] =	vst v63  }
0x188: {  	_ = 	snop  }
0x189: {  	[tilespmem:s21], [sflag:$0x1] =	stream.indirect.gather [hbm4b:s4+s19], $0x80, s18, s19, $0xb8;
	[tilespmem:$0x1F400] =	vst v63  }
0x18a: {  	_ =	swait.ge [sflag:s22], $0x800  }
0x18b: {  	[sflag:s22] =	ssyncset.done $0x0  }
0x18c: {  	[sflag:s22] =	ssyncadd.s32 $0xFFFFF800  }
0x18d: {  	_ =	swait.ge [sflag:s22], $0x800  }
0x18e: {  	s10 =	sld [smem:$0x7C4]  }
0x18f: {  	[sflag:s22] =	ssyncset.done $0x0  }
0x190: {  	[sflag:s22] =	ssyncadd.s32 $0xFFFFF800  }
0x191: {  	[hbm4b:s10+s1] =	stream.linear.scatter [tilespmem:s20], [sflag:$0x4], $0x800, $0x38;
	[tilespmem:$0x1F400] =	vst v63  }
0x192: {  	_ =	swait.ge [sflag:s17], $0x800  }
0x193: {  	s11 =	sld [smem:$0x7C5]  }
0x194: {  	[sflag:s17] =	ssyncset.done $0x0  }
0x195: {  	[sflag:s17] =	ssyncadd.s32 $0xFFFFF800  }
0x196: {  	[hbm4b:s11+s1] =	stream.linear.scatter [tilespmem:s21], [sflag:$0x4], $0x800, $0x38;
	[tilespmem:$0x1F400] =	vst v63  }
0x197: {  	_ =	swait.ge [sflag:s17], $0x800  }
0x198: {  	[sflag:s17] =	ssyncset.done $0x0  }
0x199: {  	s16 =	rddreg [dreg:$0x17];
	[sflag:s17] =	ssyncadd.s32 $0xFFFFF800  }
0x19a: {  	[tilespmem:s1], [sflag:$0x4] =	stream.linear.gather [hbm4b:s16+s1], $0x10, $0x38;
	[tilespmem:$0x1F400] =	vst v63  }
0x19b: {  	_ =	swait.ge [sflag:s17], $0x10  }
0x19c: {  	[sflag:s17] =	ssyncset.done $0x0  }
0x19d: {  	s31 =	rddreg [dreg:$0x18];
	[sflag:s17] =	ssyncadd.s32 $0xFFFFFFF0  }
0x19e: {  	[tilespmem:s18], [sflag:$0x4] =	stream.linear.gather [hbm4b:s31+s1], $0x10, $0x38;
	[tilespmem:$0x1F400] =	vst v63  }
0x19f: {  	_ =	swait.ge [sflag:s17], $0x10  }
0x1a0: {  	[sflag:s17] =	ssyncset.done $0x0  }
0x1a1: {  	[sflag:s17] =	ssyncadd.s32 $0xFFFFFFF0  }
0x1a2: {  	[tilespmem:s20], [sflag:$0x1] =	stream.indirect.gather [hbm4b:s4+s19], $0x80, s1, s19, $0xb8;
	[tilespmem:$0x1F400] =	vst v63  }
0x1a3: {  	_ = 	snop  }
0x1a4: {  	[tilespmem:s21], [sflag:$0x1] =	stream.indirect.gather [hbm4b:s4+s19], $0x80, s18, s19, $0xb8;
	[tilespmem:$0x1F400] =	vst v63  }
0x1a5: {  	_ =	swait.ge [sflag:s22], $0x800  }
0x1a6: {  	[sflag:s22] =	ssyncset.done $0x0  }
0x1a7: {  	[sflag:s22] =	ssyncadd.s32 $0xFFFFF800  }
0x1a8: {  	_ =	swait.ge [sflag:s22], $0x800  }
0x1a9: {  	s2 =	sld [smem:$0x7C6]  }
0x1aa: {  	[sflag:s22] =	ssyncset.done $0x0  }
0x1ab: {  	[sflag:s22] =	ssyncadd.s32 $0xFFFFF800  }
0x1ac: {  	[hbm4b:s2+s1] =	stream.linear.scatter [tilespmem:s20], [sflag:$0x4], $0x800, $0x38;
	[tilespmem:$0x1F400] =	vst v63  }
0x1ad: {  	_ =	swait.ge [sflag:s17], $0x800  }
0x1ae: {  	s3 =	sld [smem:$0x7C7]  }
0x1af: {  	[sflag:s17] =	ssyncset.done $0x0  }
0x1b0: {  	[sflag:s17] =	ssyncadd.s32 $0xFFFFF800  }
0x1b1: {  	[hbm4b:s3+s1] =	stream.linear.scatter [tilespmem:s21], [sflag:$0x4], $0x800, $0x38;
	[tilespmem:$0x1F400] =	vst v63  }
0x1b2: {  	_ =	swait.ge [sflag:s17], $0x800  }
0x1b3: {  	[sflag:s17] =	ssyncset.done $0x0  }
0x1b4: {  	s5 =	rddreg [dreg:$0x19];
	[sflag:s17] =	ssyncadd.s32 $0xFFFFF800  }
0x1b5: {  	[tilespmem:s1], [sflag:$0x4] =	stream.linear.gather [hbm4b:s5+s1], $0x10, $0x38;
	[tilespmem:$0x1F400] =	vst v63  }
0x1b6: {  	_ =	swait.ge [sflag:s17], $0x10  }
0x1b7: {  	[sflag:s17] =	ssyncset.done $0x0  }
0x1b8: {  	s6 =	rddreg [dreg:$0x1a];
	[sflag:s17] =	ssyncadd.s32 $0xFFFFFFF0  }
0x1b9: {  	[tilespmem:s18], [sflag:$0x4] =	stream.linear.gather [hbm4b:s6+s1], $0x10, $0x38;
	[tilespmem:$0x1F400] =	vst v63  }
0x1ba: {  	_ =	swait.ge [sflag:s17], $0x10  }
0x1bb: {  	[sflag:s17] =	ssyncset.done $0x0  }
0x1bc: {  	[sflag:s17] =	ssyncadd.s32 $0xFFFFFFF0  }
0x1bd: {  	[tilespmem:s20], [sflag:$0x1] =	stream.indirect.gather [hbm4b:s4+s19], $0x80, s1, s19, $0xb8;
	[tilespmem:$0x1F400] =	vst v63  }
0x1be: {  	_ = 	snop  }
0x1bf: {  	[tilespmem:s21], [sflag:$0x1] =	stream.indirect.gather [hbm4b:s4+s19], $0x80, s18, s19, $0xb8;
	[tilespmem:$0x1F400] =	vst v63  }
0x1c0: {  	_ =	swait.ge [sflag:s22], $0x800  }
0x1c1: {  	[sflag:s22] =	ssyncset.done $0x0  }
0x1c2: {  	[sflag:s22] =	ssyncadd.s32 $0xFFFFF800  }
0x1c3: {  	_ =	swait.ge [sflag:s22], $0x800  }
0x1c4: {  	s7 =	sld [smem:$0x7C8]  }
0x1c5: {  	[sflag:s22] =	ssyncset.done $0x0  }
0x1c6: {  	[sflag:s22] =	ssyncadd.s32 $0xFFFFF800  }
0x1c7: {  	[hbm4b:s7+s1] =	stream.linear.scatter [tilespmem:s20], [sflag:$0x4], $0x800, $0x38;
	[tilespmem:$0x1F400] =	vst v63  }
0x1c8: {  	_ =	swait.ge [sflag:s17], $0x800  }
0x1c9: {  	s9 =	sld [smem:$0x7C9]  }
0x1ca: {  	[sflag:s17] =	ssyncset.done $0x0  }
0x1cb: {  	[sflag:s17] =	ssyncadd.s32 $0xFFFFF800  }
0x1cc: {  	[hbm4b:s9+s1] =	stream.linear.scatter [tilespmem:s21], [sflag:$0x4], $0x800, $0x38;
	[tilespmem:$0x1F400] =	vst v63  }
0x1cd: {  	_ =	swait.ge [sflag:s17], $0x800  }
0x1ce: {  	[sflag:s17] =	ssyncset.done $0x0  }
0x1cf: {  	s10 =	rddreg [dreg:$0x1b];
	[sflag:s17] =	ssyncadd.s32 $0xFFFFF800  }
0x1d0: {  	[tilespmem:s1], [sflag:$0x4] =	stream.linear.gather [hbm4b:s10+s1], $0x10, $0x38;
	[tilespmem:$0x1F400] =	vst v63  }
0x1d1: {  	_ =	swait.ge [sflag:s17], $0x10  }
0x1d2: {  	[sflag:s17] =	ssyncset.done $0x0  }
0x1d3: {  	s11 =	rddreg [dreg:$0x1c];
	[sflag:s17] =	ssyncadd.s32 $0xFFFFFFF0  }
0x1d4: {  	[tilespmem:s18], [sflag:$0x4] =	stream.linear.gather [hbm4b:s11+s1], $0x10, $0x38;
	[tilespmem:$0x1F400] =	vst v63  }
0x1d5: {  	_ =	swait.ge [sflag:s17], $0x10  }
0x1d6: {  	[sflag:s17] =	ssyncset.done $0x0  }
0x1d7: {  	[sflag:s17] =	ssyncadd.s32 $0xFFFFFFF0  }
0x1d8: {  	[tilespmem:s20], [sflag:$0x1] =	stream.indirect.gather [hbm4b:s4+s19], $0x80, s1, s19, $0xb8;
	[tilespmem:$0x1F400] =	vst v63  }
0x1d9: {  	_ = 	snop  }
0x1da: {  	[tilespmem:s21], [sflag:$0x1] =	stream.indirect.gather [hbm4b:s4+s19], $0x80, s18, s19, $0xb8;
	[tilespmem:$0x1F400] =	vst v63  }
0x1db: {  	_ =	swait.ge [sflag:s22], $0x800  }
0x1dc: {  	[sflag:s22] =	ssyncset.done $0x0  }
0x1dd: {  	[sflag:s22] =	ssyncadd.s32 $0xFFFFF800  }
0x1de: {  	_ =	swait.ge [sflag:s22], $0x800  }
0x1df: {  	s16 =	sld [smem:$0x7CA]  }
0x1e0: {  	[sflag:s22] =	ssyncset.done $0x0  }
0x1e1: {  	[sflag:s22] =	ssyncadd.s32 $0xFFFFF800  }
0x1e2: {  	[hbm4b:s16+s1] =	stream.linear.scatter [tilespmem:s20], [sflag:$0x4], $0x800, $0x38;
	[tilespmem:$0x1F400] =	vst v63  }
0x1e3: {  	_ =	swait.ge [sflag:s17], $0x800  }
0x1e4: {  	s31 =	sld [smem:$0x7CB]  }
0x1e5: {  	[sflag:s17] =	ssyncset.done $0x0  }
0x1e6: {  	[sflag:s17] =	ssyncadd.s32 $0xFFFFF800  }
0x1e7: {  	[hbm4b:s31+s1] =	stream.linear.scatter [tilespmem:s21], [sflag:$0x4], $0x800, $0x38;
	[tilespmem:$0x1F400] =	vst v63  }
0x1e8: {  	_ =	swait.ge [sflag:s17], $0x800  }
0x1e9: {  	[sflag:s17] =	ssyncset.done $0x0  }
0x1ea: {  	s2 =	rddreg [dreg:$0x1d];
	[sflag:s17] =	ssyncadd.s32 $0xFFFFF800  }
0x1eb: {  	[tilespmem:s1], [sflag:$0x4] =	stream.linear.gather [hbm4b:s2+s1], $0x10, $0x38;
	[tilespmem:$0x1F400] =	vst v63  }
0x1ec: {  	_ =	swait.ge [sflag:s17], $0x10  }
0x1ed: {  	[sflag:s17] =	ssyncset.done $0x0  }
0x1ee: {  	s3 =	rddreg [dreg:$0x1e];
	[sflag:s17] =	ssyncadd.s32 $0xFFFFFFF0  }
0x1ef: {  	[tilespmem:s18], [sflag:$0x4] =	stream.linear.gather [hbm4b:s3+s1], $0x10, $0x38;
	[tilespmem:$0x1F400] =	vst v63  }
0x1f0: {  	_ =	swait.ge [sflag:s17], $0x10  }
0x1f1: {  	[sflag:s17] =	ssyncset.done $0x0  }
0x1f2: {  	[sflag:s17] =	ssyncadd.s32 $0xFFFFFFF0  }
0x1f3: {  	[tilespmem:s20], [sflag:$0x1] =	stream.indirect.gather [hbm4b:s4+s19], $0x80, s1, s19, $0xb8;
	[tilespmem:$0x1F400] =	vst v63  }
0x1f4: {  	_ = 	snop  }
0x1f5: {  	[tilespmem:s21], [sflag:$0x1] =	stream.indirect.gather [hbm4b:s4+s19], $0x80, s18, s19, $0xb8;
	[tilespmem:$0x1F400] =	vst v63  }
0x1f6: {  	_ =	swait.ge [sflag:s22], $0x800  }
0x1f7: {  	[sflag:s22] =	ssyncset.done $0x0  }
0x1f8: {  	[sflag:s22] =	ssyncadd.s32 $0xFFFFF800  }
0x1f9: {  	_ =	swait.ge [sflag:s22], $0x800  }
0x1fa: {  	s5 =	sld [smem:$0x7CC]  }
0x1fb: {  	[sflag:s22] =	ssyncset.done $0x0  }
0x1fc: {  	[sflag:s22] =	ssyncadd.s32 $0xFFFFF800  }
0x1fd: {  	[hbm4b:s5+s1] =	stream.linear.scatter [tilespmem:s20], [sflag:$0x4], $0x800, $0x38;
	[tilespmem:$0x1F400] =	vst v63  }
0x1fe: {  	_ =	swait.ge [sflag:s17], $0x800  }
0x1ff: {  	s6 =	sld [smem:$0x7CD]  }
0x200: {  	[sflag:s17] =	ssyncset.done $0x0  }
0x201: {  	[sflag:s17] =	ssyncadd.s32 $0xFFFFF800  }
0x202: {  	[hbm4b:s6+s1] =	stream.linear.scatter [tilespmem:s21], [sflag:$0x4], $0x800, $0x38;
	[tilespmem:$0x1F400] =	vst v63  }
0x203: {  	_ =	swait.ge [sflag:s17], $0x800  }
0x204: {  	[sflag:s17] =	ssyncset.done $0x0  }
0x205: {  	s7 =	rddreg [dreg:$0x1f];
	[sflag:s17] =	ssyncadd.s32 $0xFFFFF800  }
0x206: {  	[tilespmem:s1], [sflag:$0x4] =	stream.linear.gather [hbm4b:s7+s1], $0x10, $0x38;
	[tilespmem:$0x1F400] =	vst v63  }
0x207: {  	_ =	swait.ge [sflag:s17], $0x10  }
0x208: {  	s9 =	sld [smem:$0x78E]  }
0x209: {  	[sflag:s17] =	ssyncset.done $0x0  }
0x20a: {  	[sflag:s17] =	ssyncadd.s32 $0xFFFFFFF0  }
0x20b: {  	[tilespmem:s18], [sflag:$0x4] =	stream.linear.gather [hbm4b:s9+s1], $0x10, $0x38;
	[tilespmem:$0x1F400] =	vst v63  }
0x20c: {  	_ =	swait.ge [sflag:s17], $0x10  }
0x20d: {  	[sflag:s17] =	ssyncset.done $0x0  }
0x20e: {  	[sflag:s17] =	ssyncadd.s32 $0xFFFFFFF0  }
0x20f: {  	[tilespmem:s20], [sflag:$0x1] =	stream.indirect.gather [hbm4b:s4+s19], $0x80, s1, s19, $0xb8;
	[tilespmem:$0x1F400] =	vst v63  }
0x210: {  	_ = 	snop  }
0x211: {  	[tilespmem:s21], [sflag:$0x1] =	stream.indirect.gather [hbm4b:s4+s19], $0x80, s18, s19, $0xb8;
	[tilespmem:$0x1F400] =	vst v63  }
0x212: {  	_ =	swait.ge [sflag:s22], $0x800  }
0x213: {  	[sflag:s22] =	ssyncset.done $0x0  }
0x214: {  	[sflag:s22] =	ssyncadd.s32 $0xFFFFF800  }
0x215: {  	_ =	swait.ge [sflag:s22], $0x800  }
0x216: {  	s10 =	sld [smem:$0x7CE]  }
0x217: {  	[sflag:s22] =	ssyncset.done $0x0  }
0x218: {  	[sflag:s22] =	ssyncadd.s32 $0xFFFFF800  }
0x219: {  	[hbm4b:s10+s1] =	stream.linear.scatter [tilespmem:s20], [sflag:$0x4], $0x800, $0x38;
	[tilespmem:$0x1F400] =	vst v63  }
0x21a: {  	_ =	swait.ge [sflag:s17], $0x800  }
0x21b: {  	s11 =	sld [smem:$0x7CF]  }
0x21c: {  	[sflag:s17] =	ssyncset.done $0x0  }
0x21d: {  	[sflag:s17] =	ssyncadd.s32 $0xFFFFF800  }
0x21e: {  	[hbm4b:s11+s1] =	stream.linear.scatter [tilespmem:s21], [sflag:$0x4], $0x800, $0x38;
	[tilespmem:$0x1F400] =	vst v63  }
0x21f: {  	_ =	swait.ge [sflag:s17], $0x800  }
0x220: {  	s16 =	sld [smem:$0x78F]  }
0x221: {  	[sflag:s17] =	ssyncset.done $0x0  }
0x222: {  	[sflag:s17] =	ssyncadd.s32 $0xFFFFF800  }
0x223: {  	[tilespmem:s1], [sflag:$0x4] =	stream.linear.gather [hbm4b:s16+s1], $0x10, $0x38;
	[tilespmem:$0x1F400] =	vst v63  }
0x224: {  	_ =	swait.ge [sflag:s17], $0x10  }
0x225: {  	s31 =	sld [smem:$0x790]  }
0x226: {  	[sflag:s17] =	ssyncset.done $0x0  }
0x227: {  	[sflag:s17] =	ssyncadd.s32 $0xFFFFFFF0  }
0x228: {  	[tilespmem:s18], [sflag:$0x4] =	stream.linear.gather [hbm4b:s31+s1], $0x10, $0x38;
	[tilespmem:$0x1F400] =	vst v63  }
0x229: {  	_ =	swait.ge [sflag:s17], $0x10  }
0x22a: {  	[sflag:s17] =	ssyncset.done $0x0  }
0x22b: {  	[sflag:s17] =	ssyncadd.s32 $0xFFFFFFF0  }
0x22c: {  	[tilespmem:s20], [sflag:$0x1] =	stream.indirect.gather [hbm4b:s4+s19], $0x80, s1, s19, $0xb8;
	[tilespmem:$0x1F400] =	vst v63  }
0x22d: {  	_ = 	snop  }
0x22e: {  	[tilespmem:s21], [sflag:$0x1] =	stream.indirect.gather [hbm4b:s4+s19], $0x80, s18, s19, $0xb8;
	[tilespmem:$0x1F400] =	vst v63  }
0x22f: {  	_ =	swait.ge [sflag:s22], $0x800  }
0x230: {  	[sflag:s22] =	ssyncset.done $0x0  }
0x231: {  	[sflag:s22] =	ssyncadd.s32 $0xFFFFF800  }
0x232: {  	_ =	swait.ge [sflag:s22], $0x800  }
0x233: {  	s2 =	sld [smem:$0x7D0]  }
0x234: {  	[sflag:s22] =	ssyncset.done $0x0  }
0x235: {  	[sflag:s22] =	ssyncadd.s32 $0xFFFFF800  }
0x236: {  	[hbm4b:s2+s1] =	stream.linear.scatter [tilespmem:s20], [sflag:$0x4], $0x800, $0x38;
	[tilespmem:$0x1F400] =	vst v63  }
0x237: {  	_ =	swait.ge [sflag:s17], $0x800  }
0x238: {  	s3 =	sld [smem:$0x7D1]  }
0x239: {  	[sflag:s17] =	ssyncset.done $0x0  }
0x23a: {  	[sflag:s17] =	ssyncadd.s32 $0xFFFFF800  }
0x23b: {  	[hbm4b:s3+s1] =	stream.linear.scatter [tilespmem:s21], [sflag:$0x4], $0x800, $0x38;
	[tilespmem:$0x1F400] =	vst v63  }
0x23c: {  	_ =	swait.ge [sflag:s17], $0x800  }
0x23d: {  	s5 =	sld [smem:$0x791]  }
0x23e: {  	[sflag:s17] =	ssyncset.done $0x0  }
0x23f: {  	[sflag:s17] =	ssyncadd.s32 $0xFFFFF800  }
0x240: {  	[tilespmem:s1], [sflag:$0x4] =	stream.linear.gather [hbm4b:s5+s1], $0x10, $0x38;
	[tilespmem:$0x1F400] =	vst v63  }
0x241: {  	_ =	swait.ge [sflag:s17], $0x10  }
0x242: {  	s6 =	sld [smem:$0x792]  }
0x243: {  	[sflag:s17] =	ssyncset.done $0x0  }
0x244: {  	[sflag:s17] =	ssyncadd.s32 $0xFFFFFFF0  }
0x245: {  	[tilespmem:s18], [sflag:$0x4] =	stream.linear.gather [hbm4b:s6+s1], $0x10, $0x38;
	[tilespmem:$0x1F400] =	vst v63  }
0x246: {  	_ =	swait.ge [sflag:s17], $0x10  }
0x247: {  	[sflag:s17] =	ssyncset.done $0x0  }
0x248: {  	[sflag:s17] =	ssyncadd.s32 $0xFFFFFFF0  }
0x249: {  	[tilespmem:s20], [sflag:$0x1] =	stream.indirect.gather [hbm4b:s4+s19], $0x80, s1, s19, $0xb8;
	[tilespmem:$0x1F400] =	vst v63  }
0x24a: {  	_ = 	snop  }
0x24b: {  	[tilespmem:s21], [sflag:$0x1] =	stream.indirect.gather [hbm4b:s4+s19], $0x80, s18, s19, $0xb8;
	[tilespmem:$0x1F400] =	vst v63  }
0x24c: {  	_ =	swait.ge [sflag:s22], $0x800  }
0x24d: {  	[sflag:s22] =	ssyncset.done $0x0  }
0x24e: {  	[sflag:s22] =	ssyncadd.s32 $0xFFFFF800  }
0x24f: {  	_ =	swait.ge [sflag:s22], $0x800  }
0x250: {  	s7 =	sld [smem:$0x7D2]  }
0x251: {  	[sflag:s22] =	ssyncset.done $0x0  }
0x252: {  	[sflag:s22] =	ssyncadd.s32 $0xFFFFF800  }
0x253: {  	[hbm4b:s7+s1] =	stream.linear.scatter [tilespmem:s20], [sflag:$0x4], $0x800, $0x38;
	[tilespmem:$0x1F400] =	vst v63  }
0x254: {  	_ =	swait.ge [sflag:s17], $0x800  }
0x255: {  	s9 =	sld [smem:$0x7D3]  }
0x256: {  	[sflag:s17] =	ssyncset.done $0x0  }
0x257: {  	[sflag:s17] =	ssyncadd.s32 $0xFFFFF800  }
0x258: {  	[hbm4b:s9+s1] =	stream.linear.scatter [tilespmem:s21], [sflag:$0x4], $0x800, $0x38;
	[tilespmem:$0x1F400] =	vst v63  }
0x259: {  	_ =	swait.ge [sflag:s17], $0x800  }
0x25a: {  	s10 =	sld [smem:$0x793]  }
0x25b: {  	[sflag:s17] =	ssyncset.done $0x0  }
0x25c: {  	[sflag:s17] =	ssyncadd.s32 $0xFFFFF800  }
0x25d: {  	[tilespmem:s1], [sflag:$0x4] =	stream.linear.gather [hbm4b:s10+s1], $0x10, $0x38;
	[tilespmem:$0x1F400] =	vst v63  }
0x25e: {  	_ =	swait.ge [sflag:s17], $0x10  }
0x25f: {  	s11 =	sld [smem:$0x794]  }
0x260: {  	[sflag:s17] =	ssyncset.done $0x0  }
0x261: {  	[sflag:s17] =	ssyncadd.s32 $0xFFFFFFF0  }
0x262: {  	[tilespmem:s18], [sflag:$0x4] =	stream.linear.gather [hbm4b:s11+s1], $0x10, $0x38;
	[tilespmem:$0x1F400] =	vst v63  }
0x263: {  	_ =	swait.ge [sflag:s17], $0x10  }
0x264: {  	[sflag:s17] =	ssyncset.done $0x0  }
0x265: {  	[sflag:s17] =	ssyncadd.s32 $0xFFFFFFF0  }
0x266: {  	[tilespmem:s20], [sflag:$0x1] =	stream.indirect.gather [hbm4b:s4+s19], $0x80, s1, s19, $0xb8;
	[tilespmem:$0x1F400] =	vst v63  }
0x267: {  	_ = 	snop  }
0x268: {  	[tilespmem:s21], [sflag:$0x1] =	stream.indirect.gather [hbm4b:s4+s19], $0x80, s18, s19, $0xb8;
	[tilespmem:$0x1F400] =	vst v63  }
0x269: {  	_ =	swait.ge [sflag:s22], $0x800  }
0x26a: {  	[sflag:s22] =	ssyncset.done $0x0  }
0x26b: {  	[sflag:s22] =	ssyncadd.s32 $0xFFFFF800  }
0x26c: {  	_ =	swait.ge [sflag:s22], $0x800  }
0x26d: {  	s16 =	sld [smem:$0x7D4]  }
0x26e: {  	[sflag:s22] =	ssyncset.done $0x0  }
0x26f: {  	[sflag:s22] =	ssyncadd.s32 $0xFFFFF800  }
0x270: {  	[hbm4b:s16+s1] =	stream.linear.scatter [tilespmem:s20], [sflag:$0x4], $0x800, $0x38;
	[tilespmem:$0x1F400] =	vst v63  }
0x271: {  	_ =	swait.ge [sflag:s17], $0x800  }
0x272: {  	s31 =	sld [smem:$0x7D5]  }
0x273: {  	[sflag:s17] =	ssyncset.done $0x0  }
0x274: {  	[sflag:s17] =	ssyncadd.s32 $0xFFFFF800  }
0x275: {  	[hbm4b:s31+s1] =	stream.linear.scatter [tilespmem:s21], [sflag:$0x4], $0x800, $0x38;
	[tilespmem:$0x1F400] =	vst v63  }
0x276: {  	_ =	swait.ge [sflag:s17], $0x800  }
0x277: {  	s2 =	sld [smem:$0x795]  }
0x278: {  	[sflag:s17] =	ssyncset.done $0x0  }
0x279: {  	[sflag:s17] =	ssyncadd.s32 $0xFFFFF800  }
0x27a: {  	[tilespmem:s1], [sflag:$0x4] =	stream.linear.gather [hbm4b:s2+s1], $0x10, $0x38;
	[tilespmem:$0x1F400] =	vst v63  }
0x27b: {  	_ =	swait.ge [sflag:s17], $0x10  }
0x27c: {  	s3 =	sld [smem:$0x796]  }
0x27d: {  	[sflag:s17] =	ssyncset.done $0x0  }
0x27e: {  	[sflag:s17] =	ssyncadd.s32 $0xFFFFFFF0  }
0x27f: {  	[tilespmem:s18], [sflag:$0x4] =	stream.linear.gather [hbm4b:s3+s1], $0x10, $0x38;
	[tilespmem:$0x1F400] =	vst v63  }
0x280: {  	_ =	swait.ge [sflag:s17], $0x10  }
0x281: {  	[sflag:s17] =	ssyncset.done $0x0  }
0x282: {  	[sflag:s17] =	ssyncadd.s32 $0xFFFFFFF0  }
0x283: {  	[tilespmem:s20], [sflag:$0x1] =	stream.indirect.gather [hbm4b:s4+s19], $0x80, s1, s19, $0xb8;
	[tilespmem:$0x1F400] =	vst v63  }
0x284: {  	_ = 	snop  }
0x285: {  	[tilespmem:s21], [sflag:$0x1] =	stream.indirect.gather [hbm4b:s4+s19], $0x80, s18, s19, $0xb8;
	[tilespmem:$0x1F400] =	vst v63  }
0x286: {  	_ =	swait.ge [sflag:s22], $0x800  }
0x287: {  	[sflag:s22] =	ssyncset.done $0x0  }
0x288: {  	[sflag:s22] =	ssyncadd.s32 $0xFFFFF800  }
0x289: {  	_ =	swait.ge [sflag:s22], $0x800  }
0x28a: {  	s5 =	sld [smem:$0x7D6]  }
0x28b: {  	[sflag:s22] =	ssyncset.done $0x0  }
0x28c: {  	[sflag:s22] =	ssyncadd.s32 $0xFFFFF800  }
0x28d: {  	[hbm4b:s5+s1] =	stream.linear.scatter [tilespmem:s20], [sflag:$0x4], $0x800, $0x38;
	[tilespmem:$0x1F400] =	vst v63  }
0x28e: {  	_ =	swait.ge [sflag:s17], $0x800  }
0x28f: {  	s6 =	sld [smem:$0x7D7]  }
0x290: {  	[sflag:s17] =	ssyncset.done $0x0  }
0x291: {  	[sflag:s17] =	ssyncadd.s32 $0xFFFFF800  }
0x292: {  	[hbm4b:s6+s1] =	stream.linear.scatter [tilespmem:s21], [sflag:$0x4], $0x800, $0x38;
	[tilespmem:$0x1F400] =	vst v63  }
0x293: {  	_ =	swait.ge [sflag:s17], $0x800  }
0x294: {  	s7 =	sld [smem:$0x797]  }
0x295: {  	[sflag:s17] =	ssyncset.done $0x0  }
0x296: {  	[sflag:s17] =	ssyncadd.s32 $0xFFFFF800  }
0x297: {  	[tilespmem:s1], [sflag:$0x4] =	stream.linear.gather [hbm4b:s7+s1], $0x10, $0x38;
	[tilespmem:$0x1F400] =	vst v63  }
0x298: {  	_ =	swait.ge [sflag:s17], $0x10  }
0x299: {  	s9 =	sld [smem:$0x798]  }
0x29a: {  	[sflag:s17] =	ssyncset.done $0x0  }
0x29b: {  	[sflag:s17] =	ssyncadd.s32 $0xFFFFFFF0  }
0x29c: {  	[tilespmem:s18], [sflag:$0x4] =	stream.linear.gather [hbm4b:s9+s1], $0x10, $0x38;
	[tilespmem:$0x1F400] =	vst v63  }
0x29d: {  	_ =	swait.ge [sflag:s17], $0x10  }
0x29e: {  	[sflag:s17] =	ssyncset.done $0x0  }
0x29f: {  	[sflag:s17] =	ssyncadd.s32 $0xFFFFFFF0  }
0x2a0: {  	[tilespmem:s20], [sflag:$0x1] =	stream.indirect.gather [hbm4b:s4+s19], $0x80, s1, s19, $0xb8;
	[tilespmem:$0x1F400] =	vst v63  }
0x2a1: {  	_ = 	snop  }
0x2a2: {  	[tilespmem:s21], [sflag:$0x1] =	stream.indirect.gather [hbm4b:s4+s19], $0x80, s18, s19, $0xb8;
	[tilespmem:$0x1F400] =	vst v63  }
0x2a3: {  	_ =	swait.ge [sflag:s22], $0x800  }
0x2a4: {  	[sflag:s22] =	ssyncset.done $0x0  }
0x2a5: {  	[sflag:s22] =	ssyncadd.s32 $0xFFFFF800  }
0x2a6: {  	_ =	swait.ge [sflag:s22], $0x800  }
0x2a7: {  	s10 =	sld [smem:$0x7D8]  }
0x2a8: {  	[sflag:s22] =	ssyncset.done $0x0  }
0x2a9: {  	[sflag:s22] =	ssyncadd.s32 $0xFFFFF800  }
0x2aa: {  	[hbm4b:s10+s1] =	stream.linear.scatter [tilespmem:s20], [sflag:$0x4], $0x800, $0x38;
	[tilespmem:$0x1F400] =	vst v63  }
0x2ab: {  	_ =	swait.ge [sflag:s17], $0x800  }
0x2ac: {  	s11 =	sld [smem:$0x7D9]  }
0x2ad: {  	[sflag:s17] =	ssyncset.done $0x0  }
0x2ae: {  	[sflag:s17] =	ssyncadd.s32 $0xFFFFF800  }
0x2af: {  	[hbm4b:s11+s1] =	stream.linear.scatter [tilespmem:s21], [sflag:$0x4], $0x800, $0x38;
	[tilespmem:$0x1F400] =	vst v63  }
0x2b0: {  	_ =	swait.ge [sflag:s17], $0x800  }
0x2b1: {  	s16 =	sld [smem:$0x799]  }
0x2b2: {  	[sflag:s17] =	ssyncset.done $0x0  }
0x2b3: {  	[sflag:s17] =	ssyncadd.s32 $0xFFFFF800  }
0x2b4: {  	[tilespmem:s1], [sflag:$0x4] =	stream.linear.gather [hbm4b:s16+s1], $0x10, $0x38;
	[tilespmem:$0x1F400] =	vst v63  }
0x2b5: {  	_ =	swait.ge [sflag:s17], $0x10  }
0x2b6: {  	s31 =	sld [smem:$0x79A]  }
0x2b7: {  	[sflag:s17] =	ssyncset.done $0x0  }
0x2b8: {  	[sflag:s17] =	ssyncadd.s32 $0xFFFFFFF0  }
0x2b9: {  	[tilespmem:s18], [sflag:$0x4] =	stream.linear.gather [hbm4b:s31+s1], $0x10, $0x38;
	[tilespmem:$0x1F400] =	vst v63  }
0x2ba: {  	_ =	swait.ge [sflag:s17], $0x10  }
0x2bb: {  	[sflag:s17] =	ssyncset.done $0x0  }
0x2bc: {  	[sflag:s17] =	ssyncadd.s32 $0xFFFFFFF0  }
0x2bd: {  	[tilespmem:s20], [sflag:$0x1] =	stream.indirect.gather [hbm4b:s4+s19], $0x80, s1, s19, $0xb8;
	[tilespmem:$0x1F400] =	vst v63  }
0x2be: {  	_ = 	snop  }
0x2bf: {  	[tilespmem:s21], [sflag:$0x1] =	stream.indirect.gather [hbm4b:s4+s19], $0x80, s18, s19, $0xb8;
	[tilespmem:$0x1F400] =	vst v63  }
0x2c0: {  	_ =	swait.ge [sflag:s22], $0x800  }
0x2c1: {  	[sflag:s22] =	ssyncset.done $0x0  }
0x2c2: {  	[sflag:s22] =	ssyncadd.s32 $0xFFFFF800  }
0x2c3: {  	_ =	swait.ge [sflag:s22], $0x800  }
0x2c4: {  	s2 =	sld [smem:$0x7DA]  }
0x2c5: {  	[sflag:s22] =	ssyncset.done $0x0  }
0x2c6: {  	[sflag:s22] =	ssyncadd.s32 $0xFFFFF800  }
0x2c7: {  	[hbm4b:s2+s1] =	stream.linear.scatter [tilespmem:s20], [sflag:$0x4], $0x800, $0x38;
	[tilespmem:$0x1F400] =	vst v63  }
0x2c8: {  	_ =	swait.ge [sflag:s17], $0x800  }
0x2c9: {  	s3 =	sld [smem:$0x7DB]  }
0x2ca: {  	[sflag:s17] =	ssyncset.done $0x0  }
0x2cb: {  	[sflag:s17] =	ssyncadd.s32 $0xFFFFF800  }
0x2cc: {  	[hbm4b:s3+s1] =	stream.linear.scatter [tilespmem:s21], [sflag:$0x4], $0x800, $0x38;
	[tilespmem:$0x1F400] =	vst v63  }
0x2cd: {  	_ =	swait.ge [sflag:s17], $0x800  }
0x2ce: {  	s5 =	sld [smem:$0x79B]  }
0x2cf: {  	[sflag:s17] =	ssyncset.done $0x0  }
0x2d0: {  	[sflag:s17] =	ssyncadd.s32 $0xFFFFF800  }
0x2d1: {  	[tilespmem:s1], [sflag:$0x4] =	stream.linear.gather [hbm4b:s5+s1], $0x10, $0x38;
	[tilespmem:$0x1F400] =	vst v63  }
0x2d2: {  	_ =	swait.ge [sflag:s17], $0x10  }
0x2d3: {  	s6 =	sld [smem:$0x79C]  }
0x2d4: {  	[sflag:s17] =	ssyncset.done $0x0  }
0x2d5: {  	[sflag:s17] =	ssyncadd.s32 $0xFFFFFFF0  }
0x2d6: {  	[tilespmem:s18], [sflag:$0x4] =	stream.linear.gather [hbm4b:s6+s1], $0x10, $0x38;
	[tilespmem:$0x1F400] =	vst v63  }
0x2d7: {  	_ =	swait.ge [sflag:s17], $0x10  }
0x2d8: {  	[sflag:s17] =	ssyncset.done $0x0  }
0x2d9: {  	[sflag:s17] =	ssyncadd.s32 $0xFFFFFFF0  }
0x2da: {  	[tilespmem:s20], [sflag:$0x1] =	stream.indirect.gather [hbm4b:s4+s19], $0x80, s1, s19, $0xb8;
	[tilespmem:$0x1F400] =	vst v63  }
0x2db: {  	_ = 	snop  }
0x2dc: {  	[tilespmem:s21], [sflag:$0x1] =	stream.indirect.gather [hbm4b:s4+s19], $0x80, s18, s19, $0xb8;
	[tilespmem:$0x1F400] =	vst v63  }
0x2dd: {  	_ =	swait.ge [sflag:s22], $0x800  }
0x2de: {  	[sflag:s22] =	ssyncset.done $0x0  }
0x2df: {  	[sflag:s22] =	ssyncadd.s32 $0xFFFFF800  }
0x2e0: {  	_ =	swait.ge [sflag:s22], $0x800  }
0x2e1: {  	s7 =	sld [smem:$0x7DC]  }
0x2e2: {  	[sflag:s22] =	ssyncset.done $0x0  }
0x2e3: {  	[sflag:s22] =	ssyncadd.s32 $0xFFFFF800  }
0x2e4: {  	[hbm4b:s7+s1] =	stream.linear.scatter [tilespmem:s20], [sflag:$0x4], $0x800, $0x38;
	[tilespmem:$0x1F400] =	vst v63  }
0x2e5: {  	_ =	swait.ge [sflag:s17], $0x800  }
0x2e6: {  	s9 =	sld [smem:$0x7DD]  }
0x2e7: {  	[sflag:s17] =	ssyncset.done $0x0  }
0x2e8: {  	[sflag:s17] =	ssyncadd.s32 $0xFFFFF800  }
0x2e9: {  	[hbm4b:s9+s1] =	stream.linear.scatter [tilespmem:s21], [sflag:$0x4], $0x800, $0x38;
	[tilespmem:$0x1F400] =	vst v63  }
0x2ea: {  	_ =	swait.ge [sflag:s17], $0x800  }
0x2eb: {  	s10 =	sld [smem:$0x79D]  }
0x2ec: {  	[sflag:s17] =	ssyncset.done $0x0  }
0x2ed: {  	[sflag:s17] =	ssyncadd.s32 $0xFFFFF800  }
0x2ee: {  	[tilespmem:s1], [sflag:$0x4] =	stream.linear.gather [hbm4b:s10+s1], $0x10, $0x38;
	[tilespmem:$0x1F400] =	vst v63  }
0x2ef: {  	_ =	swait.ge [sflag:s17], $0x10  }
0x2f0: {  	s11 =	sld [smem:$0x79E]  }
0x2f1: {  	[sflag:s17] =	ssyncset.done $0x0  }
0x2f2: {  	[sflag:s17] =	ssyncadd.s32 $0xFFFFFFF0  }
0x2f3: {  	[tilespmem:s18], [sflag:$0x4] =	stream.linear.gather [hbm4b:s11+s1], $0x10, $0x38;
	[tilespmem:$0x1F400] =	vst v63  }
0x2f4: {  	_ =	swait.ge [sflag:s17], $0x10  }
0x2f5: {  	[sflag:s17] =	ssyncset.done $0x0  }
0x2f6: {  	[sflag:s17] =	ssyncadd.s32 $0xFFFFFFF0  }
0x2f7: {  	[tilespmem:s20], [sflag:$0x1] =	stream.indirect.gather [hbm4b:s4+s19], $0x80, s1, s19, $0xb8;
	[tilespmem:$0x1F400] =	vst v63  }
0x2f8: {  	_ = 	snop  }
0x2f9: {  	[tilespmem:s21], [sflag:$0x1] =	stream.indirect.gather [hbm4b:s4+s19], $0x80, s18, s19, $0xb8;
	[tilespmem:$0x1F400] =	vst v63  }
0x2fa: {  	_ =	swait.ge [sflag:s22], $0x800  }
0x2fb: {  	[sflag:s22] =	ssyncset.done $0x0  }
0x2fc: {  	[sflag:s22] =	ssyncadd.s32 $0xFFFFF800  }
0x2fd: {  	_ =	swait.ge [sflag:s22], $0x800  }
0x2fe: {  	s16 =	sld [smem:$0x7DE]  }
0x2ff: {  	[sflag:s22] =	ssyncset.done $0x0  }
0x300: {  	[sflag:s22] =	ssyncadd.s32 $0xFFFFF800  }
0x301: {  	[hbm4b:s16+s1] =	stream.linear.scatter [tilespmem:s20], [sflag:$0x4], $0x800, $0x38;
	[tilespmem:$0x1F400] =	vst v63  }
0x302: {  	_ =	swait.ge [sflag:s17], $0x800  }
0x303: {  	s31 =	sld [smem:$0x7DF]  }
0x304: {  	[sflag:s17] =	ssyncset.done $0x0  }
0x305: {  	[sflag:s17] =	ssyncadd.s32 $0xFFFFF800  }
0x306: {  	[hbm4b:s31+s1] =	stream.linear.scatter [tilespmem:s21], [sflag:$0x4], $0x800, $0x38;
	[tilespmem:$0x1F400] =	vst v63  }
0x307: {  	_ =	swait.ge [sflag:s17], $0x800  }
0x308: {  	s2 =	sld [smem:$0x79F]  }
0x309: {  	[sflag:s17] =	ssyncset.done $0x0  }
0x30a: {  	[sflag:s17] =	ssyncadd.s32 $0xFFFFF800  }
0x30b: {  	[tilespmem:s1], [sflag:$0x4] =	stream.linear.gather [hbm4b:s2+s1], $0x10, $0x38;
	[tilespmem:$0x1F400] =	vst v63  }
0x30c: {  	_ =	swait.ge [sflag:s17], $0x10  }
0x30d: {  	s3 =	sld [smem:$0x7A0]  }
0x30e: {  	[sflag:s17] =	ssyncset.done $0x0  }
0x30f: {  	[sflag:s17] =	ssyncadd.s32 $0xFFFFFFF0  }
0x310: {  	[tilespmem:s18], [sflag:$0x4] =	stream.linear.gather [hbm4b:s3+s1], $0x10, $0x38;
	[tilespmem:$0x1F400] =	vst v63  }
0x311: {  	_ =	swait.ge [sflag:s17], $0x10  }
0x312: {  	[sflag:s17] =	ssyncset.done $0x0  }
0x313: {  	[sflag:s17] =	ssyncadd.s32 $0xFFFFFFF0  }
0x314: {  	[tilespmem:s20], [sflag:$0x1] =	stream.indirect.gather [hbm4b:s4+s19], $0x80, s1, s19, $0xb8;
	[tilespmem:$0x1F400] =	vst v63  }
0x315: {  	_ = 	snop  }
0x316: {  	[tilespmem:s21], [sflag:$0x1] =	stream.indirect.gather [hbm4b:s4+s19], $0x80, s18, s19, $0xb8;
	[tilespmem:$0x1F400] =	vst v63  }
0x317: {  	_ =	swait.ge [sflag:s22], $0x800  }
0x318: {  	[sflag:s22] =	ssyncset.done $0x0  }
0x319: {  	[sflag:s22] =	ssyncadd.s32 $0xFFFFF800  }
0x31a: {  	_ =	swait.ge [sflag:s22], $0x800  }
0x31b: {  	s5 =	sld [smem:$0x7E1]  }
0x31c: {  	[sflag:s22] =	ssyncset.done $0x0  }
0x31d: {  	[sflag:s22] =	ssyncadd.s32 $0xFFFFF800  }
0x31e: {  	[hbm4b:s5+s1] =	stream.linear.scatter [tilespmem:s20], [sflag:$0x4], $0x800, $0x38;
	[tilespmem:$0x1F400] =	vst v63  }
0x31f: {  	_ =	swait.ge [sflag:s17], $0x800  }
0x320: {  	s6 =	sld [smem:$0x7E2]  }
0x321: {  	[sflag:s17] =	ssyncset.done $0x0  }
0x322: {  	[sflag:s17] =	ssyncadd.s32 $0xFFFFF800  }
0x323: {  	[hbm4b:s6+s1] =	stream.linear.scatter [tilespmem:s21], [sflag:$0x4], $0x800, $0x38;
	[tilespmem:$0x1F400] =	vst v63  }
0x324: {  	_ =	swait.ge [sflag:s17], $0x800  }
0x325: {  	s7 =	sld [smem:$0x7A1]  }
0x326: {  	[sflag:s17] =	ssyncset.done $0x0  }
0x327: {  	[sflag:s17] =	ssyncadd.s32 $0xFFFFF800  }
0x328: {  	[tilespmem:s1], [sflag:$0x4] =	stream.linear.gather [hbm4b:s7+s1], $0x10, $0x38;
	[tilespmem:$0x1F400] =	vst v63  }
0x329: {  	_ =	swait.ge [sflag:s17], $0x10  }
0x32a: {  	s9 =	sld [smem:$0x7A2]  }
0x32b: {  	[sflag:s17] =	ssyncset.done $0x0  }
0x32c: {  	[sflag:s17] =	ssyncadd.s32 $0xFFFFFFF0  }
0x32d: {  	[tilespmem:s18], [sflag:$0x4] =	stream.linear.gather [hbm4b:s9+s1], $0x10, $0x38;
	[tilespmem:$0x1F400] =	vst v63  }
0x32e: {  	_ =	swait.ge [sflag:s17], $0x10  }
0x32f: {  	[sflag:s17] =	ssyncset.done $0x0  }
0x330: {  	[sflag:s17] =	ssyncadd.s32 $0xFFFFFFF0  }
0x331: {  	[tilespmem:s20], [sflag:$0x1] =	stream.indirect.gather [hbm4b:s4+s19], $0x80, s1, s19, $0xb8;
	[tilespmem:$0x1F400] =	vst v63  }
0x332: {  	_ = 	snop  }
0x333: {  	[tilespmem:s21], [sflag:$0x1] =	stream.indirect.gather [hbm4b:s4+s19], $0x80, s18, s19, $0xb8;
	[tilespmem:$0x1F400] =	vst v63  }
0x334: {  	_ =	swait.ge [sflag:s22], $0x800  }
0x335: {  	[sflag:s22] =	ssyncset.done $0x0  }
0x336: {  	[sflag:s22] =	ssyncadd.s32 $0xFFFFF800  }
0x337: {  	_ =	swait.ge [sflag:s22], $0x800  }
0x338: {  	s10 =	sld [smem:$0x7E3]  }
0x339: {  	[sflag:s22] =	ssyncset.done $0x0  }
0x33a: {  	[sflag:s22] =	ssyncadd.s32 $0xFFFFF800  }
0x33b: {  	[hbm4b:s10+s1] =	stream.linear.scatter [tilespmem:s20], [sflag:$0x4], $0x800, $0x38;
	[tilespmem:$0x1F400] =	vst v63  }
0x33c: {  	_ =	swait.ge [sflag:s17], $0x800  }
0x33d: {  	s11 =	sld [smem:$0x7E4]  }
0x33e: {  	[sflag:s17] =	ssyncset.done $0x0  }
0x33f: {  	[sflag:s17] =	ssyncadd.s32 $0xFFFFF800  }
0x340: {  	[hbm4b:s11+s1] =	stream.linear.scatter [tilespmem:s21], [sflag:$0x4], $0x800, $0x38;
	[tilespmem:$0x1F400] =	vst v63  }
0x341: {  	_ =	swait.ge [sflag:s17], $0x800  }
0x342: {  	s16 =	sld [smem:$0x7A3]  }
0x343: {  	[sflag:s17] =	ssyncset.done $0x0  }
0x344: {  	[sflag:s17] =	ssyncadd.s32 $0xFFFFF800  }
0x345: {  	[tilespmem:s1], [sflag:$0x4] =	stream.linear.gather [hbm4b:s16+s1], $0x10, $0x38;
	[tilespmem:$0x1F400] =	vst v63  }
0x346: {  	_ =	swait.ge [sflag:s17], $0x10  }
0x347: {  	s31 =	sld [smem:$0x7A4]  }
0x348: {  	[sflag:s17] =	ssyncset.done $0x0  }
0x349: {  	[sflag:s17] =	ssyncadd.s32 $0xFFFFFFF0  }
0x34a: {  	[tilespmem:s18], [sflag:$0x4] =	stream.linear.gather [hbm4b:s31+s1], $0x10, $0x38;
	[tilespmem:$0x1F400] =	vst v63  }
0x34b: {  	_ =	swait.ge [sflag:s17], $0x10  }
0x34c: {  	[sflag:s17] =	ssyncset.done $0x0  }
0x34d: {  	[sflag:s17] =	ssyncadd.s32 $0xFFFFFFF0  }
0x34e: {  	[tilespmem:s20], [sflag:$0x1] =	stream.indirect.gather [hbm4b:s4+s19], $0x80, s1, s19, $0xb8;
	[tilespmem:$0x1F400] =	vst v63  }
0x34f: {  	_ = 	snop  }
0x350: {  	[tilespmem:s21], [sflag:$0x1] =	stream.indirect.gather [hbm4b:s4+s19], $0x80, s18, s19, $0xb8;
	[tilespmem:$0x1F400] =	vst v63  }
0x351: {  	_ =	swait.ge [sflag:s22], $0x800  }
0x352: {  	[sflag:s22] =	ssyncset.done $0x0  }
0x353: {  	[sflag:s22] =	ssyncadd.s32 $0xFFFFF800  }
0x354: {  	_ =	swait.ge [sflag:s22], $0x800  }
0x355: {  	s2 =	sld [smem:$0x7E6]  }
0x356: {  	[sflag:s22] =	ssyncset.done $0x0  }
0x357: {  	[sflag:s22] =	ssyncadd.s32 $0xFFFFF800  }
0x358: {  	[hbm4b:s2+s1] =	stream.linear.scatter [tilespmem:s20], [sflag:$0x4], $0x800, $0x38;
	[tilespmem:$0x1F400] =	vst v63  }
0x359: {  	_ =	swait.ge [sflag:s17], $0x800  }
0x35a: {  	s3 =	sld [smem:$0x7E7]  }
0x35b: {  	[sflag:s17] =	ssyncset.done $0x0  }
0x35c: {  	[sflag:s17] =	ssyncadd.s32 $0xFFFFF800  }
0x35d: {  	[hbm4b:s3+s1] =	stream.linear.scatter [tilespmem:s21], [sflag:$0x4], $0x800, $0x38;
	[tilespmem:$0x1F400] =	vst v63  }
0x35e: {  	_ =	swait.ge [sflag:s17], $0x800  }
0x35f: {  	s5 =	sld [smem:$0x7A5]  }
0x360: {  	[sflag:s17] =	ssyncset.done $0x0  }
0x361: {  	[sflag:s17] =	ssyncadd.s32 $0xFFFFF800  }
0x362: {  	[tilespmem:s1], [sflag:$0x4] =	stream.linear.gather [hbm4b:s5+s1], $0x10, $0x38;
	[tilespmem:$0x1F400] =	vst v63  }
0x363: {  	_ =	swait.ge [sflag:s17], $0x10  }
0x364: {  	s6 =	sld [smem:$0x7A6]  }
0x365: {  	[sflag:s17] =	ssyncset.done $0x0  }
0x366: {  	[sflag:s17] =	ssyncadd.s32 $0xFFFFFFF0  }
0x367: {  	[tilespmem:s18], [sflag:$0x4] =	stream.linear.gather [hbm4b:s6+s1], $0x10, $0x38;
	[tilespmem:$0x1F400] =	vst v63  }
0x368: {  	_ =	swait.ge [sflag:s17], $0x10  }
0x369: {  	[sflag:s17] =	ssyncset.done $0x0  }
0x36a: {  	[sflag:s17] =	ssyncadd.s32 $0xFFFFFFF0  }
0x36b: {  	[tilespmem:s20], [sflag:$0x1] =	stream.indirect.gather [hbm4b:s4+s19], $0x80, s1, s19, $0xb8;
	[tilespmem:$0x1F400] =	vst v63  }
0x36c: {  	_ = 	snop  }
0x36d: {  	[tilespmem:s21], [sflag:$0x1] =	stream.indirect.gather [hbm4b:s4+s19], $0x80, s18, s19, $0xb8;
	[tilespmem:$0x1F400] =	vst v63  }
0x36e: {  	_ =	swait.ge [sflag:s22], $0x800  }
0x36f: {  	[sflag:s22] =	ssyncset.done $0x0  }
0x370: {  	[sflag:s22] =	ssyncadd.s32 $0xFFFFF800  }
0x371: {  	_ =	swait.ge [sflag:s22], $0x800  }
0x372: {  	s7 =	sld [smem:$0x7E8]  }
0x373: {  	[sflag:s22] =	ssyncset.done $0x0  }
0x374: {  	[sflag:s22] =	ssyncadd.s32 $0xFFFFF800  }
0x375: {  	[hbm4b:s7+s1] =	stream.linear.scatter [tilespmem:s20], [sflag:$0x4], $0x800, $0x38;
	[tilespmem:$0x1F400] =	vst v63  }
0x376: {  	_ =	swait.ge [sflag:s17], $0x800  }
0x377: {  	s9 =	sld [smem:$0x7E9]  }
0x378: {  	[sflag:s17] =	ssyncset.done $0x0  }
0x379: {  	[sflag:s17] =	ssyncadd.s32 $0xFFFFF800  }
0x37a: {  	[hbm4b:s9+s1] =	stream.linear.scatter [tilespmem:s21], [sflag:$0x4], $0x800, $0x38;
	[tilespmem:$0x1F400] =	vst v63  }
0x37b: {  	_ =	swait.ge [sflag:s17], $0x800  }
0x37c: {  	s10 =	sld [smem:$0x7A7]  }
0x37d: {  	[sflag:s17] =	ssyncset.done $0x0  }
0x37e: {  	[sflag:s17] =	ssyncadd.s32 $0xFFFFF800  }
0x37f: {  	[tilespmem:s1], [sflag:$0x4] =	stream.linear.gather [hbm4b:s10+s1], $0x10, $0x38;
	[tilespmem:$0x1F400] =	vst v63  }
0x380: {  	_ =	swait.ge [sflag:s17], $0x10  }
0x381: {  	s11 =	sld [smem:$0x7A8]  }
0x382: {  	[sflag:s17] =	ssyncset.done $0x0  }
0x383: {  	[sflag:s17] =	ssyncadd.s32 $0xFFFFFFF0  }
0x384: {  	[tilespmem:s18], [sflag:$0x4] =	stream.linear.gather [hbm4b:s11+s1], $0x10, $0x38;
	[tilespmem:$0x1F400] =	vst v63  }
0x385: {  	_ =	swait.ge [sflag:s17], $0x10  }
0x386: {  	[sflag:s17] =	ssyncset.done $0x0  }
0x387: {  	[sflag:s17] =	ssyncadd.s32 $0xFFFFFFF0  }
0x388: {  	[tilespmem:s20], [sflag:$0x1] =	stream.indirect.gather [hbm4b:s4+s19], $0x80, s1, s19, $0xb8;
	[tilespmem:$0x1F400] =	vst v63  }
0x389: {  	_ = 	snop  }
0x38a: {  	[tilespmem:s21], [sflag:$0x1] =	stream.indirect.gather [hbm4b:s4+s19], $0x80, s18, s19, $0xb8;
	[tilespmem:$0x1F400] =	vst v63  }
0x38b: {  	_ =	swait.ge [sflag:s22], $0x800  }
0x38c: {  	[sflag:s22] =	ssyncset.done $0x0  }
0x38d: {  	[sflag:s22] =	ssyncadd.s32 $0xFFFFF800  }
0x38e: {  	_ =	swait.ge [sflag:s22], $0x800  }
0x38f: {  	s16 =	sld [smem:$0x7EA]  }
0x390: {  	[sflag:s22] =	ssyncset.done $0x0  }
0x391: {  	[sflag:s22] =	ssyncadd.s32 $0xFFFFF800  }
0x392: {  	[hbm4b:s16+s1] =	stream.linear.scatter [tilespmem:s20], [sflag:$0x4], $0x800, $0x38;
	[tilespmem:$0x1F400] =	vst v63  }
0x393: {  	_ =	swait.ge [sflag:s17], $0x800  }
0x394: {  	s31 =	sld [smem:$0x7EB]  }
0x395: {  	[sflag:s17] =	ssyncset.done $0x0  }
0x396: {  	[sflag:s17] =	ssyncadd.s32 $0xFFFFF800  }
0x397: {  	[hbm4b:s31+s1] =	stream.linear.scatter [tilespmem:s21], [sflag:$0x4], $0x800, $0x38;
	[tilespmem:$0x1F400] =	vst v63  }
0x398: {  	_ =	swait.ge [sflag:s17], $0x800  }
0x399: {  	s2 =	sld [smem:$0x7A9]  }
0x39a: {  	[sflag:s17] =	ssyncset.done $0x0  }
0x39b: {  	[sflag:s17] =	ssyncadd.s32 $0xFFFFF800  }
0x39c: {  	[tilespmem:s1], [sflag:$0x4] =	stream.linear.gather [hbm4b:s2+s1], $0x10, $0x38;
	[tilespmem:$0x1F400] =	vst v63  }
0x39d: {  	_ =	swait.ge [sflag:s17], $0x10  }
0x39e: {  	s3 =	sld [smem:$0x7AA]  }
0x39f: {  	[sflag:s17] =	ssyncset.done $0x0  }
0x3a0: {  	[sflag:s17] =	ssyncadd.s32 $0xFFFFFFF0  }
0x3a1: {  	[tilespmem:s18], [sflag:$0x4] =	stream.linear.gather [hbm4b:s3+s1], $0x10, $0x38;
	[tilespmem:$0x1F400] =	vst v63  }
0x3a2: {  	_ =	swait.ge [sflag:s17], $0x10  }
0x3a3: {  	[sflag:s17] =	ssyncset.done $0x0  }
0x3a4: {  	[sflag:s17] =	ssyncadd.s32 $0xFFFFFFF0  }
0x3a5: {  	[tilespmem:s20], [sflag:$0x1] =	stream.indirect.gather [hbm4b:s4+s19], $0x80, s1, s19, $0xb8;
	[tilespmem:$0x1F400] =	vst v63  }
0x3a6: {  	_ = 	snop  }
0x3a7: {  	[tilespmem:s21], [sflag:$0x1] =	stream.indirect.gather [hbm4b:s4+s19], $0x80, s18, s19, $0xb8;
	[tilespmem:$0x1F400] =	vst v63  }
0x3a8: {  	_ =	swait.ge [sflag:s22], $0x800  }
0x3a9: {  	[sflag:s22] =	ssyncset.done $0x0  }
0x3aa: {  	[sflag:s22] =	ssyncadd.s32 $0xFFFFF800  }
0x3ab: {  	_ =	swait.ge [sflag:s22], $0x800  }
0x3ac: {  	s5 =	sld [smem:$0x7ED]  }
0x3ad: {  	[sflag:s22] =	ssyncset.done $0x0  }
0x3ae: {  	[sflag:s22] =	ssyncadd.s32 $0xFFFFF800  }
0x3af: {  	[hbm4b:s5+s1] =	stream.linear.scatter [tilespmem:s20], [sflag:$0x4], $0x800, $0x38;
	[tilespmem:$0x1F400] =	vst v63  }
0x3b0: {  	_ =	swait.ge [sflag:s17], $0x800  }
0x3b1: {  	s6 =	sld [smem:$0x7EE]  }
0x3b2: {  	[sflag:s17] =	ssyncset.done $0x0  }
0x3b3: {  	[sflag:s17] =	ssyncadd.s32 $0xFFFFF800  }
0x3b4: {  	[hbm4b:s6+s1] =	stream.linear.scatter [tilespmem:s21], [sflag:$0x4], $0x800, $0x38;
	[tilespmem:$0x1F400] =	vst v63  }
0x3b5: {  	_ =	swait.ge [sflag:s17], $0x800  }
0x3b6: {  	s7 =	sld [smem:$0x7AB]  }
0x3b7: {  	[sflag:s17] =	ssyncset.done $0x0  }
0x3b8: {  	[sflag:s17] =	ssyncadd.s32 $0xFFFFF800  }
0x3b9: {  	[tilespmem:s1], [sflag:$0x4] =	stream.linear.gather [hbm4b:s7+s1], $0x10, $0x38;
	[tilespmem:$0x1F400] =	vst v63  }
0x3ba: {  	_ =	swait.ge [sflag:s17], $0x10  }
0x3bb: {  	s9 =	sld [smem:$0x7AC]  }
0x3bc: {  	[sflag:s17] =	ssyncset.done $0x0  }
0x3bd: {  	[sflag:s17] =	ssyncadd.s32 $0xFFFFFFF0  }
0x3be: {  	[tilespmem:s18], [sflag:$0x4] =	stream.linear.gather [hbm4b:s9+s1], $0x10, $0x38;
	[tilespmem:$0x1F400] =	vst v63  }
0x3bf: {  	_ =	swait.ge [sflag:s17], $0x10  }
0x3c0: {  	[sflag:s17] =	ssyncset.done $0x0  }
0x3c1: {  	[sflag:s17] =	ssyncadd.s32 $0xFFFFFFF0  }
0x3c2: {  	[tilespmem:s20], [sflag:$0x1] =	stream.indirect.gather [hbm4b:s4+s19], $0x80, s1, s19, $0xb8;
	[tilespmem:$0x1F400] =	vst v63  }
0x3c3: {  	_ = 	snop  }
0x3c4: {  	[tilespmem:s21], [sflag:$0x1] =	stream.indirect.gather [hbm4b:s4+s19], $0x80, s18, s19, $0xb8;
	[tilespmem:$0x1F400] =	vst v63  }
0x3c5: {  	_ =	swait.ge [sflag:s22], $0x800  }
0x3c6: {  	[sflag:s22] =	ssyncset.done $0x0  }
0x3c7: {  	[sflag:s22] =	ssyncadd.s32 $0xFFFFF800  }
0x3c8: {  	_ =	swait.ge [sflag:s22], $0x800  }
0x3c9: {  	s10 =	sld [smem:$0x7EF]  }
0x3ca: {  	[sflag:s22] =	ssyncset.done $0x0  }
0x3cb: {  	[sflag:s22] =	ssyncadd.s32 $0xFFFFF800  }
0x3cc: {  	[hbm4b:s10+s1] =	stream.linear.scatter [tilespmem:s20], [sflag:$0x4], $0x800, $0x38;
	[tilespmem:$0x1F400] =	vst v63  }
0x3cd: {  	_ =	swait.ge [sflag:s17], $0x800  }
0x3ce: {  	s11 =	sld [smem:$0x7F0]  }
0x3cf: {  	[sflag:s17] =	ssyncset.done $0x0  }
0x3d0: {  	[sflag:s17] =	ssyncadd.s32 $0xFFFFF800  }
0x3d1: {  	[hbm4b:s11+s1] =	stream.linear.scatter [tilespmem:s21], [sflag:$0x4], $0x800, $0x38;
	[tilespmem:$0x1F400] =	vst v63  }
0x3d2: {  	_ =	swait.ge [sflag:s17], $0x800  }
0x3d3: {  	s16 =	sld [smem:$0x7AD]  }
0x3d4: {  	[sflag:s17] =	ssyncset.done $0x0  }
0x3d5: {  	[sflag:s17] =	ssyncadd.s32 $0xFFFFF800  }
0x3d6: {  	[tilespmem:s1], [sflag:$0x4] =	stream.linear.gather [hbm4b:s16+s1], $0x10, $0x38;
	[tilespmem:$0x1F400] =	vst v63  }
0x3d7: {  	_ =	swait.ge [sflag:s17], $0x10  }
0x3d8: {  	s31 =	sld [smem:$0x7AE]  }
0x3d9: {  	[sflag:s17] =	ssyncset.done $0x0  }
0x3da: {  	[sflag:s17] =	ssyncadd.s32 $0xFFFFFFF0  }
0x3db: {  	[tilespmem:s18], [sflag:$0x4] =	stream.linear.gather [hbm4b:s31+s1], $0x10, $0x38;
	[tilespmem:$0x1F400] =	vst v63  }
0x3dc: {  	_ =	swait.ge [sflag:s17], $0x10  }
0x3dd: {  	[sflag:s17] =	ssyncset.done $0x0  }
0x3de: {  	[sflag:s17] =	ssyncadd.s32 $0xFFFFFFF0  }
0x3df: {  	[tilespmem:s20], [sflag:$0x1] =	stream.indirect.gather [hbm4b:s4+s19], $0x80, s1, s19, $0xb8;
	[tilespmem:$0x1F400] =	vst v63  }
0x3e0: {  	_ = 	snop  }
0x3e1: {  	[tilespmem:s21], [sflag:$0x1] =	stream.indirect.gather [hbm4b:s4+s19], $0x80, s18, s19, $0xb8;
	[tilespmem:$0x1F400] =	vst v63  }
0x3e2: {  	_ =	swait.ge [sflag:s22], $0x800  }
0x3e3: {  	[sflag:s22] =	ssyncset.done $0x0  }
0x3e4: {  	[sflag:s22] =	ssyncadd.s32 $0xFFFFF800  }
0x3e5: {  	_ =	swait.ge [sflag:s22], $0x800  }
0x3e6: {  	s2 =	sld [smem:$0x7F2]  }
0x3e7: {  	[sflag:s22] =	ssyncset.done $0x0  }
0x3e8: {  	[sflag:s22] =	ssyncadd.s32 $0xFFFFF800  }
0x3e9: {  	[hbm4b:s2+s1] =	stream.linear.scatter [tilespmem:s20], [sflag:$0x4], $0x800, $0x38;
	[tilespmem:$0x1F400] =	vst v63  }
0x3ea: {  	_ =	swait.ge [sflag:s17], $0x800  }
0x3eb: {  	s3 =	sld [smem:$0x7F3]  }
0x3ec: {  	[sflag:s17] =	ssyncset.done $0x0  }
0x3ed: {  	[sflag:s17] =	ssyncadd.s32 $0xFFFFF800  }
0x3ee: {  	[hbm4b:s3+s1] =	stream.linear.scatter [tilespmem:s21], [sflag:$0x4], $0x800, $0x38;
	[tilespmem:$0x1F400] =	vst v63  }
0x3ef: {  	_ =	swait.ge [sflag:s17], $0x800  }
0x3f0: {  	s5 =	sld [smem:$0x7AF]  }
0x3f1: {  	[sflag:s17] =	ssyncset.done $0x0  }
0x3f2: {  	[sflag:s17] =	ssyncadd.s32 $0xFFFFF800  }
0x3f3: {  	[tilespmem:s1], [sflag:$0x4] =	stream.linear.gather [hbm4b:s5+s1], $0x10, $0x38;
	[tilespmem:$0x1F400] =	vst v63  }
0x3f4: {  	_ =	swait.ge [sflag:s17], $0x10  }
0x3f5: {  	s6 =	sld [smem:$0x7B0]  }
0x3f6: {  	[sflag:s17] =	ssyncset.done $0x0  }
0x3f7: {  	[sflag:s17] =	ssyncadd.s32 $0xFFFFFFF0  }
0x3f8: {  	[tilespmem:s18], [sflag:$0x4] =	stream.linear.gather [hbm4b:s6+s1], $0x10, $0x38;
	[tilespmem:$0x1F400] =	vst v63  }
0x3f9: {  	_ =	swait.ge [sflag:s17], $0x10  }
0x3fa: {  	[sflag:s17] =	ssyncset.done $0x0  }
0x3fb: {  	[sflag:s17] =	ssyncadd.s32 $0xFFFFFFF0  }
0x3fc: {  	[tilespmem:s20], [sflag:$0x1] =	stream.indirect.gather [hbm4b:s4+s19], $0x80, s1, s19, $0xb8;
	[tilespmem:$0x1F400] =	vst v63  }
0x3fd: {  	_ = 	snop  }
0x3fe: {  	[tilespmem:s21], [sflag:$0x1] =	stream.indirect.gather [hbm4b:s4+s19], $0x80, s18, s19, $0xb8;
	[tilespmem:$0x1F400] =	vst v63  }
0x3ff: {  	_ =	swait.ge [sflag:s22], $0x800  }
0x400: {  	[sflag:s22] =	ssyncset.done $0x0  }
0x401: {  	[sflag:s22] =	ssyncadd.s32 $0xFFFFF800  }
0x402: {  	_ =	swait.ge [sflag:s22], $0x800  }
0x403: {  	s7 =	sld [smem:$0x7F6]  }
0x404: {  	[sflag:s22] =	ssyncset.done $0x0  }
0x405: {  	[sflag:s22] =	ssyncadd.s32 $0xFFFFF800  }
0x406: {  	[hbm4b:s7+s1] =	stream.linear.scatter [tilespmem:s20], [sflag:$0x4], $0x800, $0x38;
	[tilespmem:$0x1F400] =	vst v63  }
0x407: {  	_ =	swait.ge [sflag:s17], $0x800  }
0x408: {  	s9 =	sld [smem:$0x7F7]  }
0x409: {  	[sflag:s17] =	ssyncset.done $0x0  }
0x40a: {  	[sflag:s17] =	ssyncadd.s32 $0xFFFFF800  }
0x40b: {  	[hbm4b:s9+s1] =	stream.linear.scatter [tilespmem:s21], [sflag:$0x4], $0x800, $0x38;
	[tilespmem:$0x1F400] =	vst v63  }
0x40c: {  	_ =	swait.ge [sflag:s17], $0x800  }
0x40d: {  	s10 =	sld [smem:$0x7B1]  }
0x40e: {  	[sflag:s17] =	ssyncset.done $0x0  }
0x40f: {  	[sflag:s17] =	ssyncadd.s32 $0xFFFFF800  }
0x410: {  	[tilespmem:s1], [sflag:$0x4] =	stream.linear.gather [hbm4b:s10+s1], $0x10, $0x38;
	[tilespmem:$0x1F400] =	vst v63  }
0x411: {  	_ =	swait.ge [sflag:s17], $0x10  }
0x412: {  	s11 =	sld [smem:$0x7B2]  }
0x413: {  	[sflag:s17] =	ssyncset.done $0x0  }
0x414: {  	[sflag:s17] =	ssyncadd.s32 $0xFFFFFFF0  }
0x415: {  	[tilespmem:s18], [sflag:$0x4] =	stream.linear.gather [hbm4b:s11+s1], $0x10, $0x38;
	[tilespmem:$0x1F400] =	vst v63  }
0x416: {  	_ =	swait.ge [sflag:s17], $0x10  }
0x417: {  	[sflag:s17] =	ssyncset.done $0x0  }
0x418: {  	[sflag:s17] =	ssyncadd.s32 $0xFFFFFFF0  }
0x419: {  	[tilespmem:s20], [sflag:$0x1] =	stream.indirect.gather [hbm4b:s4+s19], $0x80, s1, s19, $0xb8;
	[tilespmem:$0x1F400] =	vst v63  }
0x41a: {  	_ = 	snop  }
0x41b: {  	[tilespmem:s21], [sflag:$0x1] =	stream.indirect.gather [hbm4b:s4+s19], $0x80, s18, s19, $0xb8;
	[tilespmem:$0x1F400] =	vst v63  }
0x41c: {  	_ =	swait.ge [sflag:s22], $0x800  }
0x41d: {  	[sflag:s22] =	ssyncset.done $0x0  }
0x41e: {  	[sflag:s22] =	ssyncadd.s32 $0xFFFFF800  }
0x41f: {  	_ =	swait.ge [sflag:s22], $0x800  }
0x420: {  	s16 =	sld [smem:$0x7F8]  }
0x421: {  	[sflag:s22] =	ssyncset.done $0x0  }
0x422: {  	[sflag:s22] =	ssyncadd.s32 $0xFFFFF800  }
0x423: {  	[hbm4b:s16+s1] =	stream.linear.scatter [tilespmem:s20], [sflag:$0x4], $0x800, $0x38;
	[tilespmem:$0x1F400] =	vst v63  }
0x424: {  	_ =	swait.ge [sflag:s17], $0x800  }
0x425: {  	s31 =	sld [smem:$0x7F9]  }
0x426: {  	[sflag:s17] =	ssyncset.done $0x0  }
0x427: {  	[sflag:s17] =	ssyncadd.s32 $0xFFFFF800  }
0x428: {  	[hbm4b:s31+s1] =	stream.linear.scatter [tilespmem:s21], [sflag:$0x4], $0x800, $0x38;
	[tilespmem:$0x1F400] =	vst v63  }
0x429: {  	_ =	swait.ge [sflag:s17], $0x800  }
0x42a: {  	s2 =	sld [smem:$0x7FA]  }
0x42b: {  	p2 =	por $0x0, $0x0;
	[sflag:s17] =	ssyncset.done $0x0  }
.Ltmp2:
0x42c: {  	s0 =	simm.s32 $0x1100;
	[sflag:s17] =	ssyncadd.s32 $0xFFFFF800;
	(pc) =	sbr.rel @p2 .LBB2_6-.Ltmp2, $4  }
0x42d: {  	[tilespmem:s0], [sflag:$0x4] =	stream.linear.gather [hbm4b:s2+s1], $0x4000, $0x38;
	[tilespmem:$0x1F400] =	vst v63  }
0x42e: {  	p1 =	por $0x0, $0x0;
	_ =	swait.ge [sflag:s17], $0x4000  }
0x42f: {  	s3 =	simm.s32 $0x10;
	s5 =	simm.s32 $0x1100;
	[sflag:s17] =	ssyncset.done $0x0  }
0x430: {  	s7 =	simm.s32 $0x0;
	s2 =	simm.s32 $0x0;
	[sflag:s17] =	ssyncadd.s32 $0xFFFFC000  }
0x431: {  	v12 =	vld [tilespmem:s0+$0x0];
	_ =	sdelay $0x4  }
0x432: {  	p2 =	por $0x0, $0x0;
	vm0 =	vge.s32 v12, v1;
	vm1 =	vlt.s32 v12, v0  }
.Ltmp3:
0x433: {  	vm0 =	vmand vm0, vm1;
	(pc) =	sbr.rel @p2 .LBB2_3-.Ltmp3, $4  }
0x434: {  	v13 =	vsel vm0, $0x1, v2  }
0x435: {  	(xrf0) =	vadd.scan.msk.s32 $0xffff, v13  }
0x436: {  	s7 =	simm.s32 $0x20;
	p1 =	por $0x1, $0x1  }
0x437: {  	s2 =	simm.s32 $0x0;
	s6 =	simm.s32 $0x0;
	s5 =	simm.s32 $0x1100  }
.LBB2_4:
0x438: {  	p2 =	seq.s32 s7, $0x3FF0;
	v13 =	vmov s2  }
0x439: {  	v13 =	vadd.s32 $0xFFFFFFFF, v13  }
0x43a: {  	v13 =	vbroadcast v13, $0x0  }
0x43b: {  	v14 =	vmov s6;
	s6 =	smov.u32 s3;
	s3 =	smov.u32 s7;
	v15, _, _ =	vpop (xrf0)  }
0x43c: {  	v16 =	vsub.s32 v12, v1;
	v13 =	vadd.s32 v15, v13;
	(v2sf) =	vpush v15, $0xF  }
0x43d: {  	v14 =	vshll.u32 v14, $0x9;
	v15 =	vshll.u32 v16, $0xE  }
0x43e: {  	v14 =	vor.u32 v3, v14;
	v15 =	vand.u32 $0xFF800000, v15  }
0x43f: {  	v12 =	vand.u32 $0x1FF, v12;
	v14 =	vadd.s32 v14, v15  }
0x440: {  	v12 =	vor.u32 v12, v14  }
0x441: {  	s5 =	sadd.s32 $0x10, s5;
	[tilespmem:v13+s23+$0x0] =	vst.idx.msk vm0, v12  }
0x442: {  	v12 =	vld [tilespmem:s5+$0x0];
	_ =	sdelay $0x4  }
0x443: {  	vm0 =	vge.s32 v12, v1;
	vm1 =	vlt.s32 v12, v0  }
.Ltmp4:
0x444: {  	vm0 =	vmand vm0, vm1;
	(pc) =	sbr.rel @!p2 .LBB2_4-.Ltmp4, $4  }
0x445: {  	v13 =	vsel vm0, $0x1, v2  }
0x446: {  	(xrf0) =	vadd.scan.msk.s32 $0xffff, v13  }
0x447: {  	s9 =	spop (v2sf)  }
0x448: {  	s7 =	sadd.s32 $0x10, s7;
	s2 =	sadd.s32 s2, s9  }
0x449: {  	s7 =	smov.u32 s3  }
.LBB2_6:
0x44a: {  	v13 =	vmov @p1 s2  }
0x44b: {  	v13 =	vadd.s32 @p1 $0xFFFFFFFF, v13  }
0x44c: {  	v13 =	vbroadcast @p1 v13, $0x0  }
0x44d: {  	v14, _, _ =	vpop @p1 (xrf0)  }
0x44e: {  	v15 =	vmov @p1 s6;
	v16 =	vsub.s32 @p1 v12, v1;
	v13 =	vadd.s32 @p1 v14, v13  }
0x44f: {  	v15 =	vshll.u32 @p1 v15, $0x9;
	v16 =	vshll.u32 @p1 v16, $0xE  }
0x450: {  	v16 =	vand.u32 @p1 $0xFF800000, v16;
	v15 =	vor.u32 @p1 v3, v15  }
0x451: {  	v12 =	vand.u32 @p1 $0x1FF, v12;
	v15 =	vadd.s32 @p1 v15, v16  }
0x452: {  	s3 =	sadd.s32 @p1 $0x10, s5;
	v12 =	vor.u32 @p1 v12, v15  }
0x453: {  	s0 =	smov.u32 @p1 s3;
	[tilespmem:v13+s23+$0x0] =	vst.idx.msk @p1 vm0, v12  }
0x454: {  	v12 =	vld [tilespmem:s0+$0x0];
	_ =	sdelay $0x3  }
0x455: {  	(v2sf) =	vpush @p1 v14, $0xF  }
0x456: {  	vm15 =	vge.s32 v12, v1;
	vm1 =	vlt.s32 v12, v0  }
0x457: {  	vm0 =	vmand vm15, vm1  }
0x458: {  	v60 =	vsel vm0, $0x1, v2  }
0x459: {  	(xrf0) =	vadd.scan.msk.s32 $0xffff, v60;
	_ =	sdelay $0x5  }
0x45a: {  	v13, _, _ =	vpop (xrf0)  }
0x45b: {  	(v2sf) =	vpush v13, $0xF;
	_ =	sdelay $0x3  }
0x45c: {  	s0 =	spop @p1 (v2sf)  }
0x45d: {  	s3 =	simm.s32 $0x0;
	s0 =	sadd.s32 @p1 s2, s0  }
0x45e: {  	s3 =	smov.u32 @p1 s0  }
0x45f: {  	v61 =	vmov s3  }
0x460: {  	v14 =	vadd.s32 $0xFFFFFFFF, v61  }
0x461: {  	v14 =	vbroadcast v14, $0x0;
	_ =	sdelay $0x1  }
0x462: {  	v62 =	vmov s7;
	v63 =	vsub.s32 v12, v1;
	v13 =	vadd.s32 v13, v14  }
0x463: {  	v15 =	vshll.u32 v62, $0x9;
	v14 =	vshll.u32 v63, $0xE  }
0x464: {  	v15 =	vor.u32 v3, v15;
	v14 =	vand.u32 $0xFF800000, v14  }
0x465: {  	v12 =	vand.u32 $0x1FF, v12;
	v14 =	vadd.s32 v15, v14  }
0x466: {  	s5 =	simm.s32 $0x4;
	v12 =	vor.u32 v12, v14;
	s2 =	spop (v2sf)  }
0x467: {  	s6 =	simm.s32 $0x0;
	s0 =	smov.u32 @p1 s0;
	[tilespmem:v13+s23+$0x0] =	vst.idx.msk vm0, v12;
	s3 =	sadd.s32 s3, s2  }
.LBB2_7:
0x468: {  	p1 =	seq.s32 s5, $0xF8  }
0x469: {  	[smem:s6] =	sst s1;
	s6 =	smov.u32 s5;
	s5 =	sadd.s32 $0x4, s5  }
.Ltmp5:
0x46a: {  	(pc) =	sbr.rel @!p1 .LBB2_7-.Ltmp5, $2  }
0x46b: {  	_ =	sdelay $0x2  }
0x46c: {  	s6 =	sshra.s32 s6, $0x2  }
0x46d: {  	p1 =	slt.s32 s3, $0x1  }
.Ltmp6:
0x46e: {  	_ = 	snop;
	(pc) =	sbr.rel @p1 .LBB2_20-.Ltmp6, $2  }
0x46f: {  	_ =	sdelay $0x2  }
0x470: {  	[smem:s6] =	sst s1;
	s0 =	sadd.s32 s0, s2  }
0x471: {  	s2 =	simm.s32 $0x5100  }
0x472: {  	p5 =	sne.s32 s0, $0x1;
	v12 =	vld [tilespmem:s2+$0x0]  }
.Ltmp7:
0x473: {  	_ = 	snop;
	(pc) =	sbr.rel @!p5 .LBB2_10-.Ltmp7, $3  }
0x474: {  	_ =	sdelay $0x1  }
0x475: {  	s3 =	simm.s32 $0x5101;
	p2 =	por $0x0, $0x0  }
0x476: {  	p3 =	por $0x0, $0x0;
	p4 =	por $0x0, $0x0;
	s2 =	sadd.s32 $0xFFFFFFFF, s0;
	(v2sf) =	vpush v12, $0x0  }
0x477: {  	v12 =	vld [tilespmem:s3+$0x0];
	_ =	sdelay $0x4  }
0x478: {  	(v2sf) =	vpush v12, $0x0;
	_ =	sdelay $0x6  }
0x479: {  	p5 =	sne.s32 s2, $0x1  }
.Ltmp8:
0x47a: {  	_ = 	snop;
	(pc) =	sbr.rel @!p5 .LBB2_12-.Ltmp8, $2  }
0x47b: {  	_ =	sdelay $0x2  }
0x47c: {  	s2 =	sadd.s32 $0xFFFFFFFF, s2;
	s3 =	simm.s32 $0x5102;
	p2 =	por $0x1, $0x1  }
0x47d: {  	v12 =	vld [tilespmem:s3+$0x0];
	_ =	sdelay $0x4  }
0x47e: {  	(v2sf) =	vpush v12, $0x0;
	_ =	sdelay $0x3  }
0x47f: {  	p5 =	sne.s32 s2, $0x1  }
.Ltmp9:
0x480: {  	_ = 	snop;
	(pc) =	sbr.rel @!p5 .LBB2_14-.Ltmp9, $2  }
0x481: {  	_ =	sdelay $0x2  }
0x482: {  	s2 =	sadd.s32 $0xFFFFFFFF, s2;
	s3 =	simm.s32 $0x5103;
	p3 =	por $0x1, $0x1  }
0x483: {  	v12 =	vld [tilespmem:s3+$0x0];
	_ =	sdelay $0x4  }
0x484: {  	(v2sf) =	vpush v12, $0x0;
	_ =	sdelay $0x3  }
0x485: {  	p5 =	sne.s32 s2, $0x1  }
.Ltmp10:
0x486: {  	_ = 	snop;
	(pc) =	sbr.rel @!p5 .LBB2_16-.Ltmp10, $4  }
0x487: {  	s31 =	spop (v2sf)  }
0x488: {  	s3 =	sshra.s32 s31, $0x17  }
0x489: {  	s5 =	sadd.s32 $0xFFFFFFFF, s2;
	s2 =	sld [smem:s3+$0x0]  }
0x48a: {  	s6 =	simm.s32 $0x5104;
	p4 =	por $0x1, $0x1  }
.LBB2_17:
0x48b: {  	v12 =	vld [tilespmem:s6+$0x0];
	p5 =	sne.s32 s5, $0x1;
	s5 =	sadd.s32 $0xFFFFFFFF, s5  }
.Ltmp11:
0x48c: {  	s2 =	sadd.s32 $0x1, s2;
	(pc) =	sbr.rel @p5 .LBB2_17-.Ltmp11, $4  }
0x48d: {  	s7 =	spop (v2sf);
	[smem:s3] =	sst s2  }
0x48e: {  	s3 =	sshra.s32 s7, $0x17  }
0x48f: {  	s2 =	sld [smem:s3+$0x0]  }
0x490: {  	s6 =	sadd.s32 $0x1, s6;
	(v2sf) =	vpush v12, $0x0  }
0x491: {  	_ = 	snop  }
.LBB2_19:
0x492: {  	_ = 	snop  }
0x493: {  	s2 =	sadd.s32 @p4 $0x1, s2;
	s5 =	spop @p3 (v2sf)  }
0x494: {  	[smem:s3] =	sst @p4 s2;
	s2 =	sshra.s32 @p3 s5, $0x17  }
0x495: {  	s3 =	sld @p3 [smem:s2+$0x0];
	_ =	sdelay $0x2  }
0x496: {  	s3 =	smov.u32 @p3 s3  }
0x497: {  	s5 =	spop @p2 (v2sf);
	s2 =	smov.u32 @p3 s2;
	s3 =	sadd.s32 @p3 $0x1, s3  }
0x498: {  	[smem:s2] =	sst @p3 s3;
	s2 =	sshra.s32 @p2 s5, $0x17  }
0x499: {  	s3 =	sld @p2 [smem:s2+$0x0];
	_ =	sdelay $0x2  }
0x49a: {  	s3 =	smov.u32 @p2 s3  }
0x49b: {  	s2 =	smov.u32 @p2 s2;
	s3 =	sadd.s32 @p2 $0x1, s3;
	s16 =	spop (v2sf)  }
0x49c: {  	[smem:s2] =	sst @p2 s3;
	s31 =	sshra.s32 s16, $0x17  }
0x49d: {  	s3 =	sld [smem:s31+$0x0];
	_ =	sdelay $0x2  }
0x49e: {  	s3 =	sadd.s32 $0x1, s3  }
0x49f: {  	[smem:s31] =	sst s3  }
.LBB2_20:
0x4a0: {  	s2 =	simm.s32 $0x0  }
0x4a1: {  	[smem:$0x80] =	sst s2  }
0x4a2: {  	[smem:$0x100] =	sst s2  }
0x4a3: {  	s3 =	simm.s32 $0x4;
	s5 =	sld [smem:$0x0]  }
.LBB2_21:
0x4a4: {  	p2 =	sne.s32 s3, $0xF8  }
.Ltmp12:
0x4a5: {  	_ = 	snop;
	(pc) =	sbr.rel @p2 .LBB2_21-.Ltmp12, $4  }
0x4a6: {  	s6 =	sshra.s32 s3, $0x2;
	s2 =	sadd.s32 s2, s5  }
0x4a7: {  	[smem:s6+$0x80] =	sst s2  }
0x4a8: {  	[smem:s6+$0x100] =	sst s2  }
0x4a9: {  	s3 =	sadd.s32 $0x4, s3;
	s5 =	sld [smem:s6+$0x0]  }
.Ltmp13:
0x4aa: {  	_ = 	snop;
	(pc) =	sbr.rel @p1 .LBB2_26-.Ltmp13, $4  }
0x4ab: {  	_ = 	snop  }
0x4ac: {  	s2 =	sadd.s32 s2, s5  }
0x4ad: {  	[smem:$0xBF] =	sst s2  }
0x4ae: {  	[smem:$0x13F] =	sst s2  }
0x4af: {  	p1 =	sne.s32 s0, $0x1  }
.Ltmp14:
0x4b0: {  	_ = 	snop;
	(pc) =	sbr.rel @!p1 .LBB2_25-.Ltmp14, $3  }
0x4b1: {  	_ =	sdelay $0x1  }
0x4b2: {  	s2 =	simm.s32 $0x5100  }
0x4b3: {  	s0 =	sadd.s32 $0xFFFFFFFF, s0;
	v12 =	vld [tilespmem:s2+$0x0]  }
.LBB2_24:
0x4b4: {  	p1 =	sne.s32 s0, $0x1;
	_ =	sdelay $0x3  }
0x4b5: {  	(v2sf) =	vpush v12, $0x0;
	_ =	sdelay $0xe  }
0x4b6: {  	s3 =	spop (v2sf)  }
0x4b7: {  	s3 =	sshra.s32 s3, $0x17  }
0x4b8: {  	s5 =	sld [smem:s3+$0x100];
	_ =	sdelay $0x2  }
0x4b9: {  	s6 =	sadd.s32 $0x1, s5;
	v13 =	vmov s5  }
0x4ba: {  	[smem:s3+$0x100] =	sst s6  }
.Ltmp15:
0x4bb: {  	(pc) =	sbr.rel @p1 .LBB2_24-.Ltmp15, $3  }
0x4bc: {  	v12 =	vbroadcast v12, $0x0;
	_ =	sdelay $0x1  }
0x4bd: {  	s2 =	sadd.s32 $0x1, s2;
	[tilespmem:v13+s24+$0x0] =	vst.idx.msk $0x1, v12  }
0x4be: {  	s0 =	sadd.s32 $0xFFFFFFFF, s0;
	v12 =	vld [tilespmem:s2+$0x0]  }
.LBB2_25:
0x4bf: {  	_ =	sdelay $0x3  }
0x4c0: {  	(v2sf) =	vpush v12, $0x0;
	_ =	sdelay $0xe  }
0x4c1: {  	s0 =	spop (v2sf)  }
0x4c2: {  	s0 =	sshra.s32 s0, $0x17  }
0x4c3: {  	s2 =	sld [smem:s0+$0x100];
	_ =	sdelay $0x2  }
0x4c4: {  	v13 =	vmov s2;
	_ =	sdelay $0x2  }
0x4c5: {  	v63 =	vbroadcast v12, $0x0  }
0x4c6: {  	s2 =	sadd.s32 $0x1, s2  }
0x4c7: {  	[smem:s0+$0x100] =	sst s2;
	[tilespmem:v13+s24+$0x0] =	vst.idx.msk $0x1, v63  }
.LBB2_26:
0x4c8: {  	s0 =	simm.s32 $0x0  }
0x4c9: {  	[tilespmem:s25], [sflag:$0x3] =	stream.linear.gather [hbm4b:s14+s0], $0x1000, $0x38;
	[tilespmem:$0x1F400] =	vst v63  }
0x4ca: {  	s2 =	sadd.s32 $0xF4280, s14;
	s3 =	simm.s32 $0xF200  }
0x4cb: {  	[tilespmem:s3], [sflag:$0x3] =	stream.linear.gather [hbm4b:s2+s0], $0x1000, $0x38;
	[tilespmem:$0x1F400] =	vst v63  }
0x4cc: {  	s9 =	sadd.s32 $0x1E8500, s14;
	s10 =	simm.s32 $0x11200  }
0x4cd: {  	[tilespmem:s10], [sflag:$0x3] =	stream.linear.gather [hbm4b:s9+s0], $0x1000, $0x38;
	[tilespmem:$0x1F400] =	vst v63  }
0x4ce: {  	s11 =	sadd.s32 $0x2DC780, s14;
	s16 =	simm.s32 $0x13200  }
0x4cf: {  	[tilespmem:s16], [sflag:$0x3] =	stream.linear.gather [hbm4b:s11+s0], $0x1000, $0x38;
	[tilespmem:$0x1F400] =	vst v63  }
0x4d0: {  	s5 =	simm.s32 $0x15200;
	s3 =	sadd.s32 $0x3D0A00, s14  }
0x4d1: {  	[tilespmem:s5], [sflag:$0x3] =	stream.linear.gather [hbm4b:s3+s0], $0x1000, $0x38;
	[tilespmem:$0x1F400] =	vst v63  }
0x4d2: {  	s6 =	sadd.s32 $0x4C4C80, s14;
	s7 =	simm.s32 $0x17200  }
0x4d3: {  	[tilespmem:s7], [sflag:$0x3] =	stream.linear.gather [hbm4b:s6+s0], $0x1000, $0x38;
	[tilespmem:$0x1F400] =	vst v63  }
.Ltmp16:
0x4d4: {  	_ = 	snop;
	(pc) =	sbr.rel @p0 .LBB2_30-.Ltmp16, $4  }
0x4d5: {  	s9 =	sadd.s32 $0x5B8F00, s14;
	s10 =	simm.s32 $0x19200  }
0x4d6: {  	[tilespmem:s10], [sflag:$0x3] =	stream.linear.gather [hbm4b:s9+s0], $0x1000, $0x38;
	[tilespmem:$0x1F400] =	vst v63  }
0x4d7: {  	s31 =	simm.s32 $0x0;
	s11 =	sadd.s32 $0x6AD180, s14;
	s16 =	simm.s32 $0x1B200  }
0x4d8: {  	[tilespmem:s16], [sflag:$0x3] =	stream.linear.gather [hbm4b:s11+s0], $0x1000, $0x38;
	[tilespmem:$0x1F400] =	vst v63  }
.LBB2_27:
0x4d9: {  	s2 =	sld [smem:$0x7FB];
	_ =	sdelay $0x2  }
0x4da: {  	[tilespmem:s28], [sflag:$0x4] =	stream.linear.gather [hbm4b:s2+s1], $0x2000, $0x38;
	[tilespmem:$0x1F400] =	vst v63  }
0x4db: {  	_ =	swait.ge [sflag:s17], $0x2000  }
0x4dc: {  	[sflag:s17] =	ssyncset.done $0x0  }
0x4dd: {  	[sflag:s17] =	ssyncadd.s32 $0xFFFFE000  }
0x4de: {  	s2 =	sld [smem:s13+$0x80]  }
0x4df: {  	s3 =	sld [smem:s13+$0x81];
	_ =	sdelay $0x2  }
0x4e0: {  	p1 =	sle.s32 s3, s2  }
.Ltmp17:
0x4e1: {  	_ = 	snop;
	(pc) =	sbr.rel @p1 .LBB2_28-.Ltmp17, $1  }
0x4e2: {  	_ =	sdelay $0x3  }
0x4e3: {  	s5 =	sshll.u32 s2, $0x2  }
0x4e4: {  	s5 =	sshra.s32 s5, $0x2  }
0x4e5: {  	s6 =	sadd.s32 $0x9180, s5  }
0x4e6: {  	v12 =	vld [tilespmem:s6+$0x0];
	_ =	sdelay $0x4  }
0x4e7: {  	v13 =	vand.u32 $0x1FF, v12  }
0x4e8: {  	v13 =	vbroadcast v13, $0x0;
	_ =	sdelay $0x1  }
0x4e9: {  	p1 =	slt.s32 s0, $0x8;
	v14 =	vadd.s32 v5, v13  }
0x4ea: {  	s5 =	simm.s32 @!p1 $0x2;
	(v2sf) =	vpush v12, $0x0  }
0x4eb: {  	_ =	swait.ge @!p1 [sflag:s5], $0x40  }
0x4ec: {  	[sflag:s5] =	ssyncset.done @!p1 $0x0  }
0x4ed: {  	[sflag:s5] =	ssyncadd.s32 @!p1 $0xFFFFFFC0  }
0x4ee: {  	v61 =	vld.idx.msk [tilespmem:v14+s28+$0x0], $0xffff  }
0x4ef: {  	v62 =	vadd.s32 v9, v13;
	_ =	sdelay $0x1  }
0x4f0: {  	s11 =	sshll.u32 s0, $0x6  }
0x4f1: {  	s9 =	sand.u32 $0x1C0, s11  }
0x4f2: {  	[tilespmem:s9+$0x1F200] =	vst v61  }
0x4f3: {  	v12 =	vld.idx.msk [tilespmem:v62+s28+$0x0], $0xffff  }
0x4f4: {  	v63 =	vadd.s32 v10, v13;
	_ =	sdelay $0x3  }
0x4f5: {  	[tilespmem:s9+$0x1F210] =	vst v12  }
0x4f6: {  	v12 =	vld.idx.msk [tilespmem:v63+s28+$0x0], $0xffff  }
0x4f7: {  	v13 =	vadd.s32 v11, v13;
	_ =	sdelay $0x2  }
0x4f8: {  	s7 =	ssub.s32 s3, s2  }
0x4f9: {  	s10 =	sadd.s32 s3, s0;
	s3 =	sadd.s32 $0xFFFFFFFF, s7;
	[tilespmem:s9+$0x1F220] =	vst v12  }
0x4fa: {  	p1 =	sne.s32 s3, $0x0;
	v12 =	vld.idx.msk [tilespmem:v13+s28+$0x0], $0xffff  }
.Ltmp18:
0x4fb: {  	_ = 	snop;
	(pc) =	sbr.rel @!p1 .LBB2_36-.Ltmp18, $4  }
0x4fc: {  	s16 =	spop (v2sf)  }
0x4fd: {  	s0 =	sadd.s32 $0x1, s0;
	s7 =	sshrl.u32 s16, $0x6  }
0x4fe: {  	s2 =	ssub.s32 s10, s2;
	s6 =	sadd.s32 $0x1, s6;
	s31 =	sand.u32 $0x1FFF8, s7  }
0x4ff: {  	s5 =	sadd.s32 $0x40, s11;
	s7 =	sor.u32 $0x1F200, s9;
	[tilespmem:s9+$0x1F230] =	vst v12;
	s9 =	sadd.s32 s12, s31  }
.LBB2_35:
0x500: {  	[hbm4b:s9+s1] =	stream.linear.scatter [tilespmem:s7], [sflag:$0x2], $0x40, $0x38;
	[tilespmem:$0x1F400] =	vst v63  }
0x501: {  	s3 =	sadd.s32 $0xFFFFFFFF, s3;
	v12 =	vld [tilespmem:s6+$0x0]  }
0x502: {  	p1 =	sne.s32 s3, $0x0;
	_ =	sdelay $0x3  }
0x503: {  	v13 =	vand.u32 $0x1FF, v12;
	(v2sf) =	vpush v12, $0x0  }
0x504: {  	v12 =	vbroadcast v13, $0x0;
	_ =	sdelay $0x1  }
0x505: {  	p2 =	slt.s32 s0, $0x8;
	v13 =	vadd.s32 v5, v12  }
0x506: {  	s7 =	simm.s32 @!p2 $0x2  }
0x507: {  	_ =	swait.ge @!p2 [sflag:s7], $0x40  }
0x508: {  	[sflag:s7] =	ssyncset.done @!p2 $0x0  }
0x509: {  	[sflag:s7] =	ssyncadd.s32 @!p2 $0xFFFFFFC0  }
0x50a: {  	v13 =	vld.idx.msk [tilespmem:v13+s28+$0x0], $0xffff;
	_ =	sdelay $0x1  }
0x50b: {  	v14 =	vadd.s32 v9, v12;
	_ =	sdelay $0x2  }
0x50c: {  	s9 =	sand.u32 $0x1C0, s5  }
0x50d: {  	[tilespmem:s9+$0x1F200] =	vst v13  }
0x50e: {  	v13 =	vld.idx.msk [tilespmem:v14+s28+$0x0], $0xffff;
	s7 =	spop (v2sf)  }
0x50f: {  	s7 =	sshrl.u32 s7, $0x6  }
0x510: {  	v14 =	vadd.s32 v10, v12;
	s10 =	sand.u32 $0x1FFF8, s7;
	_ =	sdelay $0x3  }
0x511: {  	[tilespmem:s9+$0x1F210] =	vst v13  }
0x512: {  	v13 =	vld.idx.msk [tilespmem:v14+s28+$0x0], $0xffff;
	_ =	sdelay $0x1  }
0x513: {  	v12 =	vadd.s32 v11, v12;
	_ =	sdelay $0x3  }
0x514: {  	[tilespmem:s9+$0x1F220] =	vst v13  }
0x515: {  	v12 =	vld.idx.msk [tilespmem:v12+s28+$0x0], $0xffff;
	_ =	sdelay $0x1  }
.Ltmp19:
0x516: {  	(pc) =	sbr.rel @p1 .LBB2_35-.Ltmp19, $3  }
0x517: {  	_ =	sdelay $0x1  }
0x518: {  	s5 =	sadd.s32 $0x40, s5;
	s6 =	sadd.s32 $0x1, s6  }
0x519: {  	s0 =	sadd.s32 $0x1, s0;
	s7 =	sor.u32 $0x1F200, s9;
	[tilespmem:s9+$0x1F230] =	vst v12;
	s9 =	sadd.s32 s12, s10  }
.LBB2_36:
.Ltmp20:
0x51a: {  	(pc) =	sbr.rel .LBB2_37-.Ltmp20, $2  }
0x51b: {  	_ =	sdelay $0x2  }
0x51c: {  	[hbm4b:s9+s1] =	stream.linear.scatter [tilespmem:s7], [sflag:$0x2], $0x40, $0x38;
	[tilespmem:$0x1F400] =	vst v63  }
.LBB2_33:
0x51d: {  	[hbm4b:s9+s1] =	stream.linear.scatter [tilespmem:s10], [sflag:$0x2], $0x40, $0x38;
	[tilespmem:$0x1F400] =	vst v63  }
0x51e: {  	s0 =	smov.u32 s3  }
.LBB2_29:
0x51f: {  	p1 =	seq.s32 s31, s13  }
.Ltmp21:
0x520: {  	_ = 	snop;
	(pc) =	sbr.rel @p1 .LBB2_27-.Ltmp21, $1  }
0x521: {  	_ =	sdelay $0x3  }
.LBB2_30:
0x522: {  	s2 =	smov.u32 s31;
	s31 =	sadd.s32 $0x1, s31  }
0x523: {  	p1 =	sge.s32 s31, s13  }
0x524: {  	_ =	swait.ge [sflag:s26], $0x8000;
	s3 =	sshll.u32 @!p1 s31, $0xC  }
0x525: {  	[sflag:s26] =	ssyncset.done $0x0;
	s5 =	sadd.s32 @!p1 s15, s3  }
0x526: {  	[sflag:s26] =	ssyncadd.s32 $0xFFFF8000;
	s6 =	sand.u32 @!p1 $0x1000, s3;
	s3 =	sshrl.u32 @!p1 s5, $0x3  }
0x527: {  	s9 =	simm.s32 @!p1 $0x0;
	s7 =	sadd.s32 @!p1 s8, s3;
	s3 =	sadd.s32 @!p1 $0xD200, s6  }
0x528: {  	[tilespmem:s3], [sflag:$0x3] =	stream.linear.gather @!p1 [hbm4b:s7+s9], $0x1000, $0x38;
	[tilespmem:$0x1F400] =	vst v63  }
0x529: {  	s5 =	sadd.s32 @!p1 $0xF200, s6;
	s3 =	sadd.s32 @!p1 $0xF4280, s7  }
0x52a: {  	[tilespmem:s5], [sflag:$0x3] =	stream.linear.gather @!p1 [hbm4b:s3+s9], $0x1000, $0x38;
	[tilespmem:$0x1F400] =	vst v63  }
0x52b: {  	s3 =	sadd.s32 @!p1 $0x1E8500, s7;
	s5 =	sadd.s32 @!p1 $0x11200, s6  }
0x52c: {  	[tilespmem:s5], [sflag:$0x3] =	stream.linear.gather @!p1 [hbm4b:s3+s9], $0x1000, $0x38;
	[tilespmem:$0x1F400] =	vst v63  }
0x52d: {  	s3 =	sadd.s32 @!p1 $0x2DC780, s7;
	s5 =	sadd.s32 @!p1 $0x13200, s6  }
0x52e: {  	[tilespmem:s5], [sflag:$0x3] =	stream.linear.gather @!p1 [hbm4b:s3+s9], $0x1000, $0x38;
	[tilespmem:$0x1F400] =	vst v63  }
0x52f: {  	s3 =	sadd.s32 @!p1 $0x3D0A00, s7;
	s5 =	sadd.s32 @!p1 $0x15200, s6  }
0x530: {  	[tilespmem:s5], [sflag:$0x3] =	stream.linear.gather @!p1 [hbm4b:s3+s9], $0x1000, $0x38;
	[tilespmem:$0x1F400] =	vst v63  }
0x531: {  	s3 =	sadd.s32 @!p1 $0x4C4C80, s7;
	s5 =	sadd.s32 @!p1 $0x17200, s6  }
0x532: {  	[tilespmem:s5], [sflag:$0x3] =	stream.linear.gather @!p1 [hbm4b:s3+s9], $0x1000, $0x38;
	[tilespmem:$0x1F400] =	vst v63  }
0x533: {  	s3 =	sadd.s32 @!p1 $0x5B8F00, s7;
	s5 =	sadd.s32 @!p1 $0x19200, s6  }
0x534: {  	[tilespmem:s5], [sflag:$0x3] =	stream.linear.gather @!p1 [hbm4b:s3+s9], $0x1000, $0x38;
	[tilespmem:$0x1F400] =	vst v63  }
0x535: {  	s3 =	sld [smem:s2+$0x80]  }
0x536: {  	s5 =	sld [smem:s31+$0x80]  }
0x537: {  	s7 =	sadd.s32 @!p1 $0x6AD180, s7;
	s6 =	sadd.s32 @!p1 $0x1B200, s6  }
0x538: {  	[tilespmem:s6], [sflag:$0x3] =	stream.linear.gather @!p1 [hbm4b:s7+s9], $0x1000, $0x38;
	[tilespmem:$0x1F400] =	vst v63  }
0x539: {  	p1 =	sle.s32 s5, s3  }
.Ltmp22:
0x53a: {  	_ = 	snop;
	(pc) =	sbr.rel @p1 .LBB2_29-.Ltmp22, $1  }
0x53b: {  	_ =	sdelay $0x3  }
0x53c: {  	s6 =	sshll.u32 s3, $0x2  }
0x53d: {  	s6 =	sshra.s32 s6, $0x2  }
0x53e: {  	s7 =	sadd.s32 $0x9180, s6  }
0x53f: {  	v12 =	vld [tilespmem:s7+$0x0];
	_ =	sdelay $0x4  }
0x540: {  	(v2sf) =	vpush v12, $0x0;
	_ =	sdelay $0xe  }
0x541: {  	s2 =	sshll.u32 s2, $0x9;
	s6 =	spop (v2sf)  }
0x542: {  	s2 =	sand.u32 $0x200, s2;
	s9 =	sand.u32 $0x1FF, s6  }
0x543: {  	s9 =	sor.u32 s2, s9  }
0x544: {  	v62 =	vmov s9  }
0x545: {  	v13 =	vshll.u32 v62, $0x3  }
0x546: {  	v12 =	vand.u32 $0x7F, v62;
	v13 =	vand.u32 $0x1C00, v13  }
0x547: {  	v12 =	vor.u32 v12, v13  }
0x548: {  	p1 =	slt.s32 s0, $0x8;
	v13 =	vor.u32 v4, v12  }
0x549: {  	s9 =	simm.s32 @!p1 $0x2  }
0x54a: {  	_ =	swait.ge @!p1 [sflag:s9], $0x40  }
0x54b: {  	[sflag:s9] =	ssyncset.done @!p1 $0x0  }
0x54c: {  	[sflag:s9] =	ssyncadd.s32 @!p1 $0xFFFFFFC0  }
0x54d: {  	v13 =	vld.idx.msk [tilespmem:v13+s25+$0x0], $0xffff  }
0x54e: {  	v14 =	vor.u32 v6, v12;
	_ =	sdelay $0x1  }
0x54f: {  	s9 =	sshll.u32 s0, $0x6  }
0x550: {  	s11 =	sand.u32 $0x1C0, s9  }
0x551: {  	[tilespmem:s11+$0x1F200] =	vst v13  }
0x552: {  	v13 =	vld.idx.msk [tilespmem:v14+s25+$0x0], $0xffff  }
0x553: {  	v63 =	vor.u32 v7, v12;
	_ =	sdelay $0x3  }
0x554: {  	[tilespmem:s11+$0x1F210] =	vst v13  }
0x555: {  	v13 =	vld.idx.msk [tilespmem:v63+s25+$0x0], $0xffff  }
0x556: {  	v12 =	vor.u32 v8, v12;
	_ =	sdelay $0x2  }
0x557: {  	s10 =	ssub.s32 s5, s3  }
0x558: {  	s16 =	sadd.s32 s5, s0;
	s5 =	sadd.s32 $0xFFFFFFFF, s10;
	[tilespmem:s11+$0x1F220] =	vst v13  }
0x559: {  	p1 =	seq.s32 s5, $0x0;
	v12 =	vld.idx.msk [tilespmem:v12+s25+$0x0], $0xffff  }
.Ltmp23:
0x55a: {  	_ = 	snop;
	(pc) =	sbr.rel @p1 .LBB2_33-.Ltmp23, $4  }
0x55b: {  	_ = 	snop  }
0x55c: {  	s3 =	ssub.s32 s16, s3;
	s6 =	sshrl.u32 s6, $0x6  }
0x55d: {  	s7 =	sadd.s32 $0x1, s7;
	s16 =	sand.u32 $0x1FFF8, s6;
	s0 =	sadd.s32 $0x1, s0  }
0x55e: {  	s6 =	sadd.s32 $0x40, s9;
	s9 =	sadd.s32 s12, s16;
	s10 =	sor.u32 $0x1F200, s11;
	[tilespmem:s11+$0x1F230] =	vst v12  }
.LBB2_32:
0x55f: {  	[hbm4b:s9+s1] =	stream.linear.scatter [tilespmem:s10], [sflag:$0x2], $0x40, $0x38;
	[tilespmem:$0x1F400] =	vst v63  }
0x560: {  	s5 =	sadd.s32 $0xFFFFFFFF, s5;
	v12 =	vld [tilespmem:s7+$0x0]  }
0x561: {  	p1 =	seq.s32 s5, $0x0;
	_ =	sdelay $0x3  }
0x562: {  	(v2sf) =	vpush v12, $0x0;
	_ =	sdelay $0xe  }
0x563: {  	s9 =	spop (v2sf)  }
0x564: {  	s10 =	sand.u32 $0x1FF, s9;
	s9 =	sshrl.u32 s9, $0x6  }
0x565: {  	s10 =	sor.u32 s2, s10;
	s9 =	sand.u32 $0x1FFF8, s9  }
0x566: {  	v12 =	vmov s10  }
0x567: {  	v13 =	vshll.u32 v12, $0x3  }
0x568: {  	v12 =	vand.u32 $0x7F, v12;
	v13 =	vand.u32 $0x1C00, v13  }
0x569: {  	v12 =	vor.u32 v12, v13  }
0x56a: {  	p2 =	slt.s32 s0, $0x8;
	v13 =	vor.u32 v4, v12  }
0x56b: {  	s10 =	simm.s32 @!p2 $0x2  }
0x56c: {  	_ =	swait.ge @!p2 [sflag:s10], $0x40  }
0x56d: {  	[sflag:s10] =	ssyncset.done @!p2 $0x0  }
0x56e: {  	[sflag:s10] =	ssyncadd.s32 @!p2 $0xFFFFFFC0  }
0x56f: {  	v13 =	vld.idx.msk [tilespmem:v13+s25+$0x0], $0xffff;
	_ =	sdelay $0x1  }
0x570: {  	v14 =	vor.u32 v6, v12;
	_ =	sdelay $0x2  }
0x571: {  	s11 =	sand.u32 $0x1C0, s6  }
0x572: {  	[tilespmem:s11+$0x1F200] =	vst v13  }
0x573: {  	v13 =	vld.idx.msk [tilespmem:v14+s25+$0x0], $0xffff;
	_ =	sdelay $0x1  }
0x574: {  	v14 =	vor.u32 v7, v12;
	_ =	sdelay $0x3  }
0x575: {  	[tilespmem:s11+$0x1F210] =	vst v13  }
0x576: {  	v13 =	vld.idx.msk [tilespmem:v14+s25+$0x0], $0xffff;
	_ =	sdelay $0x1  }
0x577: {  	v12 =	vor.u32 v8, v12;
	_ =	sdelay $0x3  }
0x578: {  	[tilespmem:s11+$0x1F220] =	vst v13  }
0x579: {  	v12 =	vld.idx.msk [tilespmem:v12+s25+$0x0], $0xffff;
	_ =	sdelay $0x1  }
.Ltmp24:
0x57a: {  	(pc) =	sbr.rel @!p1 .LBB2_32-.Ltmp24, $3  }
0x57b: {  	_ =	sdelay $0x1  }
0x57c: {  	s6 =	sadd.s32 $0x40, s6;
	s7 =	sadd.s32 $0x1, s7  }
0x57d: {  	s0 =	sadd.s32 $0x1, s0;
	s9 =	sadd.s32 s12, s9;
	s10 =	sor.u32 $0x1F200, s11;
	[tilespmem:s11+$0x1F230] =	vst v12  }
.Ltmp25:
0x57e: {  	_ = 	snop;
	(pc) =	sbr.rel .LBB2_33-.Ltmp25, $1  }
0x57f: {  	_ =	sdelay $0x3  }
.LBB2_28:
0x580: {  	s2 =	smov.u32 s0  }
.LBB2_37:
0x581: {  	p1 =	slt.s32 s2, $0x1  }
.Ltmp26:
0x582: {  	_ = 	snop;
	(pc) =	sbr.rel @p1 .LBB2_41-.Ltmp26, $1  }
0x583: {  	_ =	sdelay $0x3  }
0x584: {  	p1 =	slt.s32 s2, $0x8  }
0x585: {  	s2 =	simm.s32 @!p1 $0x8  }
0x586: {  	p1 =	sne.s32 s2, $0x1  }
.Ltmp27:
0x587: {  	_ = 	snop;
	(pc) =	sbr.rel @!p1 .LBB2_40-.Ltmp27, $3  }
0x588: {  	_ =	sdelay $0x1  }
0x589: {  	_ =	swait.ge [sflag:s29], $0x40  }
0x58a: {  	[sflag:s29] =	ssyncset.done $0x0;
	s0 =	sadd.s32 $0xFFFFFFFF, s2  }
.LBB2_39:
0x58b: {  	p1 =	sne.s32 s0, $0x1;
	s0 =	sadd.s32 $0xFFFFFFFF, s0;
	[sflag:s29] =	ssyncadd.s32 $0xFFFFFFC0  }
.Ltmp28:
0x58c: {  	(pc) =	sbr.rel @p1 .LBB2_39-.Ltmp28, $3  }
0x58d: {  	_ =	sdelay $0x1  }
0x58e: {  	_ =	swait.ge [sflag:s29], $0x40  }
0x58f: {  	[sflag:s29] =	ssyncset.done $0x0  }
.Ltmp29:
0x590: {  	_ = 	snop;
	(pc) =	sbr.rel .LBB2_40-.Ltmp29, $1  }
0x591: {  	_ =	sdelay $0x3  }
.LBB2_3:
.Ltmp30:
0x592: {  	(pc) =	sbr.rel .LBB2_6-.Ltmp30, $3  }
0x593: {  	_ =	sdelay $0x1  }
0x594: {  	s2 =	simm.s32 $0x0  }
0x595: {  	s6 =	simm.s32 $0x0;
	s7 =	simm.s32 $0x10;
	s5 =	simm.s32 $0x1100  }
.LBB2_10:
.Ltmp31:
0x596: {  	(pc) =	sbr.rel .LBB2_19-.Ltmp31, $2  }
0x597: {  	_ =	sdelay $0x2  }
0x598: {  	_ = 	snop  }
.LBB2_12:
.Ltmp32:
0x599: {  	(pc) =	sbr.rel .LBB2_19-.Ltmp32, $2  }
0x59a: {  	_ =	sdelay $0x2  }
0x59b: {  	_ = 	snop  }
.LBB2_14:
.Ltmp33:
0x59c: {  	(pc) =	sbr.rel .LBB2_19-.Ltmp33, $2  }
0x59d: {  	_ =	sdelay $0x3  }
0x59e: {  	_ = 	snop  }
.LBB2_16:
.Ltmp34:
0x59f: {  	(pc) =	sbr.rel .LBB2_19-.Ltmp34, $1  }
0x5a0: {  	_ =	sdelay $0x3  }
.LBB2_42:
0x5a1: {  	_ =	sfence.sel $0x180000  }
0x5a2: {  	[bflag:$0x0] =	sbarrier.arrive $0xFFFF  }
0x5a3: {  	_ =	strace $0x90000047  }
0x5a4: {  	s0 =	stileid.u32;
	[bflag:$0x2] =	sbarrier.arrive $0xFFFF  }
0x5a5: {  	p0 =	sne.s32 s0, $0x0;
	s0 =	rddreg [dreg:$0x4]  }
0x5a6: {  	s0 =	sadd.s32 @!p0 $0x100000, s0  }
0x5a7: {  	[sflag:s0] =	ssyncadd.tile.s32 @!p0 $0x1;
	_ =	shalt  }
.Lfunc_end2:
_tile_overlayer_lowered:
.L_overlay_start_2:
0x5a8: {  	(tag) =	ssettag $0x2  }
0x5a9: {  	s0 =	rddreg [dreg:$0x0];
	s2 =	stileid.u32  }
0x5aa: {  	s1 =	rddreg [dreg:$0x1];
	p0 =	sne.s32 s2, $0x0  }
0x5ab: {  	s3 =	rddreg [dreg:$0x2];
	[bflag:$0x3] =	sbarrier.arrive $0xFFFF;
	s2 =	simm.s32 @!p0 $0x1C04  }
0x5ac: {  	[timem:s3], [sflag:s2] =	dma.local @!p0 [hbm:s0], s1  }
0x5ad: {  	s0 =	simm.s32 @!p0 $0x4  }
0x5ae: {  	_ =	swait.ge @!p0 [sflag:s0], s1  }
0x5af: {  	s1 =	ssub.s32 @!p0 $0x0, s1;
	[sflag:s0] =	ssyncset.done @!p0 $0x0  }
0x5b0: {  	[sflag:s0] =	ssyncadd.s32 @!p0 s1  }
0x5b1: {  	[bflag:$0x3] =	sbarrier.arrive $0xFFFF  }
0x5b2: {  	_ =	shalt  }

</sc_bundles>
